<compile_context>
chip_gen: v7x
topology: tpu7x:2x2x1
jax: 0.10.2.dev20260603
libtpu: 0.0.44.dev20260713+nightly
codegen_flags: <defaults>
</compile_context>

<pallas_src>
import functools

import jax
import jax.numpy as jnp
from jax import lax
from jax.experimental import pallas as pl
from jax.experimental.pallas import tpu as pltpu
from jax.experimental.pallas import tpu_sc as plsc

_N = 10000
_D = 128
_S0 = 16
_S1 = 32
_TAU = 0.5
_ALPHA = 0.5

_NW = 32
_NPAD = 10240
_TB = _NPAD // _NW
_NC = 2


def _proj_body(h0_ref, h1_ref, h2_ref, att0_ref, att1_ref, o_ref):
    a0 = att0_ref[...]
    a1 = att1_ref[...]
    ar = jnp.concatenate([a0[:, :_D], a1[:, :_D]], axis=0)
    dn = (((1,), (1,)), ((), ()))
    p01 = lax.dot_general(ar, h0_ref[...], dn,
                          preferred_element_type=jnp.float32)
    p2 = lax.dot_general(a0[:, _D:], h1_ref[...], dn,
                         preferred_element_type=jnp.float32)
    p3 = lax.dot_general(a1[:, _D:], h2_ref[...], dn,
                         preferred_element_type=jnp.float32)
    o_ref[...] = jnp.concatenate(
        [p01, p2, p3, jnp.zeros_like(p01), p2, p3], axis=0)


def _proj(h0p, h1p, h2p, att0, att1):
    B = 1024
    return pl.pallas_call(
        _proj_body,
        grid=(_NPAD // B,),
        in_specs=[
            pl.BlockSpec((B, _D), lambda i: (i, 0)),
            pl.BlockSpec((B, _D), lambda i: (i, 0)),
            pl.BlockSpec((B, _D), lambda i: (i, 0)),
            pl.BlockSpec((1, 2 * _D), lambda i: (0, 0)),
            pl.BlockSpec((1, 2 * _D), lambda i: (0, 0)),
        ],
        out_specs=pl.BlockSpec((8, B), lambda i: (0, i)),
        out_shape=jax.ShapeDtypeStruct((8, _NPAD), jnp.float32),
    )(h0p, h1p, h2p, att0, att1)


def _sc_agg(h1, h2, nei0p, nei1p, P):
    mesh = plsc.VectorSubcoreMesh(core_axis_name="c", subcore_axis_name="s")

    @functools.partial(
        pl.kernel,
        out_type=[jax.ShapeDtypeStruct((_NPAD, _D), jnp.float32),
                  jax.ShapeDtypeStruct((_NPAD, _D), jnp.float32)],
        mesh=mesh,
        compiler_params=pltpu.CompilerParams(needs_layout_passes=False,
                                             use_tc_tiling_on_sc=False),
        scratch_types=[
            pltpu.VMEM((_NPAD,), jnp.float32),
            pltpu.VMEM((_NPAD,), jnp.float32),
            pltpu.VMEM((_NPAD,), jnp.float32),
            pltpu.VMEM((_NPAD,), jnp.float32),
            pltpu.VMEM((_TB, _S0), jnp.int32),
            pltpu.VMEM((_TB, _S1), jnp.int32),
            pltpu.VMEM((4, _S1, _D), jnp.float32),
            pltpu.VMEM((_TB, _D), jnp.float32),
            pltpu.SemaphoreType.DMA,
            pltpu.SemaphoreType.DMA,
            pltpu.SemaphoreType.DMA,
            pltpu.SemaphoreType.DMA,
        ],
    )
    def body(h1_hbm, h2_hbm, nei0_hbm, nei1_hbm, p_hbm, e0_hbm, e1_hbm,
             p0_ts, p1_ts, p2_ts, p3_ts, nei0_ts, nei1_ts, rows_v, e_buf,
             sem0, sem1, sem2, sem3):
        wid = lax.axis_index("s") * _NC + lax.axis_index("c")
        base = wid * _TB
        pltpu.sync_copy(p_hbm.at[0], p0_ts)
        pltpu.sync_copy(p_hbm.at[1], p1_ts)
        pltpu.sync_copy(p_hbm.at[2], p2_ts)
        pltpu.sync_copy(p_hbm.at[3], p3_ts)
        pltpu.sync_copy(nei0_hbm.at[pl.ds(base, _TB)], nei0_ts)
        pltpu.sync_copy(nei1_hbm.at[pl.ds(base, _TB)], nei1_ts)

        def run_view(h_hbm, nei_ts, s_count, pr_ts, pv_ts, e_hbm):
            nvec = s_count // 16
            sems = (sem0, sem1, sem2, sem3)
            nbuf = 4

            def fire(i, buf):
                for v in range(nvec):
                    idx = nei_ts[i, pl.ds(16 * v, 16)]
                    pltpu.async_copy(h_hbm.at[idx],
                                     rows_v.at[buf, pl.ds(16 * v, 16)],
                                     sems[buf])

            for k in range(nbuf - 1):
                fire(k, k)

            def target(i, carry):
                gi = base + i
                buf = lax.rem(i, nbuf)
                nxt = lax.rem(i + nbuf - 1, nbuf)

                for k in range(nbuf):
                    @pl.when(jnp.logical_and(i + nbuf - 1 < _TB, nxt == k))
                    def _(k=k):
                        fire(i + nbuf - 1, k)

                idxs = [nei_ts[i, pl.ds(16 * v, 16)] for v in range(nvec)]
                pr = plsc.load_gather(pr_ts, [jnp.full((16,), gi, jnp.int32)])
                lgs = []
                for v in range(nvec):
                    pv = plsc.load_gather(pv_ts, [idxs[v]])
                    lg = pr + pv
                    lgs.append(jnp.where(lg >= 0.0, lg, 0.01 * lg))
                m = jnp.max(lgs[0])
                for v in range(1, nvec):
                    m = jnp.maximum(m, jnp.max(lgs[v]))
                exs = [jnp.exp(lg - m) for lg in lgs]
                ssum = jnp.sum(exs[0])
                for v in range(1, nvec):
                    ssum = ssum + jnp.sum(exs[v])
                denom = jnp.full((16,), ssum, jnp.float32)
                ws_all = [exs[v] / denom for v in range(nvec)]

                for k in range(nbuf):
                    @pl.when(buf == k)
                    def _(k=k):
                        pltpu.make_async_copy(
                            h_hbm.at[pl.ds(0, s_count)],
                            rows_v.at[k, pl.ds(0, s_count)], sems[k]).wait()

                iota = lax.iota(jnp.int32, 16)
                accs = [jnp.zeros((16,), jnp.float32)
                        for _ in range(_D // 16)]
                for s_ in range(s_count):
                    wv = ws_all[s_ // 16]
                    ws = jnp.full(
                        (16,),
                        jnp.sum(jnp.where(iota == (s_ % 16), wv, 0.0)),
                        jnp.float32)
                    for dc in range(_D // 16):
                        accs[dc] = accs[dc] + ws * rows_v[buf, s_,
                                                          pl.ds(16 * dc, 16)]
                for dc in range(_D // 16):
                    a = accs[dc]
                    e_buf[i, pl.ds(16 * dc, 16)] = jnp.where(
                        a > 0.0, a, jnp.exp(a) - 1.0)
                return carry

            lax.fori_loop(0, _TB, target, 0)
            pltpu.sync_copy(e_buf, e_hbm.at[pl.ds(base, _TB)])

        run_view(h1_hbm, nei0_ts, _S0, p0_ts, p2_ts, e0_hbm)
        run_view(h2_hbm, nei1_ts, _S1, p1_ts, p3_ts, e1_hbm)

    return body(h1, h2, nei0p, nei1p, P)


def _prep_body(h0_ref, e0_ref, e1_ref, fcw_ref, fcb_ref,
               h0n_ref, e0n_ref, e1n_ref, sp0_ref, sp1_ref):
    i = pl.program_id(0)

    def nrm(x):
        n = jnp.sqrt(jnp.sum(x * x, axis=1, keepdims=True))
        return x / (n + 1e-8)

    e0 = e0_ref[...]
    e1 = e1_ref[...]
    h0n_ref[...] = nrm(h0_ref[...])
    e0n_ref[...] = nrm(e0)
    e1n_ref[...] = nrm(e1)
    dn = (((1,), (1,)), ((), ()))
    fcw = fcw_ref[...]
    fcb = fcb_ref[...]
    t0 = jnp.tanh(lax.dot_general(e0, fcw, dn,
                                  preferred_element_type=jnp.float32) + fcb)
    t1 = jnp.tanh(lax.dot_general(e1, fcw, dn,
                                  preferred_element_type=jnp.float32) + fcb)

    @pl.when(i == 0)
    def _():
        sp0_ref[...] = jnp.zeros_like(sp0_ref)
        sp1_ref[...] = jnp.zeros_like(sp1_ref)

    sp0_ref[...] += jnp.sum(t0, axis=0, keepdims=True)
    sp1_ref[...] += jnp.sum(t1, axis=0, keepdims=True)


def _prep(h0, e0, e1, fc_W, fc_b2):
    B = 1000
    row = lambda i: (i, 0)
    fixed = lambda i: (0, 0)
    return pl.pallas_call(
        _prep_body,
        grid=(_N // B,),
        in_specs=[
            pl.BlockSpec((B, _D), row),
            pl.BlockSpec((B, _D), row),
            pl.BlockSpec((B, _D), row),
            pl.BlockSpec((_D, _D), fixed),
            pl.BlockSpec((1, _D), fixed),
        ],
        out_specs=[
            pl.BlockSpec((B, _D), row),
            pl.BlockSpec((B, _D), row),
            pl.BlockSpec((B, _D), row),
            pl.BlockSpec((1, _D), fixed),
            pl.BlockSpec((1, _D), fixed),
        ],
        out_shape=[
            jax.ShapeDtypeStruct((_N, _D), jnp.float32),
            jax.ShapeDtypeStruct((_N, _D), jnp.float32),
            jax.ShapeDtypeStruct((_N, _D), jnp.float32),
            jax.ShapeDtypeStruct((1, _D), jnp.float32),
            jax.ShapeDtypeStruct((1, _D), jnp.float32),
        ],
    )(h0, e0, e1, fc_W, fc_b2)


def _flash_body(h0n_ref, e0n_ref, e1n_ref, e0_ref, e1_ref,
                e0nf_ref, e1nf_ref, sp0_ref, sp1_ref, ai_ref,
                z_ref, la0_ref, la1_ref, la2_ref):
    i = pl.program_id(0)
    inv_tau = 1.0 / _TAU
    dn = (((1,), (1,)), ((), ()))
    h0n = h0n_ref[...]
    e0n = e0n_ref[...]
    e1n = e1n_ref[...]
    e0nf = e0nf_ref[...]
    e1nf = e1nf_ref[...]

    def ntx_part(rows, colsf, diag_rows):
        s = lax.dot_general(rows.astype(jnp.bfloat16),
                            colsf.astype(jnp.bfloat16), dn,
                            preferred_element_type=jnp.float32) * inv_tau
        lse = jnp.log(jnp.sum(jnp.exp(s), axis=1, keepdims=True))
        d = jnp.sum(rows * diag_rows, axis=1, keepdims=True) * inv_tau
        return jnp.sum(lse - d)

    p0 = ntx_part(h0n, e0nf, e0n)
    p1 = ntx_part(h0n, e1nf, e1n)
    p2 = ntx_part(e0n, e1nf, e1n)

    @pl.when(i == 0)
    def _():
        la0_ref[...] = jnp.zeros_like(la0_ref)
        la1_ref[...] = jnp.zeros_like(la1_ref)
        la2_ref[...] = jnp.zeros_like(la2_ref)

    la0_ref[...] += jnp.full((1, _D), p0, jnp.float32)
    la1_ref[...] += jnp.full((1, _D), p1, jnp.float32)
    la2_ref[...] += jnp.full((1, _D), p2, jnp.float32)

    ai = ai_ref[...]
    b0 = jnp.sum(ai * sp0_ref[...]) * (1.0 / _N)
    b1 = jnp.sum(ai * sp1_ref[...]) * (1.0 / _N)
    t = jnp.exp(jnp.full((1, _D), b1 - b0, jnp.float32))
    beta0 = 1.0 / (1.0 + t)
    e0b = e0_ref[...]
    e1b = e1_ref[...]
    z_ref[...] = e1b + beta0 * (e0b - e1b)


def _flash(h0n, e0n, e1n, e0, e1, sp0s, sp1s, att_inter):
    B = 200
    row = lambda i: (i, 0)
    fixed = lambda i: (0, 0)
    return pl.pallas_call(
        _flash_body,
        grid=(_N // B,),
        in_specs=[
            pl.BlockSpec((B, _D), row),
            pl.BlockSpec((B, _D), row),
            pl.BlockSpec((B, _D), row),
            pl.BlockSpec((B, _D), row),
            pl.BlockSpec((B, _D), row),
            pl.BlockSpec((_N, _D), fixed),
            pl.BlockSpec((_N, _D), fixed),
            pl.BlockSpec((1, _D), fixed),
            pl.BlockSpec((1, _D), fixed),
            pl.BlockSpec((1, _D), fixed),
        ],
        out_specs=[
            pl.BlockSpec((B, _D), row),
            pl.BlockSpec((1, _D), fixed),
            pl.BlockSpec((1, _D), fixed),
            pl.BlockSpec((1, _D), fixed),
        ],
        out_shape=[
            jax.ShapeDtypeStruct((_N, _D), jnp.float32),
            jax.ShapeDtypeStruct((1, _D), jnp.float32),
            jax.ShapeDtypeStruct((1, _D), jnp.float32),
            jax.ShapeDtypeStruct((1, _D), jnp.float32),
        ],
    )(h0n, e0n, e1n, e0, e1, e0n, e1n, sp0s, sp1s, att_inter)


def kernel(h0, h1, h2, nei0, nei1, att0, att1, fc_W, fc_b, att_inter):
    pad = _NPAD - _N
    h0p = jnp.pad(h0, ((0, pad), (0, 0)))
    h1p = jnp.pad(h1, ((0, pad), (0, 0)))
    h2p = jnp.pad(h2, ((0, pad), (0, 0)))
    nei0p = jnp.pad(nei0, ((0, pad), (0, 0)))
    nei1p = jnp.pad(nei1, ((0, pad), (0, 0)))

    P = _proj(h0p, h1p, h2p, att0, att1)
    e0p, e1p = _sc_agg(h1, h2, nei0p, nei1p, P)
    e0 = e0p[:_N]
    e1 = e1p[:_N]
    h0n, e0n, e1n, sp0s, sp1s = _prep(h0, e0, e1, fc_W,
                                      fc_b.reshape(1, _D))
    z_mc, la0, la1, la2 = _flash(h0n, e0n, e1n, e0, e1, sp0s, sp1s,
                                 att_inter)
    loss_total = (la0[0, 0] + la1[0, 0] + _ALPHA * la2[0, 0]) / _N
    return (z_mc, loss_total)

# --- scband reference (transcript-rebuilt; emitter-appended) ---
"""Pipeline reference for scband-sc-encoder-41437844471882 (READ-ONLY COPY).

The authoritative reference and input builder live on the scoring server;
editing this copy changes nothing except your own understanding.
"""

import jax, jax.numpy as jnp
import numpy as np

N = 10000
D = 128
S0 = 16
S1 = 32
TAU = 0.5
ALPHA = 0.5


def setup_inputs(seed: int = 0) -> dict:
    key = jax.random.key(seed)
    ks = jax.random.split(key, 10)
    h0 = jax.random.normal(ks[0], (N, D), jnp.float32)
    h1 = jax.random.normal(ks[1], (N, D), jnp.float32)
    h2 = jax.random.normal(ks[2], (N, D), jnp.float32)
    nei0 = jax.random.randint(ks[3], (N, S0), 0, N)
    nei1 = jax.random.randint(ks[4], (N, S1), 0, N)
    # learned parameters
    att0 = jax.random.normal(ks[5], (1, 2 * D), jnp.float32) * 0.1   # intra att type 0
    att1 = jax.random.normal(ks[6], (1, 2 * D), jnp.float32) * 0.1   # intra att type 1
    fc_W = jax.random.normal(ks[7], (D, D), jnp.float32) * (1.414 / np.sqrt(D))
    fc_b = jnp.zeros((D,), jnp.float32)
    att_inter = jax.random.normal(ks[8], (1, D), jnp.float32) * 0.1
    return {"h0": h0, "h1": h1, "h2": h2, "nei0": nei0, "nei1": nei1,
            "att0": att0, "att1": att1, "fc_W": fc_W, "fc_b": fc_b,
            "att_inter": att_inter}


def _intra(nei, h, h_refer, att):
    nei_emb = h[nei]                                        # [N, S, D] gather
    h_ref = jnp.broadcast_to(h_refer[:, None, :], nei_emb.shape)
    all_emb = jnp.concatenate([h_ref, nei_emb], axis=-1)    # [N, S, 2D]
    logits = jax.nn.leaky_relu(all_emb @ att.T, negative_slope=0.01)  # [N, S, 1]
    a = jax.nn.softmax(logits, axis=1)
    return (a * nei_emb).sum(axis=1)                        # [N, D]


def _ntxent(z1, z2, tau):
    z1n = z1 / (jnp.linalg.norm(z1, axis=1, keepdims=True) + 1e-8)
    z2n = z2 / (jnp.linalg.norm(z2, axis=1, keepdims=True) + 1e-8)
    sim = (z1n @ z2n.T) / tau                               # [N, N]
    logp = sim - jax.scipy.special.logsumexp(sim, axis=1, keepdims=True)
    return -jnp.mean(jnp.diagonal(logp))


def reference(h0, h1, h2, nei0, nei1, att0, att1, fc_W, fc_b, att_inter):
    e0 = jax.nn.elu(_intra(nei0, h1, h0, att0))
    e1 = jax.nn.elu(_intra(nei1, h2, h0, att1))
    loss_intra = _ntxent(h0, e0, TAU) + _ntxent(h0, e1, TAU)
    loss = _ntxent(e0, e1, TAU)
    # inter-view attention
    sp0 = jnp.tanh(e0 @ fc_W.T + fc_b).mean(axis=0)         # [D]
    sp1 = jnp.tanh(e1 @ fc_W.T + fc_b).mean(axis=0)
    b0 = att_inter @ sp0                                    # [1]
    b1 = att_inter @ sp1
    beta = jax.nn.softmax(jnp.concatenate([b0, b1]).reshape(-1))
    z_mc = e0 * beta[0] + e1 * beta[1]
    loss_total = loss_intra + ALPHA * loss
    return (z_mc, loss_total)

if __name__ == "__main__":
    import jax
    _d = setup_inputs()
    print(jax.jit(kernel)(*tuple(_d.values())))

</pallas_src>

<mosaic_0001>
#map = affine_map<(d0, d1) -> (0, 0)>
module attributes {stable_mosaic.version = 14 : i64} {
  func.func @body(%arg0: i32, %arg1: i32, %arg2: memref<10000x128xf32, #tpu.memory_space<hbm>>, %arg3: memref<10000x128xf32, #tpu.memory_space<hbm>>, %arg4: memref<10240x16xi32, #tpu.memory_space<hbm>>, %arg5: memref<10240x32xi32, #tpu.memory_space<hbm>>, %arg6: memref<8x10240xf32, #tpu.memory_space<hbm>>, %arg7: memref<10240x128xf32, #tpu.memory_space<hbm>>, %arg8: memref<10240x128xf32, #tpu.memory_space<hbm>>, %arg9: memref<10240xf32, #tpu.memory_space<vmem>>, %arg10: memref<10240xf32, #tpu.memory_space<vmem>>, %arg11: memref<10240xf32, #tpu.memory_space<vmem>>, %arg12: memref<10240xf32, #tpu.memory_space<vmem>>, %arg13: memref<320x16xi32, #tpu.memory_space<vmem>>, %arg14: memref<320x32xi32, #tpu.memory_space<vmem>>, %arg15: memref<4x32x128xf32, #tpu.memory_space<vmem>>, %arg16: memref<320x128xf32, #tpu.memory_space<vmem>>, %arg17: memref<!tpu.dma_semaphore, #tpu.memory_space<semaphore_mem>>, %arg18: memref<!tpu.dma_semaphore, #tpu.memory_space<semaphore_mem>>, %arg19: memref<!tpu.dma_semaphore, #tpu.memory_space<semaphore_mem>>, %arg20: memref<!tpu.dma_semaphore, #tpu.memory_space<semaphore_mem>>) attributes {dimension_semantics = [#tpu.dimension_semantics<core_parallel>, #tpu.dimension_semantics<subcore_parallel>], iteration_bounds = array<i64: 2, 16>, scalar_prefetch = 0 : i64, scratch_operands = 12 : i64, tpu.core_type = #tpu.core_type<sc_vector_subcore>, window_params = [{transform_indices = #map}, {transform_indices = #map}, {transform_indices = #map}, {transform_indices = #map}, {transform_indices = #map}, {transform_indices = #map}, {transform_indices = #map}]} {
    %mul3A = arith.constant 2 : i32
    %mul3A_0 = arith.muli %arg1, %mul3A : i32
    %add3A = arith.addi %mul3A_0, %arg0 : i32
    %mul3A_1 = arith.constant 320 : i32
    %mul3A_2 = arith.muli %add3A, %mul3A_1 : i32
    %run_scoped3A = arith.constant 0 : i32
    "tpu.region"() ({
      %run_scoped3A_123 = tpu.sem_alloc : memref<!tpu.dma_semaphore, #tpu.memory_space<semaphore_mem>>
      %dma_start3A_124 = arith.constant 0 : i32
      %dma_start3A_125 = tpu.memref_slice %arg6[%run_scoped3A, %dma_start3A_124] : memref<8x10240xf32, #tpu.memory_space<hbm>> -> memref<1x10240xf32, #tpu.memory_space<hbm>>
      %dma_start3A_126 = tpu.memref_squeeze %dma_start3A_125 : memref<1x10240xf32, #tpu.memory_space<hbm>> -> memref<10240xf32, #tpu.memory_space<hbm>>
      %dma_start3A_127 = arith.constant 0 : i32
      %dma_start3A_128 = tpu.memref_slice %arg6[%run_scoped3A, %dma_start3A_127] : memref<8x10240xf32, #tpu.memory_space<hbm>> -> memref<1x10240xf32, #tpu.memory_space<hbm>>
      %dma_start3A_129 = tpu.memref_squeeze %dma_start3A_128 : memref<1x10240xf32, #tpu.memory_space<hbm>> -> memref<10240xf32, #tpu.memory_space<hbm>>
      tpu.enqueue_dma source(%dma_start3A_129 : memref<10240xf32, #tpu.memory_space<hbm>>) target(%arg9 : memref<10240xf32, #tpu.memory_space<vmem>>) target_semaphore(%run_scoped3A_123 : memref<!tpu.dma_semaphore, #tpu.memory_space<semaphore_mem>>)
      %dma_wait3A = arith.constant 0 : i32
      %dma_wait3A_130 = tpu.memref_slice %arg6[%run_scoped3A, %dma_wait3A] : memref<8x10240xf32, #tpu.memory_space<hbm>> -> memref<1x10240xf32, #tpu.memory_space<hbm>>
      %dma_wait3A_131 = tpu.memref_squeeze %dma_wait3A_130 : memref<1x10240xf32, #tpu.memory_space<hbm>> -> memref<10240xf32, #tpu.memory_space<hbm>>
      %dma_wait3A_132 = arith.constant 0 : i32
      %dma_wait3A_133 = tpu.memref_slice %arg6[%run_scoped3A, %dma_wait3A_132] : memref<8x10240xf32, #tpu.memory_space<hbm>> -> memref<1x10240xf32, #tpu.memory_space<hbm>>
      %dma_wait3A_134 = tpu.memref_squeeze %dma_wait3A_133 : memref<1x10240xf32, #tpu.memory_space<hbm>> -> memref<10240xf32, #tpu.memory_space<hbm>>
      tpu.wait_dma2 semaphore(%run_scoped3A_123 : memref<!tpu.dma_semaphore, #tpu.memory_space<semaphore_mem>>) src(%dma_wait3A_134 : memref<10240xf32, #tpu.memory_space<hbm>>) dst(%arg9 : memref<10240xf32, #tpu.memory_space<vmem>>)
      tpu.yield
    }) : () -> ()
    %run_scoped3A_3 = arith.constant 1 : i32
    "tpu.region"() ({
      %run_scoped3A_123 = tpu.sem_alloc : memref<!tpu.dma_semaphore, #tpu.memory_space<semaphore_mem>>
      %dma_start3A_124 = arith.constant 0 : i32
      %dma_start3A_125 = tpu.memref_slice %arg6[%run_scoped3A_3, %dma_start3A_124] : memref<8x10240xf32, #tpu.memory_space<hbm>> -> memref<1x10240xf32, #tpu.memory_space<hbm>>
      %dma_start3A_126 = tpu.memref_squeeze %dma_start3A_125 : memref<1x10240xf32, #tpu.memory_space<hbm>> -> memref<10240xf32, #tpu.memory_space<hbm>>
      %dma_start3A_127 = arith.constant 0 : i32
      %dma_start3A_128 = tpu.memref_slice %arg6[%run_scoped3A_3, %dma_start3A_127] : memref<8x10240xf32, #tpu.memory_space<hbm>> -> memref<1x10240xf32, #tpu.memory_space<hbm>>
      %dma_start3A_129 = tpu.memref_squeeze %dma_start3A_128 : memref<1x10240xf32, #tpu.memory_space<hbm>> -> memref<10240xf32, #tpu.memory_space<hbm>>
      tpu.enqueue_dma source(%dma_start3A_129 : memref<10240xf32, #tpu.memory_space<hbm>>) target(%arg10 : memref<10240xf32, #tpu.memory_space<vmem>>) target_semaphore(%run_scoped3A_123 : memref<!tpu.dma_semaphore, #tpu.memory_space<semaphore_mem>>)
      %dma_wait3A = arith.constant 0 : i32
      %dma_wait3A_130 = tpu.memref_slice %arg6[%run_scoped3A_3, %dma_wait3A] : memref<8x10240xf32, #tpu.memory_space<hbm>> -> memref<1x10240xf32, #tpu.memory_space<hbm>>
      %dma_wait3A_131 = tpu.memref_squeeze %dma_wait3A_130 : memref<1x10240xf32, #tpu.memory_space<hbm>> -> memref<10240xf32, #tpu.memory_space<hbm>>
      %dma_wait3A_132 = arith.constant 0 : i32
      %dma_wait3A_133 = tpu.memref_slice %arg6[%run_scoped3A_3, %dma_wait3A_132] : memref<8x10240xf32, #tpu.memory_space<hbm>> -> memref<1x10240xf32, #tpu.memory_space<hbm>>
      %dma_wait3A_134 = tpu.memref_squeeze %dma_wait3A_133 : memref<1x10240xf32, #tpu.memory_space<hbm>> -> memref<10240xf32, #tpu.memory_space<hbm>>
      tpu.wait_dma2 semaphore(%run_scoped3A_123 : memref<!tpu.dma_semaphore, #tpu.memory_space<semaphore_mem>>) src(%dma_wait3A_134 : memref<10240xf32, #tpu.memory_space<hbm>>) dst(%arg10 : memref<10240xf32, #tpu.memory_space<vmem>>)
      tpu.yield
    }) : () -> ()
    %run_scoped3A_4 = arith.constant 2 : i32
    "tpu.region"() ({
      %run_scoped3A_123 = tpu.sem_alloc : memref<!tpu.dma_semaphore, #tpu.memory_space<semaphore_mem>>
      %dma_start3A_124 = arith.constant 0 : i32
      %dma_start3A_125 = tpu.memref_slice %arg6[%run_scoped3A_4, %dma_start3A_124] : memref<8x10240xf32, #tpu.memory_space<hbm>> -> memref<1x10240xf32, #tpu.memory_space<hbm>>
      %dma_start3A_126 = tpu.memref_squeeze %dma_start3A_125 : memref<1x10240xf32, #tpu.memory_space<hbm>> -> memref<10240xf32, #tpu.memory_space<hbm>>
      %dma_start3A_127 = arith.constant 0 : i32
      %dma_start3A_128 = tpu.memref_slice %arg6[%run_scoped3A_4, %dma_start3A_127] : memref<8x10240xf32, #tpu.memory_space<hbm>> -> memref<1x10240xf32, #tpu.memory_space<hbm>>
      %dma_start3A_129 = tpu.memref_squeeze %dma_start3A_128 : memref<1x10240xf32, #tpu.memory_space<hbm>> -> memref<10240xf32, #tpu.memory_space<hbm>>
      tpu.enqueue_dma source(%dma_start3A_129 : memref<10240xf32, #tpu.memory_space<hbm>>) target(%arg11 : memref<10240xf32, #tpu.memory_space<vmem>>) target_semaphore(%run_scoped3A_123 : memref<!tpu.dma_semaphore, #tpu.memory_space<semaphore_mem>>)
      %dma_wait3A = arith.constant 0 : i32
      %dma_wait3A_130 = tpu.memref_slice %arg6[%run_scoped3A_4, %dma_wait3A] : memref<8x10240xf32, #tpu.memory_space<hbm>> -> memref<1x10240xf32, #tpu.memory_space<hbm>>
      %dma_wait3A_131 = tpu.memref_squeeze %dma_wait3A_130 : memref<1x10240xf32, #tpu.memory_space<hbm>> -> memref<10240xf32, #tpu.memory_space<hbm>>
      %dma_wait3A_132 = arith.constant 0 : i32
      %dma_wait3A_133 = tpu.memref_slice %arg6[%run_scoped3A_4, %dma_wait3A_132] : memref<8x10240xf32, #tpu.memory_space<hbm>> -> memref<1x10240xf32, #tpu.memory_space<hbm>>
      %dma_wait3A_134 = tpu.memref_squeeze %dma_wait3A_133 : memref<1x10240xf32, #tpu.memory_space<hbm>> -> memref<10240xf32, #tpu.memory_space<hbm>>
      tpu.wait_dma2 semaphore(%run_scoped3A_123 : memref<!tpu.dma_semaphore, #tpu.memory_space<semaphore_mem>>) src(%dma_wait3A_134 : memref<10240xf32, #tpu.memory_space<hbm>>) dst(%arg11 : memref<10240xf32, #tpu.memory_space<vmem>>)
      tpu.yield
    }) : () -> ()
    %run_scoped3A_5 = arith.constant 3 : i32
    "tpu.region"() ({
      %run_scoped3A_123 = tpu.sem_alloc : memref<!tpu.dma_semaphore, #tpu.memory_space<semaphore_mem>>
      %dma_start3A_124 = arith.constant 0 : i32
      %dma_start3A_125 = tpu.memref_slice %arg6[%run_scoped3A_5, %dma_start3A_124] : memref<8x10240xf32, #tpu.memory_space<hbm>> -> memref<1x10240xf32, #tpu.memory_space<hbm>>
      %dma_start3A_126 = tpu.memref_squeeze %dma_start3A_125 : memref<1x10240xf32, #tpu.memory_space<hbm>> -> memref<10240xf32, #tpu.memory_space<hbm>>
      %dma_start3A_127 = arith.constant 0 : i32
      %dma_start3A_128 = tpu.memref_slice %arg6[%run_scoped3A_5, %dma_start3A_127] : memref<8x10240xf32, #tpu.memory_space<hbm>> -> memref<1x10240xf32, #tpu.memory_space<hbm>>
      %dma_start3A_129 = tpu.memref_squeeze %dma_start3A_128 : memref<1x10240xf32, #tpu.memory_space<hbm>> -> memref<10240xf32, #tpu.memory_space<hbm>>
      tpu.enqueue_dma source(%dma_start3A_129 : memref<10240xf32, #tpu.memory_space<hbm>>) target(%arg12 : memref<10240xf32, #tpu.memory_space<vmem>>) target_semaphore(%run_scoped3A_123 : memref<!tpu.dma_semaphore, #tpu.memory_space<semaphore_mem>>)
      %dma_wait3A = arith.constant 0 : i32
      %dma_wait3A_130 = tpu.memref_slice %arg6[%run_scoped3A_5, %dma_wait3A] : memref<8x10240xf32, #tpu.memory_space<hbm>> -> memref<1x10240xf32, #tpu.memory_space<hbm>>
      %dma_wait3A_131 = tpu.memref_squeeze %dma_wait3A_130 : memref<1x10240xf32, #tpu.memory_space<hbm>> -> memref<10240xf32, #tpu.memory_space<hbm>>
      %dma_wait3A_132 = arith.constant 0 : i32
      %dma_wait3A_133 = tpu.memref_slice %arg6[%run_scoped3A_5, %dma_wait3A_132] : memref<8x10240xf32, #tpu.memory_space<hbm>> -> memref<1x10240xf32, #tpu.memory_space<hbm>>
      %dma_wait3A_134 = tpu.memref_squeeze %dma_wait3A_133 : memref<1x10240xf32, #tpu.memory_space<hbm>> -> memref<10240xf32, #tpu.memory_space<hbm>>
      tpu.wait_dma2 semaphore(%run_scoped3A_123 : memref<!tpu.dma_semaphore, #tpu.memory_space<semaphore_mem>>) src(%dma_wait3A_134 : memref<10240xf32, #tpu.memory_space<hbm>>) dst(%arg12 : memref<10240xf32, #tpu.memory_space<vmem>>)
      tpu.yield
    }) : () -> ()
    "tpu.region"() ({
      %run_scoped3A_123 = tpu.sem_alloc : memref<!tpu.dma_semaphore, #tpu.memory_space<semaphore_mem>>
      %dma_start3A_124 = arith.constant 0 : i32
      %dma_start3A_125 = tpu.memref_slice %arg4[%mul3A_2, %dma_start3A_124] : memref<10240x16xi32, #tpu.memory_space<hbm>> -> memref<320x16xi32, #tpu.memory_space<hbm>>
      %dma_start3A_126 = arith.constant 0 : i32
      %dma_start3A_127 = tpu.memref_slice %arg4[%mul3A_2, %dma_start3A_126] : memref<10240x16xi32, #tpu.memory_space<hbm>> -> memref<320x16xi32, #tpu.memory_space<hbm>>
      tpu.enqueue_dma source(%dma_start3A_127 : memref<320x16xi32, #tpu.memory_space<hbm>>) target(%arg13 : memref<320x16xi32, #tpu.memory_space<vmem>>) target_semaphore(%run_scoped3A_123 : memref<!tpu.dma_semaphore, #tpu.memory_space<semaphore_mem>>)
      %dma_wait3A = arith.constant 0 : i32
      %dma_wait3A_128 = tpu.memref_slice %arg4[%mul3A_2, %dma_wait3A] : memref<10240x16xi32, #tpu.memory_space<hbm>> -> memref<320x16xi32, #tpu.memory_space<hbm>>
      %dma_wait3A_129 = arith.constant 0 : i32
      %dma_wait3A_130 = tpu.memref_slice %arg4[%mul3A_2, %dma_wait3A_129] : memref<10240x16xi32, #tpu.memory_space<hbm>> -> memref<320x16xi32, #tpu.memory_space<hbm>>
      tpu.wait_dma2 semaphore(%run_scoped3A_123 : memref<!tpu.dma_semaphore, #tpu.memory_space<semaphore_mem>>) src(%dma_wait3A_130 : memref<320x16xi32, #tpu.memory_space<hbm>>) dst(%arg13 : memref<320x16xi32, #tpu.memory_space<vmem>>)
      tpu.yield
    }) : () -> ()
    "tpu.region"() ({
      %run_scoped3A_123 = tpu.sem_alloc : memref<!tpu.dma_semaphore, #tpu.memory_space<semaphore_mem>>
      %dma_start3A_124 = arith.constant 0 : i32
      %dma_start3A_125 = tpu.memref_slice %arg5[%mul3A_2, %dma_start3A_124] : memref<10240x32xi32, #tpu.memory_space<hbm>> -> memref<320x32xi32, #tpu.memory_space<hbm>>
      %dma_start3A_126 = arith.constant 0 : i32
      %dma_start3A_127 = tpu.memref_slice %arg5[%mul3A_2, %dma_start3A_126] : memref<10240x32xi32, #tpu.memory_space<hbm>> -> memref<320x32xi32, #tpu.memory_space<hbm>>
      tpu.enqueue_dma source(%dma_start3A_127 : memref<320x32xi32, #tpu.memory_space<hbm>>) target(%arg14 : memref<320x32xi32, #tpu.memory_space<vmem>>) target_semaphore(%run_scoped3A_123 : memref<!tpu.dma_semaphore, #tpu.memory_space<semaphore_mem>>)
      %dma_wait3A = arith.constant 0 : i32
      %dma_wait3A_128 = tpu.memref_slice %arg5[%mul3A_2, %dma_wait3A] : memref<10240x32xi32, #tpu.memory_space<hbm>> -> memref<320x32xi32, #tpu.memory_space<hbm>>
      %dma_wait3A_129 = arith.constant 0 : i32
      %dma_wait3A_130 = tpu.memref_slice %arg5[%mul3A_2, %dma_wait3A_129] : memref<10240x32xi32, #tpu.memory_space<hbm>> -> memref<320x32xi32, #tpu.memory_space<hbm>>
      tpu.wait_dma2 semaphore(%run_scoped3A_123 : memref<!tpu.dma_semaphore, #tpu.memory_space<semaphore_mem>>) src(%dma_wait3A_130 : memref<320x32xi32, #tpu.memory_space<hbm>>) dst(%arg14 : memref<320x32xi32, #tpu.memory_space<vmem>>)
      tpu.yield
    }) : () -> ()
    %get3A = arith.constant 0 : i32
    %get3A_6 = arith.index_cast %get3A : i32 to index
    %get3A_7 = arith.constant 0 : index
    %get3A_8 = tpu.vector_load %arg13[%get3A_6, %get3A_7] {strides = array<i32>} : memref<320x16xi32, #tpu.memory_space<vmem>>, vector<16xi32>,
    %dma_start3A = arith.constant 0 : i32
    %dma_start3A_9 = arith.constant 0 : i32
    %dma_start3A_10 = arith.constant 0 : i32
    %dma_start3A_11 = tpu.memref_slice %arg15[%dma_start3A, %dma_start3A_9, %dma_start3A_10] : memref<4x32x128xf32, #tpu.memory_space<vmem>> -> memref<1x16x128xf32, #tpu.memory_space<vmem>>
    %dma_start3A_12 = tpu.memref_squeeze %dma_start3A_11 : memref<1x16x128xf32, #tpu.memory_space<vmem>> -> memref<16x128xf32, #tpu.memory_space<vmem>>
    %dma_start3A_13 = arith.constant 0 : i32
    %dma_start3A_14 = arith.constant 0 : i32
    %dma_start3A_15 = tpu.memref_slice %arg2[%dma_start3A_13, %dma_start3A_14] : memref<10000x128xf32, #tpu.memory_space<hbm>> -> memref<10000x128xf32, #tpu.memory_space<hbm>>
    tpu.enqueue_indirect_dma source(%dma_start3A_15 : memref<10000x128xf32, #tpu.memory_space<hbm>>) target(%dma_start3A_12 : memref<16x128xf32, #tpu.memory_space<vmem>>) offsets(%get3A_8 : vector<16xi32>) semaphore(%arg17 : memref<!tpu.dma_semaphore, #tpu.memory_space<semaphore_mem>>)
    %get3A_16 = arith.constant 1 : i32
    %get3A_17 = arith.index_cast %get3A_16 : i32 to index
    %get3A_18 = arith.constant 0 : index
    %get3A_19 = tpu.vector_load %arg13[%get3A_17, %get3A_18] {strides = array<i32>} : memref<320x16xi32, #tpu.memory_space<vmem>>, vector<16xi32>,
    %dma_start3A_20 = arith.constant 1 : i32
    %dma_start3A_21 = arith.constant 0 : i32
    %dma_start3A_22 = arith.constant 0 : i32
    %dma_start3A_23 = tpu.memref_slice %arg15[%dma_start3A_20, %dma_start3A_21, %dma_start3A_22] : memref<4x32x128xf32, #tpu.memory_space<vmem>> -> memref<1x16x128xf32, #tpu.memory_space<vmem>>
    %dma_start3A_24 = tpu.memref_squeeze %dma_start3A_23 : memref<1x16x128xf32, #tpu.memory_space<vmem>> -> memref<16x128xf32, #tpu.memory_space<vmem>>
    %dma_start3A_25 = arith.constant 0 : i32
    %dma_start3A_26 = arith.constant 0 : i32
    %dma_start3A_27 = tpu.memref_slice %arg2[%dma_start3A_25, %dma_start3A_26] : memref<10000x128xf32, #tpu.memory_space<hbm>> -> memref<10000x128xf32, #tpu.memory_space<hbm>>
    tpu.enqueue_indirect_dma source(%dma_start3A_27 : memref<10000x128xf32, #tpu.memory_space<hbm>>) target(%dma_start3A_24 : memref<16x128xf32, #tpu.memory_space<vmem>>) offsets(%get3A_19 : vector<16xi32>) semaphore(%arg18 : memref<!tpu.dma_semaphore, #tpu.memory_space<semaphore_mem>>)
    %get3A_28 = arith.constant 2 : i32
    %get3A_29 = arith.index_cast %get3A_28 : i32 to index
    %get3A_30 = arith.constant 0 : index
    %get3A_31 = tpu.vector_load %arg13[%get3A_29, %get3A_30] {strides = array<i32>} : memref<320x16xi32, #tpu.memory_space<vmem>>, vector<16xi32>,
    %dma_start3A_32 = arith.constant 2 : i32
    %dma_start3A_33 = arith.constant 0 : i32
    %dma_start3A_34 = arith.constant 0 : i32
    %dma_start3A_35 = tpu.memref_slice %arg15[%dma_start3A_32, %dma_start3A_33, %dma_start3A_34] : memref<4x32x128xf32, #tpu.memory_space<vmem>> -> memref<1x16x128xf32, #tpu.memory_space<vmem>>
    %dma_start3A_36 = tpu.memref_squeeze %dma_start3A_35 : memref<1x16x128xf32, #tpu.memory_space<vmem>> -> memref<16x128xf32, #tpu.memory_space<vmem>>
    %dma_start3A_37 = arith.constant 0 : i32
    %dma_start3A_38 = arith.constant 0 : i32
    %dma_start3A_39 = tpu.memref_slice %arg2[%dma_start3A_37, %dma_start3A_38] : memref<10000x128xf32, #tpu.memory_space<hbm>> -> memref<10000x128xf32, #tpu.memory_space<hbm>>
    tpu.enqueue_indirect_dma source(%dma_start3A_39 : memref<10000x128xf32, #tpu.memory_space<hbm>>) target(%dma_start3A_36 : memref<16x128xf32, #tpu.memory_space<vmem>>) offsets(%get3A_31 : vector<16xi32>) semaphore(%arg19 : memref<!tpu.dma_semaphore, #tpu.memory_space<semaphore_mem>>)
    %scan3A = arith.constant 0 : i32
    %scan3A_40 = arith.constant 0 : i32
    %scan3A_41 = arith.constant 320 : i32
    %scan3A_42 = arith.addi %scan3A_40, %scan3A_41 : i32
    %scan3A_43 = arith.constant 1 : i32
    scf.for %scan3A_123 = %scan3A_40 to %scan3A_42 step %scan3A_43  : i32 {
      %add3A_124 = arith.addi %mul3A_2, %scan3A_123 : i32
      %rem3A = arith.constant 4 : i32
      %rem3A_125 = arith.remsi %scan3A_123, %rem3A : i32
      %add3A_126 = arith.constant 4 : i32
      %add3A_127 = arith.addi %scan3A_123, %add3A_126 : i32
      %sub3A = arith.constant 1 : i32
      %sub3A_128 = arith.subi %add3A_127, %sub3A : i32
      %rem3A_129 = arith.constant 4 : i32
      %rem3A_130 = arith.remsi %sub3A_128, %rem3A_129 : i32
      %add3A_131 = arith.constant 4 : i32
      %add3A_132 = arith.addi %scan3A_123, %add3A_131 : i32
      %sub3A_133 = arith.constant 1 : i32
      %sub3A_134 = arith.subi %add3A_132, %sub3A_133 : i32
      %lt3A = arith.constant 320 : i32
      %lt3A_135 = arith.cmpi slt, %sub3A_134, %lt3A : i32
      %eq3A = arith.constant 0 : i32
      %eq3A_136 = arith.cmpi eq, %rem3A_130, %eq3A : i32
      %and3A = arith.andi %lt3A_135, %eq3A_136 : i1
      %convert_element_type3A = arith.extui %and3A : i1 to i32
      %cond3A = arith.constant 0 : i32
      %cond3A_137 = arith.cmpi ne, %convert_element_type3A, %cond3A : i32
      scf.if %cond3A_137 {
        %add3A_1386 = arith.constant 4 : i32
        %add3A_1387 = arith.addi %scan3A_123, %add3A_1386 : i32
        %sub3A_1388 = arith.constant 1 : i32
        %sub3A_1389 = arith.subi %add3A_1387, %sub3A_1388 : i32
        %get3A_1390 = arith.index_cast %sub3A_1389 : i32 to index
        %get3A_1391 = arith.constant 0 : index
        %get3A_1392 = tpu.vector_load %arg13[%get3A_1390, %get3A_1391] {strides = array<i32>} : memref<320x16xi32, #tpu.memory_space<vmem>>, vector<16xi32>,
        %dma_start3A_1393 = arith.constant 0 : i32
        %dma_start3A_1394 = arith.constant 0 : i32
        %dma_start3A_1395 = arith.constant 0 : i32
        %dma_start3A_1396 = tpu.memref_slice %arg15[%dma_start3A_1393, %dma_start3A_1394, %dma_start3A_1395] : memref<4x32x128xf32, #tpu.memory_space<vmem>> -> memref<1x16x128xf32, #tpu.memory_space<vmem>>
        %dma_start3A_1397 = tpu.memref_squeeze %dma_start3A_1396 : memref<1x16x128xf32, #tpu.memory_space<vmem>> -> memref<16x128xf32, #tpu.memory_space<vmem>>
        %dma_start3A_1398 = arith.constant 0 : i32
        %dma_start3A_1399 = arith.constant 0 : i32
        %dma_start3A_1400 = tpu.memref_slice %arg2[%dma_start3A_1398, %dma_start3A_1399] : memref<10000x128xf32, #tpu.memory_space<hbm>> -> memref<10000x128xf32, #tpu.memory_space<hbm>>
        tpu.enqueue_indirect_dma source(%dma_start3A_1400 : memref<10000x128xf32, #tpu.memory_space<hbm>>) target(%dma_start3A_1397 : memref<16x128xf32, #tpu.memory_space<vmem>>) offsets(%get3A_1392 : vector<16xi32>) semaphore(%arg17 : memref<!tpu.dma_semaphore, #tpu.memory_space<semaphore_mem>>)
      } else {
      }
      %add3A_138 = arith.constant 4 : i32
      %add3A_139 = arith.addi %scan3A_123, %add3A_138 : i32
      %sub3A_140 = arith.constant 1 : i32
      %sub3A_141 = arith.subi %add3A_139, %sub3A_140 : i32
      %lt3A_142 = arith.constant 320 : i32
      %lt3A_143 = arith.cmpi slt, %sub3A_141, %lt3A_142 : i32
      %eq3A_144 = arith.constant 1 : i32
      %eq3A_145 = arith.cmpi eq, %rem3A_130, %eq3A_144 : i32
      %and3A_146 = arith.andi %lt3A_143, %eq3A_145 : i1
      %convert_element_type3A_147 = arith.extui %and3A_146 : i1 to i32
      %cond3A_148 = arith.constant 0 : i32
      %cond3A_149 = arith.cmpi ne, %convert_element_type3A_147, %cond3A_148 : i32
      scf.if %cond3A_149 {
        %add3A_1386 = arith.constant 4 : i32
        %add3A_1387 = arith.addi %scan3A_123, %add3A_1386 : i32
        %sub3A_1388 = arith.constant 1 : i32
        %sub3A_1389 = arith.subi %add3A_1387, %sub3A_1388 : i32
        %get3A_1390 = arith.index_cast %sub3A_1389 : i32 to index
        %get3A_1391 = arith.constant 0 : index
        %get3A_1392 = tpu.vector_load %arg13[%get3A_1390, %get3A_1391] {strides = array<i32>} : memref<320x16xi32, #tpu.memory_space<vmem>>, vector<16xi32>,
        %dma_start3A_1393 = arith.constant 1 : i32
        %dma_start3A_1394 = arith.constant 0 : i32
        %dma_start3A_1395 = arith.constant 0 : i32
        %dma_start3A_1396 = tpu.memref_slice %arg15[%dma_start3A_1393, %dma_start3A_1394, %dma_start3A_1395] : memref<4x32x128xf32, #tpu.memory_space<vmem>> -> memref<1x16x128xf32, #tpu.memory_space<vmem>>
        %dma_start3A_1397 = tpu.memref_squeeze %dma_start3A_1396 : memref<1x16x128xf32, #tpu.memory_space<vmem>> -> memref<16x128xf32, #tpu.memory_space<vmem>>
        %dma_start3A_1398 = arith.constant 0 : i32
        %dma_start3A_1399 = arith.constant 0 : i32
        %dma_start3A_1400 = tpu.memref_slice %arg2[%dma_start3A_1398, %dma_start3A_1399] : memref<10000x128xf32, #tpu.memory_space<hbm>> -> memref<10000x128xf32, #tpu.memory_space<hbm>>
        tpu.enqueue_indirect_dma source(%dma_start3A_1400 : memref<10000x128xf32, #tpu.memory_space<hbm>>) target(%dma_start3A_1397 : memref<16x128xf32, #tpu.memory_space<vmem>>) offsets(%get3A_1392 : vector<16xi32>) semaphore(%arg18 : memref<!tpu.dma_semaphore, #tpu.memory_space<semaphore_mem>>)
      } else {
      }
      %add3A_150 = arith.constant 4 : i32
      %add3A_151 = arith.addi %scan3A_123, %add3A_150 : i32
      %sub3A_152 = arith.constant 1 : i32
      %sub3A_153 = arith.subi %add3A_151, %sub3A_152 : i32
      %lt3A_154 = arith.constant 320 : i32
      %lt3A_155 = arith.cmpi slt, %sub3A_153, %lt3A_154 : i32
      %eq3A_156 = arith.constant 2 : i32
      %eq3A_157 = arith.cmpi eq, %rem3A_130, %eq3A_156 : i32
      %and3A_158 = arith.andi %lt3A_155, %eq3A_157 : i1
      %convert_element_type3A_159 = arith.extui %and3A_158 : i1 to i32
      %cond3A_160 = arith.constant 0 : i32
      %cond3A_161 = arith.cmpi ne, %convert_element_type3A_159, %cond3A_160 : i32
      scf.if %cond3A_161 {
        %add3A_1386 = arith.constant 4 : i32
        %add3A_1387 = arith.addi %scan3A_123, %add3A_1386 : i32
        %sub3A_1388 = arith.constant 1 : i32
        %sub3A_1389 = arith.subi %add3A_1387, %sub3A_1388 : i32
        %get3A_1390 = arith.index_cast %sub3A_1389 : i32 to index
        %get3A_1391 = arith.constant 0 : index
        %get3A_1392 = tpu.vector_load %arg13[%get3A_1390, %get3A_1391] {strides = array<i32>} : memref<320x16xi32, #tpu.memory_space<vmem>>, vector<16xi32>,
        %dma_start3A_1393 = arith.constant 2 : i32
        %dma_start3A_1394 = arith.constant 0 : i32
        %dma_start3A_1395 = arith.constant 0 : i32
        %dma_start3A_1396 = tpu.memref_slice %arg15[%dma_start3A_1393, %dma_start3A_1394, %dma_start3A_1395] : memref<4x32x128xf32, #tpu.memory_space<vmem>> -> memref<1x16x128xf32, #tpu.memory_space<vmem>>
        %dma_start3A_1397 = tpu.memref_squeeze %dma_start3A_1396 : memref<1x16x128xf32, #tpu.memory_space<vmem>> -> memref<16x128xf32, #tpu.memory_space<vmem>>
        %dma_start3A_1398 = arith.constant 0 : i32
        %dma_start3A_1399 = arith.constant 0 : i32
        %dma_start3A_1400 = tpu.memref_slice %arg2[%dma_start3A_1398, %dma_start3A_1399] : memref<10000x128xf32, #tpu.memory_space<hbm>> -> memref<10000x128xf32, #tpu.memory_space<hbm>>
        tpu.enqueue_indirect_dma source(%dma_start3A_1400 : memref<10000x128xf32, #tpu.memory_space<hbm>>) target(%dma_start3A_1397 : memref<16x128xf32, #tpu.memory_space<vmem>>) offsets(%get3A_1392 : vector<16xi32>) semaphore(%arg19 : memref<!tpu.dma_semaphore, #tpu.memory_space<semaphore_mem>>)
      } else {
      }
      %add3A_162 = arith.constant 4 : i32
      %add3A_163 = arith.addi %scan3A_123, %add3A_162 : i32
      %sub3A_164 = arith.constant 1 : i32
      %sub3A_165 = arith.subi %add3A_163, %sub3A_164 : i32
      %lt3A_166 = arith.constant 320 : i32
      %lt3A_167 = arith.cmpi slt, %sub3A_165, %lt3A_166 : i32
      %eq3A_168 = arith.constant 3 : i32
      %eq3A_169 = arith.cmpi eq, %rem3A_130, %eq3A_168 : i32
      %and3A_170 = arith.andi %lt3A_167, %eq3A_169 : i1
      %convert_element_type3A_171 = arith.extui %and3A_170 : i1 to i32
      %cond3A_172 = arith.constant 0 : i32
      %cond3A_173 = arith.cmpi ne, %convert_element_type3A_171, %cond3A_172 : i32
      scf.if %cond3A_173 {
        %add3A_1386 = arith.constant 4 : i32
        %add3A_1387 = arith.addi %scan3A_123, %add3A_1386 : i32
        %sub3A_1388 = arith.constant 1 : i32
        %sub3A_1389 = arith.subi %add3A_1387, %sub3A_1388 : i32
        %get3A_1390 = arith.index_cast %sub3A_1389 : i32 to index
        %get3A_1391 = arith.constant 0 : index
        %get3A_1392 = tpu.vector_load %arg13[%get3A_1390, %get3A_1391] {strides = array<i32>} : memref<320x16xi32, #tpu.memory_space<vmem>>, vector<16xi32>,
        %dma_start3A_1393 = arith.constant 3 : i32
        %dma_start3A_1394 = arith.constant 0 : i32
        %dma_start3A_1395 = arith.constant 0 : i32
        %dma_start3A_1396 = tpu.memref_slice %arg15[%dma_start3A_1393, %dma_start3A_1394, %dma_start3A_1395] : memref<4x32x128xf32, #tpu.memory_space<vmem>> -> memref<1x16x128xf32, #tpu.memory_space<vmem>>
        %dma_start3A_1397 = tpu.memref_squeeze %dma_start3A_1396 : memref<1x16x128xf32, #tpu.memory_space<vmem>> -> memref<16x128xf32, #tpu.memory_space<vmem>>
        %dma_start3A_1398 = arith.constant 0 : i32
        %dma_start3A_1399 = arith.constant 0 : i32
        %dma_start3A_1400 = tpu.memref_slice %arg2[%dma_start3A_1398, %dma_start3A_1399] : memref<10000x128xf32, #tpu.memory_space<hbm>> -> memref<10000x128xf32, #tpu.memory_space<hbm>>
        tpu.enqueue_indirect_dma source(%dma_start3A_1400 : memref<10000x128xf32, #tpu.memory_space<hbm>>) target(%dma_start3A_1397 : memref<16x128xf32, #tpu.memory_space<vmem>>) offsets(%get3A_1392 : vector<16xi32>) semaphore(%arg20 : memref<!tpu.dma_semaphore, #tpu.memory_space<semaphore_mem>>)
      } else {
      }
      %get3A_174 = arith.index_cast %scan3A_123 : i32 to index
      %get3A_175 = arith.constant 0 : index
      %get3A_176 = tpu.vector_load %arg13[%get3A_174, %get3A_175] {strides = array<i32>} : memref<320x16xi32, #tpu.memory_space<vmem>>, vector<16xi32>,
      %broadcast_in_dim3A = vector.broadcast %add3A_124 : i32 to vector<16xi32>
      %gather3A = tpu.vector_load_idx %arg9[%broadcast_in_dim3A] : memref<10240xf32, #tpu.memory_space<vmem>>[vector<16xi32>], vector<16xf32>,
      %gather3A_177 = tpu.vector_load_idx %arg11[%get3A_176] : memref<10240xf32, #tpu.memory_space<vmem>>[vector<16xi32>], vector<16xf32>,
      %add3A_178 = arith.addf %gather3A, %gather3A_177 : vector<16xf32>
      %ge3A = arith.constant 0.000000e+00 : f32
      %ge3A_179 = vector.broadcast %ge3A : f32 to vector<16xf32>
      %ge3A_180 = arith.cmpf oge, %add3A_178, %ge3A_179 : vector<16xf32>
      %mul3A_181 = arith.constant 0.00999999977 : f32
      %mul3A_182 = vector.broadcast %mul3A_181 : f32 to vector<16xf32>
      %mul3A_183 = arith.mulf %mul3A_182, %add3A_178 : vector<16xf32>
      %select_n3A = arith.select %ge3A_180, %add3A_178, %mul3A_183 : vector<16xi1>, vector<16xf32>
      %reduce_max3A = arith.constant true
      %reduce_max3A_184 = vector.broadcast %reduce_max3A : i1 to vector<16xi1>
      %reduce_max3A_185 = tpu.scan <max>, %select_n3A masked %reduce_max3A_184 : vector<16xf32>, vector<16xi1> -> vector<16xf32>
      %reduce_max3A_186 = vector.extract %reduce_max3A_185[15] : f32 from vector<16xf32>
      %sub3A_187 = vector.broadcast %reduce_max3A_186 : f32 to vector<16xf32>
      %sub3A_188 = arith.subf %select_n3A, %sub3A_187 : vector<16xf32>
      %exp3A = math.exp %sub3A_188 : vector<16xf32>
      %reduce_sum3A = arith.constant true
      %reduce_sum3A_189 = vector.broadcast %reduce_sum3A : i1 to vector<16xi1>
      %reduce_sum3A_190 = tpu.scan <sum>, %exp3A masked %reduce_sum3A_189 : vector<16xf32>, vector<16xi1> -> vector<16xf32>
      %reduce_sum3A_191 = vector.extract %reduce_sum3A_190[15] : f32 from vector<16xf32>
      %broadcast_in_dim3A_192 = vector.broadcast %reduce_sum3A_191 : f32 to vector<16xf32>
      %div3A = arith.divf %exp3A, %broadcast_in_dim3A_192 : vector<16xf32>
      %eq3A_193 = arith.constant 0 : i32
      %eq3A_194 = arith.cmpi eq, %rem3A_125, %eq3A_193 : i32
      %convert_element_type3A_195 = arith.extui %eq3A_194 : i1 to i32
      %cond3A_196 = arith.constant 0 : i32
      %cond3A_197 = arith.cmpi ne, %convert_element_type3A_195, %cond3A_196 : i32
      scf.if %cond3A_197 {
        %dma_wait3A = arith.constant 0 : i32
        %dma_wait3A_1386 = arith.constant 0 : i32
        %dma_wait3A_1387 = arith.constant 0 : i32
        %dma_wait3A_1388 = tpu.memref_slice %arg15[%dma_wait3A, %dma_wait3A_1386, %dma_wait3A_1387] : memref<4x32x128xf32, #tpu.memory_space<vmem>> -> memref<1x16x128xf32, #tpu.memory_space<vmem>>
        %dma_wait3A_1389 = tpu.memref_squeeze %dma_wait3A_1388 : memref<1x16x128xf32, #tpu.memory_space<vmem>> -> memref<16x128xf32, #tpu.memory_space<vmem>>
        %dma_wait3A_1390 = arith.constant 0 : i32
        %dma_wait3A_1391 = arith.constant 0 : i32
        %dma_wait3A_1392 = tpu.memref_slice %arg2[%dma_wait3A_1390, %dma_wait3A_1391] : memref<10000x128xf32, #tpu.memory_space<hbm>> -> memref<16x128xf32, #tpu.memory_space<hbm>>
        %dma_wait3A_1393 = arith.constant 0 : i32
        %dma_wait3A_1394 = arith.constant 0 : i32
        %dma_wait3A_1395 = tpu.memref_slice %arg15[%dma_wait3A, %dma_wait3A_1393, %dma_wait3A_1394] : memref<4x32x128xf32, #tpu.memory_space<vmem>> -> memref<1x16x128xf32, #tpu.memory_space<vmem>>
        %dma_wait3A_1396 = tpu.memref_squeeze %dma_wait3A_1395 : memref<1x16x128xf32, #tpu.memory_space<vmem>> -> memref<16x128xf32, #tpu.memory_space<vmem>>
        %dma_wait3A_1397 = arith.constant 0 : i32
        %dma_wait3A_1398 = arith.constant 0 : i32
        %dma_wait3A_1399 = tpu.memref_slice %arg2[%dma_wait3A_1397, %dma_wait3A_1398] : memref<10000x128xf32, #tpu.memory_space<hbm>> -> memref<16x128xf32, #tpu.memory_space<hbm>>
        tpu.wait_dma2 semaphore(%arg17 : memref<!tpu.dma_semaphore, #tpu.memory_space<semaphore_mem>>) src(%dma_wait3A_1399 : memref<16x128xf32, #tpu.memory_space<hbm>>) dst(%dma_wait3A_1396 : memref<16x128xf32, #tpu.memory_space<vmem>>)
      } else {
      }
      %eq3A_198 = arith.constant 1 : i32
      %eq3A_199 = arith.cmpi eq, %rem3A_125, %eq3A_198 : i32
      %convert_element_type3A_200 = arith.extui %eq3A_199 : i1 to i32
      %cond3A_201 = arith.constant 0 : i32
      %cond3A_202 = arith.cmpi ne, %convert_element_type3A_200, %cond3A_201 : i32
      scf.if %cond3A_202 {
        %dma_wait3A = arith.constant 1 : i32
        %dma_wait3A_1386 = arith.constant 0 : i32
        %dma_wait3A_1387 = arith.constant 0 : i32
        %dma_wait3A_1388 = tpu.memref_slice %arg15[%dma_wait3A, %dma_wait3A_1386, %dma_wait3A_1387] : memref<4x32x128xf32, #tpu.memory_space<vmem>> -> memref<1x16x128xf32, #tpu.memory_space<vmem>>
        %dma_wait3A_1389 = tpu.memref_squeeze %dma_wait3A_1388 : memref<1x16x128xf32, #tpu.memory_space<vmem>> -> memref<16x128xf32, #tpu.memory_space<vmem>>
        %dma_wait3A_1390 = arith.constant 0 : i32
        %dma_wait3A_1391 = arith.constant 0 : i32
        %dma_wait3A_1392 = tpu.memref_slice %arg2[%dma_wait3A_1390, %dma_wait3A_1391] : memref<10000x128xf32, #tpu.memory_space<hbm>> -> memref<16x128xf32, #tpu.memory_space<hbm>>
        %dma_wait3A_1393 = arith.constant 0 : i32
        %dma_wait3A_1394 = arith.constant 0 : i32
        %dma_wait3A_1395 = tpu.memref_slice %arg15[%dma_wait3A, %dma_wait3A_1393, %dma_wait3A_1394] : memref<4x32x128xf32, #tpu.memory_space<vmem>> -> memref<1x16x128xf32, #tpu.memory_space<vmem>>
        %dma_wait3A_1396 = tpu.memref_squeeze %dma_wait3A_1395 : memref<1x16x128xf32, #tpu.memory_space<vmem>> -> memref<16x128xf32, #tpu.memory_space<vmem>>
        %dma_wait3A_1397 = arith.constant 0 : i32
        %dma_wait3A_1398 = arith.constant 0 : i32
        %dma_wait3A_1399 = tpu.memref_slice %arg2[%dma_wait3A_1397, %dma_wait3A_1398] : memref<10000x128xf32, #tpu.memory_space<hbm>> -> memref<16x128xf32, #tpu.memory_space<hbm>>
        tpu.wait_dma2 semaphore(%arg18 : memref<!tpu.dma_semaphore, #tpu.memory_space<semaphore_mem>>) src(%dma_wait3A_1399 : memref<16x128xf32, #tpu.memory_space<hbm>>) dst(%dma_wait3A_1396 : memref<16x128xf32, #tpu.memory_space<vmem>>)
      } else {
      }
      %eq3A_203 = arith.constant 2 : i32
      %eq3A_204 = arith.cmpi eq, %rem3A_125, %eq3A_203 : i32
      %convert_element_type3A_205 = arith.extui %eq3A_204 : i1 to i32
      %cond3A_206 = arith.constant 0 : i32
      %cond3A_207 = arith.cmpi ne, %convert_element_type3A_205, %cond3A_206 : i32
      scf.if %cond3A_207 {
        %dma_wait3A = arith.constant 2 : i32
        %dma_wait3A_1386 = arith.constant 0 : i32
        %dma_wait3A_1387 = arith.constant 0 : i32
        %dma_wait3A_1388 = tpu.memref_slice %arg15[%dma_wait3A, %dma_wait3A_1386, %dma_wait3A_1387] : memref<4x32x128xf32, #tpu.memory_space<vmem>> -> memref<1x16x128xf32, #tpu.memory_space<vmem>>
        %dma_wait3A_1389 = tpu.memref_squeeze %dma_wait3A_1388 : memref<1x16x128xf32, #tpu.memory_space<vmem>> -> memref<16x128xf32, #tpu.memory_space<vmem>>
        %dma_wait3A_1390 = arith.constant 0 : i32
        %dma_wait3A_1391 = arith.constant 0 : i32
        %dma_wait3A_1392 = tpu.memref_slice %arg2[%dma_wait3A_1390, %dma_wait3A_1391] : memref<10000x128xf32, #tpu.memory_space<hbm>> -> memref<16x128xf32, #tpu.memory_space<hbm>>
        %dma_wait3A_1393 = arith.constant 0 : i32
        %dma_wait3A_1394 = arith.constant 0 : i32
        %dma_wait3A_1395 = tpu.memref_slice %arg15[%dma_wait3A, %dma_wait3A_1393, %dma_wait3A_1394] : memref<4x32x128xf32, #tpu.memory_space<vmem>> -> memref<1x16x128xf32, #tpu.memory_space<vmem>>
        %dma_wait3A_1396 = tpu.memref_squeeze %dma_wait3A_1395 : memref<1x16x128xf32, #tpu.memory_space<vmem>> -> memref<16x128xf32, #tpu.memory_space<vmem>>
        %dma_wait3A_1397 = arith.constant 0 : i32
        %dma_wait3A_1398 = arith.constant 0 : i32
        %dma_wait3A_1399 = tpu.memref_slice %arg2[%dma_wait3A_1397, %dma_wait3A_1398] : memref<10000x128xf32, #tpu.memory_space<hbm>> -> memref<16x128xf32, #tpu.memory_space<hbm>>
        tpu.wait_dma2 semaphore(%arg19 : memref<!tpu.dma_semaphore, #tpu.memory_space<semaphore_mem>>) src(%dma_wait3A_1399 : memref<16x128xf32, #tpu.memory_space<hbm>>) dst(%dma_wait3A_1396 : memref<16x128xf32, #tpu.memory_space<vmem>>)
      } else {
      }
      %eq3A_208 = arith.constant 3 : i32
      %eq3A_209 = arith.cmpi eq, %rem3A_125, %eq3A_208 : i32
      %convert_element_type3A_210 = arith.extui %eq3A_209 : i1 to i32
      %cond3A_211 = arith.constant 0 : i32
      %cond3A_212 = arith.cmpi ne, %convert_element_type3A_210, %cond3A_211 : i32
      scf.if %cond3A_212 {
        %dma_wait3A = arith.constant 3 : i32
        %dma_wait3A_1386 = arith.constant 0 : i32
        %dma_wait3A_1387 = arith.constant 0 : i32
        %dma_wait3A_1388 = tpu.memref_slice %arg15[%dma_wait3A, %dma_wait3A_1386, %dma_wait3A_1387] : memref<4x32x128xf32, #tpu.memory_space<vmem>> -> memref<1x16x128xf32, #tpu.memory_space<vmem>>
        %dma_wait3A_1389 = tpu.memref_squeeze %dma_wait3A_1388 : memref<1x16x128xf32, #tpu.memory_space<vmem>> -> memref<16x128xf32, #tpu.memory_space<vmem>>
        %dma_wait3A_1390 = arith.constant 0 : i32
        %dma_wait3A_1391 = arith.constant 0 : i32
        %dma_wait3A_1392 = tpu.memref_slice %arg2[%dma_wait3A_1390, %dma_wait3A_1391] : memref<10000x128xf32, #tpu.memory_space<hbm>> -> memref<16x128xf32, #tpu.memory_space<hbm>>
        %dma_wait3A_1393 = arith.constant 0 : i32
        %dma_wait3A_1394 = arith.constant 0 : i32
        %dma_wait3A_1395 = tpu.memref_slice %arg15[%dma_wait3A, %dma_wait3A_1393, %dma_wait3A_1394] : memref<4x32x128xf32, #tpu.memory_space<vmem>> -> memref<1x16x128xf32, #tpu.memory_space<vmem>>
        %dma_wait3A_1396 = tpu.memref_squeeze %dma_wait3A_1395 : memref<1x16x128xf32, #tpu.memory_space<vmem>> -> memref<16x128xf32, #tpu.memory_space<vmem>>
        %dma_wait3A_1397 = arith.constant 0 : i32
        %dma_wait3A_1398 = arith.constant 0 : i32
        %dma_wait3A_1399 = tpu.memref_slice %arg2[%dma_wait3A_1397, %dma_wait3A_1398] : memref<10000x128xf32, #tpu.memory_space<hbm>> -> memref<16x128xf32, #tpu.memory_space<hbm>>
        tpu.wait_dma2 semaphore(%arg20 : memref<!tpu.dma_semaphore, #tpu.memory_space<semaphore_mem>>) src(%dma_wait3A_1399 : memref<16x128xf32, #tpu.memory_space<hbm>>) dst(%dma_wait3A_1396 : memref<16x128xf32, #tpu.memory_space<vmem>>)
      } else {
      }
      %iota3A = tpu.iota {dimensions = array<i32: 0>} : vector<16xi32>
      %broadcast_in_dim3A_213 = arith.constant 0.000000e+00 : f32
      %broadcast_in_dim3A_214 = vector.broadcast %broadcast_in_dim3A_213 : f32 to vector<16xf32>
      %broadcast_in_dim3A_215 = arith.constant 0.000000e+00 : f32
      %broadcast_in_dim3A_216 = vector.broadcast %broadcast_in_dim3A_215 : f32 to vector<16xf32>
      %broadcast_in_dim3A_217 = arith.constant 0.000000e+00 : f32
      %broadcast_in_dim3A_218 = vector.broadcast %broadcast_in_dim3A_217 : f32 to vector<16xf32>
      %broadcast_in_dim3A_219 = arith.constant 0.000000e+00 : f32
      %broadcast_in_dim3A_220 = vector.broadcast %broadcast_in_dim3A_219 : f32 to vector<16xf32>
      %broadcast_in_dim3A_221 = arith.constant 0.000000e+00 : f32
      %broadcast_in_dim3A_222 = vector.broadcast %broadcast_in_dim3A_221 : f32 to vector<16xf32>
      %broadcast_in_dim3A_223 = arith.constant 0.000000e+00 : f32
      %broadcast_in_dim3A_224 = vector.broadcast %broadcast_in_dim3A_223 : f32 to vector<16xf32>
      %broadcast_in_dim3A_225 = arith.constant 0.000000e+00 : f32
      %broadcast_in_dim3A_226 = vector.broadcast %broadcast_in_dim3A_225 : f32 to vector<16xf32>
      %broadcast_in_dim3A_227 = arith.constant 0.000000e+00 : f32
      %broadcast_in_dim3A_228 = vector.broadcast %broadcast_in_dim3A_227 : f32 to vector<16xf32>
      %eq3A_229 = arith.constant 0 : i32
      %eq3A_230 = vector.broadcast %eq3A_229 : i32 to vector<16xi32>
      %eq3A_231 = arith.cmpi eq, %iota3A, %eq3A_230 : vector<16xi32>
      %jit3A = arith.constant 0.000000e+00 : f32
      %broadcast_in_dim3A_232 = vector.broadcast %jit3A : f32 to vector<16xf32>
      %select_n3A_233 = arith.select %eq3A_231, %div3A, %broadcast_in_dim3A_232 : vector<16xi1>, vector<16xf32>
      %reduce_sum3A_234 = arith.constant true
      %reduce_sum3A_235 = vector.broadcast %reduce_sum3A_234 : i1 to vector<16xi1>
      %reduce_sum3A_236 = tpu.scan <sum>, %select_n3A_233 masked %reduce_sum3A_235 : vector<16xf32>, vector<16xi1> -> vector<16xf32>
      %reduce_sum3A_237 = vector.extract %reduce_sum3A_236[15] : f32 from vector<16xf32>
      %broadcast_in_dim3A_238 = vector.broadcast %reduce_sum3A_237 : f32 to vector<16xf32>
      %get3A_239 = arith.constant 0 : i32
      %get3A_240 = arith.index_cast %rem3A_125 : i32 to index
      %get3A_241 = arith.index_cast %get3A_239 : i32 to index
      %get3A_242 = arith.constant 0 : index
      %get3A_243 = tpu.vector_load %arg15[%get3A_240, %get3A_241, %get3A_242] {strides = array<i32>} : memref<4x32x128xf32, #tpu.memory_space<vmem>>, vector<16xf32>,
      %mul3A_244 = arith.mulf %broadcast_in_dim3A_238, %get3A_243 : vector<16xf32>
      %add3A_245 = arith.addf %broadcast_in_dim3A_214, %mul3A_244 : vector<16xf32>
      %get3A_246 = arith.constant 0 : i32
      %get3A_247 = arith.index_cast %rem3A_125 : i32 to index
      %get3A_248 = arith.index_cast %get3A_246 : i32 to index
      %get3A_249 = arith.constant 16 : index
      %get3A_250 = tpu.vector_load %arg15[%get3A_247, %get3A_248, %get3A_249] {strides = array<i32>} : memref<4x32x128xf32, #tpu.memory_space<vmem>>, vector<16xf32>,
      %mul3A_251 = arith.mulf %broadcast_in_dim3A_238, %get3A_250 : vector<16xf32>
      %add3A_252 = arith.addf %broadcast_in_dim3A_216, %mul3A_251 : vector<16xf32>
      %get3A_253 = arith.constant 0 : i32
      %get3A_254 = arith.index_cast %rem3A_125 : i32 to index
      %get3A_255 = arith.index_cast %get3A_253 : i32 to index
      %get3A_256 = arith.constant 32 : index
      %get3A_257 = tpu.vector_load %arg15[%get3A_254, %get3A_255, %get3A_256] {strides = array<i32>} : memref<4x32x128xf32, #tpu.memory_space<vmem>>, vector<16xf32>,
      %mul3A_258 = arith.mulf %broadcast_in_dim3A_238, %get3A_257 : vector<16xf32>
      %add3A_259 = arith.addf %broadcast_in_dim3A_218, %mul3A_258 : vector<16xf32>
      %get3A_260 = arith.constant 0 : i32
      %get3A_261 = arith.index_cast %rem3A_125 : i32 to index
      %get3A_262 = arith.index_cast %get3A_260 : i32 to index
      %get3A_263 = arith.constant 48 : index
      %get3A_264 = tpu.vector_load %arg15[%get3A_261, %get3A_262, %get3A_263] {strides = array<i32>} : memref<4x32x128xf32, #tpu.memory_space<vmem>>, vector<16xf32>,
      %mul3A_265 = arith.mulf %broadcast_in_dim3A_238, %get3A_264 : vector<16xf32>
      %add3A_266 = arith.addf %broadcast_in_dim3A_220, %mul3A_265 : vector<16xf32>
      %get3A_267 = arith.constant 0 : i32
      %get3A_268 = arith.index_cast %rem3A_125 : i32 to index
      %get3A_269 = arith.index_cast %get3A_267 : i32 to index
      %get3A_270 = arith.constant 64 : index
      %get3A_271 = tpu.vector_load %arg15[%get3A_268, %get3A_269, %get3A_270] {strides = array<i32>} : memref<4x32x128xf32, #tpu.memory_space<vmem>>, vector<16xf32>,
      %mul3A_272 = arith.mulf %broadcast_in_dim3A_238, %get3A_271 : vector<16xf32>
      %add3A_273 = arith.addf %broadcast_in_dim3A_222, %mul3A_272 : vector<16xf32>
      %get3A_274 = arith.constant 0 : i32
      %get3A_275 = arith.index_cast %rem3A_125 : i32 to index
      %get3A_276 = arith.index_cast %get3A_274 : i32 to index
      %get3A_277 = arith.constant 80 : index
      %get3A_278 = tpu.vector_load %arg15[%get3A_275, %get3A_276, %get3A_277] {strides = array<i32>} : memref<4x32x128xf32, #tpu.memory_space<vmem>>, vector<16xf32>,
      %mul3A_279 = arith.mulf %broadcast_in_dim3A_238, %get3A_278 : vector<16xf32>
      %add3A_280 = arith.addf %broadcast_in_dim3A_224, %mul3A_279 : vector<16xf32>
      %get3A_281 = arith.constant 0 : i32
      %get3A_282 = arith.index_cast %rem3A_125 : i32 to index
      %get3A_283 = arith.index_cast %get3A_281 : i32 to index
      %get3A_284 = arith.constant 96 : index
      %get3A_285 = tpu.vector_load %arg15[%get3A_282, %get3A_283, %get3A_284] {strides = array<i32>} : memref<4x32x128xf32, #tpu.memory_space<vmem>>, vector<16xf32>,
      %mul3A_286 = arith.mulf %broadcast_in_dim3A_238, %get3A_285 : vector<16xf32>
      %add3A_287 = arith.addf %broadcast_in_dim3A_226, %mul3A_286 : vector<16xf32>
      %get3A_288 = arith.constant 0 : i32
      %get3A_289 = arith.index_cast %rem3A_125 : i32 to index
      %get3A_290 = arith.index_cast %get3A_288 : i32 to index
      %get3A_291 = arith.constant 112 : index
      %get3A_292 = tpu.vector_load %arg15[%get3A_289, %get3A_290, %get3A_291] {strides = array<i32>} : memref<4x32x128xf32, #tpu.memory_space<vmem>>, vector<16xf32>,
      %mul3A_293 = arith.mulf %broadcast_in_dim3A_238, %get3A_292 : vector<16xf32>
      %add3A_294 = arith.addf %broadcast_in_dim3A_228, %mul3A_293 : vector<16xf32>
      %eq3A_295 = arith.constant 1 : i32
      %eq3A_296 = vector.broadcast %eq3A_295 : i32 to vector<16xi32>
      %eq3A_297 = arith.cmpi eq, %iota3A, %eq3A_296 : vector<16xi32>
      %jit3A_298 = arith.constant 0.000000e+00 : f32
      %broadcast_in_dim3A_299 = vector.broadcast %jit3A_298 : f32 to vector<16xf32>
      %select_n3A_300 = arith.select %eq3A_297, %div3A, %broadcast_in_dim3A_299 : vector<16xi1>, vector<16xf32>
      %reduce_sum3A_301 = arith.constant true
      %reduce_sum3A_302 = vector.broadcast %reduce_sum3A_301 : i1 to vector<16xi1>
      %reduce_sum3A_303 = tpu.scan <sum>, %select_n3A_300 masked %reduce_sum3A_302 : vector<16xf32>, vector<16xi1> -> vector<16xf32>
      %reduce_sum3A_304 = vector.extract %reduce_sum3A_303[15] : f32 from vector<16xf32>
      %broadcast_in_dim3A_305 = vector.broadcast %reduce_sum3A_304 : f32 to vector<16xf32>
      %get3A_306 = arith.constant 1 : i32
      %get3A_307 = arith.index_cast %rem3A_125 : i32 to index
      %get3A_308 = arith.index_cast %get3A_306 : i32 to index
      %get3A_309 = arith.constant 0 : index
      %get3A_310 = tpu.vector_load %arg15[%get3A_307, %get3A_308, %get3A_309] {strides = array<i32>} : memref<4x32x128xf32, #tpu.memory_space<vmem>>, vector<16xf32>,
      %mul3A_311 = arith.mulf %broadcast_in_dim3A_305, %get3A_310 : vector<16xf32>
      %add3A_312 = arith.addf %add3A_245, %mul3A_311 : vector<16xf32>
      %get3A_313 = arith.constant 1 : i32
      %get3A_314 = arith.index_cast %rem3A_125 : i32 to index
      %get3A_315 = arith.index_cast %get3A_313 : i32 to index
      %get3A_316 = arith.constant 16 : index
      %get3A_317 = tpu.vector_load %arg15[%get3A_314, %get3A_315, %get3A_316] {strides = array<i32>} : memref<4x32x128xf32, #tpu.memory_space<vmem>>, vector<16xf32>,
      %mul3A_318 = arith.mulf %broadcast_in_dim3A_305, %get3A_317 : vector<16xf32>
      %add3A_319 = arith.addf %add3A_252, %mul3A_318 : vector<16xf32>
      %get3A_320 = arith.constant 1 : i32
      %get3A_321 = arith.index_cast %rem3A_125 : i32 to index
      %get3A_322 = arith.index_cast %get3A_320 : i32 to index
      %get3A_323 = arith.constant 32 : index
      %get3A_324 = tpu.vector_load %arg15[%get3A_321, %get3A_322, %get3A_323] {strides = array<i32>} : memref<4x32x128xf32, #tpu.memory_space<vmem>>, vector<16xf32>,
      %mul3A_325 = arith.mulf %broadcast_in_dim3A_305, %get3A_324 : vector<16xf32>
      %add3A_326 = arith.addf %add3A_259, %mul3A_325 : vector<16xf32>
      %get3A_327 = arith.constant 1 : i32
      %get3A_328 = arith.index_cast %rem3A_125 : i32 to index
      %get3A_329 = arith.index_cast %get3A_327 : i32 to index
      %get3A_330 = arith.constant 48 : index
      %get3A_331 = tpu.vector_load %arg15[%get3A_328, %get3A_329, %get3A_330] {strides = array<i32>} : memref<4x32x128xf32, #tpu.memory_space<vmem>>, vector<16xf32>,
      %mul3A_332 = arith.mulf %broadcast_in_dim3A_305, %get3A_331 : vector<16xf32>
      %add3A_333 = arith.addf %add3A_266, %mul3A_332 : vector<16xf32>
      %get3A_334 = arith.constant 1 : i32
      %get3A_335 = arith.index_cast %rem3A_125 : i32 to index
      %get3A_336 = arith.index_cast %get3A_334 : i32 to index
      %get3A_337 = arith.constant 64 : index
      %get3A_338 = tpu.vector_load %arg15[%get3A_335, %get3A_336, %get3A_337] {strides = array<i32>} : memref<4x32x128xf32, #tpu.memory_space<vmem>>, vector<16xf32>,
      %mul3A_339 = arith.mulf %broadcast_in_dim3A_305, %get3A_338 : vector<16xf32>
      %add3A_340 = arith.addf %add3A_273, %mul3A_339 : vector<16xf32>
      %get3A_341 = arith.constant 1 : i32
      %get3A_342 = arith.index_cast %rem3A_125 : i32 to index
      %get3A_343 = arith.index_cast %get3A_341 : i32 to index
      %get3A_344 = arith.constant 80 : index
      %get3A_345 = tpu.vector_load %arg15[%get3A_342, %get3A_343, %get3A_344] {strides = array<i32>} : memref<4x32x128xf32, #tpu.memory_space<vmem>>, vector<16xf32>,
      %mul3A_346 = arith.mulf %broadcast_in_dim3A_305, %get3A_345 : vector<16xf32>
      %add3A_347 = arith.addf %add3A_280, %mul3A_346 : vector<16xf32>
      %get3A_348 = arith.constant 1 : i32
      %get3A_349 = arith.index_cast %rem3A_125 : i32 to index
      %get3A_350 = arith.index_cast %get3A_348 : i32 to index
      %get3A_351 = arith.constant 96 : index
      %get3A_352 = tpu.vector_load %arg15[%get3A_349, %get3A_350, %get3A_351] {strides = array<i32>} : memref<4x32x128xf32, #tpu.memory_space<vmem>>, vector<16xf32>,
      %mul3A_353 = arith.mulf %broadcast_in_dim3A_305, %get3A_352 : vector<16xf32>
      %add3A_354 = arith.addf %add3A_287, %mul3A_353 : vector<16xf32>
      %get3A_355 = arith.constant 1 : i32
      %get3A_356 = arith.index_cast %rem3A_125 : i32 to index
      %get3A_357 = arith.index_cast %get3A_355 : i32 to index
      %get3A_358 = arith.constant 112 : index
      %get3A_359 = tpu.vector_load %arg15[%get3A_356, %get3A_357, %get3A_358] {strides = array<i32>} : memref<4x32x128xf32, #tpu.memory_space<vmem>>, vector<16xf32>,
      %mul3A_360 = arith.mulf %broadcast_in_dim3A_305, %get3A_359 : vector<16xf32>
      %add3A_361 = arith.addf %add3A_294, %mul3A_360 : vector<16xf32>
      %eq3A_362 = arith.constant 2 : i32
      %eq3A_363 = vector.broadcast %eq3A_362 : i32 to vector<16xi32>
      %eq3A_364 = arith.cmpi eq, %iota3A, %eq3A_363 : vector<16xi32>
      %jit3A_365 = arith.constant 0.000000e+00 : f32
      %broadcast_in_dim3A_366 = vector.broadcast %jit3A_365 : f32 to vector<16xf32>
      %select_n3A_367 = arith.select %eq3A_364, %div3A, %broadcast_in_dim3A_366 : vector<16xi1>, vector<16xf32>
      %reduce_sum3A_368 = arith.constant true
      %reduce_sum3A_369 = vector.broadcast %reduce_sum3A_368 : i1 to vector<16xi1>
      %reduce_sum3A_370 = tpu.scan <sum>, %select_n3A_367 masked %reduce_sum3A_369 : vector<16xf32>, vector<16xi1> -> vector<16xf32>
      %reduce_sum3A_371 = vector.extract %reduce_sum3A_370[15] : f32 from vector<16xf32>
      %broadcast_in_dim3A_372 = vector.broadcast %reduce_sum3A_371 : f32 to vector<16xf32>
      %get3A_373 = arith.constant 2 : i32
      %get3A_374 = arith.index_cast %rem3A_125 : i32 to index
      %get3A_375 = arith.index_cast %get3A_373 : i32 to index
      %get3A_376 = arith.constant 0 : index
      %get3A_377 = tpu.vector_load %arg15[%get3A_374, %get3A_375, %get3A_376] {strides = array<i32>} : memref<4x32x128xf32, #tpu.memory_space<vmem>>, vector<16xf32>,
      %mul3A_378 = arith.mulf %broadcast_in_dim3A_372, %get3A_377 : vector<16xf32>
      %add3A_379 = arith.addf %add3A_312, %mul3A_378 : vector<16xf32>
      %get3A_380 = arith.constant 2 : i32
      %get3A_381 = arith.index_cast %rem3A_125 : i32 to index
      %get3A_382 = arith.index_cast %get3A_380 : i32 to index
      %get3A_383 = arith.constant 16 : index
      %get3A_384 = tpu.vector_load %arg15[%get3A_381, %get3A_382, %get3A_383] {strides = array<i32>} : memref<4x32x128xf32, #tpu.memory_space<vmem>>, vector<16xf32>,
      %mul3A_385 = arith.mulf %broadcast_in_dim3A_372, %get3A_384 : vector<16xf32>
      %add3A_386 = arith.addf %add3A_319, %mul3A_385 : vector<16xf32>
      %get3A_387 = arith.constant 2 : i32
      %get3A_388 = arith.index_cast %rem3A_125 : i32 to index
      %get3A_389 = arith.index_cast %get3A_387 : i32 to index
      %get3A_390 = arith.constant 32 : index
      %get3A_391 = tpu.vector_load %arg15[%get3A_388, %get3A_389, %get3A_390] {strides = array<i32>} : memref<4x32x128xf32, #tpu.memory_space<vmem>>, vector<16xf32>,
      %mul3A_392 = arith.mulf %broadcast_in_dim3A_372, %get3A_391 : vector<16xf32>
      %add3A_393 = arith.addf %add3A_326, %mul3A_392 : vector<16xf32>
      %get3A_394 = arith.constant 2 : i32
      %get3A_395 = arith.index_cast %rem3A_125 : i32 to index
      %get3A_396 = arith.index_cast %get3A_394 : i32 to index
      %get3A_397 = arith.constant 48 : index
      %get3A_398 = tpu.vector_load %arg15[%get3A_395, %get3A_396, %get3A_397] {strides = array<i32>} : memref<4x32x128xf32, #tpu.memory_space<vmem>>, vector<16xf32>,
      %mul3A_399 = arith.mulf %broadcast_in_dim3A_372, %get3A_398 : vector<16xf32>
      %add3A_400 = arith.addf %add3A_333, %mul3A_399 : vector<16xf32>
      %get3A_401 = arith.constant 2 : i32
      %get3A_402 = arith.index_cast %rem3A_125 : i32 to index
      %get3A_403 = arith.index_cast %get3A_401 : i32 to index
      %get3A_404 = arith.constant 64 : index
      %get3A_405 = tpu.vector_load %arg15[%get3A_402, %get3A_403, %get3A_404] {strides = array<i32>} : memref<4x32x128xf32, #tpu.memory_space<vmem>>, vector<16xf32>,
      %mul3A_406 = arith.mulf %broadcast_in_dim3A_372, %get3A_405 : vector<16xf32>
      %add3A_407 = arith.addf %add3A_340, %mul3A_406 : vector<16xf32>
      %get3A_408 = arith.constant 2 : i32
      %get3A_409 = arith.index_cast %rem3A_125 : i32 to index
      %get3A_410 = arith.index_cast %get3A_408 : i32 to index
      %get3A_411 = arith.constant 80 : index
      %get3A_412 = tpu.vector_load %arg15[%get3A_409, %get3A_410, %get3A_411] {strides = array<i32>} : memref<4x32x128xf32, #tpu.memory_space<vmem>>, vector<16xf32>,
      %mul3A_413 = arith.mulf %broadcast_in_dim3A_372, %get3A_412 : vector<16xf32>
      %add3A_414 = arith.addf %add3A_347, %mul3A_413 : vector<16xf32>
      %get3A_415 = arith.constant 2 : i32
      %get3A_416 = arith.index_cast %rem3A_125 : i32 to index
      %get3A_417 = arith.index_cast %get3A_415 : i32 to index
      %get3A_418 = arith.constant 96 : index
      %get3A_419 = tpu.vector_load %arg15[%get3A_416, %get3A_417, %get3A_418] {strides = array<i32>} : memref<4x32x128xf32, #tpu.memory_space<vmem>>, vector<16xf32>,
      %mul3A_420 = arith.mulf %broadcast_in_dim3A_372, %get3A_419 : vector<16xf32>
      %add3A_421 = arith.addf %add3A_354, %mul3A_420 : vector<16xf32>
      %get3A_422 = arith.constant 2 : i32
      %get3A_423 = arith.index_cast %rem3A_125 : i32 to index
      %get3A_424 = arith.index_cast %get3A_422 : i32 to index
      %get3A_425 = arith.constant 112 : index
      %get3A_426 = tpu.vector_load %arg15[%get3A_423, %get3A_424, %get3A_425] {strides = array<i32>} : memref<4x32x128xf32, #tpu.memory_space<vmem>>, vector<16xf32>,
      %mul3A_427 = arith.mulf %broadcast_in_dim3A_372, %get3A_426 : vector<16xf32>
      %add3A_428 = arith.addf %add3A_361, %mul3A_427 : vector<16xf32>
      %eq3A_429 = arith.constant 3 : i32
      %eq3A_430 = vector.broadcast %eq3A_429 : i32 to vector<16xi32>
      %eq3A_431 = arith.cmpi eq, %iota3A, %eq3A_430 : vector<16xi32>
      %jit3A_432 = arith.constant 0.000000e+00 : f32
      %broadcast_in_dim3A_433 = vector.broadcast %jit3A_432 : f32 to vector<16xf32>
      %select_n3A_434 = arith.select %eq3A_431, %div3A, %broadcast_in_dim3A_433 : vector<16xi1>, vector<16xf32>
      %reduce_sum3A_435 = arith.constant true
      %reduce_sum3A_436 = vector.broadcast %reduce_sum3A_435 : i1 to vector<16xi1>
      %reduce_sum3A_437 = tpu.scan <sum>, %select_n3A_434 masked %reduce_sum3A_436 : vector<16xf32>, vector<16xi1> -> vector<16xf32>
      %reduce_sum3A_438 = vector.extract %reduce_sum3A_437[15] : f32 from vector<16xf32>
      %broadcast_in_dim3A_439 = vector.broadcast %reduce_sum3A_438 : f32 to vector<16xf32>
      %get3A_440 = arith.constant 3 : i32
      %get3A_441 = arith.index_cast %rem3A_125 : i32 to index
      %get3A_442 = arith.index_cast %get3A_440 : i32 to index
      %get3A_443 = arith.constant 0 : index
      %get3A_444 = tpu.vector_load %arg15[%get3A_441, %get3A_442, %get3A_443] {strides = array<i32>} : memref<4x32x128xf32, #tpu.memory_space<vmem>>, vector<16xf32>,
      %mul3A_445 = arith.mulf %broadcast_in_dim3A_439, %get3A_444 : vector<16xf32>
      %add3A_446 = arith.addf %add3A_379, %mul3A_445 : vector<16xf32>
      %get3A_447 = arith.constant 3 : i32
      %get3A_448 = arith.index_cast %rem3A_125 : i32 to index
      %get3A_449 = arith.index_cast %get3A_447 : i32 to index
      %get3A_450 = arith.constant 16 : index
      %get3A_451 = tpu.vector_load %arg15[%get3A_448, %get3A_449, %get3A_450] {strides = array<i32>} : memref<4x32x128xf32, #tpu.memory_space<vmem>>, vector<16xf32>,
      %mul3A_452 = arith.mulf %broadcast_in_dim3A_439, %get3A_451 : vector<16xf32>
      %add3A_453 = arith.addf %add3A_386, %mul3A_452 : vector<16xf32>
      %get3A_454 = arith.constant 3 : i32
      %get3A_455 = arith.index_cast %rem3A_125 : i32 to index
      %get3A_456 = arith.index_cast %get3A_454 : i32 to index
      %get3A_457 = arith.constant 32 : index
      %get3A_458 = tpu.vector_load %arg15[%get3A_455, %get3A_456, %get3A_457] {strides = array<i32>} : memref<4x32x128xf32, #tpu.memory_space<vmem>>, vector<16xf32>,
      %mul3A_459 = arith.mulf %broadcast_in_dim3A_439, %get3A_458 : vector<16xf32>
      %add3A_460 = arith.addf %add3A_393, %mul3A_459 : vector<16xf32>
      %get3A_461 = arith.constant 3 : i32
      %get3A_462 = arith.index_cast %rem3A_125 : i32 to index
      %get3A_463 = arith.index_cast %get3A_461 : i32 to index
      %get3A_464 = arith.constant 48 : index
      %get3A_465 = tpu.vector_load %arg15[%get3A_462, %get3A_463, %get3A_464] {strides = array<i32>} : memref<4x32x128xf32, #tpu.memory_space<vmem>>, vector<16xf32>,
      %mul3A_466 = arith.mulf %broadcast_in_dim3A_439, %get3A_465 : vector<16xf32>
      %add3A_467 = arith.addf %add3A_400, %mul3A_466 : vector<16xf32>
      %get3A_468 = arith.constant 3 : i32
      %get3A_469 = arith.index_cast %rem3A_125 : i32 to index
      %get3A_470 = arith.index_cast %get3A_468 : i32 to index
      %get3A_471 = arith.constant 64 : index
      %get3A_472 = tpu.vector_load %arg15[%get3A_469, %get3A_470, %get3A_471] {strides = array<i32>} : memref<4x32x128xf32, #tpu.memory_space<vmem>>, vector<16xf32>,
      %mul3A_473 = arith.mulf %broadcast_in_dim3A_439, %get3A_472 : vector<16xf32>
      %add3A_474 = arith.addf %add3A_407, %mul3A_473 : vector<16xf32>
      %get3A_475 = arith.constant 3 : i32
      %get3A_476 = arith.index_cast %rem3A_125 : i32 to index
      %get3A_477 = arith.index_cast %get3A_475 : i32 to index
      %get3A_478 = arith.constant 80 : index
      %get3A_479 = tpu.vector_load %arg15[%get3A_476, %get3A_477, %get3A_478] {strides = array<i32>} : memref<4x32x128xf32, #tpu.memory_space<vmem>>, vector<16xf32>,
      %mul3A_480 = arith.mulf %broadcast_in_dim3A_439, %get3A_479 : vector<16xf32>
      %add3A_481 = arith.addf %add3A_414, %mul3A_480 : vector<16xf32>
      %get3A_482 = arith.constant 3 : i32
      %get3A_483 = arith.index_cast %rem3A_125 : i32 to index
      %get3A_484 = arith.index_cast %get3A_482 : i32 to index
      %get3A_485 = arith.constant 96 : index
      %get3A_486 = tpu.vector_load %arg15[%get3A_483, %get3A_484, %get3A_485] {strides = array<i32>} : memref<4x32x128xf32, #tpu.memory_space<vmem>>, vector<16xf32>,
      %mul3A_487 = arith.mulf %broadcast_in_dim3A_439, %get3A_486 : vector<16xf32>
      %add3A_488 = arith.addf %add3A_421, %mul3A_487 : vector<16xf32>
      %get3A_489 = arith.constant 3 : i32
      %get3A_490 = arith.index_cast %rem3A_125 : i32 to index
      %get3A_491 = arith.index_cast %get3A_489 : i32 to index
      %get3A_492 = arith.constant 112 : index
      %get3A_493 = tpu.vector_load %arg15[%get3A_490, %get3A_491, %get3A_492] {strides = array<i32>} : memref<4x32x128xf32, #tpu.memory_space<vmem>>, vector<16xf32>,
      %mul3A_494 = arith.mulf %broadcast_in_dim3A_439, %get3A_493 : vector<16xf32>
      %add3A_495 = arith.addf %add3A_428, %mul3A_494 : vector<16xf32>
      %eq3A_496 = arith.constant 4 : i32
      %eq3A_497 = vector.broadcast %eq3A_496 : i32 to vector<16xi32>
      %eq3A_498 = arith.cmpi eq, %iota3A, %eq3A_497 : vector<16xi32>
      %jit3A_499 = arith.constant 0.000000e+00 : f32
      %broadcast_in_dim3A_500 = vector.broadcast %jit3A_499 : f32 to vector<16xf32>
      %select_n3A_501 = arith.select %eq3A_498, %div3A, %broadcast_in_dim3A_500 : vector<16xi1>, vector<16xf32>
      %reduce_sum3A_502 = arith.constant true
      %reduce_sum3A_503 = vector.broadcast %reduce_sum3A_502 : i1 to vector<16xi1>
      %reduce_sum3A_504 = tpu.scan <sum>, %select_n3A_501 masked %reduce_sum3A_503 : vector<16xf32>, vector<16xi1> -> vector<16xf32>
      %reduce_sum3A_505 = vector.extract %reduce_sum3A_504[15] : f32 from vector<16xf32>
      %broadcast_in_dim3A_506 = vector.broadcast %reduce_sum3A_505 : f32 to vector<16xf32>
      %get3A_507 = arith.constant 4 : i32
      %get3A_508 = arith.index_cast %rem3A_125 : i32 to index
      %get3A_509 = arith.index_cast %get3A_507 : i32 to index
      %get3A_510 = arith.constant 0 : index
      %get3A_511 = tpu.vector_load %arg15[%get3A_508, %get3A_509, %get3A_510] {strides = array<i32>} : memref<4x32x128xf32, #tpu.memory_space<vmem>>, vector<16xf32>,
      %mul3A_512 = arith.mulf %broadcast_in_dim3A_506, %get3A_511 : vector<16xf32>
      %add3A_513 = arith.addf %add3A_446, %mul3A_512 : vector<16xf32>
      %get3A_514 = arith.constant 4 : i32
      %get3A_515 = arith.index_cast %rem3A_125 : i32 to index
      %get3A_516 = arith.index_cast %get3A_514 : i32 to index
      %get3A_517 = arith.constant 16 : index
      %get3A_518 = tpu.vector_load %arg15[%get3A_515, %get3A_516, %get3A_517] {strides = array<i32>} : memref<4x32x128xf32, #tpu.memory_space<vmem>>, vector<16xf32>,
      %mul3A_519 = arith.mulf %broadcast_in_dim3A_506, %get3A_518 : vector<16xf32>
      %add3A_520 = arith.addf %add3A_453, %mul3A_519 : vector<16xf32>
      %get3A_521 = arith.constant 4 : i32
      %get3A_522 = arith.index_cast %rem3A_125 : i32 to index
      %get3A_523 = arith.index_cast %get3A_521 : i32 to index
      %get3A_524 = arith.constant 32 : index
      %get3A_525 = tpu.vector_load %arg15[%get3A_522, %get3A_523, %get3A_524] {strides = array<i32>} : memref<4x32x128xf32, #tpu.memory_space<vmem>>, vector<16xf32>,
      %mul3A_526 = arith.mulf %broadcast_in_dim3A_506, %get3A_525 : vector<16xf32>
      %add3A_527 = arith.addf %add3A_460, %mul3A_526 : vector<16xf32>
      %get3A_528 = arith.constant 4 : i32
      %get3A_529 = arith.index_cast %rem3A_125 : i32 to index
      %get3A_530 = arith.index_cast %get3A_528 : i32 to index
      %get3A_531 = arith.constant 48 : index
      %get3A_532 = tpu.vector_load %arg15[%get3A_529, %get3A_530, %get3A_531] {strides = array<i32>} : memref<4x32x128xf32, #tpu.memory_space<vmem>>, vector<16xf32>,
      %mul3A_533 = arith.mulf %broadcast_in_dim3A_506, %get3A_532 : vector<16xf32>
      %add3A_534 = arith.addf %add3A_467, %mul3A_533 : vector<16xf32>
      %get3A_535 = arith.constant 4 : i32
      %get3A_536 = arith.index_cast %rem3A_125 : i32 to index
      %get3A_537 = arith.index_cast %get3A_535 : i32 to index
      %get3A_538 = arith.constant 64 : index
      %get3A_539 = tpu.vector_load %arg15[%get3A_536, %get3A_537, %get3A_538] {strides = array<i32>} : memref<4x32x128xf32, #tpu.memory_space<vmem>>, vector<16xf32>,
      %mul3A_540 = arith.mulf %broadcast_in_dim3A_506, %get3A_539 : vector<16xf32>
      %add3A_541 = arith.addf %add3A_474, %mul3A_540 : vector<16xf32>
      %get3A_542 = arith.constant 4 : i32
      %get3A_543 = arith.index_cast %rem3A_125 : i32 to index
      %get3A_544 = arith.index_cast %get3A_542 : i32 to index
      %get3A_545 = arith.constant 80 : index
      %get3A_546 = tpu.vector_load %arg15[%get3A_543, %get3A_544, %get3A_545] {strides = array<i32>} : memref<4x32x128xf32, #tpu.memory_space<vmem>>, vector<16xf32>,
      %mul3A_547 = arith.mulf %broadcast_in_dim3A_506, %get3A_546 : vector<16xf32>
      %add3A_548 = arith.addf %add3A_481, %mul3A_547 : vector<16xf32>
      %get3A_549 = arith.constant 4 : i32
      %get3A_550 = arith.index_cast %rem3A_125 : i32 to index
      %get3A_551 = arith.index_cast %get3A_549 : i32 to index
      %get3A_552 = arith.constant 96 : index
      %get3A_553 = tpu.vector_load %arg15[%get3A_550, %get3A_551, %get3A_552] {strides = array<i32>} : memref<4x32x128xf32, #tpu.memory_space<vmem>>, vector<16xf32>,
      %mul3A_554 = arith.mulf %broadcast_in_dim3A_506, %get3A_553 : vector<16xf32>
      %add3A_555 = arith.addf %add3A_488, %mul3A_554 : vector<16xf32>
      %get3A_556 = arith.constant 4 : i32
      %get3A_557 = arith.index_cast %rem3A_125 : i32 to index
      %get3A_558 = arith.index_cast %get3A_556 : i32 to index
      %get3A_559 = arith.constant 112 : index
      %get3A_560 = tpu.vector_load %arg15[%get3A_557, %get3A_558, %get3A_559] {strides = array<i32>} : memref<4x32x128xf32, #tpu.memory_space<vmem>>, vector<16xf32>,
      %mul3A_561 = arith.mulf %broadcast_in_dim3A_506, %get3A_560 : vector<16xf32>
      %add3A_562 = arith.addf %add3A_495, %mul3A_561 : vector<16xf32>
      %eq3A_563 = arith.constant 5 : i32
      %eq3A_564 = vector.broadcast %eq3A_563 : i32 to vector<16xi32>
      %eq3A_565 = arith.cmpi eq, %iota3A, %eq3A_564 : vector<16xi32>
      %jit3A_566 = arith.constant 0.000000e+00 : f32
      %broadcast_in_dim3A_567 = vector.broadcast %jit3A_566 : f32 to vector<16xf32>
      %select_n3A_568 = arith.select %eq3A_565, %div3A, %broadcast_in_dim3A_567 : vector<16xi1>, vector<16xf32>
      %reduce_sum3A_569 = arith.constant true
      %reduce_sum3A_570 = vector.broadcast %reduce_sum3A_569 : i1 to vector<16xi1>
      %reduce_sum3A_571 = tpu.scan <sum>, %select_n3A_568 masked %reduce_sum3A_570 : vector<16xf32>, vector<16xi1> -> vector<16xf32>
      %reduce_sum3A_572 = vector.extract %reduce_sum3A_571[15] : f32 from vector<16xf32>
      %broadcast_in_dim3A_573 = vector.broadcast %reduce_sum3A_572 : f32 to vector<16xf32>
      %get3A_574 = arith.constant 5 : i32
      %get3A_575 = arith.index_cast %rem3A_125 : i32 to index
      %get3A_576 = arith.index_cast %get3A_574 : i32 to index
      %get3A_577 = arith.constant 0 : index
      %get3A_578 = tpu.vector_load %arg15[%get3A_575, %get3A_576, %get3A_577] {strides = array<i32>} : memref<4x32x128xf32, #tpu.memory_space<vmem>>, vector<16xf32>,
      %mul3A_579 = arith.mulf %broadcast_in_dim3A_573, %get3A_578 : vector<16xf32>
      %add3A_580 = arith.addf %add3A_513, %mul3A_579 : vector<16xf32>
      %get3A_581 = arith.constant 5 : i32
      %get3A_582 = arith.index_cast %rem3A_125 : i32 to index
      %get3A_583 = arith.index_cast %get3A_581 : i32 to index
      %get3A_584 = arith.constant 16 : index
      %get3A_585 = tpu.vector_load %arg15[%get3A_582, %get3A_583, %get3A_584] {strides = array<i32>} : memref<4x32x128xf32, #tpu.memory_space<vmem>>, vector<16xf32>,
      %mul3A_586 = arith.mulf %broadcast_in_dim3A_573, %get3A_585 : vector<16xf32>
      %add3A_587 = arith.addf %add3A_520, %mul3A_586 : vector<16xf32>
      %get3A_588 = arith.constant 5 : i32
      %get3A_589 = arith.index_cast %rem3A_125 : i32 to index
      %get3A_590 = arith.index_cast %get3A_588 : i32 to index
      %get3A_591 = arith.constant 32 : index
      %get3A_592 = tpu.vector_load %arg15[%get3A_589, %get3A_590, %get3A_591] {strides = array<i32>} : memref<4x32x128xf32, #tpu.memory_space<vmem>>, vector<16xf32>,
      %mul3A_593 = arith.mulf %broadcast_in_dim3A_573, %get3A_592 : vector<16xf32>
      %add3A_594 = arith.addf %add3A_527, %mul3A_593 : vector<16xf32>
      %get3A_595 = arith.constant 5 : i32
      %get3A_596 = arith.index_cast %rem3A_125 : i32 to index
      %get3A_597 = arith.index_cast %get3A_595 : i32 to index
      %get3A_598 = arith.constant 48 : index
      %get3A_599 = tpu.vector_load %arg15[%get3A_596, %get3A_597, %get3A_598] {strides = array<i32>} : memref<4x32x128xf32, #tpu.memory_space<vmem>>, vector<16xf32>,
      %mul3A_600 = arith.mulf %broadcast_in_dim3A_573, %get3A_599 : vector<16xf32>
      %add3A_601 = arith.addf %add3A_534, %mul3A_600 : vector<16xf32>
      %get3A_602 = arith.constant 5 : i32
      %get3A_603 = arith.index_cast %rem3A_125 : i32 to index
      %get3A_604 = arith.index_cast %get3A_602 : i32 to index
      %get3A_605 = arith.constant 64 : index
      %get3A_606 = tpu.vector_load %arg15[%get3A_603, %get3A_604, %get3A_605] {strides = array<i32>} : memref<4x32x128xf32, #tpu.memory_space<vmem>>, vector<16xf32>,
      %mul3A_607 = arith.mulf %broadcast_in_dim3A_573, %get3A_606 : vector<16xf32>
      %add3A_608 = arith.addf %add3A_541, %mul3A_607 : vector<16xf32>
      %get3A_609 = arith.constant 5 : i32
      %get3A_610 = arith.index_cast %rem3A_125 : i32 to index
      %get3A_611 = arith.index_cast %get3A_609 : i32 to index
      %get3A_612 = arith.constant 80 : index
      %get3A_613 = tpu.vector_load %arg15[%get3A_610, %get3A_611, %get3A_612] {strides = array<i32>} : memref<4x32x128xf32, #tpu.memory_space<vmem>>, vector<16xf32>,
      %mul3A_614 = arith.mulf %broadcast_in_dim3A_573, %get3A_613 : vector<16xf32>
      %add3A_615 = arith.addf %add3A_548, %mul3A_614 : vector<16xf32>
      %get3A_616 = arith.constant 5 : i32
      %get3A_617 = arith.index_cast %rem3A_125 : i32 to index
      %get3A_618 = arith.index_cast %get3A_616 : i32 to index
      %get3A_619 = arith.constant 96 : index
      %get3A_620 = tpu.vector_load %arg15[%get3A_617, %get3A_618, %get3A_619] {strides = array<i32>} : memref<4x32x128xf32, #tpu.memory_space<vmem>>, vector<16xf32>,
      %mul3A_621 = arith.mulf %broadcast_in_dim3A_573, %get3A_620 : vector<16xf32>
      %add3A_622 = arith.addf %add3A_555, %mul3A_621 : vector<16xf32>
      %get3A_623 = arith.constant 5 : i32
      %get3A_624 = arith.index_cast %rem3A_125 : i32 to index
      %get3A_625 = arith.index_cast %get3A_623 : i32 to index
      %get3A_626 = arith.constant 112 : index
      %get3A_627 = tpu.vector_load %arg15[%get3A_624, %get3A_625, %get3A_626] {strides = array<i32>} : memref<4x32x128xf32, #tpu.memory_space<vmem>>, vector<16xf32>,
      %mul3A_628 = arith.mulf %broadcast_in_dim3A_573, %get3A_627 : vector<16xf32>
      %add3A_629 = arith.addf %add3A_562, %mul3A_628 : vector<16xf32>
      %eq3A_630 = arith.constant 6 : i32
      %eq3A_631 = vector.broadcast %eq3A_630 : i32 to vector<16xi32>
      %eq3A_632 = arith.cmpi eq, %iota3A, %eq3A_631 : vector<16xi32>
      %jit3A_633 = arith.constant 0.000000e+00 : f32
      %broadcast_in_dim3A_634 = vector.broadcast %jit3A_633 : f32 to vector<16xf32>
      %select_n3A_635 = arith.select %eq3A_632, %div3A, %broadcast_in_dim3A_634 : vector<16xi1>, vector<16xf32>
      %reduce_sum3A_636 = arith.constant true
      %reduce_sum3A_637 = vector.broadcast %reduce_sum3A_636 : i1 to vector<16xi1>
      %reduce_sum3A_638 = tpu.scan <sum>, %select_n3A_635 masked %reduce_sum3A_637 : vector<16xf32>, vector<16xi1> -> vector<16xf32>
      %reduce_sum3A_639 = vector.extract %reduce_sum3A_638[15] : f32 from vector<16xf32>
      %broadcast_in_dim3A_640 = vector.broadcast %reduce_sum3A_639 : f32 to vector<16xf32>
      %get3A_641 = arith.constant 6 : i32
      %get3A_642 = arith.index_cast %rem3A_125 : i32 to index
      %get3A_643 = arith.index_cast %get3A_641 : i32 to index
      %get3A_644 = arith.constant 0 : index
      %get3A_645 = tpu.vector_load %arg15[%get3A_642, %get3A_643, %get3A_644] {strides = array<i32>} : memref<4x32x128xf32, #tpu.memory_space<vmem>>, vector<16xf32>,
      %mul3A_646 = arith.mulf %broadcast_in_dim3A_640, %get3A_645 : vector<16xf32>
      %add3A_647 = arith.addf %add3A_580, %mul3A_646 : vector<16xf32>
      %get3A_648 = arith.constant 6 : i32
      %get3A_649 = arith.index_cast %rem3A_125 : i32 to index
      %get3A_650 = arith.index_cast %get3A_648 : i32 to index
      %get3A_651 = arith.constant 16 : index
      %get3A_652 = tpu.vector_load %arg15[%get3A_649, %get3A_650, %get3A_651] {strides = array<i32>} : memref<4x32x128xf32, #tpu.memory_space<vmem>>, vector<16xf32>,
      %mul3A_653 = arith.mulf %broadcast_in_dim3A_640, %get3A_652 : vector<16xf32>
      %add3A_654 = arith.addf %add3A_587, %mul3A_653 : vector<16xf32>
      %get3A_655 = arith.constant 6 : i32
      %get3A_656 = arith.index_cast %rem3A_125 : i32 to index
      %get3A_657 = arith.index_cast %get3A_655 : i32 to index
      %get3A_658 = arith.constant 32 : index
      %get3A_659 = tpu.vector_load %arg15[%get3A_656, %get3A_657, %get3A_658] {strides = array<i32>} : memref<4x32x128xf32, #tpu.memory_space<vmem>>, vector<16xf32>,
      %mul3A_660 = arith.mulf %broadcast_in_dim3A_640, %get3A_659 : vector<16xf32>
      %add3A_661 = arith.addf %add3A_594, %mul3A_660 : vector<16xf32>
      %get3A_662 = arith.constant 6 : i32
      %get3A_663 = arith.index_cast %rem3A_125 : i32 to index
      %get3A_664 = arith.index_cast %get3A_662 : i32 to index
      %get3A_665 = arith.constant 48 : index
      %get3A_666 = tpu.vector_load %arg15[%get3A_663, %get3A_664, %get3A_665] {strides = array<i32>} : memref<4x32x128xf32, #tpu.memory_space<vmem>>, vector<16xf32>,
      %mul3A_667 = arith.mulf %broadcast_in_dim3A_640, %get3A_666 : vector<16xf32>
      %add3A_668 = arith.addf %add3A_601, %mul3A_667 : vector<16xf32>
      %get3A_669 = arith.constant 6 : i32
      %get3A_670 = arith.index_cast %rem3A_125 : i32 to index
      %get3A_671 = arith.index_cast %get3A_669 : i32 to index
      %get3A_672 = arith.constant 64 : index
      %get3A_673 = tpu.vector_load %arg15[%get3A_670, %get3A_671, %get3A_672] {strides = array<i32>} : memref<4x32x128xf32, #tpu.memory_space<vmem>>, vector<16xf32>,
      %mul3A_674 = arith.mulf %broadcast_in_dim3A_640, %get3A_673 : vector<16xf32>
      %add3A_675 = arith.addf %add3A_608, %mul3A_674 : vector<16xf32>
      %get3A_676 = arith.constant 6 : i32
      %get3A_677 = arith.index_cast %rem3A_125 : i32 to index
      %get3A_678 = arith.index_cast %get3A_676 : i32 to index
      %get3A_679 = arith.constant 80 : index
      %get3A_680 = tpu.vector_load %arg15[%get3A_677, %get3A_678, %get3A_679] {strides = array<i32>} : memref<4x32x128xf32, #tpu.memory_space<vmem>>, vector<16xf32>,
      %mul3A_681 = arith.mulf %broadcast_in_dim3A_640, %get3A_680 : vector<16xf32>
      %add3A_682 = arith.addf %add3A_615, %mul3A_681 : vector<16xf32>
      %get3A_683 = arith.constant 6 : i32
      %get3A_684 = arith.index_cast %rem3A_125 : i32 to index
      %get3A_685 = arith.index_cast %get3A_683 : i32 to index
      %get3A_686 = arith.constant 96 : index
      %get3A_687 = tpu.vector_load %arg15[%get3A_684, %get3A_685, %get3A_686] {strides = array<i32>} : memref<4x32x128xf32, #tpu.memory_space<vmem>>, vector<16xf32>,
      %mul3A_688 = arith.mulf %broadcast_in_dim3A_640, %get3A_687 : vector<16xf32>
      %add3A_689 = arith.addf %add3A_622, %mul3A_688 : vector<16xf32>
      %get3A_690 = arith.constant 6 : i32
      %get3A_691 = arith.index_cast %rem3A_125 : i32 to index
      %get3A_692 = arith.index_cast %get3A_690 : i32 to index
      %get3A_693 = arith.constant 112 : index
      %get3A_694 = tpu.vector_load %arg15[%get3A_691, %get3A_692, %get3A_693] {strides = array<i32>} : memref<4x32x128xf32, #tpu.memory_space<vmem>>, vector<16xf32>,
      %mul3A_695 = arith.mulf %broadcast_in_dim3A_640, %get3A_694 : vector<16xf32>
      %add3A_696 = arith.addf %add3A_629, %mul3A_695 : vector<16xf32>
      %eq3A_697 = arith.constant 7 : i32
      %eq3A_698 = vector.broadcast %eq3A_697 : i32 to vector<16xi32>
      %eq3A_699 = arith.cmpi eq, %iota3A, %eq3A_698 : vector<16xi32>
      %jit3A_700 = arith.constant 0.000000e+00 : f32
      %broadcast_in_dim3A_701 = vector.broadcast %jit3A_700 : f32 to vector<16xf32>
      %select_n3A_702 = arith.select %eq3A_699, %div3A, %broadcast_in_dim3A_701 : vector<16xi1>, vector<16xf32>
      %reduce_sum3A_703 = arith.constant true
      %reduce_sum3A_704 = vector.broadcast %reduce_sum3A_703 : i1 to vector<16xi1>
      %reduce_sum3A_705 = tpu.scan <sum>, %select_n3A_702 masked %reduce_sum3A_704 : vector<16xf32>, vector<16xi1> -> vector<16xf32>
      %reduce_sum3A_706 = vector.extract %reduce_sum3A_705[15] : f32 from vector<16xf32>
      %broadcast_in_dim3A_707 = vector.broadcast %reduce_sum3A_706 : f32 to vector<16xf32>
      %get3A_708 = arith.constant 7 : i32
      %get3A_709 = arith.index_cast %rem3A_125 : i32 to index
      %get3A_710 = arith.index_cast %get3A_708 : i32 to index
      %get3A_711 = arith.constant 0 : index
      %get3A_712 = tpu.vector_load %arg15[%get3A_709, %get3A_710, %get3A_711] {strides = array<i32>} : memref<4x32x128xf32, #tpu.memory_space<vmem>>, vector<16xf32>,
      %mul3A_713 = arith.mulf %broadcast_in_dim3A_707, %get3A_712 : vector<16xf32>
      %add3A_714 = arith.addf %add3A_647, %mul3A_713 : vector<16xf32>
      %get3A_715 = arith.constant 7 : i32
      %get3A_716 = arith.index_cast %rem3A_125 : i32 to index
      %get3A_717 = arith.index_cast %get3A_715 : i32 to index
      %get3A_718 = arith.constant 16 : index
      %get3A_719 = tpu.vector_load %arg15[%get3A_716, %get3A_717, %get3A_718] {strides = array<i32>} : memref<4x32x128xf32, #tpu.memory_space<vmem>>, vector<16xf32>,
      %mul3A_720 = arith.mulf %broadcast_in_dim3A_707, %get3A_719 : vector<16xf32>
      %add3A_721 = arith.addf %add3A_654, %mul3A_720 : vector<16xf32>
      %get3A_722 = arith.constant 7 : i32
      %get3A_723 = arith.index_cast %rem3A_125 : i32 to index
      %get3A_724 = arith.index_cast %get3A_722 : i32 to index
      %get3A_725 = arith.constant 32 : index
      %get3A_726 = tpu.vector_load %arg15[%get3A_723, %get3A_724, %get3A_725] {strides = array<i32>} : memref<4x32x128xf32, #tpu.memory_space<vmem>>, vector<16xf32>,
      %mul3A_727 = arith.mulf %broadcast_in_dim3A_707, %get3A_726 : vector<16xf32>
      %add3A_728 = arith.addf %add3A_661, %mul3A_727 : vector<16xf32>
      %get3A_729 = arith.constant 7 : i32
      %get3A_730 = arith.index_cast %rem3A_125 : i32 to index
      %get3A_731 = arith.index_cast %get3A_729 : i32 to index
      %get3A_732 = arith.constant 48 : index
      %get3A_733 = tpu.vector_load %arg15[%get3A_730, %get3A_731, %get3A_732] {strides = array<i32>} : memref<4x32x128xf32, #tpu.memory_space<vmem>>, vector<16xf32>,
      %mul3A_734 = arith.mulf %broadcast_in_dim3A_707, %get3A_733 : vector<16xf32>
      %add3A_735 = arith.addf %add3A_668, %mul3A_734 : vector<16xf32>
      %get3A_736 = arith.constant 7 : i32
      %get3A_737 = arith.index_cast %rem3A_125 : i32 to index
      %get3A_738 = arith.index_cast %get3A_736 : i32 to index
      %get3A_739 = arith.constant 64 : index
      %get3A_740 = tpu.vector_load %arg15[%get3A_737, %get3A_738, %get3A_739] {strides = array<i32>} : memref<4x32x128xf32, #tpu.memory_space<vmem>>, vector<16xf32>,
      %mul3A_741 = arith.mulf %broadcast_in_dim3A_707, %get3A_740 : vector<16xf32>
      %add3A_742 = arith.addf %add3A_675, %mul3A_741 : vector<16xf32>
      %get3A_743 = arith.constant 7 : i32
      %get3A_744 = arith.index_cast %rem3A_125 : i32 to index
      %get3A_745 = arith.index_cast %get3A_743 : i32 to index
      %get3A_746 = arith.constant 80 : index
      %get3A_747 = tpu.vector_load %arg15[%get3A_744, %get3A_745, %get3A_746] {strides = array<i32>} : memref<4x32x128xf32, #tpu.memory_space<vmem>>, vector<16xf32>,
      %mul3A_748 = arith.mulf %broadcast_in_dim3A_707, %get3A_747 : vector<16xf32>
      %add3A_749 = arith.addf %add3A_682, %mul3A_748 : vector<16xf32>
      %get3A_750 = arith.constant 7 : i32
      %get3A_751 = arith.index_cast %rem3A_125 : i32 to index
      %get3A_752 = arith.index_cast %get3A_750 : i32 to index
      %get3A_753 = arith.constant 96 : index
      %get3A_754 = tpu.vector_load %arg15[%get3A_751, %get3A_752, %get3A_753] {strides = array<i32>} : memref<4x32x128xf32, #tpu.memory_space<vmem>>, vector<16xf32>,
      %mul3A_755 = arith.mulf %broadcast_in_dim3A_707, %get3A_754 : vector<16xf32>
      %add3A_756 = arith.addf %add3A_689, %mul3A_755 : vector<16xf32>
      %get3A_757 = arith.constant 7 : i32
      %get3A_758 = arith.index_cast %rem3A_125 : i32 to index
      %get3A_759 = arith.index_cast %get3A_757 : i32 to index
      %get3A_760 = arith.constant 112 : index
      %get3A_761 = tpu.vector_load %arg15[%get3A_758, %get3A_759, %get3A_760] {strides = array<i32>} : memref<4x32x128xf32, #tpu.memory_space<vmem>>, vector<16xf32>,
      %mul3A_762 = arith.mulf %broadcast_in_dim3A_707, %get3A_761 : vector<16xf32>
      %add3A_763 = arith.addf %add3A_696, %mul3A_762 : vector<16xf32>
      %eq3A_764 = arith.constant 8 : i32
      %eq3A_765 = vector.broadcast %eq3A_764 : i32 to vector<16xi32>
      %eq3A_766 = arith.cmpi eq, %iota3A, %eq3A_765 : vector<16xi32>
      %jit3A_767 = arith.constant 0.000000e+00 : f32
      %broadcast_in_dim3A_768 = vector.broadcast %jit3A_767 : f32 to vector<16xf32>
      %select_n3A_769 = arith.select %eq3A_766, %div3A, %broadcast_in_dim3A_768 : vector<16xi1>, vector<16xf32>
      %reduce_sum3A_770 = arith.constant true
      %reduce_sum3A_771 = vector.broadcast %reduce_sum3A_770 : i1 to vector<16xi1>
      %reduce_sum3A_772 = tpu.scan <sum>, %select_n3A_769 masked %reduce_sum3A_771 : vector<16xf32>, vector<16xi1> -> vector<16xf32>
      %reduce_sum3A_773 = vector.extract %reduce_sum3A_772[15] : f32 from vector<16xf32>
      %broadcast_in_dim3A_774 = vector.broadcast %reduce_sum3A_773 : f32 to vector<16xf32>
      %get3A_775 = arith.constant 8 : i32
      %get3A_776 = arith.index_cast %rem3A_125 : i32 to index
      %get3A_777 = arith.index_cast %get3A_775 : i32 to index
      %get3A_778 = arith.constant 0 : index
      %get3A_779 = tpu.vector_load %arg15[%get3A_776, %get3A_777, %get3A_778] {strides = array<i32>} : memref<4x32x128xf32, #tpu.memory_space<vmem>>, vector<16xf32>,
      %mul3A_780 = arith.mulf %broadcast_in_dim3A_774, %get3A_779 : vector<16xf32>
      %add3A_781 = arith.addf %add3A_714, %mul3A_780 : vector<16xf32>
      %get3A_782 = arith.constant 8 : i32
      %get3A_783 = arith.index_cast %rem3A_125 : i32 to index
      %get3A_784 = arith.index_cast %get3A_782 : i32 to index
      %get3A_785 = arith.constant 16 : index
      %get3A_786 = tpu.vector_load %arg15[%get3A_783, %get3A_784, %get3A_785] {strides = array<i32>} : memref<4x32x128xf32, #tpu.memory_space<vmem>>, vector<16xf32>,
      %mul3A_787 = arith.mulf %broadcast_in_dim3A_774, %get3A_786 : vector<16xf32>
      %add3A_788 = arith.addf %add3A_721, %mul3A_787 : vector<16xf32>
      %get3A_789 = arith.constant 8 : i32
      %get3A_790 = arith.index_cast %rem3A_125 : i32 to index
      %get3A_791 = arith.index_cast %get3A_789 : i32 to index
      %get3A_792 = arith.constant 32 : index
      %get3A_793 = tpu.vector_load %arg15[%get3A_790, %get3A_791, %get3A_792] {strides = array<i32>} : memref<4x32x128xf32, #tpu.memory_space<vmem>>, vector<16xf32>,
      %mul3A_794 = arith.mulf %broadcast_in_dim3A_774, %get3A_793 : vector<16xf32>
      %add3A_795 = arith.addf %add3A_728, %mul3A_794 : vector<16xf32>
      %get3A_796 = arith.constant 8 : i32
      %get3A_797 = arith.index_cast %rem3A_125 : i32 to index
      %get3A_798 = arith.index_cast %get3A_796 : i32 to index
      %get3A_799 = arith.constant 48 : index
      %get3A_800 = tpu.vector_load %arg15[%get3A_797, %get3A_798, %get3A_799] {strides = array<i32>} : memref<4x32x128xf32, #tpu.memory_space<vmem>>, vector<16xf32>,
      %mul3A_801 = arith.mulf %broadcast_in_dim3A_774, %get3A_800 : vector<16xf32>
      %add3A_802 = arith.addf %add3A_735, %mul3A_801 : vector<16xf32>
      %get3A_803 = arith.constant 8 : i32
      %get3A_804 = arith.index_cast %rem3A_125 : i32 to index
      %get3A_805 = arith.index_cast %get3A_803 : i32 to index
      %get3A_806 = arith.constant 64 : index
      %get3A_807 = tpu.vector_load %arg15[%get3A_804, %get3A_805, %get3A_806] {strides = array<i32>} : memref<4x32x128xf32, #tpu.memory_space<vmem>>, vector<16xf32>,
      %mul3A_808 = arith.mulf %broadcast_in_dim3A_774, %get3A_807 : vector<16xf32>
      %add3A_809 = arith.addf %add3A_742, %mul3A_808 : vector<16xf32>
      %get3A_810 = arith.constant 8 : i32
      %get3A_811 = arith.index_cast %rem3A_125 : i32 to index
      %get3A_812 = arith.index_cast %get3A_810 : i32 to index
      %get3A_813 = arith.constant 80 : index
      %get3A_814 = tpu.vector_load %arg15[%get3A_811, %get3A_812, %get3A_813] {strides = array<i32>} : memref<4x32x128xf32, #tpu.memory_space<vmem>>, vector<16xf32>,
      %mul3A_815 = arith.mulf %broadcast_in_dim3A_774, %get3A_814 : vector<16xf32>
      %add3A_816 = arith.addf %add3A_749, %mul3A_815 : vector<16xf32>
      %get3A_817 = arith.constant 8 : i32
      %get3A_818 = arith.index_cast %rem3A_125 : i32 to index
      %get3A_819 = arith.index_cast %get3A_817 : i32 to index
      %get3A_820 = arith.constant 96 : index
      %get3A_821 = tpu.vector_load %arg15[%get3A_818, %get3A_819, %get3A_820] {strides = array<i32>} : memref<4x32x128xf32, #tpu.memory_space<vmem>>, vector<16xf32>,
      %mul3A_822 = arith.mulf %broadcast_in_dim3A_774, %get3A_821 : vector<16xf32>
      %add3A_823 = arith.addf %add3A_756, %mul3A_822 : vector<16xf32>
      %get3A_824 = arith.constant 8 : i32
      %get3A_825 = arith.index_cast %rem3A_125 : i32 to index
      %get3A_826 = arith.index_cast %get3A_824 : i32 to index
      %get3A_827 = arith.constant 112 : index
      %get3A_828 = tpu.vector_load %arg15[%get3A_825, %get3A_826, %get3A_827] {strides = array<i32>} : memref<4x32x128xf32, #tpu.memory_space<vmem>>, vector<16xf32>,
      %mul3A_829 = arith.mulf %broadcast_in_dim3A_774, %get3A_828 : vector<16xf32>
      %add3A_830 = arith.addf %add3A_763, %mul3A_829 : vector<16xf32>
      %eq3A_831 = arith.constant 9 : i32
      %eq3A_832 = vector.broadcast %eq3A_831 : i32 to vector<16xi32>
      %eq3A_833 = arith.cmpi eq, %iota3A, %eq3A_832 : vector<16xi32>
      %jit3A_834 = arith.constant 0.000000e+00 : f32
      %broadcast_in_dim3A_835 = vector.broadcast %jit3A_834 : f32 to vector<16xf32>
      %select_n3A_836 = arith.select %eq3A_833, %div3A, %broadcast_in_dim3A_835 : vector<16xi1>, vector<16xf32>
      %reduce_sum3A_837 = arith.constant true
      %reduce_sum3A_838 = vector.broadcast %reduce_sum3A_837 : i1 to vector<16xi1>
      %reduce_sum3A_839 = tpu.scan <sum>, %select_n3A_836 masked %reduce_sum3A_838 : vector<16xf32>, vector<16xi1> -> vector<16xf32>
      %reduce_sum3A_840 = vector.extract %reduce_sum3A_839[15] : f32 from vector<16xf32>
      %broadcast_in_dim3A_841 = vector.broadcast %reduce_sum3A_840 : f32 to vector<16xf32>
      %get3A_842 = arith.constant 9 : i32
      %get3A_843 = arith.index_cast %rem3A_125 : i32 to index
      %get3A_844 = arith.index_cast %get3A_842 : i32 to index
      %get3A_845 = arith.constant 0 : index
      %get3A_846 = tpu.vector_load %arg15[%get3A_843, %get3A_844, %get3A_845] {strides = array<i32>} : memref<4x32x128xf32, #tpu.memory_space<vmem>>, vector<16xf32>,
      %mul3A_847 = arith.mulf %broadcast_in_dim3A_841, %get3A_846 : vector<16xf32>
      %add3A_848 = arith.addf %add3A_781, %mul3A_847 : vector<16xf32>
      %get3A_849 = arith.constant 9 : i32
      %get3A_850 = arith.index_cast %rem3A_125 : i32 to index
      %get3A_851 = arith.index_cast %get3A_849 : i32 to index
      %get3A_852 = arith.constant 16 : index
      %get3A_853 = tpu.vector_load %arg15[%get3A_850, %get3A_851, %get3A_852] {strides = array<i32>} : memref<4x32x128xf32, #tpu.memory_space<vmem>>, vector<16xf32>,
      %mul3A_854 = arith.mulf %broadcast_in_dim3A_841, %get3A_853 : vector<16xf32>
      %add3A_855 = arith.addf %add3A_788, %mul3A_854 : vector<16xf32>
      %get3A_856 = arith.constant 9 : i32
      %get3A_857 = arith.index_cast %rem3A_125 : i32 to index
      %get3A_858 = arith.index_cast %get3A_856 : i32 to index
      %get3A_859 = arith.constant 32 : index
      %get3A_860 = tpu.vector_load %arg15[%get3A_857, %get3A_858, %get3A_859] {strides = array<i32>} : memref<4x32x128xf32, #tpu.memory_space<vmem>>, vector<16xf32>,
      %mul3A_861 = arith.mulf %broadcast_in_dim3A_841, %get3A_860 : vector<16xf32>
      %add3A_862 = arith.addf %add3A_795, %mul3A_861 : vector<16xf32>
      %get3A_863 = arith.constant 9 : i32
      %get3A_864 = arith.index_cast %rem3A_125 : i32 to index
      %get3A_865 = arith.index_cast %get3A_863 : i32 to index
      %get3A_866 = arith.constant 48 : index
      %get3A_867 = tpu.vector_load %arg15[%get3A_864, %get3A_865, %get3A_866] {strides = array<i32>} : memref<4x32x128xf32, #tpu.memory_space<vmem>>, vector<16xf32>,
      %mul3A_868 = arith.mulf %broadcast_in_dim3A_841, %get3A_867 : vector<16xf32>
      %add3A_869 = arith.addf %add3A_802, %mul3A_868 : vector<16xf32>
      %get3A_870 = arith.constant 9 : i32
      %get3A_871 = arith.index_cast %rem3A_125 : i32 to index
      %get3A_872 = arith.index_cast %get3A_870 : i32 to index
      %get3A_873 = arith.constant 64 : index
      %get3A_874 = tpu.vector_load %arg15[%get3A_871, %get3A_872, %get3A_873] {strides = array<i32>} : memref<4x32x128xf32, #tpu.memory_space<vmem>>, vector<16xf32>,
      %mul3A_875 = arith.mulf %broadcast_in_dim3A_841, %get3A_874 : vector<16xf32>
      %add3A_876 = arith.addf %add3A_809, %mul3A_875 : vector<16xf32>
      %get3A_877 = arith.constant 9 : i32
      %get3A_878 = arith.index_cast %rem3A_125 : i32 to index
      %get3A_879 = arith.index_cast %get3A_877 : i32 to index
      %get3A_880 = arith.constant 80 : index
      %get3A_881 = tpu.vector_load %arg15[%get3A_878, %get3A_879, %get3A_880] {strides = array<i32>} : memref<4x32x128xf32, #tpu.memory_space<vmem>>, vector<16xf32>,
      %mul3A_882 = arith.mulf %broadcast_in_dim3A_841, %get3A_881 : vector<16xf32>
      %add3A_883 = arith.addf %add3A_816, %mul3A_882 : vector<16xf32>
      %get3A_884 = arith.constant 9 : i32
      %get3A_885 = arith.index_cast %rem3A_125 : i32 to index
      %get3A_886 = arith.index_cast %get3A_884 : i32 to index
      %get3A_887 = arith.constant 96 : index
      %get3A_888 = tpu.vector_load %arg15[%get3A_885, %get3A_886, %get3A_887] {strides = array<i32>} : memref<4x32x128xf32, #tpu.memory_space<vmem>>, vector<16xf32>,
      %mul3A_889 = arith.mulf %broadcast_in_dim3A_841, %get3A_888 : vector<16xf32>
      %add3A_890 = arith.addf %add3A_823, %mul3A_889 : vector<16xf32>
      %get3A_891 = arith.constant 9 : i32
      %get3A_892 = arith.index_cast %rem3A_125 : i32 to index
      %get3A_893 = arith.index_cast %get3A_891 : i32 to index
      %get3A_894 = arith.constant 112 : index
      %get3A_895 = tpu.vector_load %arg15[%get3A_892, %get3A_893, %get3A_894] {strides = array<i32>} : memref<4x32x128xf32, #tpu.memory_space<vmem>>, vector<16xf32>,
      %mul3A_896 = arith.mulf %broadcast_in_dim3A_841, %get3A_895 : vector<16xf32>
      %add3A_897 = arith.addf %add3A_830, %mul3A_896 : vector<16xf32>
      %eq3A_898 = arith.constant 10 : i32
      %eq3A_899 = vector.broadcast %eq3A_898 : i32 to vector<16xi32>
      %eq3A_900 = arith.cmpi eq, %iota3A, %eq3A_899 : vector<16xi32>
      %jit3A_901 = arith.constant 0.000000e+00 : f32
      %broadcast_in_dim3A_902 = vector.broadcast %jit3A_901 : f32 to vector<16xf32>
      %select_n3A_903 = arith.select %eq3A_900, %div3A, %broadcast_in_dim3A_902 : vector<16xi1>, vector<16xf32>
      %reduce_sum3A_904 = arith.constant true
      %reduce_sum3A_905 = vector.broadcast %reduce_sum3A_904 : i1 to vector<16xi1>
      %reduce_sum3A_906 = tpu.scan <sum>, %select_n3A_903 masked %reduce_sum3A_905 : vector<16xf32>, vector<16xi1> -> vector<16xf32>
      %reduce_sum3A_907 = vector.extract %reduce_sum3A_906[15] : f32 from vector<16xf32>
      %broadcast_in_dim3A_908 = vector.broadcast %reduce_sum3A_907 : f32 to vector<16xf32>
      %get3A_909 = arith.constant 10 : i32
      %get3A_910 = arith.index_cast %rem3A_125 : i32 to index
      %get3A_911 = arith.index_cast %get3A_909 : i32 to index
      %get3A_912 = arith.constant 0 : index
      %get3A_913 = tpu.vector_load %arg15[%get3A_910, %get3A_911, %get3A_912] {strides = array<i32>} : memref<4x32x128xf32, #tpu.memory_space<vmem>>, vector<16xf32>,
      %mul3A_914 = arith.mulf %broadcast_in_dim3A_908, %get3A_913 : vector<16xf32>
      %add3A_915 = arith.addf %add3A_848, %mul3A_914 : vector<16xf32>
      %get3A_916 = arith.constant 10 : i32
      %get3A_917 = arith.index_cast %rem3A_125 : i32 to index
      %get3A_918 = arith.index_cast %get3A_916 : i32 to index
      %get3A_919 = arith.constant 16 : index
      %get3A_920 = tpu.vector_load %arg15[%get3A_917, %get3A_918, %get3A_919] {strides = array<i32>} : memref<4x32x128xf32, #tpu.memory_space<vmem>>, vector<16xf32>,
      %mul3A_921 = arith.mulf %broadcast_in_dim3A_908, %get3A_920 : vector<16xf32>
      %add3A_922 = arith.addf %add3A_855, %mul3A_921 : vector<16xf32>
      %get3A_923 = arith.constant 10 : i32
      %get3A_924 = arith.index_cast %rem3A_125 : i32 to index
      %get3A_925 = arith.index_cast %get3A_923 : i32 to index
      %get3A_926 = arith.constant 32 : index
      %get3A_927 = tpu.vector_load %arg15[%get3A_924, %get3A_925, %get3A_926] {strides = array<i32>} : memref<4x32x128xf32, #tpu.memory_space<vmem>>, vector<16xf32>,
      %mul3A_928 = arith.mulf %broadcast_in_dim3A_908, %get3A_927 : vector<16xf32>
      %add3A_929 = arith.addf %add3A_862, %mul3A_928 : vector<16xf32>
      %get3A_930 = arith.constant 10 : i32
      %get3A_931 = arith.index_cast %rem3A_125 : i32 to index
      %get3A_932 = arith.index_cast %get3A_930 : i32 to index
      %get3A_933 = arith.constant 48 : index
      %get3A_934 = tpu.vector_load %arg15[%get3A_931, %get3A_932, %get3A_933] {strides = array<i32>} : memref<4x32x128xf32, #tpu.memory_space<vmem>>, vector<16xf32>,
      %mul3A_935 = arith.mulf %broadcast_in_dim3A_908, %get3A_934 : vector<16xf32>
      %add3A_936 = arith.addf %add3A_869, %mul3A_935 : vector<16xf32>
      %get3A_937 = arith.constant 10 : i32
      %get3A_938 = arith.index_cast %rem3A_125 : i32 to index
      %get3A_939 = arith.index_cast %get3A_937 : i32 to index
      %get3A_940 = arith.constant 64 : index
      %get3A_941 = tpu.vector_load %arg15[%get3A_938, %get3A_939, %get3A_940] {strides = array<i32>} : memref<4x32x128xf32, #tpu.memory_space<vmem>>, vector<16xf32>,
      %mul3A_942 = arith.mulf %broadcast_in_dim3A_908, %get3A_941 : vector<16xf32>
      %add3A_943 = arith.addf %add3A_876, %mul3A_942 : vector<16xf32>
      %get3A_944 = arith.constant 10 : i32
      %get3A_945 = arith.index_cast %rem3A_125 : i32 to index
      %get3A_946 = arith.index_cast %get3A_944 : i32 to index
      %get3A_947 = arith.constant 80 : index
      %get3A_948 = tpu.vector_load %arg15[%get3A_945, %get3A_946, %get3A_947] {strides = array<i32>} : memref<4x32x128xf32, #tpu.memory_space<vmem>>, vector<16xf32>,
      %mul3A_949 = arith.mulf %broadcast_in_dim3A_908, %get3A_948 : vector<16xf32>
      %add3A_950 = arith.addf %add3A_883, %mul3A_949 : vector<16xf32>
      %get3A_951 = arith.constant 10 : i32
      %get3A_952 = arith.index_cast %rem3A_125 : i32 to index
      %get3A_953 = arith.index_cast %get3A_951 : i32 to index
      %get3A_954 = arith.constant 96 : index
      %get3A_955 = tpu.vector_load %arg15[%get3A_952, %get3A_953, %get3A_954] {strides = array<i32>} : memref<4x32x128xf32, #tpu.memory_space<vmem>>, vector<16xf32>,
      %mul3A_956 = arith.mulf %broadcast_in_dim3A_908, %get3A_955 : vector<16xf32>
      %add3A_957 = arith.addf %add3A_890, %mul3A_956 : vector<16xf32>
      %get3A_958 = arith.constant 10 : i32
      %get3A_959 = arith.index_cast %rem3A_125 : i32 to index
      %get3A_960 = arith.index_cast %get3A_958 : i32 to index
      %get3A_961 = arith.constant 112 : index
      %get3A_962 = tpu.vector_load %arg15[%get3A_959, %get3A_960, %get3A_961] {strides = array<i32>} : memref<4x32x128xf32, #tpu.memory_space<vmem>>, vector<16xf32>,
      %mul3A_963 = arith.mulf %broadcast_in_dim3A_908, %get3A_962 : vector<16xf32>
      %add3A_964 = arith.addf %add3A_897, %mul3A_963 : vector<16xf32>
      %eq3A_965 = arith.constant 11 : i32
      %eq3A_966 = vector.broadcast %eq3A_965 : i32 to vector<16xi32>
      %eq3A_967 = arith.cmpi eq, %iota3A, %eq3A_966 : vector<16xi32>
      %jit3A_968 = arith.constant 0.000000e+00 : f32
      %broadcast_in_dim3A_969 = vector.broadcast %jit3A_968 : f32 to vector<16xf32>
      %select_n3A_970 = arith.select %eq3A_967, %div3A, %broadcast_in_dim3A_969 : vector<16xi1>, vector<16xf32>
      %reduce_sum3A_971 = arith.constant true
      %reduce_sum3A_972 = vector.broadcast %reduce_sum3A_971 : i1 to vector<16xi1>
      %reduce_sum3A_973 = tpu.scan <sum>, %select_n3A_970 masked %reduce_sum3A_972 : vector<16xf32>, vector<16xi1> -> vector<16xf32>
      %reduce_sum3A_974 = vector.extract %reduce_sum3A_973[15] : f32 from vector<16xf32>
      %broadcast_in_dim3A_975 = vector.broadcast %reduce_sum3A_974 : f32 to vector<16xf32>
      %get3A_976 = arith.constant 11 : i32
      %get3A_977 = arith.index_cast %rem3A_125 : i32 to index
      %get3A_978 = arith.index_cast %get3A_976 : i32 to index
      %get3A_979 = arith.constant 0 : index
      %get3A_980 = tpu.vector_load %arg15[%get3A_977, %get3A_978, %get3A_979] {strides = array<i32>} : memref<4x32x128xf32, #tpu.memory_space<vmem>>, vector<16xf32>,
      %mul3A_981 = arith.mulf %broadcast_in_dim3A_975, %get3A_980 : vector<16xf32>
      %add3A_982 = arith.addf %add3A_915, %mul3A_981 : vector<16xf32>
      %get3A_983 = arith.constant 11 : i32
      %get3A_984 = arith.index_cast %rem3A_125 : i32 to index
      %get3A_985 = arith.index_cast %get3A_983 : i32 to index
      %get3A_986 = arith.constant 16 : index
      %get3A_987 = tpu.vector_load %arg15[%get3A_984, %get3A_985, %get3A_986] {strides = array<i32>} : memref<4x32x128xf32, #tpu.memory_space<vmem>>, vector<16xf32>,
      %mul3A_988 = arith.mulf %broadcast_in_dim3A_975, %get3A_987 : vector<16xf32>
      %add3A_989 = arith.addf %add3A_922, %mul3A_988 : vector<16xf32>
      %get3A_990 = arith.constant 11 : i32
      %get3A_991 = arith.index_cast %rem3A_125 : i32 to index
      %get3A_992 = arith.index_cast %get3A_990 : i32 to index
      %get3A_993 = arith.constant 32 : index
      %get3A_994 = tpu.vector_load %arg15[%get3A_991, %get3A_992, %get3A_993] {strides = array<i32>} : memref<4x32x128xf32, #tpu.memory_space<vmem>>, vector<16xf32>,
      %mul3A_995 = arith.mulf %broadcast_in_dim3A_975, %get3A_994 : vector<16xf32>
      %add3A_996 = arith.addf %add3A_929, %mul3A_995 : vector<16xf32>
      %get3A_997 = arith.constant 11 : i32
      %get3A_998 = arith.index_cast %rem3A_125 : i32 to index
      %get3A_999 = arith.index_cast %get3A_997 : i32 to index
      %get3A_1000 = arith.constant 48 : index
      %get3A_1001 = tpu.vector_load %arg15[%get3A_998, %get3A_999, %get3A_1000] {strides = array<i32>} : memref<4x32x128xf32, #tpu.memory_space<vmem>>, vector<16xf32>,
      %mul3A_1002 = arith.mulf %broadcast_in_dim3A_975, %get3A_1001 : vector<16xf32>
      %add3A_1003 = arith.addf %add3A_936, %mul3A_1002 : vector<16xf32>
      %get3A_1004 = arith.constant 11 : i32
      %get3A_1005 = arith.index_cast %rem3A_125 : i32 to index
      %get3A_1006 = arith.index_cast %get3A_1004 : i32 to index
      %get3A_1007 = arith.constant 64 : index
      %get3A_1008 = tpu.vector_load %arg15[%get3A_1005, %get3A_1006, %get3A_1007] {strides = array<i32>} : memref<4x32x128xf32, #tpu.memory_space<vmem>>, vector<16xf32>,
      %mul3A_1009 = arith.mulf %broadcast_in_dim3A_975, %get3A_1008 : vector<16xf32>
      %add3A_1010 = arith.addf %add3A_943, %mul3A_1009 : vector<16xf32>
      %get3A_1011 = arith.constant 11 : i32
      %get3A_1012 = arith.index_cast %rem3A_125 : i32 to index
      %get3A_1013 = arith.index_cast %get3A_1011 : i32 to index
      %get3A_1014 = arith.constant 80 : index
      %get3A_1015 = tpu.vector_load %arg15[%get3A_1012, %get3A_1013, %get3A_1014] {strides = array<i32>} : memref<4x32x128xf32, #tpu.memory_space<vmem>>, vector<16xf32>,
      %mul3A_1016 = arith.mulf %broadcast_in_dim3A_975, %get3A_1015 : vector<16xf32>
      %add3A_1017 = arith.addf %add3A_950, %mul3A_1016 : vector<16xf32>
      %get3A_1018 = arith.constant 11 : i32
      %get3A_1019 = arith.index_cast %rem3A_125 : i32 to index
      %get3A_1020 = arith.index_cast %get3A_1018 : i32 to index
      %get3A_1021 = arith.constant 96 : index
      %get3A_1022 = tpu.vector_load %arg15[%get3A_1019, %get3A_1020, %get3A_1021] {strides = array<i32>} : memref<4x32x128xf32, #tpu.memory_space<vmem>>, vector<16xf32>,
      %mul3A_1023 = arith.mulf %broadcast_in_dim3A_975, %get3A_1022 : vector<16xf32>
      %add3A_1024 = arith.addf %add3A_957, %mul3A_1023 : vector<16xf32>
      %get3A_1025 = arith.constant 11 : i32
      %get3A_1026 = arith.index_cast %rem3A_125 : i32 to index
      %get3A_1027 = arith.index_cast %get3A_1025 : i32 to index
      %get3A_1028 = arith.constant 112 : index
      %get3A_1029 = tpu.vector_load %arg15[%get3A_1026, %get3A_1027, %get3A_1028] {strides = array<i32>} : memref<4x32x128xf32, #tpu.memory_space<vmem>>, vector<16xf32>,
      %mul3A_1030 = arith.mulf %broadcast_in_dim3A_975, %get3A_1029 : vector<16xf32>
      %add3A_1031 = arith.addf %add3A_964, %mul3A_1030 : vector<16xf32>
      %eq3A_1032 = arith.constant 12 : i32
      %eq3A_1033 = vector.broadcast %eq3A_1032 : i32 to vector<16xi32>
      %eq3A_1034 = arith.cmpi eq, %iota3A, %eq3A_1033 : vector<16xi32>
      %jit3A_1035 = arith.constant 0.000000e+00 : f32
      %broadcast_in_dim3A_1036 = vector.broadcast %jit3A_1035 : f32 to vector<16xf32>
      %select_n3A_1037 = arith.select %eq3A_1034, %div3A, %broadcast_in_dim3A_1036 : vector<16xi1>, vector<16xf32>
      %reduce_sum3A_1038 = arith.constant true
      %reduce_sum3A_1039 = vector.broadcast %reduce_sum3A_1038 : i1 to vector<16xi1>
      %reduce_sum3A_1040 = tpu.scan <sum>, %select_n3A_1037 masked %reduce_sum3A_1039 : vector<16xf32>, vector<16xi1> -> vector<16xf32>
      %reduce_sum3A_1041 = vector.extract %reduce_sum3A_1040[15] : f32 from vector<16xf32>
      %broadcast_in_dim3A_1042 = vector.broadcast %reduce_sum3A_1041 : f32 to vector<16xf32>
      %get3A_1043 = arith.constant 12 : i32
      %get3A_1044 = arith.index_cast %rem3A_125 : i32 to index
      %get3A_1045 = arith.index_cast %get3A_1043 : i32 to index
      %get3A_1046 = arith.constant 0 : index
      %get3A_1047 = tpu.vector_load %arg15[%get3A_1044, %get3A_1045, %get3A_1046] {strides = array<i32>} : memref<4x32x128xf32, #tpu.memory_space<vmem>>, vector<16xf32>,
      %mul3A_1048 = arith.mulf %broadcast_in_dim3A_1042, %get3A_1047 : vector<16xf32>
      %add3A_1049 = arith.addf %add3A_982, %mul3A_1048 : vector<16xf32>
      %get3A_1050 = arith.constant 12 : i32
      %get3A_1051 = arith.index_cast %rem3A_125 : i32 to index
      %get3A_1052 = arith.index_cast %get3A_1050 : i32 to index
      %get3A_1053 = arith.constant 16 : index
      %get3A_1054 = tpu.vector_load %arg15[%get3A_1051, %get3A_1052, %get3A_1053] {strides = array<i32>} : memref<4x32x128xf32, #tpu.memory_space<vmem>>, vector<16xf32>,
      %mul3A_1055 = arith.mulf %broadcast_in_dim3A_1042, %get3A_1054 : vector<16xf32>
      %add3A_1056 = arith.addf %add3A_989, %mul3A_1055 : vector<16xf32>
      %get3A_1057 = arith.constant 12 : i32
      %get3A_1058 = arith.index_cast %rem3A_125 : i32 to index
      %get3A_1059 = arith.index_cast %get3A_1057 : i32 to index
      %get3A_1060 = arith.constant 32 : index
      %get3A_1061 = tpu.vector_load %arg15[%get3A_1058, %get3A_1059, %get3A_1060] {strides = array<i32>} : memref<4x32x128xf32, #tpu.memory_space<vmem>>, vector<16xf32>,
      %mul3A_1062 = arith.mulf %broadcast_in_dim3A_1042, %get3A_1061 : vector<16xf32>
      %add3A_1063 = arith.addf %add3A_996, %mul3A_1062 : vector<16xf32>
      %get3A_1064 = arith.constant 12 : i32
      %get3A_1065 = arith.index_cast %rem3A_125 : i32 to index
      %get3A_1066 = arith.index_cast %get3A_1064 : i32 to index
      %get3A_1067 = arith.constant 48 : index
      %get3A_1068 = tpu.vector_load %arg15[%get3A_1065, %get3A_1066, %get3A_1067] {strides = array<i32>} : memref<4x32x128xf32, #tpu.memory_space<vmem>>, vector<16xf32>,
      %mul3A_1069 = arith.mulf %broadcast_in_dim3A_1042, %get3A_1068 : vector<16xf32>
      %add3A_1070 = arith.addf %add3A_1003, %mul3A_1069 : vector<16xf32>
      %get3A_1071 = arith.constant 12 : i32
      %get3A_1072 = arith.index_cast %rem3A_125 : i32 to index
      %get3A_1073 = arith.index_cast %get3A_1071 : i32 to index
      %get3A_1074 = arith.constant 64 : index
      %get3A_1075 = tpu.vector_load %arg15[%get3A_1072, %get3A_1073, %get3A_1074] {strides = array<i32>} : memref<4x32x128xf32, #tpu.memory_space<vmem>>, vector<16xf32>,
      %mul3A_1076 = arith.mulf %broadcast_in_dim3A_1042, %get3A_1075 : vector<16xf32>
      %add3A_1077 = arith.addf %add3A_1010, %mul3A_1076 : vector<16xf32>
      %get3A_1078 = arith.constant 12 : i32
      %get3A_1079 = arith.index_cast %rem3A_125 : i32 to index
      %get3A_1080 = arith.index_cast %get3A_1078 : i32 to index
      %get3A_1081 = arith.constant 80 : index
      %get3A_1082 = tpu.vector_load %arg15[%get3A_1079, %get3A_1080, %get3A_1081] {strides = array<i32>} : memref<4x32x128xf32, #tpu.memory_space<vmem>>, vector<16xf32>,
      %mul3A_1083 = arith.mulf %broadcast_in_dim3A_1042, %get3A_1082 : vector<16xf32>
      %add3A_1084 = arith.addf %add3A_1017, %mul3A_1083 : vector<16xf32>
      %get3A_1085 = arith.constant 12 : i32
      %get3A_1086 = arith.index_cast %rem3A_125 : i32 to index
      %get3A_1087 = arith.index_cast %get3A_1085 : i32 to index
      %get3A_1088 = arith.constant 96 : index
      %get3A_1089 = tpu.vector_load %arg15[%get3A_1086, %get3A_1087, %get3A_1088] {strides = array<i32>} : memref<4x32x128xf32, #tpu.memory_space<vmem>>, vector<16xf32>,
      %mul3A_1090 = arith.mulf %broadcast_in_dim3A_1042, %get3A_1089 : vector<16xf32>
      %add3A_1091 = arith.addf %add3A_1024, %mul3A_1090 : vector<16xf32>
      %get3A_1092 = arith.constant 12 : i32
      %get3A_1093 = arith.index_cast %rem3A_125 : i32 to index
      %get3A_1094 = arith.index_cast %get3A_1092 : i32 to index
      %get3A_1095 = arith.constant 112 : index
      %get3A_1096 = tpu.vector_load %arg15[%get3A_1093, %get3A_1094, %get3A_1095] {strides = array<i32>} : memref<4x32x128xf32, #tpu.memory_space<vmem>>, vector<16xf32>,
      %mul3A_1097 = arith.mulf %broadcast_in_dim3A_1042, %get3A_1096 : vector<16xf32>
      %add3A_1098 = arith.addf %add3A_1031, %mul3A_1097 : vector<16xf32>
      %eq3A_1099 = arith.constant 13 : i32
      %eq3A_1100 = vector.broadcast %eq3A_1099 : i32 to vector<16xi32>
      %eq3A_1101 = arith.cmpi eq, %iota3A, %eq3A_1100 : vector<16xi32>
      %jit3A_1102 = arith.constant 0.000000e+00 : f32
      %broadcast_in_dim3A_1103 = vector.broadcast %jit3A_1102 : f32 to vector<16xf32>
      %select_n3A_1104 = arith.select %eq3A_1101, %div3A, %broadcast_in_dim3A_1103 : vector<16xi1>, vector<16xf32>
      %reduce_sum3A_1105 = arith.constant true
      %reduce_sum3A_1106 = vector.broadcast %reduce_sum3A_1105 : i1 to vector<16xi1>
      %reduce_sum3A_1107 = tpu.scan <sum>, %select_n3A_1104 masked %reduce_sum3A_1106 : vector<16xf32>, vector<16xi1> -> vector<16xf32>
      %reduce_sum3A_1108 = vector.extract %reduce_sum3A_1107[15] : f32 from vector<16xf32>
      %broadcast_in_dim3A_1109 = vector.broadcast %reduce_sum3A_1108 : f32 to vector<16xf32>
      %get3A_1110 = arith.constant 13 : i32
      %get3A_1111 = arith.index_cast %rem3A_125 : i32 to index
      %get3A_1112 = arith.index_cast %get3A_1110 : i32 to index
      %get3A_1113 = arith.constant 0 : index
      %get3A_1114 = tpu.vector_load %arg15[%get3A_1111, %get3A_1112, %get3A_1113] {strides = array<i32>} : memref<4x32x128xf32, #tpu.memory_space<vmem>>, vector<16xf32>,
      %mul3A_1115 = arith.mulf %broadcast_in_dim3A_1109, %get3A_1114 : vector<16xf32>
      %add3A_1116 = arith.addf %add3A_1049, %mul3A_1115 : vector<16xf32>
      %get3A_1117 = arith.constant 13 : i32
      %get3A_1118 = arith.index_cast %rem3A_125 : i32 to index
      %get3A_1119 = arith.index_cast %get3A_1117 : i32 to index
      %get3A_1120 = arith.constant 16 : index
      %get3A_1121 = tpu.vector_load %arg15[%get3A_1118, %get3A_1119, %get3A_1120] {strides = array<i32>} : memref<4x32x128xf32, #tpu.memory_space<vmem>>, vector<16xf32>,
      %mul3A_1122 = arith.mulf %broadcast_in_dim3A_1109, %get3A_1121 : vector<16xf32>
      %add3A_1123 = arith.addf %add3A_1056, %mul3A_1122 : vector<16xf32>
      %get3A_1124 = arith.constant 13 : i32
      %get3A_1125 = arith.index_cast %rem3A_125 : i32 to index
      %get3A_1126 = arith.index_cast %get3A_1124 : i32 to index
      %get3A_1127 = arith.constant 32 : index
      %get3A_1128 = tpu.vector_load %arg15[%get3A_1125, %get3A_1126, %get3A_1127] {strides = array<i32>} : memref<4x32x128xf32, #tpu.memory_space<vmem>>, vector<16xf32>,
      %mul3A_1129 = arith.mulf %broadcast_in_dim3A_1109, %get3A_1128 : vector<16xf32>
      %add3A_1130 = arith.addf %add3A_1063, %mul3A_1129 : vector<16xf32>
      %get3A_1131 = arith.constant 13 : i32
      %get3A_1132 = arith.index_cast %rem3A_125 : i32 to index
      %get3A_1133 = arith.index_cast %get3A_1131 : i32 to index
      %get3A_1134 = arith.constant 48 : index
      %get3A_1135 = tpu.vector_load %arg15[%get3A_1132, %get3A_1133, %get3A_1134] {strides = array<i32>} : memref<4x32x128xf32, #tpu.memory_space<vmem>>, vector<16xf32>,
      %mul3A_1136 = arith.mulf %broadcast_in_dim3A_1109, %get3A_1135 : vector<16xf32>
      %add3A_1137 = arith.addf %add3A_1070, %mul3A_1136 : vector<16xf32>
      %get3A_1138 = arith.constant 13 : i32
      %get3A_1139 = arith.index_cast %rem3A_125 : i32 to index
      %get3A_1140 = arith.index_cast %get3A_1138 : i32 to index
      %get3A_1141 = arith.constant 64 : index
      %get3A_1142 = tpu.vector_load %arg15[%get3A_1139, %get3A_1140, %get3A_1141] {strides = array<i32>} : memref<4x32x128xf32, #tpu.memory_space<vmem>>, vector<16xf32>,
      %mul3A_1143 = arith.mulf %broadcast_in_dim3A_1109, %get3A_1142 : vector<16xf32>
      %add3A_1144 = arith.addf %add3A_1077, %mul3A_1143 : vector<16xf32>
      %get3A_1145 = arith.constant 13 : i32
      %get3A_1146 = arith.index_cast %rem3A_125 : i32 to index
      %get3A_1147 = arith.index_cast %get3A_1145 : i32 to index
      %get3A_1148 = arith.constant 80 : index
      %get3A_1149 = tpu.vector_load %arg15[%get3A_1146, %get3A_1147, %get3A_1148] {strides = array<i32>} : memref<4x32x128xf32, #tpu.memory_space<vmem>>, vector<16xf32>,
      %mul3A_1150 = arith.mulf %broadcast_in_dim3A_1109, %get3A_1149 : vector<16xf32>
      %add3A_1151 = arith.addf %add3A_1084, %mul3A_1150 : vector<16xf32>
      %get3A_1152 = arith.constant 13 : i32
      %get3A_1153 = arith.index_cast %rem3A_125 : i32 to index
      %get3A_1154 = arith.index_cast %get3A_1152 : i32 to index
      %get3A_1155 = arith.constant 96 : index
      %get3A_1156 = tpu.vector_load %arg15[%get3A_1153, %get3A_1154, %get3A_1155] {strides = array<i32>} : memref<4x32x128xf32, #tpu.memory_space<vmem>>, vector<16xf32>,
      %mul3A_1157 = arith.mulf %broadcast_in_dim3A_1109, %get3A_1156 : vector<16xf32>
      %add3A_1158 = arith.addf %add3A_1091, %mul3A_1157 : vector<16xf32>
      %get3A_1159 = arith.constant 13 : i32
      %get3A_1160 = arith.index_cast %rem3A_125 : i32 to index
      %get3A_1161 = arith.index_cast %get3A_1159 : i32 to index
      %get3A_1162 = arith.constant 112 : index
      %get3A_1163 = tpu.vector_load %arg15[%get3A_1160, %get3A_1161, %get3A_1162] {strides = array<i32>} : memref<4x32x128xf32, #tpu.memory_space<vmem>>, vector<16xf32>,
      %mul3A_1164 = arith.mulf %broadcast_in_dim3A_1109, %get3A_1163 : vector<16xf32>
      %add3A_1165 = arith.addf %add3A_1098, %mul3A_1164 : vector<16xf32>
      %eq3A_1166 = arith.constant 14 : i32
      %eq3A_1167 = vector.broadcast %eq3A_1166 : i32 to vector<16xi32>
      %eq3A_1168 = arith.cmpi eq, %iota3A, %eq3A_1167 : vector<16xi32>
      %jit3A_1169 = arith.constant 0.000000e+00 : f32
      %broadcast_in_dim3A_1170 = vector.broadcast %jit3A_1169 : f32 to vector<16xf32>
      %select_n3A_1171 = arith.select %eq3A_1168, %div3A, %broadcast_in_dim3A_1170 : vector<16xi1>, vector<16xf32>
      %reduce_sum3A_1172 = arith.constant true
      %reduce_sum3A_1173 = vector.broadcast %reduce_sum3A_1172 : i1 to vector<16xi1>
      %reduce_sum3A_1174 = tpu.scan <sum>, %select_n3A_1171 masked %reduce_sum3A_1173 : vector<16xf32>, vector<16xi1> -> vector<16xf32>
      %reduce_sum3A_1175 = vector.extract %reduce_sum3A_1174[15] : f32 from vector<16xf32>
      %broadcast_in_dim3A_1176 = vector.broadcast %reduce_sum3A_1175 : f32 to vector<16xf32>
      %get3A_1177 = arith.constant 14 : i32
      %get3A_1178 = arith.index_cast %rem3A_125 : i32 to index
      %get3A_1179 = arith.index_cast %get3A_1177 : i32 to index
      %get3A_1180 = arith.constant 0 : index
      %get3A_1181 = tpu.vector_load %arg15[%get3A_1178, %get3A_1179, %get3A_1180] {strides = array<i32>} : memref<4x32x128xf32, #tpu.memory_space<vmem>>, vector<16xf32>,
      %mul3A_1182 = arith.mulf %broadcast_in_dim3A_1176, %get3A_1181 : vector<16xf32>
      %add3A_1183 = arith.addf %add3A_1116, %mul3A_1182 : vector<16xf32>
      %get3A_1184 = arith.constant 14 : i32
      %get3A_1185 = arith.index_cast %rem3A_125 : i32 to index
      %get3A_1186 = arith.index_cast %get3A_1184 : i32 to index
      %get3A_1187 = arith.constant 16 : index
      %get3A_1188 = tpu.vector_load %arg15[%get3A_1185, %get3A_1186, %get3A_1187] {strides = array<i32>} : memref<4x32x128xf32, #tpu.memory_space<vmem>>, vector<16xf32>,
      %mul3A_1189 = arith.mulf %broadcast_in_dim3A_1176, %get3A_1188 : vector<16xf32>
      %add3A_1190 = arith.addf %add3A_1123, %mul3A_1189 : vector<16xf32>
      %get3A_1191 = arith.constant 14 : i32
      %get3A_1192 = arith.index_cast %rem3A_125 : i32 to index
      %get3A_1193 = arith.index_cast %get3A_1191 : i32 to index
      %get3A_1194 = arith.constant 32 : index
      %get3A_1195 = tpu.vector_load %arg15[%get3A_1192, %get3A_1193, %get3A_1194] {strides = array<i32>} : memref<4x32x128xf32, #tpu.memory_space<vmem>>, vector<16xf32>,
      %mul3A_1196 = arith.mulf %broadcast_in_dim3A_1176, %get3A_1195 : vector<16xf32>
      %add3A_1197 = arith.addf %add3A_1130, %mul3A_1196 : vector<16xf32>
      %get3A_1198 = arith.constant 14 : i32
      %get3A_1199 = arith.index_cast %rem3A_125 : i32 to index
      %get3A_1200 = arith.index_cast %get3A_1198 : i32 to index
      %get3A_1201 = arith.constant 48 : index
      %get3A_1202 = tpu.vector_load %arg15[%get3A_1199, %get3A_1200, %get3A_1201] {strides = array<i32>} : memref<4x32x128xf32, #tpu.memory_space<vmem>>, vector<16xf32>,
      %mul3A_1203 = arith.mulf %broadcast_in_dim3A_1176, %get3A_1202 : vector<16xf32>
      %add3A_1204 = arith.addf %add3A_1137, %mul3A_1203 : vector<16xf32>
      %get3A_1205 = arith.constant 14 : i32
      %get3A_1206 = arith.index_cast %rem3A_125 : i32 to index
      %get3A_1207 = arith.index_cast %get3A_1205 : i32 to index
      %get3A_1208 = arith.constant 64 : index
      %get3A_1209 = tpu.vector_load %arg15[%get3A_1206, %get3A_1207, %get3A_1208] {strides = array<i32>} : memref<4x32x128xf32, #tpu.memory_space<vmem>>, vector<16xf32>,
      %mul3A_1210 = arith.mulf %broadcast_in_dim3A_1176, %get3A_1209 : vector<16xf32>
      %add3A_1211 = arith.addf %add3A_1144, %mul3A_1210 : vector<16xf32>
      %get3A_1212 = arith.constant 14 : i32
      %get3A_1213 = arith.index_cast %rem3A_125 : i32 to index
      %get3A_1214 = arith.index_cast %get3A_1212 : i32 to index
      %get3A_1215 = arith.constant 80 : index
      %get3A_1216 = tpu.vector_load %arg15[%get3A_1213, %get3A_1214, %get3A_1215] {strides = array<i32>} : memref<4x32x128xf32, #tpu.memory_space<vmem>>, vector<16xf32>,
      %mul3A_1217 = arith.mulf %broadcast_in_dim3A_1176, %get3A_1216 : vector<16xf32>
      %add3A_1218 = arith.addf %add3A_1151, %mul3A_1217 : vector<16xf32>
      %get3A_1219 = arith.constant 14 : i32
      %get3A_1220 = arith.index_cast %rem3A_125 : i32 to index
      %get3A_1221 = arith.index_cast %get3A_1219 : i32 to index
      %get3A_1222 = arith.constant 96 : index
      %get3A_1223 = tpu.vector_load %arg15[%get3A_1220, %get3A_1221, %get3A_1222] {strides = array<i32>} : memref<4x32x128xf32, #tpu.memory_space<vmem>>, vector<16xf32>,
      %mul3A_1224 = arith.mulf %broadcast_in_dim3A_1176, %get3A_1223 : vector<16xf32>
      %add3A_1225 = arith.addf %add3A_1158, %mul3A_1224 : vector<16xf32>
      %get3A_1226 = arith.constant 14 : i32
      %get3A_1227 = arith.index_cast %rem3A_125 : i32 to index
      %get3A_1228 = arith.index_cast %get3A_1226 : i32 to index
      %get3A_1229 = arith.constant 112 : index
      %get3A_1230 = tpu.vector_load %arg15[%get3A_1227, %get3A_1228, %get3A_1229] {strides = array<i32>} : memref<4x32x128xf32, #tpu.memory_space<vmem>>, vector<16xf32>,
      %mul3A_1231 = arith.mulf %broadcast_in_dim3A_1176, %get3A_1230 : vector<16xf32>
      %add3A_1232 = arith.addf %add3A_1165, %mul3A_1231 : vector<16xf32>
      %eq3A_1233 = arith.constant 15 : i32
      %eq3A_1234 = vector.broadcast %eq3A_1233 : i32 to vector<16xi32>
      %eq3A_1235 = arith.cmpi eq, %iota3A, %eq3A_1234 : vector<16xi32>
      %jit3A_1236 = arith.constant 0.000000e+00 : f32
      %broadcast_in_dim3A_1237 = vector.broadcast %jit3A_1236 : f32 to vector<16xf32>
      %select_n3A_1238 = arith.select %eq3A_1235, %div3A, %broadcast_in_dim3A_1237 : vector<16xi1>, vector<16xf32>
      %reduce_sum3A_1239 = arith.constant true
      %reduce_sum3A_1240 = vector.broadcast %reduce_sum3A_1239 : i1 to vector<16xi1>
      %reduce_sum3A_1241 = tpu.scan <sum>, %select_n3A_1238 masked %reduce_sum3A_1240 : vector<16xf32>, vector<16xi1> -> vector<16xf32>
      %reduce_sum3A_1242 = vector.extract %reduce_sum3A_1241[15] : f32 from vector<16xf32>
      %broadcast_in_dim3A_1243 = vector.broadcast %reduce_sum3A_1242 : f32 to vector<16xf32>
      %get3A_1244 = arith.constant 15 : i32
      %get3A_1245 = arith.index_cast %rem3A_125 : i32 to index
      %get3A_1246 = arith.index_cast %get3A_1244 : i32 to index
      %get3A_1247 = arith.constant 0 : index
      %get3A_1248 = tpu.vector_load %arg15[%get3A_1245, %get3A_1246, %get3A_1247] {strides = array<i32>} : memref<4x32x128xf32, #tpu.memory_space<vmem>>, vector<16xf32>,
      %mul3A_1249 = arith.mulf %broadcast_in_dim3A_1243, %get3A_1248 : vector<16xf32>
      %add3A_1250 = arith.addf %add3A_1183, %mul3A_1249 : vector<16xf32>
      %get3A_1251 = arith.constant 15 : i32
      %get3A_1252 = arith.index_cast %rem3A_125 : i32 to index
      %get3A_1253 = arith.index_cast %get3A_1251 : i32 to index
      %get3A_1254 = arith.constant 16 : index
      %get3A_1255 = tpu.vector_load %arg15[%get3A_1252, %get3A_1253, %get3A_1254] {strides = array<i32>} : memref<4x32x128xf32, #tpu.memory_space<vmem>>, vector<16xf32>,
      %mul3A_1256 = arith.mulf %broadcast_in_dim3A_1243, %get3A_1255 : vector<16xf32>
      %add3A_1257 = arith.addf %add3A_1190, %mul3A_1256 : vector<16xf32>
      %get3A_1258 = arith.constant 15 : i32
      %get3A_1259 = arith.index_cast %rem3A_125 : i32 to index
      %get3A_1260 = arith.index_cast %get3A_1258 : i32 to index
      %get3A_1261 = arith.constant 32 : index
      %get3A_1262 = tpu.vector_load %arg15[%get3A_1259, %get3A_1260, %get3A_1261] {strides = array<i32>} : memref<4x32x128xf32, #tpu.memory_space<vmem>>, vector<16xf32>,
      %mul3A_1263 = arith.mulf %broadcast_in_dim3A_1243, %get3A_1262 : vector<16xf32>
      %add3A_1264 = arith.addf %add3A_1197, %mul3A_1263 : vector<16xf32>
      %get3A_1265 = arith.constant 15 : i32
      %get3A_1266 = arith.index_cast %rem3A_125 : i32 to index
      %get3A_1267 = arith.index_cast %get3A_1265 : i32 to index
      %get3A_1268 = arith.constant 48 : index
      %get3A_1269 = tpu.vector_load %arg15[%get3A_1266, %get3A_1267, %get3A_1268] {strides = array<i32>} : memref<4x32x128xf32, #tpu.memory_space<vmem>>, vector<16xf32>,
      %mul3A_1270 = arith.mulf %broadcast_in_dim3A_1243, %get3A_1269 : vector<16xf32>
      %add3A_1271 = arith.addf %add3A_1204, %mul3A_1270 : vector<16xf32>
      %get3A_1272 = arith.constant 15 : i32
      %get3A_1273 = arith.index_cast %rem3A_125 : i32 to index
      %get3A_1274 = arith.index_cast %get3A_1272 : i32 to index
      %get3A_1275 = arith.constant 64 : index
      %get3A_1276 = tpu.vector_load %arg15[%get3A_1273, %get3A_1274, %get3A_1275] {strides = array<i32>} : memref<4x32x128xf32, #tpu.memory_space<vmem>>, vector<16xf32>,
      %mul3A_1277 = arith.mulf %broadcast_in_dim3A_1243, %get3A_1276 : vector<16xf32>
      %add3A_1278 = arith.addf %add3A_1211, %mul3A_1277 : vector<16xf32>
      %get3A_1279 = arith.constant 15 : i32
      %get3A_1280 = arith.index_cast %rem3A_125 : i32 to index
      %get3A_1281 = arith.index_cast %get3A_1279 : i32 to index
      %get3A_1282 = arith.constant 80 : index
      %get3A_1283 = tpu.vector_load %arg15[%get3A_1280, %get3A_1281, %get3A_1282] {strides = array<i32>} : memref<4x32x128xf32, #tpu.memory_space<vmem>>, vector<16xf32>,
      %mul3A_1284 = arith.mulf %broadcast_in_dim3A_1243, %get3A_1283 : vector<16xf32>
      %add3A_1285 = arith.addf %add3A_1218, %mul3A_1284 : vector<16xf32>
      %get3A_1286 = arith.constant 15 : i32
      %get3A_1287 = arith.index_cast %rem3A_125 : i32 to index
      %get3A_1288 = arith.index_cast %get3A_1286 : i32 to index
      %get3A_1289 = arith.constant 96 : index
      %get3A_1290 = tpu.vector_load %arg15[%get3A_1287, %get3A_1288, %get3A_1289] {strides = array<i32>} : memref<4x32x128xf32, #tpu.memory_space<vmem>>, vector<16xf32>,
      %mul3A_1291 = arith.mulf %broadcast_in_dim3A_1243, %get3A_1290 : vector<16xf32>
      %add3A_1292 = arith.addf %add3A_1225, %mul3A_1291 : vector<16xf32>
      %get3A_1293 = arith.constant 15 : i32
      %get3A_1294 = arith.index_cast %rem3A_125 : i32 to index
      %get3A_1295 = arith.index_cast %get3A_1293 : i32 to index
      %get3A_1296 = arith.constant 112 : index
      %get3A_1297 = tpu.vector_load %arg15[%get3A_1294, %get3A_1295, %get3A_1296] {strides = array<i32>} : memref<4x32x128xf32, #tpu.memory_space<vmem>>, vector<16xf32>,
      %mul3A_1298 = arith.mulf %broadcast_in_dim3A_1243, %get3A_1297 : vector<16xf32>
      %add3A_1299 = arith.addf %add3A_1232, %mul3A_1298 : vector<16xf32>
      %gt3A = arith.constant 0.000000e+00 : f32
      %gt3A_1300 = vector.broadcast %gt3A : f32 to vector<16xf32>
      %gt3A_1301 = arith.cmpf ogt, %add3A_1250, %gt3A_1300 : vector<16xf32>
      %exp3A_1302 = math.exp %add3A_1250 : vector<16xf32>
      %sub3A_1303 = arith.constant 1.000000e+00 : f32
      %sub3A_1304 = vector.broadcast %sub3A_1303 : f32 to vector<16xf32>
      %sub3A_1305 = arith.subf %exp3A_1302, %sub3A_1304 : vector<16xf32>
      %select_n3A_1306 = arith.select %gt3A_1301, %add3A_1250, %sub3A_1305 : vector<16xi1>, vector<16xf32>
      %swap3A = arith.index_cast %scan3A_123 : i32 to index
      %swap3A_1307 = arith.constant 0 : index
      %swap3A_1308 = tpu.vector_load %arg16[%swap3A, %swap3A_1307] {strides = array<i32>} : memref<320x128xf32, #tpu.memory_space<vmem>>, vector<16xf32>,
      tpu.vector_store %arg16[%swap3A, %swap3A_1307], %select_n3A_1306 {strides = array<i32>} : memref<320x128xf32, #tpu.memory_space<vmem>>, vector<16xf32>,
      %gt3A_1309 = arith.constant 0.000000e+00 : f32
      %gt3A_1310 = vector.broadcast %gt3A_1309 : f32 to vector<16xf32>
      %gt3A_1311 = arith.cmpf ogt, %add3A_1257, %gt3A_1310 : vector<16xf32>
      %exp3A_1312 = math.exp %add3A_1257 : vector<16xf32>
      %sub3A_1313 = arith.constant 1.000000e+00 : f32
      %sub3A_1314 = vector.broadcast %sub3A_1313 : f32 to vector<16xf32>
      %sub3A_1315 = arith.subf %exp3A_1312, %sub3A_1314 : vector<16xf32>
      %select_n3A_1316 = arith.select %gt3A_1311, %add3A_1257, %sub3A_1315 : vector<16xi1>, vector<16xf32>
      %swap3A_1317 = arith.index_cast %scan3A_123 : i32 to index
      %swap3A_1318 = arith.constant 16 : index
      %swap3A_1319 = tpu.vector_load %arg16[%swap3A_1317, %swap3A_1318] {strides = array<i32>} : memref<320x128xf32, #tpu.memory_space<vmem>>, vector<16xf32>,
      tpu.vector_store %arg16[%swap3A_1317, %swap3A_1318], %select_n3A_1316 {strides = array<i32>} : memref<320x128xf32, #tpu.memory_space<vmem>>, vector<16xf32>,
      %gt3A_1320 = arith.constant 0.000000e+00 : f32
      %gt3A_1321 = vector.broadcast %gt3A_1320 : f32 to vector<16xf32>
      %gt3A_1322 = arith.cmpf ogt, %add3A_1264, %gt3A_1321 : vector<16xf32>
      %exp3A_1323 = math.exp %add3A_1264 : vector<16xf32>
      %sub3A_1324 = arith.constant 1.000000e+00 : f32
      %sub3A_1325 = vector.broadcast %sub3A_1324 : f32 to vector<16xf32>
      %sub3A_1326 = arith.subf %exp3A_1323, %sub3A_1325 : vector<16xf32>
      %select_n3A_1327 = arith.select %gt3A_1322, %add3A_1264, %sub3A_1326 : vector<16xi1>, vector<16xf32>
      %swap3A_1328 = arith.index_cast %scan3A_123 : i32 to index
      %swap3A_1329 = arith.constant 32 : index
      %swap3A_1330 = tpu.vector_load %arg16[%swap3A_1328, %swap3A_1329] {strides = array<i32>} : memref<320x128xf32, #tpu.memory_space<vmem>>, vector<16xf32>,
      tpu.vector_store %arg16[%swap3A_1328, %swap3A_1329], %select_n3A_1327 {strides = array<i32>} : memref<320x128xf32, #tpu.memory_space<vmem>>, vector<16xf32>,
      %gt3A_1331 = arith.constant 0.000000e+00 : f32
      %gt3A_1332 = vector.broadcast %gt3A_1331 : f32 to vector<16xf32>
      %gt3A_1333 = arith.cmpf ogt, %add3A_1271, %gt3A_1332 : vector<16xf32>
      %exp3A_1334 = math.exp %add3A_1271 : vector<16xf32>
      %sub3A_1335 = arith.constant 1.000000e+00 : f32
      %sub3A_1336 = vector.broadcast %sub3A_1335 : f32 to vector<16xf32>
      %sub3A_1337 = arith.subf %exp3A_1334, %sub3A_1336 : vector<16xf32>
      %select_n3A_1338 = arith.select %gt3A_1333, %add3A_1271, %sub3A_1337 : vector<16xi1>, vector<16xf32>
      %swap3A_1339 = arith.index_cast %scan3A_123 : i32 to index
      %swap3A_1340 = arith.constant 48 : index
      %swap3A_1341 = tpu.vector_load %arg16[%swap3A_1339, %swap3A_1340] {strides = array<i32>} : memref<320x128xf32, #tpu.memory_space<vmem>>, vector<16xf32>,
      tpu.vector_store %arg16[%swap3A_1339, %swap3A_1340], %select_n3A_1338 {strides = array<i32>} : memref<320x128xf32, #tpu.memory_space<vmem>>, vector<16xf32>,
      %gt3A_1342 = arith.constant 0.000000e+00 : f32
      %gt3A_1343 = vector.broadcast %gt3A_1342 : f32 to vector<16xf32>
      %gt3A_1344 = arith.cmpf ogt, %add3A_1278, %gt3A_1343 : vector<16xf32>
      %exp3A_1345 = math.exp %add3A_1278 : vector<16xf32>
      %sub3A_1346 = arith.constant 1.000000e+00 : f32
      %sub3A_1347 = vector.broadcast %sub3A_1346 : f32 to vector<16xf32>
      %sub3A_1348 = arith.subf %exp3A_1345, %sub3A_1347 : vector<16xf32>
      %select_n3A_1349 = arith.select %gt3A_1344, %add3A_1278, %sub3A_1348 : vector<16xi1>, vector<16xf32>
      %swap3A_1350 = arith.index_cast %scan3A_123 : i32 to index
      %swap3A_1351 = arith.constant 64 : index
      %swap3A_1352 = tpu.vector_load %arg16[%swap3A_1350, %swap3A_1351] {strides = array<i32>} : memref<320x128xf32, #tpu.memory_space<vmem>>, vector<16xf32>,
      tpu.vector_store %arg16[%swap3A_1350, %swap3A_1351], %select_n3A_1349 {strides = array<i32>} : memref<320x128xf32, #tpu.memory_space<vmem>>, vector<16xf32>,
      %gt3A_1353 = arith.constant 0.000000e+00 : f32
      %gt3A_1354 = vector.broadcast %gt3A_1353 : f32 to vector<16xf32>
      %gt3A_1355 = arith.cmpf ogt, %add3A_1285, %gt3A_1354 : vector<16xf32>
      %exp3A_1356 = math.exp %add3A_1285 : vector<16xf32>
      %sub3A_1357 = arith.constant 1.000000e+00 : f32
      %sub3A_1358 = vector.broadcast %sub3A_1357 : f32 to vector<16xf32>
      %sub3A_1359 = arith.subf %exp3A_1356, %sub3A_1358 : vector<16xf32>
      %select_n3A_1360 = arith.select %gt3A_1355, %add3A_1285, %sub3A_1359 : vector<16xi1>, vector<16xf32>
      %swap3A_1361 = arith.index_cast %scan3A_123 : i32 to index
      %swap3A_1362 = arith.constant 80 : index
      %swap3A_1363 = tpu.vector_load %arg16[%swap3A_1361, %swap3A_1362] {strides = array<i32>} : memref<320x128xf32, #tpu.memory_space<vmem>>, vector<16xf32>,
      tpu.vector_store %arg16[%swap3A_1361, %swap3A_1362], %select_n3A_1360 {strides = array<i32>} : memref<320x128xf32, #tpu.memory_space<vmem>>, vector<16xf32>,
      %gt3A_1364 = arith.constant 0.000000e+00 : f32
      %gt3A_1365 = vector.broadcast %gt3A_1364 : f32 to vector<16xf32>
      %gt3A_1366 = arith.cmpf ogt, %add3A_1292, %gt3A_1365 : vector<16xf32>
      %exp3A_1367 = math.exp %add3A_1292 : vector<16xf32>
      %sub3A_1368 = arith.constant 1.000000e+00 : f32
      %sub3A_1369 = vector.broadcast %sub3A_1368 : f32 to vector<16xf32>
      %sub3A_1370 = arith.subf %exp3A_1367, %sub3A_1369 : vector<16xf32>
      %select_n3A_1371 = arith.select %gt3A_1366, %add3A_1292, %sub3A_1370 : vector<16xi1>, vector<16xf32>
      %swap3A_1372 = arith.index_cast %scan3A_123 : i32 to index
      %swap3A_1373 = arith.constant 96 : index
      %swap3A_1374 = tpu.vector_load %arg16[%swap3A_1372, %swap3A_1373] {strides = array<i32>} : memref<320x128xf32, #tpu.memory_space<vmem>>, vector<16xf32>,
      tpu.vector_store %arg16[%swap3A_1372, %swap3A_1373], %select_n3A_1371 {strides = array<i32>} : memref<320x128xf32, #tpu.memory_space<vmem>>, vector<16xf32>,
      %gt3A_1375 = arith.constant 0.000000e+00 : f32
      %gt3A_1376 = vector.broadcast %gt3A_1375 : f32 to vector<16xf32>
      %gt3A_1377 = arith.cmpf ogt, %add3A_1299, %gt3A_1376 : vector<16xf32>
      %exp3A_1378 = math.exp %add3A_1299 : vector<16xf32>
      %sub3A_1379 = arith.constant 1.000000e+00 : f32
      %sub3A_1380 = vector.broadcast %sub3A_1379 : f32 to vector<16xf32>
      %sub3A_1381 = arith.subf %exp3A_1378, %sub3A_1380 : vector<16xf32>
      %select_n3A_1382 = arith.select %gt3A_1377, %add3A_1299, %sub3A_1381 : vector<16xi1>, vector<16xf32>
      %swap3A_1383 = arith.index_cast %scan3A_123 : i32 to index
      %swap3A_1384 = arith.constant 112 : index
      %swap3A_1385 = tpu.vector_load %arg16[%swap3A_1383, %swap3A_1384] {strides = array<i32>} : memref<320x128xf32, #tpu.memory_space<vmem>>, vector<16xf32>,
      tpu.vector_store %arg16[%swap3A_1383, %swap3A_1384], %select_n3A_1382 {strides = array<i32>} : memref<320x128xf32, #tpu.memory_space<vmem>>, vector<16xf32>,
    }
    %scan3A_44 = arith.constant 320 : i32
    "tpu.region"() ({
      %run_scoped3A_123 = tpu.sem_alloc : memref<!tpu.dma_semaphore, #tpu.memory_space<semaphore_mem>>
      %dma_start3A_124 = arith.constant 0 : i32
      %dma_start3A_125 = tpu.memref_slice %arg7[%mul3A_2, %dma_start3A_124] : memref<10240x128xf32, #tpu.memory_space<hbm>> -> memref<320x128xf32, #tpu.memory_space<hbm>>
      %dma_start3A_126 = arith.constant 0 : i32
      %dma_start3A_127 = tpu.memref_slice %arg7[%mul3A_2, %dma_start3A_126] : memref<10240x128xf32, #tpu.memory_space<hbm>> -> memref<320x128xf32, #tpu.memory_space<hbm>>
      tpu.enqueue_dma source(%arg16 : memref<320x128xf32, #tpu.memory_space<vmem>>) target(%dma_start3A_127 : memref<320x128xf32, #tpu.memory_space<hbm>>) target_semaphore(%run_scoped3A_123 : memref<!tpu.dma_semaphore, #tpu.memory_space<semaphore_mem>>)
      %dma_wait3A = arith.constant 0 : i32
      %dma_wait3A_128 = tpu.memref_slice %arg7[%mul3A_2, %dma_wait3A] : memref<10240x128xf32, #tpu.memory_space<hbm>> -> memref<320x128xf32, #tpu.memory_space<hbm>>
      %dma_wait3A_129 = arith.constant 0 : i32
      %dma_wait3A_130 = tpu.memref_slice %arg7[%mul3A_2, %dma_wait3A_129] : memref<10240x128xf32, #tpu.memory_space<hbm>> -> memref<320x128xf32, #tpu.memory_space<hbm>>
      tpu.wait_dma2 semaphore(%run_scoped3A_123 : memref<!tpu.dma_semaphore, #tpu.memory_space<semaphore_mem>>) src(%arg16 : memref<320x128xf32, #tpu.memory_space<vmem>>) dst(%dma_wait3A_130 : memref<320x128xf32, #tpu.memory_space<hbm>>)
      tpu.yield
    }) : () -> ()
    %get3A_45 = arith.constant 0 : i32
    %get3A_46 = arith.index_cast %get3A_45 : i32 to index
    %get3A_47 = arith.constant 0 : index
    %get3A_48 = tpu.vector_load %arg14[%get3A_46, %get3A_47] {strides = array<i32>} : memref<320x32xi32, #tpu.memory_space<vmem>>, vector<16xi32>,
    %dma_start3A_49 = arith.constant 0 : i32
    %dma_start3A_50 = arith.constant 0 : i32
    %dma_start3A_51 = arith.constant 0 : i32
    %dma_start3A_52 = tpu.memref_slice %arg15[%dma_start3A_49, %dma_start3A_50, %dma_start3A_51] : memref<4x32x128xf32, #tpu.memory_space<vmem>> -> memref<1x16x128xf32, #tpu.memory_space<vmem>>
    %dma_start3A_53 = tpu.memref_squeeze %dma_start3A_52 : memref<1x16x128xf32, #tpu.memory_space<vmem>> -> memref<16x128xf32, #tpu.memory_space<vmem>>
    %dma_start3A_54 = arith.constant 0 : i32
    %dma_start3A_55 = arith.constant 0 : i32
    %dma_start3A_56 = tpu.memref_slice %arg3[%dma_start3A_54, %dma_start3A_55] : memref<10000x128xf32, #tpu.memory_space<hbm>> -> memref<10000x128xf32, #tpu.memory_space<hbm>>
    tpu.enqueue_indirect_dma source(%dma_start3A_56 : memref<10000x128xf32, #tpu.memory_space<hbm>>) target(%dma_start3A_53 : memref<16x128xf32, #tpu.memory_space<vmem>>) offsets(%get3A_48 : vector<16xi32>) semaphore(%arg17 : memref<!tpu.dma_semaphore, #tpu.memory_space<semaphore_mem>>)
    %get3A_57 = arith.constant 0 : i32
    %get3A_58 = arith.index_cast %get3A_57 : i32 to index
    %get3A_59 = arith.constant 16 : index
    %get3A_60 = tpu.vector_load %arg14[%get3A_58, %get3A_59] {strides = array<i32>} : memref<320x32xi32, #tpu.memory_space<vmem>>, vector<16xi32>,
    %dma_start3A_61 = arith.constant 0 : i32
    %dma_start3A_62 = arith.constant 16 : i32
    %dma_start3A_63 = arith.constant 0 : i32
    %dma_start3A_64 = tpu.memref_slice %arg15[%dma_start3A_61, %dma_start3A_62, %dma_start3A_63] : memref<4x32x128xf32, #tpu.memory_space<vmem>> -> memref<1x16x128xf32, #tpu.memory_space<vmem>>
    %dma_start3A_65 = tpu.memref_squeeze %dma_start3A_64 : memref<1x16x128xf32, #tpu.memory_space<vmem>> -> memref<16x128xf32, #tpu.memory_space<vmem>>
    %dma_start3A_66 = arith.constant 0 : i32
    %dma_start3A_67 = arith.constant 0 : i32
    %dma_start3A_68 = tpu.memref_slice %arg3[%dma_start3A_66, %dma_start3A_67] : memref<10000x128xf32, #tpu.memory_space<hbm>> -> memref<10000x128xf32, #tpu.memory_space<hbm>>
    tpu.enqueue_indirect_dma source(%dma_start3A_68 : memref<10000x128xf32, #tpu.memory_space<hbm>>) target(%dma_start3A_65 : memref<16x128xf32, #tpu.memory_space<vmem>>) offsets(%get3A_60 : vector<16xi32>) semaphore(%arg17 : memref<!tpu.dma_semaphore, #tpu.memory_space<semaphore_mem>>)
    %get3A_69 = arith.constant 1 : i32
    %get3A_70 = arith.index_cast %get3A_69 : i32 to index
    %get3A_71 = arith.constant 0 : index
    %get3A_72 = tpu.vector_load %arg14[%get3A_70, %get3A_71] {strides = array<i32>} : memref<320x32xi32, #tpu.memory_space<vmem>>, vector<16xi32>,
    %dma_start3A_73 = arith.constant 1 : i32
    %dma_start3A_74 = arith.constant 0 : i32
    %dma_start3A_75 = arith.constant 0 : i32
    %dma_start3A_76 = tpu.memref_slice %arg15[%dma_start3A_73, %dma_start3A_74, %dma_start3A_75] : memref<4x32x128xf32, #tpu.memory_space<vmem>> -> memref<1x16x128xf32, #tpu.memory_space<vmem>>
    %dma_start3A_77 = tpu.memref_squeeze %dma_start3A_76 : memref<1x16x128xf32, #tpu.memory_space<vmem>> -> memref<16x128xf32, #tpu.memory_space<vmem>>
    %dma_start3A_78 = arith.constant 0 : i32
    %dma_start3A_79 = arith.constant 0 : i32
    %dma_start3A_80 = tpu.memref_slice %arg3[%dma_start3A_78, %dma_start3A_79] : memref<10000x128xf32, #tpu.memory_space<hbm>> -> memref<10000x128xf32, #tpu.memory_space<hbm>>
    tpu.enqueue_indirect_dma source(%dma_start3A_80 : memref<10000x128xf32, #tpu.memory_space<hbm>>) target(%dma_start3A_77 : memref<16x128xf32, #tpu.memory_space<vmem>>) offsets(%get3A_72 : vector<16xi32>) semaphore(%arg18 : memref<!tpu.dma_semaphore, #tpu.memory_space<semaphore_mem>>)
    %get3A_81 = arith.constant 1 : i32
    %get3A_82 = arith.index_cast %get3A_81 : i32 to index
    %get3A_83 = arith.constant 16 : index
    %get3A_84 = tpu.vector_load %arg14[%get3A_82, %get3A_83] {strides = array<i32>} : memref<320x32xi32, #tpu.memory_space<vmem>>, vector<16xi32>,
    %dma_start3A_85 = arith.constant 1 : i32
    %dma_start3A_86 = arith.constant 16 : i32
    %dma_start3A_87 = arith.constant 0 : i32
    %dma_start3A_88 = tpu.memref_slice %arg15[%dma_start3A_85, %dma_start3A_86, %dma_start3A_87] : memref<4x32x128xf32, #tpu.memory_space<vmem>> -> memref<1x16x128xf32, #tpu.memory_space<vmem>>
    %dma_start3A_89 = tpu.memref_squeeze %dma_start3A_88 : memref<1x16x128xf32, #tpu.memory_space<vmem>> -> memref<16x128xf32, #tpu.memory_space<vmem>>
    %dma_start3A_90 = arith.constant 0 : i32
    %dma_start3A_91 = arith.constant 0 : i32
    %dma_start3A_92 = tpu.memref_slice %arg3[%dma_start3A_90, %dma_start3A_91] : memref<10000x128xf32, #tpu.memory_space<hbm>> -> memref<10000x128xf32, #tpu.memory_space<hbm>>
    tpu.enqueue_indirect_dma source(%dma_start3A_92 : memref<10000x128xf32, #tpu.memory_space<hbm>>) target(%dma_start3A_89 : memref<16x128xf32, #tpu.memory_space<vmem>>) offsets(%get3A_84 : vector<16xi32>) semaphore(%arg18 : memref<!tpu.dma_semaphore, #tpu.memory_space<semaphore_mem>>)
    %get3A_93 = arith.constant 2 : i32
    %get3A_94 = arith.index_cast %get3A_93 : i32 to index
    %get3A_95 = arith.constant 0 : index
    %get3A_96 = tpu.vector_load %arg14[%get3A_94, %get3A_95] {strides = array<i32>} : memref<320x32xi32, #tpu.memory_space<vmem>>, vector<16xi32>,
    %dma_start3A_97 = arith.constant 2 : i32
    %dma_start3A_98 = arith.constant 0 : i32
    %dma_start3A_99 = arith.constant 0 : i32
    %dma_start3A_100 = tpu.memref_slice %arg15[%dma_start3A_97, %dma_start3A_98, %dma_start3A_99] : memref<4x32x128xf32, #tpu.memory_space<vmem>> -> memref<1x16x128xf32, #tpu.memory_space<vmem>>
    %dma_start3A_101 = tpu.memref_squeeze %dma_start3A_100 : memref<1x16x128xf32, #tpu.memory_space<vmem>> -> memref<16x128xf32, #tpu.memory_space<vmem>>
    %dma_start3A_102 = arith.constant 0 : i32
    %dma_start3A_103 = arith.constant 0 : i32
    %dma_start3A_104 = tpu.memref_slice %arg3[%dma_start3A_102, %dma_start3A_103] : memref<10000x128xf32, #tpu.memory_space<hbm>> -> memref<10000x128xf32, #tpu.memory_space<hbm>>
    tpu.enqueue_indirect_dma source(%dma_start3A_104 : memref<10000x128xf32, #tpu.memory_space<hbm>>) target(%dma_start3A_101 : memref<16x128xf32, #tpu.memory_space<vmem>>) offsets(%get3A_96 : vector<16xi32>) semaphore(%arg19 : memref<!tpu.dma_semaphore, #tpu.memory_space<semaphore_mem>>)
    %get3A_105 = arith.constant 2 : i32
    %get3A_106 = arith.index_cast %get3A_105 : i32 to index
    %get3A_107 = arith.constant 16 : index
    %get3A_108 = tpu.vector_load %arg14[%get3A_106, %get3A_107] {strides = array<i32>} : memref<320x32xi32, #tpu.memory_space<vmem>>, vector<16xi32>,
    %dma_start3A_109 = arith.constant 2 : i32
    %dma_start3A_110 = arith.constant 16 : i32
    %dma_start3A_111 = arith.constant 0 : i32
    %dma_start3A_112 = tpu.memref_slice %arg15[%dma_start3A_109, %dma_start3A_110, %dma_start3A_111] : memref<4x32x128xf32, #tpu.memory_space<vmem>> -> memref<1x16x128xf32, #tpu.memory_space<vmem>>
    %dma_start3A_113 = tpu.memref_squeeze %dma_start3A_112 : memref<1x16x128xf32, #tpu.memory_space<vmem>> -> memref<16x128xf32, #tpu.memory_space<vmem>>
    %dma_start3A_114 = arith.constant 0 : i32
    %dma_start3A_115 = arith.constant 0 : i32
    %dma_start3A_116 = tpu.memref_slice %arg3[%dma_start3A_114, %dma_start3A_115] : memref<10000x128xf32, #tpu.memory_space<hbm>> -> memref<10000x128xf32, #tpu.memory_space<hbm>>
    tpu.enqueue_indirect_dma source(%dma_start3A_116 : memref<10000x128xf32, #tpu.memory_space<hbm>>) target(%dma_start3A_113 : memref<16x128xf32, #tpu.memory_space<vmem>>) offsets(%get3A_108 : vector<16xi32>) semaphore(%arg19 : memref<!tpu.dma_semaphore, #tpu.memory_space<semaphore_mem>>)
    %scan3A_117 = arith.constant 0 : i32
    %scan3A_118 = arith.constant 0 : i32
    %scan3A_119 = arith.constant 320 : i32
    %scan3A_120 = arith.addi %scan3A_118, %scan3A_119 : i32
    %scan3A_121 = arith.constant 1 : i32
    scf.for %scan3A_123 = %scan3A_118 to %scan3A_120 step %scan3A_121  : i32 {
      %add3A_124 = arith.addi %mul3A_2, %scan3A_123 : i32
      %rem3A = arith.constant 4 : i32
      %rem3A_125 = arith.remsi %scan3A_123, %rem3A : i32
      %add3A_126 = arith.constant 4 : i32
      %add3A_127 = arith.addi %scan3A_123, %add3A_126 : i32
      %sub3A = arith.constant 1 : i32
      %sub3A_128 = arith.subi %add3A_127, %sub3A : i32
      %rem3A_129 = arith.constant 4 : i32
      %rem3A_130 = arith.remsi %sub3A_128, %rem3A_129 : i32
      %add3A_131 = arith.constant 4 : i32
      %add3A_132 = arith.addi %scan3A_123, %add3A_131 : i32
      %sub3A_133 = arith.constant 1 : i32
      %sub3A_134 = arith.subi %add3A_132, %sub3A_133 : i32
      %lt3A = arith.constant 320 : i32
      %lt3A_135 = arith.cmpi slt, %sub3A_134, %lt3A : i32
      %eq3A = arith.constant 0 : i32
      %eq3A_136 = arith.cmpi eq, %rem3A_130, %eq3A : i32
      %and3A = arith.andi %lt3A_135, %eq3A_136 : i1
      %convert_element_type3A = arith.extui %and3A : i1 to i32
      %cond3A = arith.constant 0 : i32
      %cond3A_137 = arith.cmpi ne, %convert_element_type3A, %cond3A : i32
      scf.if %cond3A_137 {
        %add3A_2483 = arith.constant 4 : i32
        %add3A_2484 = arith.addi %scan3A_123, %add3A_2483 : i32
        %sub3A_2485 = arith.constant 1 : i32
        %sub3A_2486 = arith.subi %add3A_2484, %sub3A_2485 : i32
        %get3A_2487 = arith.index_cast %sub3A_2486 : i32 to index
        %get3A_2488 = arith.constant 0 : index
        %get3A_2489 = tpu.vector_load %arg14[%get3A_2487, %get3A_2488] {strides = array<i32>} : memref<320x32xi32, #tpu.memory_space<vmem>>, vector<16xi32>,
        %dma_start3A_2490 = arith.constant 0 : i32
        %dma_start3A_2491 = arith.constant 0 : i32
        %dma_start3A_2492 = arith.constant 0 : i32
        %dma_start3A_2493 = tpu.memref_slice %arg15[%dma_start3A_2490, %dma_start3A_2491, %dma_start3A_2492] : memref<4x32x128xf32, #tpu.memory_space<vmem>> -> memref<1x16x128xf32, #tpu.memory_space<vmem>>
        %dma_start3A_2494 = tpu.memref_squeeze %dma_start3A_2493 : memref<1x16x128xf32, #tpu.memory_space<vmem>> -> memref<16x128xf32, #tpu.memory_space<vmem>>
        %dma_start3A_2495 = arith.constant 0 : i32
        %dma_start3A_2496 = arith.constant 0 : i32
        %dma_start3A_2497 = tpu.memref_slice %arg3[%dma_start3A_2495, %dma_start3A_2496] : memref<10000x128xf32, #tpu.memory_space<hbm>> -> memref<10000x128xf32, #tpu.memory_space<hbm>>
        tpu.enqueue_indirect_dma source(%dma_start3A_2497 : memref<10000x128xf32, #tpu.memory_space<hbm>>) target(%dma_start3A_2494 : memref<16x128xf32, #tpu.memory_space<vmem>>) offsets(%get3A_2489 : vector<16xi32>) semaphore(%arg17 : memref<!tpu.dma_semaphore, #tpu.memory_space<semaphore_mem>>)
        %get3A_2498 = arith.index_cast %sub3A_2486 : i32 to index
        %get3A_2499 = arith.constant 16 : index
        %get3A_2500 = tpu.vector_load %arg14[%get3A_2498, %get3A_2499] {strides = array<i32>} : memref<320x32xi32, #tpu.memory_space<vmem>>, vector<16xi32>,
        %dma_start3A_2501 = arith.constant 0 : i32
        %dma_start3A_2502 = arith.constant 16 : i32
        %dma_start3A_2503 = arith.constant 0 : i32
        %dma_start3A_2504 = tpu.memref_slice %arg15[%dma_start3A_2501, %dma_start3A_2502, %dma_start3A_2503] : memref<4x32x128xf32, #tpu.memory_space<vmem>> -> memref<1x16x128xf32, #tpu.memory_space<vmem>>
        %dma_start3A_2505 = tpu.memref_squeeze %dma_start3A_2504 : memref<1x16x128xf32, #tpu.memory_space<vmem>> -> memref<16x128xf32, #tpu.memory_space<vmem>>
        %dma_start3A_2506 = arith.constant 0 : i32
        %dma_start3A_2507 = arith.constant 0 : i32
        %dma_start3A_2508 = tpu.memref_slice %arg3[%dma_start3A_2506, %dma_start3A_2507] : memref<10000x128xf32, #tpu.memory_space<hbm>> -> memref<10000x128xf32, #tpu.memory_space<hbm>>
        tpu.enqueue_indirect_dma source(%dma_start3A_2508 : memref<10000x128xf32, #tpu.memory_space<hbm>>) target(%dma_start3A_2505 : memref<16x128xf32, #tpu.memory_space<vmem>>) offsets(%get3A_2500 : vector<16xi32>) semaphore(%arg17 : memref<!tpu.dma_semaphore, #tpu.memory_space<semaphore_mem>>)
      } else {
      }
      %add3A_138 = arith.constant 4 : i32
      %add3A_139 = arith.addi %scan3A_123, %add3A_138 : i32
      %sub3A_140 = arith.constant 1 : i32
      %sub3A_141 = arith.subi %add3A_139, %sub3A_140 : i32
      %lt3A_142 = arith.constant 320 : i32
      %lt3A_143 = arith.cmpi slt, %sub3A_141, %lt3A_142 : i32
      %eq3A_144 = arith.constant 1 : i32
      %eq3A_145 = arith.cmpi eq, %rem3A_130, %eq3A_144 : i32
      %and3A_146 = arith.andi %lt3A_143, %eq3A_145 : i1
      %convert_element_type3A_147 = arith.extui %and3A_146 : i1 to i32
      %cond3A_148 = arith.constant 0 : i32
      %cond3A_149 = arith.cmpi ne, %convert_element_type3A_147, %cond3A_148 : i32
      scf.if %cond3A_149 {
        %add3A_2483 = arith.constant 4 : i32
        %add3A_2484 = arith.addi %scan3A_123, %add3A_2483 : i32
        %sub3A_2485 = arith.constant 1 : i32
        %sub3A_2486 = arith.subi %add3A_2484, %sub3A_2485 : i32
        %get3A_2487 = arith.index_cast %sub3A_2486 : i32 to index
        %get3A_2488 = arith.constant 0 : index
        %get3A_2489 = tpu.vector_load %arg14[%get3A_2487, %get3A_2488] {strides = array<i32>} : memref<320x32xi32, #tpu.memory_space<vmem>>, vector<16xi32>,
        %dma_start3A_2490 = arith.constant 1 : i32
        %dma_start3A_2491 = arith.constant 0 : i32
        %dma_start3A_2492 = arith.constant 0 : i32
        %dma_start3A_2493 = tpu.memref_slice %arg15[%dma_start3A_2490, %dma_start3A_2491, %dma_start3A_2492] : memref<4x32x128xf32, #tpu.memory_space<vmem>> -> memref<1x16x128xf32, #tpu.memory_space<vmem>>
        %dma_start3A_2494 = tpu.memref_squeeze %dma_start3A_2493 : memref<1x16x128xf32, #tpu.memory_space<vmem>> -> memref<16x128xf32, #tpu.memory_space<vmem>>
        %dma_start3A_2495 = arith.constant 0 : i32
        %dma_start3A_2496 = arith.constant 0 : i32
        %dma_start3A_2497 = tpu.memref_slice %arg3[%dma_start3A_2495, %dma_start3A_2496] : memref<10000x128xf32, #tpu.memory_space<hbm>> -> memref<10000x128xf32, #tpu.memory_space<hbm>>
        tpu.enqueue_indirect_dma source(%dma_start3A_2497 : memref<10000x128xf32, #tpu.memory_space<hbm>>) target(%dma_start3A_2494 : memref<16x128xf32, #tpu.memory_space<vmem>>) offsets(%get3A_2489 : vector<16xi32>) semaphore(%arg18 : memref<!tpu.dma_semaphore, #tpu.memory_space<semaphore_mem>>)
        %get3A_2498 = arith.index_cast %sub3A_2486 : i32 to index
        %get3A_2499 = arith.constant 16 : index
        %get3A_2500 = tpu.vector_load %arg14[%get3A_2498, %get3A_2499] {strides = array<i32>} : memref<320x32xi32, #tpu.memory_space<vmem>>, vector<16xi32>,
        %dma_start3A_2501 = arith.constant 1 : i32
        %dma_start3A_2502 = arith.constant 16 : i32
        %dma_start3A_2503 = arith.constant 0 : i32
        %dma_start3A_2504 = tpu.memref_slice %arg15[%dma_start3A_2501, %dma_start3A_2502, %dma_start3A_2503] : memref<4x32x128xf32, #tpu.memory_space<vmem>> -> memref<1x16x128xf32, #tpu.memory_space<vmem>>
        %dma_start3A_2505 = tpu.memref_squeeze %dma_start3A_2504 : memref<1x16x128xf32, #tpu.memory_space<vmem>> -> memref<16x128xf32, #tpu.memory_space<vmem>>
        %dma_start3A_2506 = arith.constant 0 : i32
        %dma_start3A_2507 = arith.constant 0 : i32
        %dma_start3A_2508 = tpu.memref_slice %arg3[%dma_start3A_2506, %dma_start3A_2507] : memref<10000x128xf32, #tpu.memory_space<hbm>> -> memref<10000x128xf32, #tpu.memory_space<hbm>>
        tpu.enqueue_indirect_dma source(%dma_start3A_2508 : memref<10000x128xf32, #tpu.memory_space<hbm>>) target(%dma_start3A_2505 : memref<16x128xf32, #tpu.memory_space<vmem>>) offsets(%get3A_2500 : vector<16xi32>) semaphore(%arg18 : memref<!tpu.dma_semaphore, #tpu.memory_space<semaphore_mem>>)
      } else {
      }
      %add3A_150 = arith.constant 4 : i32
      %add3A_151 = arith.addi %scan3A_123, %add3A_150 : i32
      %sub3A_152 = arith.constant 1 : i32
      %sub3A_153 = arith.subi %add3A_151, %sub3A_152 : i32
      %lt3A_154 = arith.constant 320 : i32
      %lt3A_155 = arith.cmpi slt, %sub3A_153, %lt3A_154 : i32
      %eq3A_156 = arith.constant 2 : i32
      %eq3A_157 = arith.cmpi eq, %rem3A_130, %eq3A_156 : i32
      %and3A_158 = arith.andi %lt3A_155, %eq3A_157 : i1
      %convert_element_type3A_159 = arith.extui %and3A_158 : i1 to i32
      %cond3A_160 = arith.constant 0 : i32
      %cond3A_161 = arith.cmpi ne, %convert_element_type3A_159, %cond3A_160 : i32
      scf.if %cond3A_161 {
        %add3A_2483 = arith.constant 4 : i32
        %add3A_2484 = arith.addi %scan3A_123, %add3A_2483 : i32
        %sub3A_2485 = arith.constant 1 : i32
        %sub3A_2486 = arith.subi %add3A_2484, %sub3A_2485 : i32
        %get3A_2487 = arith.index_cast %sub3A_2486 : i32 to index
        %get3A_2488 = arith.constant 0 : index
        %get3A_2489 = tpu.vector_load %arg14[%get3A_2487, %get3A_2488] {strides = array<i32>} : memref<320x32xi32, #tpu.memory_space<vmem>>, vector<16xi32>,
        %dma_start3A_2490 = arith.constant 2 : i32
        %dma_start3A_2491 = arith.constant 0 : i32
        %dma_start3A_2492 = arith.constant 0 : i32
        %dma_start3A_2493 = tpu.memref_slice %arg15[%dma_start3A_2490, %dma_start3A_2491, %dma_start3A_2492] : memref<4x32x128xf32, #tpu.memory_space<vmem>> -> memref<1x16x128xf32, #tpu.memory_space<vmem>>
        %dma_start3A_2494 = tpu.memref_squeeze %dma_start3A_2493 : memref<1x16x128xf32, #tpu.memory_space<vmem>> -> memref<16x128xf32, #tpu.memory_space<vmem>>
        %dma_start3A_2495 = arith.constant 0 : i32
        %dma_start3A_2496 = arith.constant 0 : i32
        %dma_start3A_2497 = tpu.memref_slice %arg3[%dma_start3A_2495, %dma_start3A_2496] : memref<10000x128xf32, #tpu.memory_space<hbm>> -> memref<10000x128xf32, #tpu.memory_space<hbm>>
        tpu.enqueue_indirect_dma source(%dma_start3A_2497 : memref<10000x128xf32, #tpu.memory_space<hbm>>) target(%dma_start3A_2494 : memref<16x128xf32, #tpu.memory_space<vmem>>) offsets(%get3A_2489 : vector<16xi32>) semaphore(%arg19 : memref<!tpu.dma_semaphore, #tpu.memory_space<semaphore_mem>>)
        %get3A_2498 = arith.index_cast %sub3A_2486 : i32 to index
        %get3A_2499 = arith.constant 16 : index
        %get3A_2500 = tpu.vector_load %arg14[%get3A_2498, %get3A_2499] {strides = array<i32>} : memref<320x32xi32, #tpu.memory_space<vmem>>, vector<16xi32>,
        %dma_start3A_2501 = arith.constant 2 : i32
        %dma_start3A_2502 = arith.constant 16 : i32
        %dma_start3A_2503 = arith.constant 0 : i32
        %dma_start3A_2504 = tpu.memref_slice %arg15[%dma_start3A_2501, %dma_start3A_2502, %dma_start3A_2503] : memref<4x32x128xf32, #tpu.memory_space<vmem>> -> memref<1x16x128xf32, #tpu.memory_space<vmem>>
        %dma_start3A_2505 = tpu.memref_squeeze %dma_start3A_2504 : memref<1x16x128xf32, #tpu.memory_space<vmem>> -> memref<16x128xf32, #tpu.memory_space<vmem>>
        %dma_start3A_2506 = arith.constant 0 : i32
        %dma_start3A_2507 = arith.constant 0 : i32
        %dma_start3A_2508 = tpu.memref_slice %arg3[%dma_start3A_2506, %dma_start3A_2507] : memref<10000x128xf32, #tpu.memory_space<hbm>> -> memref<10000x128xf32, #tpu.memory_space<hbm>>
        tpu.enqueue_indirect_dma source(%dma_start3A_2508 : memref<10000x128xf32, #tpu.memory_space<hbm>>) target(%dma_start3A_2505 : memref<16x128xf32, #tpu.memory_space<vmem>>) offsets(%get3A_2500 : vector<16xi32>) semaphore(%arg19 : memref<!tpu.dma_semaphore, #tpu.memory_space<semaphore_mem>>)
      } else {
      }
      %add3A_162 = arith.constant 4 : i32
      %add3A_163 = arith.addi %scan3A_123, %add3A_162 : i32
      %sub3A_164 = arith.constant 1 : i32
      %sub3A_165 = arith.subi %add3A_163, %sub3A_164 : i32
      %lt3A_166 = arith.constant 320 : i32
      %lt3A_167 = arith.cmpi slt, %sub3A_165, %lt3A_166 : i32
      %eq3A_168 = arith.constant 3 : i32
      %eq3A_169 = arith.cmpi eq, %rem3A_130, %eq3A_168 : i32
      %and3A_170 = arith.andi %lt3A_167, %eq3A_169 : i1
      %convert_element_type3A_171 = arith.extui %and3A_170 : i1 to i32
      %cond3A_172 = arith.constant 0 : i32
      %cond3A_173 = arith.cmpi ne, %convert_element_type3A_171, %cond3A_172 : i32
      scf.if %cond3A_173 {
        %add3A_2483 = arith.constant 4 : i32
        %add3A_2484 = arith.addi %scan3A_123, %add3A_2483 : i32
        %sub3A_2485 = arith.constant 1 : i32
        %sub3A_2486 = arith.subi %add3A_2484, %sub3A_2485 : i32
        %get3A_2487 = arith.index_cast %sub3A_2486 : i32 to index
        %get3A_2488 = arith.constant 0 : index
        %get3A_2489 = tpu.vector_load %arg14[%get3A_2487, %get3A_2488] {strides = array<i32>} : memref<320x32xi32, #tpu.memory_space<vmem>>, vector<16xi32>,
        %dma_start3A_2490 = arith.constant 3 : i32
        %dma_start3A_2491 = arith.constant 0 : i32
        %dma_start3A_2492 = arith.constant 0 : i32
        %dma_start3A_2493 = tpu.memref_slice %arg15[%dma_start3A_2490, %dma_start3A_2491, %dma_start3A_2492] : memref<4x32x128xf32, #tpu.memory_space<vmem>> -> memref<1x16x128xf32, #tpu.memory_space<vmem>>
        %dma_start3A_2494 = tpu.memref_squeeze %dma_start3A_2493 : memref<1x16x128xf32, #tpu.memory_space<vmem>> -> memref<16x128xf32, #tpu.memory_space<vmem>>
        %dma_start3A_2495 = arith.constant 0 : i32
        %dma_start3A_2496 = arith.constant 0 : i32
        %dma_start3A_2497 = tpu.memref_slice %arg3[%dma_start3A_2495, %dma_start3A_2496] : memref<10000x128xf32, #tpu.memory_space<hbm>> -> memref<10000x128xf32, #tpu.memory_space<hbm>>
        tpu.enqueue_indirect_dma source(%dma_start3A_2497 : memref<10000x128xf32, #tpu.memory_space<hbm>>) target(%dma_start3A_2494 : memref<16x128xf32, #tpu.memory_space<vmem>>) offsets(%get3A_2489 : vector<16xi32>) semaphore(%arg20 : memref<!tpu.dma_semaphore, #tpu.memory_space<semaphore_mem>>)
        %get3A_2498 = arith.index_cast %sub3A_2486 : i32 to index
        %get3A_2499 = arith.constant 16 : index
        %get3A_2500 = tpu.vector_load %arg14[%get3A_2498, %get3A_2499] {strides = array<i32>} : memref<320x32xi32, #tpu.memory_space<vmem>>, vector<16xi32>,
        %dma_start3A_2501 = arith.constant 3 : i32
        %dma_start3A_2502 = arith.constant 16 : i32
        %dma_start3A_2503 = arith.constant 0 : i32
        %dma_start3A_2504 = tpu.memref_slice %arg15[%dma_start3A_2501, %dma_start3A_2502, %dma_start3A_2503] : memref<4x32x128xf32, #tpu.memory_space<vmem>> -> memref<1x16x128xf32, #tpu.memory_space<vmem>>
        %dma_start3A_2505 = tpu.memref_squeeze %dma_start3A_2504 : memref<1x16x128xf32, #tpu.memory_space<vmem>> -> memref<16x128xf32, #tpu.memory_space<vmem>>
        %dma_start3A_2506 = arith.constant 0 : i32
        %dma_start3A_2507 = arith.constant 0 : i32
        %dma_start3A_2508 = tpu.memref_slice %arg3[%dma_start3A_2506, %dma_start3A_2507] : memref<10000x128xf32, #tpu.memory_space<hbm>> -> memref<10000x128xf32, #tpu.memory_space<hbm>>
        tpu.enqueue_indirect_dma source(%dma_start3A_2508 : memref<10000x128xf32, #tpu.memory_space<hbm>>) target(%dma_start3A_2505 : memref<16x128xf32, #tpu.memory_space<vmem>>) offsets(%get3A_2500 : vector<16xi32>) semaphore(%arg20 : memref<!tpu.dma_semaphore, #tpu.memory_space<semaphore_mem>>)
      } else {
      }
      %get3A_174 = arith.index_cast %scan3A_123 : i32 to index
      %get3A_175 = arith.constant 0 : index
      %get3A_176 = tpu.vector_load %arg14[%get3A_174, %get3A_175] {strides = array<i32>} : memref<320x32xi32, #tpu.memory_space<vmem>>, vector<16xi32>,
      %get3A_177 = arith.index_cast %scan3A_123 : i32 to index
      %get3A_178 = arith.constant 16 : index
      %get3A_179 = tpu.vector_load %arg14[%get3A_177, %get3A_178] {strides = array<i32>} : memref<320x32xi32, #tpu.memory_space<vmem>>, vector<16xi32>,
      %broadcast_in_dim3A = vector.broadcast %add3A_124 : i32 to vector<16xi32>
      %gather3A = tpu.vector_load_idx %arg10[%broadcast_in_dim3A] : memref<10240xf32, #tpu.memory_space<vmem>>[vector<16xi32>], vector<16xf32>,
      %gather3A_180 = tpu.vector_load_idx %arg12[%get3A_176] : memref<10240xf32, #tpu.memory_space<vmem>>[vector<16xi32>], vector<16xf32>,
      %add3A_181 = arith.addf %gather3A, %gather3A_180 : vector<16xf32>
      %ge3A = arith.constant 0.000000e+00 : f32
      %ge3A_182 = vector.broadcast %ge3A : f32 to vector<16xf32>
      %ge3A_183 = arith.cmpf oge, %add3A_181, %ge3A_182 : vector<16xf32>
      %mul3A_184 = arith.constant 0.00999999977 : f32
      %mul3A_185 = vector.broadcast %mul3A_184 : f32 to vector<16xf32>
      %mul3A_186 = arith.mulf %mul3A_185, %add3A_181 : vector<16xf32>
      %select_n3A = arith.select %ge3A_183, %add3A_181, %mul3A_186 : vector<16xi1>, vector<16xf32>
      %gather3A_187 = tpu.vector_load_idx %arg12[%get3A_179] : memref<10240xf32, #tpu.memory_space<vmem>>[vector<16xi32>], vector<16xf32>,
      %add3A_188 = arith.addf %gather3A, %gather3A_187 : vector<16xf32>
      %ge3A_189 = arith.constant 0.000000e+00 : f32
      %ge3A_190 = vector.broadcast %ge3A_189 : f32 to vector<16xf32>
      %ge3A_191 = arith.cmpf oge, %add3A_188, %ge3A_190 : vector<16xf32>
      %mul3A_192 = arith.constant 0.00999999977 : f32
      %mul3A_193 = vector.broadcast %mul3A_192 : f32 to vector<16xf32>
      %mul3A_194 = arith.mulf %mul3A_193, %add3A_188 : vector<16xf32>
      %select_n3A_195 = arith.select %ge3A_191, %add3A_188, %mul3A_194 : vector<16xi1>, vector<16xf32>
      %reduce_max3A = arith.constant true
      %reduce_max3A_196 = vector.broadcast %reduce_max3A : i1 to vector<16xi1>
      %reduce_max3A_197 = tpu.scan <max>, %select_n3A masked %reduce_max3A_196 : vector<16xf32>, vector<16xi1> -> vector<16xf32>
      %reduce_max3A_198 = vector.extract %reduce_max3A_197[15] : f32 from vector<16xf32>
      %reduce_max3A_199 = arith.constant true
      %reduce_max3A_200 = vector.broadcast %reduce_max3A_199 : i1 to vector<16xi1>
      %reduce_max3A_201 = tpu.scan <max>, %select_n3A_195 masked %reduce_max3A_200 : vector<16xf32>, vector<16xi1> -> vector<16xf32>
      %reduce_max3A_202 = vector.extract %reduce_max3A_201[15] : f32 from vector<16xf32>
      %max3A = arith.maximumf %reduce_max3A_198, %reduce_max3A_202 : f32
      %sub3A_203 = vector.broadcast %max3A : f32 to vector<16xf32>
      %sub3A_204 = arith.subf %select_n3A, %sub3A_203 : vector<16xf32>
      %exp3A = math.exp %sub3A_204 : vector<16xf32>
      %sub3A_205 = vector.broadcast %max3A : f32 to vector<16xf32>
      %sub3A_206 = arith.subf %select_n3A_195, %sub3A_205 : vector<16xf32>
      %exp3A_207 = math.exp %sub3A_206 : vector<16xf32>
      %reduce_sum3A = arith.constant true
      %reduce_sum3A_208 = vector.broadcast %reduce_sum3A : i1 to vector<16xi1>
      %reduce_sum3A_209 = tpu.scan <sum>, %exp3A masked %reduce_sum3A_208 : vector<16xf32>, vector<16xi1> -> vector<16xf32>
      %reduce_sum3A_210 = vector.extract %reduce_sum3A_209[15] : f32 from vector<16xf32>
      %reduce_sum3A_211 = arith.constant true
      %reduce_sum3A_212 = vector.broadcast %reduce_sum3A_211 : i1 to vector<16xi1>
      %reduce_sum3A_213 = tpu.scan <sum>, %exp3A_207 masked %reduce_sum3A_212 : vector<16xf32>, vector<16xi1> -> vector<16xf32>
      %reduce_sum3A_214 = vector.extract %reduce_sum3A_213[15] : f32 from vector<16xf32>
      %add3A_215 = arith.addf %reduce_sum3A_210, %reduce_sum3A_214 : f32
      %broadcast_in_dim3A_216 = vector.broadcast %add3A_215 : f32 to vector<16xf32>
      %div3A = arith.divf %exp3A, %broadcast_in_dim3A_216 : vector<16xf32>
      %div3A_217 = arith.divf %exp3A_207, %broadcast_in_dim3A_216 : vector<16xf32>
      %eq3A_218 = arith.constant 0 : i32
      %eq3A_219 = arith.cmpi eq, %rem3A_125, %eq3A_218 : i32
      %convert_element_type3A_220 = arith.extui %eq3A_219 : i1 to i32
      %cond3A_221 = arith.constant 0 : i32
      %cond3A_222 = arith.cmpi ne, %convert_element_type3A_220, %cond3A_221 : i32
      scf.if %cond3A_222 {
        %dma_wait3A = arith.constant 0 : i32
        %dma_wait3A_2483 = arith.constant 0 : i32
        %dma_wait3A_2484 = arith.constant 0 : i32
        %dma_wait3A_2485 = tpu.memref_slice %arg15[%dma_wait3A, %dma_wait3A_2483, %dma_wait3A_2484] : memref<4x32x128xf32, #tpu.memory_space<vmem>> -> memref<1x32x128xf32, #tpu.memory_space<vmem>>
        %dma_wait3A_2486 = tpu.memref_squeeze %dma_wait3A_2485 : memref<1x32x128xf32, #tpu.memory_space<vmem>> -> memref<32x128xf32, #tpu.memory_space<vmem>>
        %dma_wait3A_2487 = arith.constant 0 : i32
        %dma_wait3A_2488 = arith.constant 0 : i32
        %dma_wait3A_2489 = tpu.memref_slice %arg3[%dma_wait3A_2487, %dma_wait3A_2488] : memref<10000x128xf32, #tpu.memory_space<hbm>> -> memref<32x128xf32, #tpu.memory_space<hbm>>
        %dma_wait3A_2490 = arith.constant 0 : i32
        %dma_wait3A_2491 = arith.constant 0 : i32
        %dma_wait3A_2492 = tpu.memref_slice %arg15[%dma_wait3A, %dma_wait3A_2490, %dma_wait3A_2491] : memref<4x32x128xf32, #tpu.memory_space<vmem>> -> memref<1x32x128xf32, #tpu.memory_space<vmem>>
        %dma_wait3A_2493 = tpu.memref_squeeze %dma_wait3A_2492 : memref<1x32x128xf32, #tpu.memory_space<vmem>> -> memref<32x128xf32, #tpu.memory_space<vmem>>
        %dma_wait3A_2494 = arith.constant 0 : i32
        %dma_wait3A_2495 = arith.constant 0 : i32
        %dma_wait3A_2496 = tpu.memref_slice %arg3[%dma_wait3A_2494, %dma_wait3A_2495] : memref<10000x128xf32, #tpu.memory_space<hbm>> -> memref<32x128xf32, #tpu.memory_space<hbm>>
        tpu.wait_dma2 semaphore(%arg17 : memref<!tpu.dma_semaphore, #tpu.memory_space<semaphore_mem>>) src(%dma_wait3A_2496 : memref<32x128xf32, #tpu.memory_space<hbm>>) dst(%dma_wait3A_2493 : memref<32x128xf32, #tpu.memory_space<vmem>>)
      } else {
      }
      %eq3A_223 = arith.constant 1 : i32
      %eq3A_224 = arith.cmpi eq, %rem3A_125, %eq3A_223 : i32
      %convert_element_type3A_225 = arith.extui %eq3A_224 : i1 to i32
      %cond3A_226 = arith.constant 0 : i32
      %cond3A_227 = arith.cmpi ne, %convert_element_type3A_225, %cond3A_226 : i32
      scf.if %cond3A_227 {
        %dma_wait3A = arith.constant 1 : i32
        %dma_wait3A_2483 = arith.constant 0 : i32
        %dma_wait3A_2484 = arith.constant 0 : i32
        %dma_wait3A_2485 = tpu.memref_slice %arg15[%dma_wait3A, %dma_wait3A_2483, %dma_wait3A_2484] : memref<4x32x128xf32, #tpu.memory_space<vmem>> -> memref<1x32x128xf32, #tpu.memory_space<vmem>>
        %dma_wait3A_2486 = tpu.memref_squeeze %dma_wait3A_2485 : memref<1x32x128xf32, #tpu.memory_space<vmem>> -> memref<32x128xf32, #tpu.memory_space<vmem>>
        %dma_wait3A_2487 = arith.constant 0 : i32
        %dma_wait3A_2488 = arith.constant 0 : i32
        %dma_wait3A_2489 = tpu.memref_slice %arg3[%dma_wait3A_2487, %dma_wait3A_2488] : memref<10000x128xf32, #tpu.memory_space<hbm>> -> memref<32x128xf32, #tpu.memory_space<hbm>>
        %dma_wait3A_2490 = arith.constant 0 : i32
        %dma_wait3A_2491 = arith.constant 0 : i32
        %dma_wait3A_2492 = tpu.memref_slice %arg15[%dma_wait3A, %dma_wait3A_2490, %dma_wait3A_2491] : memref<4x32x128xf32, #tpu.memory_space<vmem>> -> memref<1x32x128xf32, #tpu.memory_space<vmem>>
        %dma_wait3A_2493 = tpu.memref_squeeze %dma_wait3A_2492 : memref<1x32x128xf32, #tpu.memory_space<vmem>> -> memref<32x128xf32, #tpu.memory_space<vmem>>
        %dma_wait3A_2494 = arith.constant 0 : i32
        %dma_wait3A_2495 = arith.constant 0 : i32
        %dma_wait3A_2496 = tpu.memref_slice %arg3[%dma_wait3A_2494, %dma_wait3A_2495] : memref<10000x128xf32, #tpu.memory_space<hbm>> -> memref<32x128xf32, #tpu.memory_space<hbm>>
        tpu.wait_dma2 semaphore(%arg18 : memref<!tpu.dma_semaphore, #tpu.memory_space<semaphore_mem>>) src(%dma_wait3A_2496 : memref<32x128xf32, #tpu.memory_space<hbm>>) dst(%dma_wait3A_2493 : memref<32x128xf32, #tpu.memory_space<vmem>>)
      } else {
      }
      %eq3A_228 = arith.constant 2 : i32
      %eq3A_229 = arith.cmpi eq, %rem3A_125, %eq3A_228 : i32
      %convert_element_type3A_230 = arith.extui %eq3A_229 : i1 to i32
      %cond3A_231 = arith.constant 0 : i32
      %cond3A_232 = arith.cmpi ne, %convert_element_type3A_230, %cond3A_231 : i32
      scf.if %cond3A_232 {
        %dma_wait3A = arith.constant 2 : i32
        %dma_wait3A_2483 = arith.constant 0 : i32
        %dma_wait3A_2484 = arith.constant 0 : i32
        %dma_wait3A_2485 = tpu.memref_slice %arg15[%dma_wait3A, %dma_wait3A_2483, %dma_wait3A_2484] : memref<4x32x128xf32, #tpu.memory_space<vmem>> -> memref<1x32x128xf32, #tpu.memory_space<vmem>>
        %dma_wait3A_2486 = tpu.memref_squeeze %dma_wait3A_2485 : memref<1x32x128xf32, #tpu.memory_space<vmem>> -> memref<32x128xf32, #tpu.memory_space<vmem>>
        %dma_wait3A_2487 = arith.constant 0 : i32
        %dma_wait3A_2488 = arith.constant 0 : i32
        %dma_wait3A_2489 = tpu.memref_slice %arg3[%dma_wait3A_2487, %dma_wait3A_2488] : memref<10000x128xf32, #tpu.memory_space<hbm>> -> memref<32x128xf32, #tpu.memory_space<hbm>>
        %dma_wait3A_2490 = arith.constant 0 : i32
        %dma_wait3A_2491 = arith.constant 0 : i32
        %dma_wait3A_2492 = tpu.memref_slice %arg15[%dma_wait3A, %dma_wait3A_2490, %dma_wait3A_2491] : memref<4x32x128xf32, #tpu.memory_space<vmem>> -> memref<1x32x128xf32, #tpu.memory_space<vmem>>
        %dma_wait3A_2493 = tpu.memref_squeeze %dma_wait3A_2492 : memref<1x32x128xf32, #tpu.memory_space<vmem>> -> memref<32x128xf32, #tpu.memory_space<vmem>>
        %dma_wait3A_2494 = arith.constant 0 : i32
        %dma_wait3A_2495 = arith.constant 0 : i32
        %dma_wait3A_2496 = tpu.memref_slice %arg3[%dma_wait3A_2494, %dma_wait3A_2495] : memref<10000x128xf32, #tpu.memory_space<hbm>> -> memref<32x128xf32, #tpu.memory_space<hbm>>
        tpu.wait_dma2 semaphore(%arg19 : memref<!tpu.dma_semaphore, #tpu.memory_space<semaphore_mem>>) src(%dma_wait3A_2496 : memref<32x128xf32, #tpu.memory_space<hbm>>) dst(%dma_wait3A_2493 : memref<32x128xf32, #tpu.memory_space<vmem>>)
      } else {
      }
      %eq3A_233 = arith.constant 3 : i32
      %eq3A_234 = arith.cmpi eq, %rem3A_125, %eq3A_233 : i32
      %convert_element_type3A_235 = arith.extui %eq3A_234 : i1 to i32
      %cond3A_236 = arith.constant 0 : i32
      %cond3A_237 = arith.cmpi ne, %convert_element_type3A_235, %cond3A_236 : i32
      scf.if %cond3A_237 {
        %dma_wait3A = arith.constant 3 : i32
        %dma_wait3A_2483 = arith.constant 0 : i32
        %dma_wait3A_2484 = arith.constant 0 : i32
        %dma_wait3A_2485 = tpu.memref_slice %arg15[%dma_wait3A, %dma_wait3A_2483, %dma_wait3A_2484] : memref<4x32x128xf32, #tpu.memory_space<vmem>> -> memref<1x32x128xf32, #tpu.memory_space<vmem>>
        %dma_wait3A_2486 = tpu.memref_squeeze %dma_wait3A_2485 : memref<1x32x128xf32, #tpu.memory_space<vmem>> -> memref<32x128xf32, #tpu.memory_space<vmem>>
        %dma_wait3A_2487 = arith.constant 0 : i32
        %dma_wait3A_2488 = arith.constant 0 : i32
        %dma_wait3A_2489 = tpu.memref_slice %arg3[%dma_wait3A_2487, %dma_wait3A_2488] : memref<10000x128xf32, #tpu.memory_space<hbm>> -> memref<32x128xf32, #tpu.memory_space<hbm>>
        %dma_wait3A_2490 = arith.constant 0 : i32
        %dma_wait3A_2491 = arith.constant 0 : i32
        %dma_wait3A_2492 = tpu.memref_slice %arg15[%dma_wait3A, %dma_wait3A_2490, %dma_wait3A_2491] : memref<4x32x128xf32, #tpu.memory_space<vmem>> -> memref<1x32x128xf32, #tpu.memory_space<vmem>>
        %dma_wait3A_2493 = tpu.memref_squeeze %dma_wait3A_2492 : memref<1x32x128xf32, #tpu.memory_space<vmem>> -> memref<32x128xf32, #tpu.memory_space<vmem>>
        %dma_wait3A_2494 = arith.constant 0 : i32
        %dma_wait3A_2495 = arith.constant 0 : i32
        %dma_wait3A_2496 = tpu.memref_slice %arg3[%dma_wait3A_2494, %dma_wait3A_2495] : memref<10000x128xf32, #tpu.memory_space<hbm>> -> memref<32x128xf32, #tpu.memory_space<hbm>>
        tpu.wait_dma2 semaphore(%arg20 : memref<!tpu.dma_semaphore, #tpu.memory_space<semaphore_mem>>) src(%dma_wait3A_2496 : memref<32x128xf32, #tpu.memory_space<hbm>>) dst(%dma_wait3A_2493 : memref<32x128xf32, #tpu.memory_space<vmem>>)
      } else {
      }
      %iota3A = tpu.iota {dimensions = array<i32: 0>} : vector<16xi32>
      %broadcast_in_dim3A_238 = arith.constant 0.000000e+00 : f32
      %broadcast_in_dim3A_239 = vector.broadcast %broadcast_in_dim3A_238 : f32 to vector<16xf32>
      %broadcast_in_dim3A_240 = arith.constant 0.000000e+00 : f32
      %broadcast_in_dim3A_241 = vector.broadcast %broadcast_in_dim3A_240 : f32 to vector<16xf32>
      %broadcast_in_dim3A_242 = arith.constant 0.000000e+00 : f32
      %broadcast_in_dim3A_243 = vector.broadcast %broadcast_in_dim3A_242 : f32 to vector<16xf32>
      %broadcast_in_dim3A_244 = arith.constant 0.000000e+00 : f32
      %broadcast_in_dim3A_245 = vector.broadcast %broadcast_in_dim3A_244 : f32 to vector<16xf32>
      %broadcast_in_dim3A_246 = arith.constant 0.000000e+00 : f32
      %broadcast_in_dim3A_247 = vector.broadcast %broadcast_in_dim3A_246 : f32 to vector<16xf32>
      %broadcast_in_dim3A_248 = arith.constant 0.000000e+00 : f32
      %broadcast_in_dim3A_249 = vector.broadcast %broadcast_in_dim3A_248 : f32 to vector<16xf32>
      %broadcast_in_dim3A_250 = arith.constant 0.000000e+00 : f32
      %broadcast_in_dim3A_251 = vector.broadcast %broadcast_in_dim3A_250 : f32 to vector<16xf32>
      %broadcast_in_dim3A_252 = arith.constant 0.000000e+00 : f32
      %broadcast_in_dim3A_253 = vector.broadcast %broadcast_in_dim3A_252 : f32 to vector<16xf32>
      %eq3A_254 = arith.constant 0 : i32
      %eq3A_255 = vector.broadcast %eq3A_254 : i32 to vector<16xi32>
      %eq3A_256 = arith.cmpi eq, %iota3A, %eq3A_255 : vector<16xi32>
      %jit3A = arith.constant 0.000000e+00 : f32
      %broadcast_in_dim3A_257 = vector.broadcast %jit3A : f32 to vector<16xf32>
      %select_n3A_258 = arith.select %eq3A_256, %div3A, %broadcast_in_dim3A_257 : vector<16xi1>, vector<16xf32>
      %reduce_sum3A_259 = arith.constant true
      %reduce_sum3A_260 = vector.broadcast %reduce_sum3A_259 : i1 to vector<16xi1>
      %reduce_sum3A_261 = tpu.scan <sum>, %select_n3A_258 masked %reduce_sum3A_260 : vector<16xf32>, vector<16xi1> -> vector<16xf32>
      %reduce_sum3A_262 = vector.extract %reduce_sum3A_261[15] : f32 from vector<16xf32>
      %broadcast_in_dim3A_263 = vector.broadcast %reduce_sum3A_262 : f32 to vector<16xf32>
      %get3A_264 = arith.constant 0 : i32
      %get3A_265 = arith.index_cast %rem3A_125 : i32 to index
      %get3A_266 = arith.index_cast %get3A_264 : i32 to index
      %get3A_267 = arith.constant 0 : index
      %get3A_268 = tpu.vector_load %arg15[%get3A_265, %get3A_266, %get3A_267] {strides = array<i32>} : memref<4x32x128xf32, #tpu.memory_space<vmem>>, vector<16xf32>,
      %mul3A_269 = arith.mulf %broadcast_in_dim3A_263, %get3A_268 : vector<16xf32>
      %add3A_270 = arith.addf %broadcast_in_dim3A_239, %mul3A_269 : vector<16xf32>
      %get3A_271 = arith.constant 0 : i32
      %get3A_272 = arith.index_cast %rem3A_125 : i32 to index
      %get3A_273 = arith.index_cast %get3A_271 : i32 to index
      %get3A_274 = arith.constant 16 : index
      %get3A_275 = tpu.vector_load %arg15[%get3A_272, %get3A_273, %get3A_274] {strides = array<i32>} : memref<4x32x128xf32, #tpu.memory_space<vmem>>, vector<16xf32>,
      %mul3A_276 = arith.mulf %broadcast_in_dim3A_263, %get3A_275 : vector<16xf32>
      %add3A_277 = arith.addf %broadcast_in_dim3A_241, %mul3A_276 : vector<16xf32>
      %get3A_278 = arith.constant 0 : i32
      %get3A_279 = arith.index_cast %rem3A_125 : i32 to index
      %get3A_280 = arith.index_cast %get3A_278 : i32 to index
      %get3A_281 = arith.constant 32 : index
      %get3A_282 = tpu.vector_load %arg15[%get3A_279, %get3A_280, %get3A_281] {strides = array<i32>} : memref<4x32x128xf32, #tpu.memory_space<vmem>>, vector<16xf32>,
      %mul3A_283 = arith.mulf %broadcast_in_dim3A_263, %get3A_282 : vector<16xf32>
      %add3A_284 = arith.addf %broadcast_in_dim3A_243, %mul3A_283 : vector<16xf32>
      %get3A_285 = arith.constant 0 : i32
      %get3A_286 = arith.index_cast %rem3A_125 : i32 to index
      %get3A_287 = arith.index_cast %get3A_285 : i32 to index
      %get3A_288 = arith.constant 48 : index
      %get3A_289 = tpu.vector_load %arg15[%get3A_286, %get3A_287, %get3A_288] {strides = array<i32>} : memref<4x32x128xf32, #tpu.memory_space<vmem>>, vector<16xf32>,
      %mul3A_290 = arith.mulf %broadcast_in_dim3A_263, %get3A_289 : vector<16xf32>
      %add3A_291 = arith.addf %broadcast_in_dim3A_245, %mul3A_290 : vector<16xf32>
      %get3A_292 = arith.constant 0 : i32
      %get3A_293 = arith.index_cast %rem3A_125 : i32 to index
      %get3A_294 = arith.index_cast %get3A_292 : i32 to index
      %get3A_295 = arith.constant 64 : index
      %get3A_296 = tpu.vector_load %arg15[%get3A_293, %get3A_294, %get3A_295] {strides = array<i32>} : memref<4x32x128xf32, #tpu.memory_space<vmem>>, vector<16xf32>,
      %mul3A_297 = arith.mulf %broadcast_in_dim3A_263, %get3A_296 : vector<16xf32>
      %add3A_298 = arith.addf %broadcast_in_dim3A_247, %mul3A_297 : vector<16xf32>
      %get3A_299 = arith.constant 0 : i32
      %get3A_300 = arith.index_cast %rem3A_125 : i32 to index
      %get3A_301 = arith.index_cast %get3A_299 : i32 to index
      %get3A_302 = arith.constant 80 : index
      %get3A_303 = tpu.vector_load %arg15[%get3A_300, %get3A_301, %get3A_302] {strides = array<i32>} : memref<4x32x128xf32, #tpu.memory_space<vmem>>, vector<16xf32>,
      %mul3A_304 = arith.mulf %broadcast_in_dim3A_263, %get3A_303 : vector<16xf32>
      %add3A_305 = arith.addf %broadcast_in_dim3A_249, %mul3A_304 : vector<16xf32>
      %get3A_306 = arith.constant 0 : i32
      %get3A_307 = arith.index_cast %rem3A_125 : i32 to index
      %get3A_308 = arith.index_cast %get3A_306 : i32 to index
      %get3A_309 = arith.constant 96 : index
      %get3A_310 = tpu.vector_load %arg15[%get3A_307, %get3A_308, %get3A_309] {strides = array<i32>} : memref<4x32x128xf32, #tpu.memory_space<vmem>>, vector<16xf32>,
      %mul3A_311 = arith.mulf %broadcast_in_dim3A_263, %get3A_310 : vector<16xf32>
      %add3A_312 = arith.addf %broadcast_in_dim3A_251, %mul3A_311 : vector<16xf32>
      %get3A_313 = arith.constant 0 : i32
      %get3A_314 = arith.index_cast %rem3A_125 : i32 to index
      %get3A_315 = arith.index_cast %get3A_313 : i32 to index
      %get3A_316 = arith.constant 112 : index
      %get3A_317 = tpu.vector_load %arg15[%get3A_314, %get3A_315, %get3A_316] {strides = array<i32>} : memref<4x32x128xf32, #tpu.memory_space<vmem>>, vector<16xf32>,
      %mul3A_318 = arith.mulf %broadcast_in_dim3A_263, %get3A_317 : vector<16xf32>
      %add3A_319 = arith.addf %broadcast_in_dim3A_253, %mul3A_318 : vector<16xf32>
      %eq3A_320 = arith.constant 1 : i32
      %eq3A_321 = vector.broadcast %eq3A_320 : i32 to vector<16xi32>
      %eq3A_322 = arith.cmpi eq, %iota3A, %eq3A_321 : vector<16xi32>
      %jit3A_323 = arith.constant 0.000000e+00 : f32
      %broadcast_in_dim3A_324 = vector.broadcast %jit3A_323 : f32 to vector<16xf32>
      %select_n3A_325 = arith.select %eq3A_322, %div3A, %broadcast_in_dim3A_324 : vector<16xi1>, vector<16xf32>
      %reduce_sum3A_326 = arith.constant true
      %reduce_sum3A_327 = vector.broadcast %reduce_sum3A_326 : i1 to vector<16xi1>
      %reduce_sum3A_328 = tpu.scan <sum>, %select_n3A_325 masked %reduce_sum3A_327 : vector<16xf32>, vector<16xi1> -> vector<16xf32>
      %reduce_sum3A_329 = vector.extract %reduce_sum3A_328[15] : f32 from vector<16xf32>
      %broadcast_in_dim3A_330 = vector.broadcast %reduce_sum3A_329 : f32 to vector<16xf32>
      %get3A_331 = arith.constant 1 : i32
      %get3A_332 = arith.index_cast %rem3A_125 : i32 to index
      %get3A_333 = arith.index_cast %get3A_331 : i32 to index
      %get3A_334 = arith.constant 0 : index
      %get3A_335 = tpu.vector_load %arg15[%get3A_332, %get3A_333, %get3A_334] {strides = array<i32>} : memref<4x32x128xf32, #tpu.memory_space<vmem>>, vector<16xf32>,
      %mul3A_336 = arith.mulf %broadcast_in_dim3A_330, %get3A_335 : vector<16xf32>
      %add3A_337 = arith.addf %add3A_270, %mul3A_336 : vector<16xf32>
      %get3A_338 = arith.constant 1 : i32
      %get3A_339 = arith.index_cast %rem3A_125 : i32 to index
      %get3A_340 = arith.index_cast %get3A_338 : i32 to index
      %get3A_341 = arith.constant 16 : index
      %get3A_342 = tpu.vector_load %arg15[%get3A_339, %get3A_340, %get3A_341] {strides = array<i32>} : memref<4x32x128xf32, #tpu.memory_space<vmem>>, vector<16xf32>,
      %mul3A_343 = arith.mulf %broadcast_in_dim3A_330, %get3A_342 : vector<16xf32>
      %add3A_344 = arith.addf %add3A_277, %mul3A_343 : vector<16xf32>
      %get3A_345 = arith.constant 1 : i32
      %get3A_346 = arith.index_cast %rem3A_125 : i32 to index
      %get3A_347 = arith.index_cast %get3A_345 : i32 to index
      %get3A_348 = arith.constant 32 : index
      %get3A_349 = tpu.vector_load %arg15[%get3A_346, %get3A_347, %get3A_348] {strides = array<i32>} : memref<4x32x128xf32, #tpu.memory_space<vmem>>, vector<16xf32>,
      %mul3A_350 = arith.mulf %broadcast_in_dim3A_330, %get3A_349 : vector<16xf32>
      %add3A_351 = arith.addf %add3A_284, %mul3A_350 : vector<16xf32>
      %get3A_352 = arith.constant 1 : i32
      %get3A_353 = arith.index_cast %rem3A_125 : i32 to index
      %get3A_354 = arith.index_cast %get3A_352 : i32 to index
      %get3A_355 = arith.constant 48 : index
      %get3A_356 = tpu.vector_load %arg15[%get3A_353, %get3A_354, %get3A_355] {strides = array<i32>} : memref<4x32x128xf32, #tpu.memory_space<vmem>>, vector<16xf32>,
      %mul3A_357 = arith.mulf %broadcast_in_dim3A_330, %get3A_356 : vector<16xf32>
      %add3A_358 = arith.addf %add3A_291, %mul3A_357 : vector<16xf32>
      %get3A_359 = arith.constant 1 : i32
      %get3A_360 = arith.index_cast %rem3A_125 : i32 to index
      %get3A_361 = arith.index_cast %get3A_359 : i32 to index
      %get3A_362 = arith.constant 64 : index
      %get3A_363 = tpu.vector_load %arg15[%get3A_360, %get3A_361, %get3A_362] {strides = array<i32>} : memref<4x32x128xf32, #tpu.memory_space<vmem>>, vector<16xf32>,
      %mul3A_364 = arith.mulf %broadcast_in_dim3A_330, %get3A_363 : vector<16xf32>
      %add3A_365 = arith.addf %add3A_298, %mul3A_364 : vector<16xf32>
      %get3A_366 = arith.constant 1 : i32
      %get3A_367 = arith.index_cast %rem3A_125 : i32 to index
      %get3A_368 = arith.index_cast %get3A_366 : i32 to index
      %get3A_369 = arith.constant 80 : index
      %get3A_370 = tpu.vector_load %arg15[%get3A_367, %get3A_368, %get3A_369] {strides = array<i32>} : memref<4x32x128xf32, #tpu.memory_space<vmem>>, vector<16xf32>,
      %mul3A_371 = arith.mulf %broadcast_in_dim3A_330, %get3A_370 : vector<16xf32>
      %add3A_372 = arith.addf %add3A_305, %mul3A_371 : vector<16xf32>
      %get3A_373 = arith.constant 1 : i32
      %get3A_374 = arith.index_cast %rem3A_125 : i32 to index
      %get3A_375 = arith.index_cast %get3A_373 : i32 to index
      %get3A_376 = arith.constant 96 : index
      %get3A_377 = tpu.vector_load %arg15[%get3A_374, %get3A_375, %get3A_376] {strides = array<i32>} : memref<4x32x128xf32, #tpu.memory_space<vmem>>, vector<16xf32>,
      %mul3A_378 = arith.mulf %broadcast_in_dim3A_330, %get3A_377 : vector<16xf32>
      %add3A_379 = arith.addf %add3A_312, %mul3A_378 : vector<16xf32>
      %get3A_380 = arith.constant 1 : i32
      %get3A_381 = arith.index_cast %rem3A_125 : i32 to index
      %get3A_382 = arith.index_cast %get3A_380 : i32 to index
      %get3A_383 = arith.constant 112 : index
      %get3A_384 = tpu.vector_load %arg15[%get3A_381, %get3A_382, %get3A_383] {strides = array<i32>} : memref<4x32x128xf32, #tpu.memory_space<vmem>>, vector<16xf32>,
      %mul3A_385 = arith.mulf %broadcast_in_dim3A_330, %get3A_384 : vector<16xf32>
      %add3A_386 = arith.addf %add3A_319, %mul3A_385 : vector<16xf32>
      %eq3A_387 = arith.constant 2 : i32
      %eq3A_388 = vector.broadcast %eq3A_387 : i32 to vector<16xi32>
      %eq3A_389 = arith.cmpi eq, %iota3A, %eq3A_388 : vector<16xi32>
      %jit3A_390 = arith.constant 0.000000e+00 : f32
      %broadcast_in_dim3A_391 = vector.broadcast %jit3A_390 : f32 to vector<16xf32>
      %select_n3A_392 = arith.select %eq3A_389, %div3A, %broadcast_in_dim3A_391 : vector<16xi1>, vector<16xf32>
      %reduce_sum3A_393 = arith.constant true
      %reduce_sum3A_394 = vector.broadcast %reduce_sum3A_393 : i1 to vector<16xi1>
      %reduce_sum3A_395 = tpu.scan <sum>, %select_n3A_392 masked %reduce_sum3A_394 : vector<16xf32>, vector<16xi1> -> vector<16xf32>
      %reduce_sum3A_396 = vector.extract %reduce_sum3A_395[15] : f32 from vector<16xf32>
      %broadcast_in_dim3A_397 = vector.broadcast %reduce_sum3A_396 : f32 to vector<16xf32>
      %get3A_398 = arith.constant 2 : i32
      %get3A_399 = arith.index_cast %rem3A_125 : i32 to index
      %get3A_400 = arith.index_cast %get3A_398 : i32 to index
      %get3A_401 = arith.constant 0 : index
      %get3A_402 = tpu.vector_load %arg15[%get3A_399, %get3A_400, %get3A_401] {strides = array<i32>} : memref<4x32x128xf32, #tpu.memory_space<vmem>>, vector<16xf32>,
      %mul3A_403 = arith.mulf %broadcast_in_dim3A_397, %get3A_402 : vector<16xf32>
      %add3A_404 = arith.addf %add3A_337, %mul3A_403 : vector<16xf32>
      %get3A_405 = arith.constant 2 : i32
      %get3A_406 = arith.index_cast %rem3A_125 : i32 to index
      %get3A_407 = arith.index_cast %get3A_405 : i32 to index
      %get3A_408 = arith.constant 16 : index
      %get3A_409 = tpu.vector_load %arg15[%get3A_406, %get3A_407, %get3A_408] {strides = array<i32>} : memref<4x32x128xf32, #tpu.memory_space<vmem>>, vector<16xf32>,
      %mul3A_410 = arith.mulf %broadcast_in_dim3A_397, %get3A_409 : vector<16xf32>
      %add3A_411 = arith.addf %add3A_344, %mul3A_410 : vector<16xf32>
      %get3A_412 = arith.constant 2 : i32
      %get3A_413 = arith.index_cast %rem3A_125 : i32 to index
      %get3A_414 = arith.index_cast %get3A_412 : i32 to index
      %get3A_415 = arith.constant 32 : index
      %get3A_416 = tpu.vector_load %arg15[%get3A_413, %get3A_414, %get3A_415] {strides = array<i32>} : memref<4x32x128xf32, #tpu.memory_space<vmem>>, vector<16xf32>,
      %mul3A_417 = arith.mulf %broadcast_in_dim3A_397, %get3A_416 : vector<16xf32>
      %add3A_418 = arith.addf %add3A_351, %mul3A_417 : vector<16xf32>
      %get3A_419 = arith.constant 2 : i32
      %get3A_420 = arith.index_cast %rem3A_125 : i32 to index
      %get3A_421 = arith.index_cast %get3A_419 : i32 to index
      %get3A_422 = arith.constant 48 : index
      %get3A_423 = tpu.vector_load %arg15[%get3A_420, %get3A_421, %get3A_422] {strides = array<i32>} : memref<4x32x128xf32, #tpu.memory_space<vmem>>, vector<16xf32>,
      %mul3A_424 = arith.mulf %broadcast_in_dim3A_397, %get3A_423 : vector<16xf32>
      %add3A_425 = arith.addf %add3A_358, %mul3A_424 : vector<16xf32>
      %get3A_426 = arith.constant 2 : i32
      %get3A_427 = arith.index_cast %rem3A_125 : i32 to index
      %get3A_428 = arith.index_cast %get3A_426 : i32 to index
      %get3A_429 = arith.constant 64 : index
      %get3A_430 = tpu.vector_load %arg15[%get3A_427, %get3A_428, %get3A_429] {strides = array<i32>} : memref<4x32x128xf32, #tpu.memory_space<vmem>>, vector<16xf32>,
      %mul3A_431 = arith.mulf %broadcast_in_dim3A_397, %get3A_430 : vector<16xf32>
      %add3A_432 = arith.addf %add3A_365, %mul3A_431 : vector<16xf32>
      %get3A_433 = arith.constant 2 : i32
      %get3A_434 = arith.index_cast %rem3A_125 : i32 to index
      %get3A_435 = arith.index_cast %get3A_433 : i32 to index
      %get3A_436 = arith.constant 80 : index
      %get3A_437 = tpu.vector_load %arg15[%get3A_434, %get3A_435, %get3A_436] {strides = array<i32>} : memref<4x32x128xf32, #tpu.memory_space<vmem>>, vector<16xf32>,
      %mul3A_438 = arith.mulf %broadcast_in_dim3A_397, %get3A_437 : vector<16xf32>
      %add3A_439 = arith.addf %add3A_372, %mul3A_438 : vector<16xf32>
      %get3A_440 = arith.constant 2 : i32
      %get3A_441 = arith.index_cast %rem3A_125 : i32 to index
      %get3A_442 = arith.index_cast %get3A_440 : i32 to index
      %get3A_443 = arith.constant 96 : index
      %get3A_444 = tpu.vector_load %arg15[%get3A_441, %get3A_442, %get3A_443] {strides = array<i32>} : memref<4x32x128xf32, #tpu.memory_space<vmem>>, vector<16xf32>,
      %mul3A_445 = arith.mulf %broadcast_in_dim3A_397, %get3A_444 : vector<16xf32>
      %add3A_446 = arith.addf %add3A_379, %mul3A_445 : vector<16xf32>
      %get3A_447 = arith.constant 2 : i32
      %get3A_448 = arith.index_cast %rem3A_125 : i32 to index
      %get3A_449 = arith.index_cast %get3A_447 : i32 to index
      %get3A_450 = arith.constant 112 : index
      %get3A_451 = tpu.vector_load %arg15[%get3A_448, %get3A_449, %get3A_450] {strides = array<i32>} : memref<4x32x128xf32, #tpu.memory_space<vmem>>, vector<16xf32>,
      %mul3A_452 = arith.mulf %broadcast_in_dim3A_397, %get3A_451 : vector<16xf32>
      %add3A_453 = arith.addf %add3A_386, %mul3A_452 : vector<16xf32>
      %eq3A_454 = arith.constant 3 : i32
      %eq3A_455 = vector.broadcast %eq3A_454 : i32 to vector<16xi32>
      %eq3A_456 = arith.cmpi eq, %iota3A, %eq3A_455 : vector<16xi32>
      %jit3A_457 = arith.constant 0.000000e+00 : f32
      %broadcast_in_dim3A_458 = vector.broadcast %jit3A_457 : f32 to vector<16xf32>
      %select_n3A_459 = arith.select %eq3A_456, %div3A, %broadcast_in_dim3A_458 : vector<16xi1>, vector<16xf32>
      %reduce_sum3A_460 = arith.constant true
      %reduce_sum3A_461 = vector.broadcast %reduce_sum3A_460 : i1 to vector<16xi1>
      %reduce_sum3A_462 = tpu.scan <sum>, %select_n3A_459 masked %reduce_sum3A_461 : vector<16xf32>, vector<16xi1> -> vector<16xf32>
      %reduce_sum3A_463 = vector.extract %reduce_sum3A_462[15] : f32 from vector<16xf32>
      %broadcast_in_dim3A_464 = vector.broadcast %reduce_sum3A_463 : f32 to vector<16xf32>
      %get3A_465 = arith.constant 3 : i32
      %get3A_466 = arith.index_cast %rem3A_125 : i32 to index
      %get3A_467 = arith.index_cast %get3A_465 : i32 to index
      %get3A_468 = arith.constant 0 : index
      %get3A_469 = tpu.vector_load %arg15[%get3A_466, %get3A_467, %get3A_468] {strides = array<i32>} : memref<4x32x128xf32, #tpu.memory_space<vmem>>, vector<16xf32>,
      %mul3A_470 = arith.mulf %broadcast_in_dim3A_464, %get3A_469 : vector<16xf32>
      %add3A_471 = arith.addf %add3A_404, %mul3A_470 : vector<16xf32>
      %get3A_472 = arith.constant 3 : i32
      %get3A_473 = arith.index_cast %rem3A_125 : i32 to index
      %get3A_474 = arith.index_cast %get3A_472 : i32 to index
      %get3A_475 = arith.constant 16 : index
      %get3A_476 = tpu.vector_load %arg15[%get3A_473, %get3A_474, %get3A_475] {strides = array<i32>} : memref<4x32x128xf32, #tpu.memory_space<vmem>>, vector<16xf32>,
      %mul3A_477 = arith.mulf %broadcast_in_dim3A_464, %get3A_476 : vector<16xf32>
      %add3A_478 = arith.addf %add3A_411, %mul3A_477 : vector<16xf32>
      %get3A_479 = arith.constant 3 : i32
      %get3A_480 = arith.index_cast %rem3A_125 : i32 to index
      %get3A_481 = arith.index_cast %get3A_479 : i32 to index
      %get3A_482 = arith.constant 32 : index
      %get3A_483 = tpu.vector_load %arg15[%get3A_480, %get3A_481, %get3A_482] {strides = array<i32>} : memref<4x32x128xf32, #tpu.memory_space<vmem>>, vector<16xf32>,
      %mul3A_484 = arith.mulf %broadcast_in_dim3A_464, %get3A_483 : vector<16xf32>
      %add3A_485 = arith.addf %add3A_418, %mul3A_484 : vector<16xf32>
      %get3A_486 = arith.constant 3 : i32
      %get3A_487 = arith.index_cast %rem3A_125 : i32 to index
      %get3A_488 = arith.index_cast %get3A_486 : i32 to index
      %get3A_489 = arith.constant 48 : index
      %get3A_490 = tpu.vector_load %arg15[%get3A_487, %get3A_488, %get3A_489] {strides = array<i32>} : memref<4x32x128xf32, #tpu.memory_space<vmem>>, vector<16xf32>,
      %mul3A_491 = arith.mulf %broadcast_in_dim3A_464, %get3A_490 : vector<16xf32>
      %add3A_492 = arith.addf %add3A_425, %mul3A_491 : vector<16xf32>
      %get3A_493 = arith.constant 3 : i32
      %get3A_494 = arith.index_cast %rem3A_125 : i32 to index
      %get3A_495 = arith.index_cast %get3A_493 : i32 to index
      %get3A_496 = arith.constant 64 : index
      %get3A_497 = tpu.vector_load %arg15[%get3A_494, %get3A_495, %get3A_496] {strides = array<i32>} : memref<4x32x128xf32, #tpu.memory_space<vmem>>, vector<16xf32>,
      %mul3A_498 = arith.mulf %broadcast_in_dim3A_464, %get3A_497 : vector<16xf32>
      %add3A_499 = arith.addf %add3A_432, %mul3A_498 : vector<16xf32>
      %get3A_500 = arith.constant 3 : i32
      %get3A_501 = arith.index_cast %rem3A_125 : i32 to index
      %get3A_502 = arith.index_cast %get3A_500 : i32 to index
      %get3A_503 = arith.constant 80 : index
      %get3A_504 = tpu.vector_load %arg15[%get3A_501, %get3A_502, %get3A_503] {strides = array<i32>} : memref<4x32x128xf32, #tpu.memory_space<vmem>>, vector<16xf32>,
      %mul3A_505 = arith.mulf %broadcast_in_dim3A_464, %get3A_504 : vector<16xf32>
      %add3A_506 = arith.addf %add3A_439, %mul3A_505 : vector<16xf32>
      %get3A_507 = arith.constant 3 : i32
      %get3A_508 = arith.index_cast %rem3A_125 : i32 to index
      %get3A_509 = arith.index_cast %get3A_507 : i32 to index
      %get3A_510 = arith.constant 96 : index
      %get3A_511 = tpu.vector_load %arg15[%get3A_508, %get3A_509, %get3A_510] {strides = array<i32>} : memref<4x32x128xf32, #tpu.memory_space<vmem>>, vector<16xf32>,
      %mul3A_512 = arith.mulf %broadcast_in_dim3A_464, %get3A_511 : vector<16xf32>
      %add3A_513 = arith.addf %add3A_446, %mul3A_512 : vector<16xf32>
      %get3A_514 = arith.constant 3 : i32
      %get3A_515 = arith.index_cast %rem3A_125 : i32 to index
      %get3A_516 = arith.index_cast %get3A_514 : i32 to index
      %get3A_517 = arith.constant 112 : index
      %get3A_518 = tpu.vector_load %arg15[%get3A_515, %get3A_516, %get3A_517] {strides = array<i32>} : memref<4x32x128xf32, #tpu.memory_space<vmem>>, vector<16xf32>,
      %mul3A_519 = arith.mulf %broadcast_in_dim3A_464, %get3A_518 : vector<16xf32>
      %add3A_520 = arith.addf %add3A_453, %mul3A_519 : vector<16xf32>
      %eq3A_521 = arith.constant 4 : i32
      %eq3A_522 = vector.broadcast %eq3A_521 : i32 to vector<16xi32>
      %eq3A_523 = arith.cmpi eq, %iota3A, %eq3A_522 : vector<16xi32>
      %jit3A_524 = arith.constant 0.000000e+00 : f32
      %broadcast_in_dim3A_525 = vector.broadcast %jit3A_524 : f32 to vector<16xf32>
      %select_n3A_526 = arith.select %eq3A_523, %div3A, %broadcast_in_dim3A_525 : vector<16xi1>, vector<16xf32>
      %reduce_sum3A_527 = arith.constant true
      %reduce_sum3A_528 = vector.broadcast %reduce_sum3A_527 : i1 to vector<16xi1>
      %reduce_sum3A_529 = tpu.scan <sum>, %select_n3A_526 masked %reduce_sum3A_528 : vector<16xf32>, vector<16xi1> -> vector<16xf32>
      %reduce_sum3A_530 = vector.extract %reduce_sum3A_529[15] : f32 from vector<16xf32>
      %broadcast_in_dim3A_531 = vector.broadcast %reduce_sum3A_530 : f32 to vector<16xf32>
      %get3A_532 = arith.constant 4 : i32
      %get3A_533 = arith.index_cast %rem3A_125 : i32 to index
      %get3A_534 = arith.index_cast %get3A_532 : i32 to index
      %get3A_535 = arith.constant 0 : index
      %get3A_536 = tpu.vector_load %arg15[%get3A_533, %get3A_534, %get3A_535] {strides = array<i32>} : memref<4x32x128xf32, #tpu.memory_space<vmem>>, vector<16xf32>,
      %mul3A_537 = arith.mulf %broadcast_in_dim3A_531, %get3A_536 : vector<16xf32>
      %add3A_538 = arith.addf %add3A_471, %mul3A_537 : vector<16xf32>
      %get3A_539 = arith.constant 4 : i32
      %get3A_540 = arith.index_cast %rem3A_125 : i32 to index
      %get3A_541 = arith.index_cast %get3A_539 : i32 to index
      %get3A_542 = arith.constant 16 : index
      %get3A_543 = tpu.vector_load %arg15[%get3A_540, %get3A_541, %get3A_542] {strides = array<i32>} : memref<4x32x128xf32, #tpu.memory_space<vmem>>, vector<16xf32>,
      %mul3A_544 = arith.mulf %broadcast_in_dim3A_531, %get3A_543 : vector<16xf32>
      %add3A_545 = arith.addf %add3A_478, %mul3A_544 : vector<16xf32>
      %get3A_546 = arith.constant 4 : i32
      %get3A_547 = arith.index_cast %rem3A_125 : i32 to index
      %get3A_548 = arith.index_cast %get3A_546 : i32 to index
      %get3A_549 = arith.constant 32 : index
      %get3A_550 = tpu.vector_load %arg15[%get3A_547, %get3A_548, %get3A_549] {strides = array<i32>} : memref<4x32x128xf32, #tpu.memory_space<vmem>>, vector<16xf32>,
      %mul3A_551 = arith.mulf %broadcast_in_dim3A_531, %get3A_550 : vector<16xf32>
      %add3A_552 = arith.addf %add3A_485, %mul3A_551 : vector<16xf32>
      %get3A_553 = arith.constant 4 : i32
      %get3A_554 = arith.index_cast %rem3A_125 : i32 to index
      %get3A_555 = arith.index_cast %get3A_553 : i32 to index
      %get3A_556 = arith.constant 48 : index
      %get3A_557 = tpu.vector_load %arg15[%get3A_554, %get3A_555, %get3A_556] {strides = array<i32>} : memref<4x32x128xf32, #tpu.memory_space<vmem>>, vector<16xf32>,
      %mul3A_558 = arith.mulf %broadcast_in_dim3A_531, %get3A_557 : vector<16xf32>
      %add3A_559 = arith.addf %add3A_492, %mul3A_558 : vector<16xf32>
      %get3A_560 = arith.constant 4 : i32
      %get3A_561 = arith.index_cast %rem3A_125 : i32 to index
      %get3A_562 = arith.index_cast %get3A_560 : i32 to index
      %get3A_563 = arith.constant 64 : index
      %get3A_564 = tpu.vector_load %arg15[%get3A_561, %get3A_562, %get3A_563] {strides = array<i32>} : memref<4x32x128xf32, #tpu.memory_space<vmem>>, vector<16xf32>,
      %mul3A_565 = arith.mulf %broadcast_in_dim3A_531, %get3A_564 : vector<16xf32>
      %add3A_566 = arith.addf %add3A_499, %mul3A_565 : vector<16xf32>
      %get3A_567 = arith.constant 4 : i32
      %get3A_568 = arith.index_cast %rem3A_125 : i32 to index
      %get3A_569 = arith.index_cast %get3A_567 : i32 to index
      %get3A_570 = arith.constant 80 : index
      %get3A_571 = tpu.vector_load %arg15[%get3A_568, %get3A_569, %get3A_570] {strides = array<i32>} : memref<4x32x128xf32, #tpu.memory_space<vmem>>, vector<16xf32>,
      %mul3A_572 = arith.mulf %broadcast_in_dim3A_531, %get3A_571 : vector<16xf32>
      %add3A_573 = arith.addf %add3A_506, %mul3A_572 : vector<16xf32>
      %get3A_574 = arith.constant 4 : i32
      %get3A_575 = arith.index_cast %rem3A_125 : i32 to index
      %get3A_576 = arith.index_cast %get3A_574 : i32 to index
      %get3A_577 = arith.constant 96 : index
      %get3A_578 = tpu.vector_load %arg15[%get3A_575, %get3A_576, %get3A_577] {strides = array<i32>} : memref<4x32x128xf32, #tpu.memory_space<vmem>>, vector<16xf32>,
      %mul3A_579 = arith.mulf %broadcast_in_dim3A_531, %get3A_578 : vector<16xf32>
      %add3A_580 = arith.addf %add3A_513, %mul3A_579 : vector<16xf32>
      %get3A_581 = arith.constant 4 : i32
      %get3A_582 = arith.index_cast %rem3A_125 : i32 to index
      %get3A_583 = arith.index_cast %get3A_581 : i32 to index
      %get3A_584 = arith.constant 112 : index
      %get3A_585 = tpu.vector_load %arg15[%get3A_582, %get3A_583, %get3A_584] {strides = array<i32>} : memref<4x32x128xf32, #tpu.memory_space<vmem>>, vector<16xf32>,
      %mul3A_586 = arith.mulf %broadcast_in_dim3A_531, %get3A_585 : vector<16xf32>
      %add3A_587 = arith.addf %add3A_520, %mul3A_586 : vector<16xf32>
      %eq3A_588 = arith.constant 5 : i32
      %eq3A_589 = vector.broadcast %eq3A_588 : i32 to vector<16xi32>
      %eq3A_590 = arith.cmpi eq, %iota3A, %eq3A_589 : vector<16xi32>
      %jit3A_591 = arith.constant 0.000000e+00 : f32
      %broadcast_in_dim3A_592 = vector.broadcast %jit3A_591 : f32 to vector<16xf32>
      %select_n3A_593 = arith.select %eq3A_590, %div3A, %broadcast_in_dim3A_592 : vector<16xi1>, vector<16xf32>
      %reduce_sum3A_594 = arith.constant true
      %reduce_sum3A_595 = vector.broadcast %reduce_sum3A_594 : i1 to vector<16xi1>
      %reduce_sum3A_596 = tpu.scan <sum>, %select_n3A_593 masked %reduce_sum3A_595 : vector<16xf32>, vector<16xi1> -> vector<16xf32>
      %reduce_sum3A_597 = vector.extract %reduce_sum3A_596[15] : f32 from vector<16xf32>
      %broadcast_in_dim3A_598 = vector.broadcast %reduce_sum3A_597 : f32 to vector<16xf32>
      %get3A_599 = arith.constant 5 : i32
      %get3A_600 = arith.index_cast %rem3A_125 : i32 to index
      %get3A_601 = arith.index_cast %get3A_599 : i32 to index
      %get3A_602 = arith.constant 0 : index
      %get3A_603 = tpu.vector_load %arg15[%get3A_600, %get3A_601, %get3A_602] {strides = array<i32>} : memref<4x32x128xf32, #tpu.memory_space<vmem>>, vector<16xf32>,
      %mul3A_604 = arith.mulf %broadcast_in_dim3A_598, %get3A_603 : vector<16xf32>
      %add3A_605 = arith.addf %add3A_538, %mul3A_604 : vector<16xf32>
      %get3A_606 = arith.constant 5 : i32
      %get3A_607 = arith.index_cast %rem3A_125 : i32 to index
      %get3A_608 = arith.index_cast %get3A_606 : i32 to index
      %get3A_609 = arith.constant 16 : index
      %get3A_610 = tpu.vector_load %arg15[%get3A_607, %get3A_608, %get3A_609] {strides = array<i32>} : memref<4x32x128xf32, #tpu.memory_space<vmem>>, vector<16xf32>,
      %mul3A_611 = arith.mulf %broadcast_in_dim3A_598, %get3A_610 : vector<16xf32>
      %add3A_612 = arith.addf %add3A_545, %mul3A_611 : vector<16xf32>
      %get3A_613 = arith.constant 5 : i32
      %get3A_614 = arith.index_cast %rem3A_125 : i32 to index
      %get3A_615 = arith.index_cast %get3A_613 : i32 to index
      %get3A_616 = arith.constant 32 : index
      %get3A_617 = tpu.vector_load %arg15[%get3A_614, %get3A_615, %get3A_616] {strides = array<i32>} : memref<4x32x128xf32, #tpu.memory_space<vmem>>, vector<16xf32>,
      %mul3A_618 = arith.mulf %broadcast_in_dim3A_598, %get3A_617 : vector<16xf32>
      %add3A_619 = arith.addf %add3A_552, %mul3A_618 : vector<16xf32>
      %get3A_620 = arith.constant 5 : i32
      %get3A_621 = arith.index_cast %rem3A_125 : i32 to index
      %get3A_622 = arith.index_cast %get3A_620 : i32 to index
      %get3A_623 = arith.constant 48 : index
      %get3A_624 = tpu.vector_load %arg15[%get3A_621, %get3A_622, %get3A_623] {strides = array<i32>} : memref<4x32x128xf32, #tpu.memory_space<vmem>>, vector<16xf32>,
      %mul3A_625 = arith.mulf %broadcast_in_dim3A_598, %get3A_624 : vector<16xf32>
      %add3A_626 = arith.addf %add3A_559, %mul3A_625 : vector<16xf32>
      %get3A_627 = arith.constant 5 : i32
      %get3A_628 = arith.index_cast %rem3A_125 : i32 to index
      %get3A_629 = arith.index_cast %get3A_627 : i32 to index
      %get3A_630 = arith.constant 64 : index
      %get3A_631 = tpu.vector_load %arg15[%get3A_628, %get3A_629, %get3A_630] {strides = array<i32>} : memref<4x32x128xf32, #tpu.memory_space<vmem>>, vector<16xf32>,
      %mul3A_632 = arith.mulf %broadcast_in_dim3A_598, %get3A_631 : vector<16xf32>
      %add3A_633 = arith.addf %add3A_566, %mul3A_632 : vector<16xf32>
      %get3A_634 = arith.constant 5 : i32
      %get3A_635 = arith.index_cast %rem3A_125 : i32 to index
      %get3A_636 = arith.index_cast %get3A_634 : i32 to index
      %get3A_637 = arith.constant 80 : index
      %get3A_638 = tpu.vector_load %arg15[%get3A_635, %get3A_636, %get3A_637] {strides = array<i32>} : memref<4x32x128xf32, #tpu.memory_space<vmem>>, vector<16xf32>,
      %mul3A_639 = arith.mulf %broadcast_in_dim3A_598, %get3A_638 : vector<16xf32>
      %add3A_640 = arith.addf %add3A_573, %mul3A_639 : vector<16xf32>
      %get3A_641 = arith.constant 5 : i32
      %get3A_642 = arith.index_cast %rem3A_125 : i32 to index
      %get3A_643 = arith.index_cast %get3A_641 : i32 to index
      %get3A_644 = arith.constant 96 : index
      %get3A_645 = tpu.vector_load %arg15[%get3A_642, %get3A_643, %get3A_644] {strides = array<i32>} : memref<4x32x128xf32, #tpu.memory_space<vmem>>, vector<16xf32>,
      %mul3A_646 = arith.mulf %broadcast_in_dim3A_598, %get3A_645 : vector<16xf32>
      %add3A_647 = arith.addf %add3A_580, %mul3A_646 : vector<16xf32>
      %get3A_648 = arith.constant 5 : i32
      %get3A_649 = arith.index_cast %rem3A_125 : i32 to index
      %get3A_650 = arith.index_cast %get3A_648 : i32 to index
      %get3A_651 = arith.constant 112 : index
      %get3A_652 = tpu.vector_load %arg15[%get3A_649, %get3A_650, %get3A_651] {strides = array<i32>} : memref<4x32x128xf32, #tpu.memory_space<vmem>>, vector<16xf32>,
      %mul3A_653 = arith.mulf %broadcast_in_dim3A_598, %get3A_652 : vector<16xf32>
      %add3A_654 = arith.addf %add3A_587, %mul3A_653 : vector<16xf32>
      %eq3A_655 = arith.constant 6 : i32
      %eq3A_656 = vector.broadcast %eq3A_655 : i32 to vector<16xi32>
      %eq3A_657 = arith.cmpi eq, %iota3A, %eq3A_656 : vector<16xi32>
      %jit3A_658 = arith.constant 0.000000e+00 : f32
      %broadcast_in_dim3A_659 = vector.broadcast %jit3A_658 : f32 to vector<16xf32>
      %select_n3A_660 = arith.select %eq3A_657, %div3A, %broadcast_in_dim3A_659 : vector<16xi1>, vector<16xf32>
      %reduce_sum3A_661 = arith.constant true
      %reduce_sum3A_662 = vector.broadcast %reduce_sum3A_661 : i1 to vector<16xi1>
      %reduce_sum3A_663 = tpu.scan <sum>, %select_n3A_660 masked %reduce_sum3A_662 : vector<16xf32>, vector<16xi1> -> vector<16xf32>
      %reduce_sum3A_664 = vector.extract %reduce_sum3A_663[15] : f32 from vector<16xf32>
      %broadcast_in_dim3A_665 = vector.broadcast %reduce_sum3A_664 : f32 to vector<16xf32>
      %get3A_666 = arith.constant 6 : i32
      %get3A_667 = arith.index_cast %rem3A_125 : i32 to index
      %get3A_668 = arith.index_cast %get3A_666 : i32 to index
      %get3A_669 = arith.constant 0 : index
      %get3A_670 = tpu.vector_load %arg15[%get3A_667, %get3A_668, %get3A_669] {strides = array<i32>} : memref<4x32x128xf32, #tpu.memory_space<vmem>>, vector<16xf32>,
      %mul3A_671 = arith.mulf %broadcast_in_dim3A_665, %get3A_670 : vector<16xf32>
      %add3A_672 = arith.addf %add3A_605, %mul3A_671 : vector<16xf32>
      %get3A_673 = arith.constant 6 : i32
      %get3A_674 = arith.index_cast %rem3A_125 : i32 to index
      %get3A_675 = arith.index_cast %get3A_673 : i32 to index
      %get3A_676 = arith.constant 16 : index
      %get3A_677 = tpu.vector_load %arg15[%get3A_674, %get3A_675, %get3A_676] {strides = array<i32>} : memref<4x32x128xf32, #tpu.memory_space<vmem>>, vector<16xf32>,
      %mul3A_678 = arith.mulf %broadcast_in_dim3A_665, %get3A_677 : vector<16xf32>
      %add3A_679 = arith.addf %add3A_612, %mul3A_678 : vector<16xf32>
      %get3A_680 = arith.constant 6 : i32
      %get3A_681 = arith.index_cast %rem3A_125 : i32 to index
      %get3A_682 = arith.index_cast %get3A_680 : i32 to index
      %get3A_683 = arith.constant 32 : index
      %get3A_684 = tpu.vector_load %arg15[%get3A_681, %get3A_682, %get3A_683] {strides = array<i32>} : memref<4x32x128xf32, #tpu.memory_space<vmem>>, vector<16xf32>,
      %mul3A_685 = arith.mulf %broadcast_in_dim3A_665, %get3A_684 : vector<16xf32>
      %add3A_686 = arith.addf %add3A_619, %mul3A_685 : vector<16xf32>
      %get3A_687 = arith.constant 6 : i32
      %get3A_688 = arith.index_cast %rem3A_125 : i32 to index
      %get3A_689 = arith.index_cast %get3A_687 : i32 to index
      %get3A_690 = arith.constant 48 : index
      %get3A_691 = tpu.vector_load %arg15[%get3A_688, %get3A_689, %get3A_690] {strides = array<i32>} : memref<4x32x128xf32, #tpu.memory_space<vmem>>, vector<16xf32>,
      %mul3A_692 = arith.mulf %broadcast_in_dim3A_665, %get3A_691 : vector<16xf32>
      %add3A_693 = arith.addf %add3A_626, %mul3A_692 : vector<16xf32>
      %get3A_694 = arith.constant 6 : i32
      %get3A_695 = arith.index_cast %rem3A_125 : i32 to index
      %get3A_696 = arith.index_cast %get3A_694 : i32 to index
      %get3A_697 = arith.constant 64 : index
      %get3A_698 = tpu.vector_load %arg15[%get3A_695, %get3A_696, %get3A_697] {strides = array<i32>} : memref<4x32x128xf32, #tpu.memory_space<vmem>>, vector<16xf32>,
      %mul3A_699 = arith.mulf %broadcast_in_dim3A_665, %get3A_698 : vector<16xf32>
      %add3A_700 = arith.addf %add3A_633, %mul3A_699 : vector<16xf32>
      %get3A_701 = arith.constant 6 : i32
      %get3A_702 = arith.index_cast %rem3A_125 : i32 to index
      %get3A_703 = arith.index_cast %get3A_701 : i32 to index
      %get3A_704 = arith.constant 80 : index
      %get3A_705 = tpu.vector_load %arg15[%get3A_702, %get3A_703, %get3A_704] {strides = array<i32>} : memref<4x32x128xf32, #tpu.memory_space<vmem>>, vector<16xf32>,
      %mul3A_706 = arith.mulf %broadcast_in_dim3A_665, %get3A_705 : vector<16xf32>
      %add3A_707 = arith.addf %add3A_640, %mul3A_706 : vector<16xf32>
      %get3A_708 = arith.constant 6 : i32
      %get3A_709 = arith.index_cast %rem3A_125 : i32 to index
      %get3A_710 = arith.index_cast %get3A_708 : i32 to index
      %get3A_711 = arith.constant 96 : index
      %get3A_712 = tpu.vector_load %arg15[%get3A_709, %get3A_710, %get3A_711] {strides = array<i32>} : memref<4x32x128xf32, #tpu.memory_space<vmem>>, vector<16xf32>,
      %mul3A_713 = arith.mulf %broadcast_in_dim3A_665, %get3A_712 : vector<16xf32>
      %add3A_714 = arith.addf %add3A_647, %mul3A_713 : vector<16xf32>
      %get3A_715 = arith.constant 6 : i32
      %get3A_716 = arith.index_cast %rem3A_125 : i32 to index
      %get3A_717 = arith.index_cast %get3A_715 : i32 to index
      %get3A_718 = arith.constant 112 : index
      %get3A_719 = tpu.vector_load %arg15[%get3A_716, %get3A_717, %get3A_718] {strides = array<i32>} : memref<4x32x128xf32, #tpu.memory_space<vmem>>, vector<16xf32>,
      %mul3A_720 = arith.mulf %broadcast_in_dim3A_665, %get3A_719 : vector<16xf32>
      %add3A_721 = arith.addf %add3A_654, %mul3A_720 : vector<16xf32>
      %eq3A_722 = arith.constant 7 : i32
      %eq3A_723 = vector.broadcast %eq3A_722 : i32 to vector<16xi32>
      %eq3A_724 = arith.cmpi eq, %iota3A, %eq3A_723 : vector<16xi32>
      %jit3A_725 = arith.constant 0.000000e+00 : f32
      %broadcast_in_dim3A_726 = vector.broadcast %jit3A_725 : f32 to vector<16xf32>
      %select_n3A_727 = arith.select %eq3A_724, %div3A, %broadcast_in_dim3A_726 : vector<16xi1>, vector<16xf32>
      %reduce_sum3A_728 = arith.constant true
      %reduce_sum3A_729 = vector.broadcast %reduce_sum3A_728 : i1 to vector<16xi1>
      %reduce_sum3A_730 = tpu.scan <sum>, %select_n3A_727 masked %reduce_sum3A_729 : vector<16xf32>, vector<16xi1> -> vector<16xf32>
      %reduce_sum3A_731 = vector.extract %reduce_sum3A_730[15] : f32 from vector<16xf32>
      %broadcast_in_dim3A_732 = vector.broadcast %reduce_sum3A_731 : f32 to vector<16xf32>
      %get3A_733 = arith.constant 7 : i32
      %get3A_734 = arith.index_cast %rem3A_125 : i32 to index
      %get3A_735 = arith.index_cast %get3A_733 : i32 to index
      %get3A_736 = arith.constant 0 : index
      %get3A_737 = tpu.vector_load %arg15[%get3A_734, %get3A_735, %get3A_736] {strides = array<i32>} : memref<4x32x128xf32, #tpu.memory_space<vmem>>, vector<16xf32>,
      %mul3A_738 = arith.mulf %broadcast_in_dim3A_732, %get3A_737 : vector<16xf32>
      %add3A_739 = arith.addf %add3A_672, %mul3A_738 : vector<16xf32>
      %get3A_740 = arith.constant 7 : i32
      %get3A_741 = arith.index_cast %rem3A_125 : i32 to index
      %get3A_742 = arith.index_cast %get3A_740 : i32 to index
      %get3A_743 = arith.constant 16 : index
      %get3A_744 = tpu.vector_load %arg15[%get3A_741, %get3A_742, %get3A_743] {strides = array<i32>} : memref<4x32x128xf32, #tpu.memory_space<vmem>>, vector<16xf32>,
      %mul3A_745 = arith.mulf %broadcast_in_dim3A_732, %get3A_744 : vector<16xf32>
      %add3A_746 = arith.addf %add3A_679, %mul3A_745 : vector<16xf32>
      %get3A_747 = arith.constant 7 : i32
      %get3A_748 = arith.index_cast %rem3A_125 : i32 to index
      %get3A_749 = arith.index_cast %get3A_747 : i32 to index
      %get3A_750 = arith.constant 32 : index
      %get3A_751 = tpu.vector_load %arg15[%get3A_748, %get3A_749, %get3A_750] {strides = array<i32>} : memref<4x32x128xf32, #tpu.memory_space<vmem>>, vector<16xf32>,
      %mul3A_752 = arith.mulf %broadcast_in_dim3A_732, %get3A_751 : vector<16xf32>
      %add3A_753 = arith.addf %add3A_686, %mul3A_752 : vector<16xf32>
      %get3A_754 = arith.constant 7 : i32
      %get3A_755 = arith.index_cast %rem3A_125 : i32 to index
      %get3A_756 = arith.index_cast %get3A_754 : i32 to index
      %get3A_757 = arith.constant 48 : index
      %get3A_758 = tpu.vector_load %arg15[%get3A_755, %get3A_756, %get3A_757] {strides = array<i32>} : memref<4x32x128xf32, #tpu.memory_space<vmem>>, vector<16xf32>,
      %mul3A_759 = arith.mulf %broadcast_in_dim3A_732, %get3A_758 : vector<16xf32>
      %add3A_760 = arith.addf %add3A_693, %mul3A_759 : vector<16xf32>
      %get3A_761 = arith.constant 7 : i32
      %get3A_762 = arith.index_cast %rem3A_125 : i32 to index
      %get3A_763 = arith.index_cast %get3A_761 : i32 to index
      %get3A_764 = arith.constant 64 : index
      %get3A_765 = tpu.vector_load %arg15[%get3A_762, %get3A_763, %get3A_764] {strides = array<i32>} : memref<4x32x128xf32, #tpu.memory_space<vmem>>, vector<16xf32>,
      %mul3A_766 = arith.mulf %broadcast_in_dim3A_732, %get3A_765 : vector<16xf32>
      %add3A_767 = arith.addf %add3A_700, %mul3A_766 : vector<16xf32>
      %get3A_768 = arith.constant 7 : i32
      %get3A_769 = arith.index_cast %rem3A_125 : i32 to index
      %get3A_770 = arith.index_cast %get3A_768 : i32 to index
      %get3A_771 = arith.constant 80 : index
      %get3A_772 = tpu.vector_load %arg15[%get3A_769, %get3A_770, %get3A_771] {strides = array<i32>} : memref<4x32x128xf32, #tpu.memory_space<vmem>>, vector<16xf32>,
      %mul3A_773 = arith.mulf %broadcast_in_dim3A_732, %get3A_772 : vector<16xf32>
      %add3A_774 = arith.addf %add3A_707, %mul3A_773 : vector<16xf32>
      %get3A_775 = arith.constant 7 : i32
      %get3A_776 = arith.index_cast %rem3A_125 : i32 to index
      %get3A_777 = arith.index_cast %get3A_775 : i32 to index
      %get3A_778 = arith.constant 96 : index
      %get3A_779 = tpu.vector_load %arg15[%get3A_776, %get3A_777, %get3A_778] {strides = array<i32>} : memref<4x32x128xf32, #tpu.memory_space<vmem>>, vector<16xf32>,
      %mul3A_780 = arith.mulf %broadcast_in_dim3A_732, %get3A_779 : vector<16xf32>
      %add3A_781 = arith.addf %add3A_714, %mul3A_780 : vector<16xf32>
      %get3A_782 = arith.constant 7 : i32
      %get3A_783 = arith.index_cast %rem3A_125 : i32 to index
      %get3A_784 = arith.index_cast %get3A_782 : i32 to index
      %get3A_785 = arith.constant 112 : index
      %get3A_786 = tpu.vector_load %arg15[%get3A_783, %get3A_784, %get3A_785] {strides = array<i32>} : memref<4x32x128xf32, #tpu.memory_space<vmem>>, vector<16xf32>,
      %mul3A_787 = arith.mulf %broadcast_in_dim3A_732, %get3A_786 : vector<16xf32>
      %add3A_788 = arith.addf %add3A_721, %mul3A_787 : vector<16xf32>
      %eq3A_789 = arith.constant 8 : i32
      %eq3A_790 = vector.broadcast %eq3A_789 : i32 to vector<16xi32>
      %eq3A_791 = arith.cmpi eq, %iota3A, %eq3A_790 : vector<16xi32>
      %jit3A_792 = arith.constant 0.000000e+00 : f32
      %broadcast_in_dim3A_793 = vector.broadcast %jit3A_792 : f32 to vector<16xf32>
      %select_n3A_794 = arith.select %eq3A_791, %div3A, %broadcast_in_dim3A_793 : vector<16xi1>, vector<16xf32>
      %reduce_sum3A_795 = arith.constant true
      %reduce_sum3A_796 = vector.broadcast %reduce_sum3A_795 : i1 to vector<16xi1>
      %reduce_sum3A_797 = tpu.scan <sum>, %select_n3A_794 masked %reduce_sum3A_796 : vector<16xf32>, vector<16xi1> -> vector<16xf32>
      %reduce_sum3A_798 = vector.extract %reduce_sum3A_797[15] : f32 from vector<16xf32>
      %broadcast_in_dim3A_799 = vector.broadcast %reduce_sum3A_798 : f32 to vector<16xf32>
      %get3A_800 = arith.constant 8 : i32
      %get3A_801 = arith.index_cast %rem3A_125 : i32 to index
      %get3A_802 = arith.index_cast %get3A_800 : i32 to index
      %get3A_803 = arith.constant 0 : index
      %get3A_804 = tpu.vector_load %arg15[%get3A_801, %get3A_802, %get3A_803] {strides = array<i32>} : memref<4x32x128xf32, #tpu.memory_space<vmem>>, vector<16xf32>,
      %mul3A_805 = arith.mulf %broadcast_in_dim3A_799, %get3A_804 : vector<16xf32>
      %add3A_806 = arith.addf %add3A_739, %mul3A_805 : vector<16xf32>
      %get3A_807 = arith.constant 8 : i32
      %get3A_808 = arith.index_cast %rem3A_125 : i32 to index
      %get3A_809 = arith.index_cast %get3A_807 : i32 to index
      %get3A_810 = arith.constant 16 : index
      %get3A_811 = tpu.vector_load %arg15[%get3A_808, %get3A_809, %get3A_810] {strides = array<i32>} : memref<4x32x128xf32, #tpu.memory_space<vmem>>, vector<16xf32>,
      %mul3A_812 = arith.mulf %broadcast_in_dim3A_799, %get3A_811 : vector<16xf32>
      %add3A_813 = arith.addf %add3A_746, %mul3A_812 : vector<16xf32>
      %get3A_814 = arith.constant 8 : i32
      %get3A_815 = arith.index_cast %rem3A_125 : i32 to index
      %get3A_816 = arith.index_cast %get3A_814 : i32 to index
      %get3A_817 = arith.constant 32 : index
      %get3A_818 = tpu.vector_load %arg15[%get3A_815, %get3A_816, %get3A_817] {strides = array<i32>} : memref<4x32x128xf32, #tpu.memory_space<vmem>>, vector<16xf32>,
      %mul3A_819 = arith.mulf %broadcast_in_dim3A_799, %get3A_818 : vector<16xf32>
      %add3A_820 = arith.addf %add3A_753, %mul3A_819 : vector<16xf32>
      %get3A_821 = arith.constant 8 : i32
      %get3A_822 = arith.index_cast %rem3A_125 : i32 to index
      %get3A_823 = arith.index_cast %get3A_821 : i32 to index
      %get3A_824 = arith.constant 48 : index
      %get3A_825 = tpu.vector_load %arg15[%get3A_822, %get3A_823, %get3A_824] {strides = array<i32>} : memref<4x32x128xf32, #tpu.memory_space<vmem>>, vector<16xf32>,
      %mul3A_826 = arith.mulf %broadcast_in_dim3A_799, %get3A_825 : vector<16xf32>
      %add3A_827 = arith.addf %add3A_760, %mul3A_826 : vector<16xf32>
      %get3A_828 = arith.constant 8 : i32
      %get3A_829 = arith.index_cast %rem3A_125 : i32 to index
      %get3A_830 = arith.index_cast %get3A_828 : i32 to index
      %get3A_831 = arith.constant 64 : index
      %get3A_832 = tpu.vector_load %arg15[%get3A_829, %get3A_830, %get3A_831] {strides = array<i32>} : memref<4x32x128xf32, #tpu.memory_space<vmem>>, vector<16xf32>,
      %mul3A_833 = arith.mulf %broadcast_in_dim3A_799, %get3A_832 : vector<16xf32>
      %add3A_834 = arith.addf %add3A_767, %mul3A_833 : vector<16xf32>
      %get3A_835 = arith.constant 8 : i32
      %get3A_836 = arith.index_cast %rem3A_125 : i32 to index
      %get3A_837 = arith.index_cast %get3A_835 : i32 to index
      %get3A_838 = arith.constant 80 : index
      %get3A_839 = tpu.vector_load %arg15[%get3A_836, %get3A_837, %get3A_838] {strides = array<i32>} : memref<4x32x128xf32, #tpu.memory_space<vmem>>, vector<16xf32>,
      %mul3A_840 = arith.mulf %broadcast_in_dim3A_799, %get3A_839 : vector<16xf32>
      %add3A_841 = arith.addf %add3A_774, %mul3A_840 : vector<16xf32>
      %get3A_842 = arith.constant 8 : i32
      %get3A_843 = arith.index_cast %rem3A_125 : i32 to index
      %get3A_844 = arith.index_cast %get3A_842 : i32 to index
      %get3A_845 = arith.constant 96 : index
      %get3A_846 = tpu.vector_load %arg15[%get3A_843, %get3A_844, %get3A_845] {strides = array<i32>} : memref<4x32x128xf32, #tpu.memory_space<vmem>>, vector<16xf32>,
      %mul3A_847 = arith.mulf %broadcast_in_dim3A_799, %get3A_846 : vector<16xf32>
      %add3A_848 = arith.addf %add3A_781, %mul3A_847 : vector<16xf32>
      %get3A_849 = arith.constant 8 : i32
      %get3A_850 = arith.index_cast %rem3A_125 : i32 to index
      %get3A_851 = arith.index_cast %get3A_849 : i32 to index
      %get3A_852 = arith.constant 112 : index
      %get3A_853 = tpu.vector_load %arg15[%get3A_850, %get3A_851, %get3A_852] {strides = array<i32>} : memref<4x32x128xf32, #tpu.memory_space<vmem>>, vector<16xf32>,
      %mul3A_854 = arith.mulf %broadcast_in_dim3A_799, %get3A_853 : vector<16xf32>
      %add3A_855 = arith.addf %add3A_788, %mul3A_854 : vector<16xf32>
      %eq3A_856 = arith.constant 9 : i32
      %eq3A_857 = vector.broadcast %eq3A_856 : i32 to vector<16xi32>
      %eq3A_858 = arith.cmpi eq, %iota3A, %eq3A_857 : vector<16xi32>
      %jit3A_859 = arith.constant 0.000000e+00 : f32
      %broadcast_in_dim3A_860 = vector.broadcast %jit3A_859 : f32 to vector<16xf32>
      %select_n3A_861 = arith.select %eq3A_858, %div3A, %broadcast_in_dim3A_860 : vector<16xi1>, vector<16xf32>
      %reduce_sum3A_862 = arith.constant true
      %reduce_sum3A_863 = vector.broadcast %reduce_sum3A_862 : i1 to vector<16xi1>
      %reduce_sum3A_864 = tpu.scan <sum>, %select_n3A_861 masked %reduce_sum3A_863 : vector<16xf32>, vector<16xi1> -> vector<16xf32>
      %reduce_sum3A_865 = vector.extract %reduce_sum3A_864[15] : f32 from vector<16xf32>
      %broadcast_in_dim3A_866 = vector.broadcast %reduce_sum3A_865 : f32 to vector<16xf32>
      %get3A_867 = arith.constant 9 : i32
      %get3A_868 = arith.index_cast %rem3A_125 : i32 to index
      %get3A_869 = arith.index_cast %get3A_867 : i32 to index
      %get3A_870 = arith.constant 0 : index
      %get3A_871 = tpu.vector_load %arg15[%get3A_868, %get3A_869, %get3A_870] {strides = array<i32>} : memref<4x32x128xf32, #tpu.memory_space<vmem>>, vector<16xf32>,
      %mul3A_872 = arith.mulf %broadcast_in_dim3A_866, %get3A_871 : vector<16xf32>
      %add3A_873 = arith.addf %add3A_806, %mul3A_872 : vector<16xf32>
      %get3A_874 = arith.constant 9 : i32
      %get3A_875 = arith.index_cast %rem3A_125 : i32 to index
      %get3A_876 = arith.index_cast %get3A_874 : i32 to index
      %get3A_877 = arith.constant 16 : index
      %get3A_878 = tpu.vector_load %arg15[%get3A_875, %get3A_876, %get3A_877] {strides = array<i32>} : memref<4x32x128xf32, #tpu.memory_space<vmem>>, vector<16xf32>,
      %mul3A_879 = arith.mulf %broadcast_in_dim3A_866, %get3A_878 : vector<16xf32>
      %add3A_880 = arith.addf %add3A_813, %mul3A_879 : vector<16xf32>
      %get3A_881 = arith.constant 9 : i32
      %get3A_882 = arith.index_cast %rem3A_125 : i32 to index
      %get3A_883 = arith.index_cast %get3A_881 : i32 to index
      %get3A_884 = arith.constant 32 : index
      %get3A_885 = tpu.vector_load %arg15[%get3A_882, %get3A_883, %get3A_884] {strides = array<i32>} : memref<4x32x128xf32, #tpu.memory_space<vmem>>, vector<16xf32>,
      %mul3A_886 = arith.mulf %broadcast_in_dim3A_866, %get3A_885 : vector<16xf32>
      %add3A_887 = arith.addf %add3A_820, %mul3A_886 : vector<16xf32>
      %get3A_888 = arith.constant 9 : i32
      %get3A_889 = arith.index_cast %rem3A_125 : i32 to index
      %get3A_890 = arith.index_cast %get3A_888 : i32 to index
      %get3A_891 = arith.constant 48 : index
      %get3A_892 = tpu.vector_load %arg15[%get3A_889, %get3A_890, %get3A_891] {strides = array<i32>} : memref<4x32x128xf32, #tpu.memory_space<vmem>>, vector<16xf32>,
      %mul3A_893 = arith.mulf %broadcast_in_dim3A_866, %get3A_892 : vector<16xf32>
      %add3A_894 = arith.addf %add3A_827, %mul3A_893 : vector<16xf32>
      %get3A_895 = arith.constant 9 : i32
      %get3A_896 = arith.index_cast %rem3A_125 : i32 to index
      %get3A_897 = arith.index_cast %get3A_895 : i32 to index
      %get3A_898 = arith.constant 64 : index
      %get3A_899 = tpu.vector_load %arg15[%get3A_896, %get3A_897, %get3A_898] {strides = array<i32>} : memref<4x32x128xf32, #tpu.memory_space<vmem>>, vector<16xf32>,
      %mul3A_900 = arith.mulf %broadcast_in_dim3A_866, %get3A_899 : vector<16xf32>
      %add3A_901 = arith.addf %add3A_834, %mul3A_900 : vector<16xf32>
      %get3A_902 = arith.constant 9 : i32
      %get3A_903 = arith.index_cast %rem3A_125 : i32 to index
      %get3A_904 = arith.index_cast %get3A_902 : i32 to index
      %get3A_905 = arith.constant 80 : index
      %get3A_906 = tpu.vector_load %arg15[%get3A_903, %get3A_904, %get3A_905] {strides = array<i32>} : memref<4x32x128xf32, #tpu.memory_space<vmem>>, vector<16xf32>,
      %mul3A_907 = arith.mulf %broadcast_in_dim3A_866, %get3A_906 : vector<16xf32>
      %add3A_908 = arith.addf %add3A_841, %mul3A_907 : vector<16xf32>
      %get3A_909 = arith.constant 9 : i32
      %get3A_910 = arith.index_cast %rem3A_125 : i32 to index
      %get3A_911 = arith.index_cast %get3A_909 : i32 to index
      %get3A_912 = arith.constant 96 : index
      %get3A_913 = tpu.vector_load %arg15[%get3A_910, %get3A_911, %get3A_912] {strides = array<i32>} : memref<4x32x128xf32, #tpu.memory_space<vmem>>, vector<16xf32>,
      %mul3A_914 = arith.mulf %broadcast_in_dim3A_866, %get3A_913 : vector<16xf32>
      %add3A_915 = arith.addf %add3A_848, %mul3A_914 : vector<16xf32>
      %get3A_916 = arith.constant 9 : i32
      %get3A_917 = arith.index_cast %rem3A_125 : i32 to index
      %get3A_918 = arith.index_cast %get3A_916 : i32 to index
      %get3A_919 = arith.constant 112 : index
      %get3A_920 = tpu.vector_load %arg15[%get3A_917, %get3A_918, %get3A_919] {strides = array<i32>} : memref<4x32x128xf32, #tpu.memory_space<vmem>>, vector<16xf32>,
      %mul3A_921 = arith.mulf %broadcast_in_dim3A_866, %get3A_920 : vector<16xf32>
      %add3A_922 = arith.addf %add3A_855, %mul3A_921 : vector<16xf32>
      %eq3A_923 = arith.constant 10 : i32
      %eq3A_924 = vector.broadcast %eq3A_923 : i32 to vector<16xi32>
      %eq3A_925 = arith.cmpi eq, %iota3A, %eq3A_924 : vector<16xi32>
      %jit3A_926 = arith.constant 0.000000e+00 : f32
      %broadcast_in_dim3A_927 = vector.broadcast %jit3A_926 : f32 to vector<16xf32>
      %select_n3A_928 = arith.select %eq3A_925, %div3A, %broadcast_in_dim3A_927 : vector<16xi1>, vector<16xf32>
      %reduce_sum3A_929 = arith.constant true
      %reduce_sum3A_930 = vector.broadcast %reduce_sum3A_929 : i1 to vector<16xi1>
      %reduce_sum3A_931 = tpu.scan <sum>, %select_n3A_928 masked %reduce_sum3A_930 : vector<16xf32>, vector<16xi1> -> vector<16xf32>
      %reduce_sum3A_932 = vector.extract %reduce_sum3A_931[15] : f32 from vector<16xf32>
      %broadcast_in_dim3A_933 = vector.broadcast %reduce_sum3A_932 : f32 to vector<16xf32>
      %get3A_934 = arith.constant 10 : i32
      %get3A_935 = arith.index_cast %rem3A_125 : i32 to index
      %get3A_936 = arith.index_cast %get3A_934 : i32 to index
      %get3A_937 = arith.constant 0 : index
      %get3A_938 = tpu.vector_load %arg15[%get3A_935, %get3A_936, %get3A_937] {strides = array<i32>} : memref<4x32x128xf32, #tpu.memory_space<vmem>>, vector<16xf32>,
      %mul3A_939 = arith.mulf %broadcast_in_dim3A_933, %get3A_938 : vector<16xf32>
      %add3A_940 = arith.addf %add3A_873, %mul3A_939 : vector<16xf32>
      %get3A_941 = arith.constant 10 : i32
      %get3A_942 = arith.index_cast %rem3A_125 : i32 to index
      %get3A_943 = arith.index_cast %get3A_941 : i32 to index
      %get3A_944 = arith.constant 16 : index
      %get3A_945 = tpu.vector_load %arg15[%get3A_942, %get3A_943, %get3A_944] {strides = array<i32>} : memref<4x32x128xf32, #tpu.memory_space<vmem>>, vector<16xf32>,
      %mul3A_946 = arith.mulf %broadcast_in_dim3A_933, %get3A_945 : vector<16xf32>
      %add3A_947 = arith.addf %add3A_880, %mul3A_946 : vector<16xf32>
      %get3A_948 = arith.constant 10 : i32
      %get3A_949 = arith.index_cast %rem3A_125 : i32 to index
      %get3A_950 = arith.index_cast %get3A_948 : i32 to index
      %get3A_951 = arith.constant 32 : index
      %get3A_952 = tpu.vector_load %arg15[%get3A_949, %get3A_950, %get3A_951] {strides = array<i32>} : memref<4x32x128xf32, #tpu.memory_space<vmem>>, vector<16xf32>,
      %mul3A_953 = arith.mulf %broadcast_in_dim3A_933, %get3A_952 : vector<16xf32>
      %add3A_954 = arith.addf %add3A_887, %mul3A_953 : vector<16xf32>
      %get3A_955 = arith.constant 10 : i32
      %get3A_956 = arith.index_cast %rem3A_125 : i32 to index
      %get3A_957 = arith.index_cast %get3A_955 : i32 to index
      %get3A_958 = arith.constant 48 : index
      %get3A_959 = tpu.vector_load %arg15[%get3A_956, %get3A_957, %get3A_958] {strides = array<i32>} : memref<4x32x128xf32, #tpu.memory_space<vmem>>, vector<16xf32>,
      %mul3A_960 = arith.mulf %broadcast_in_dim3A_933, %get3A_959 : vector<16xf32>
      %add3A_961 = arith.addf %add3A_894, %mul3A_960 : vector<16xf32>
      %get3A_962 = arith.constant 10 : i32
      %get3A_963 = arith.index_cast %rem3A_125 : i32 to index
      %get3A_964 = arith.index_cast %get3A_962 : i32 to index
      %get3A_965 = arith.constant 64 : index
      %get3A_966 = tpu.vector_load %arg15[%get3A_963, %get3A_964, %get3A_965] {strides = array<i32>} : memref<4x32x128xf32, #tpu.memory_space<vmem>>, vector<16xf32>,
      %mul3A_967 = arith.mulf %broadcast_in_dim3A_933, %get3A_966 : vector<16xf32>
      %add3A_968 = arith.addf %add3A_901, %mul3A_967 : vector<16xf32>
      %get3A_969 = arith.constant 10 : i32
      %get3A_970 = arith.index_cast %rem3A_125 : i32 to index
      %get3A_971 = arith.index_cast %get3A_969 : i32 to index
      %get3A_972 = arith.constant 80 : index
      %get3A_973 = tpu.vector_load %arg15[%get3A_970, %get3A_971, %get3A_972] {strides = array<i32>} : memref<4x32x128xf32, #tpu.memory_space<vmem>>, vector<16xf32>,
      %mul3A_974 = arith.mulf %broadcast_in_dim3A_933, %get3A_973 : vector<16xf32>
      %add3A_975 = arith.addf %add3A_908, %mul3A_974 : vector<16xf32>
      %get3A_976 = arith.constant 10 : i32
      %get3A_977 = arith.index_cast %rem3A_125 : i32 to index
      %get3A_978 = arith.index_cast %get3A_976 : i32 to index
      %get3A_979 = arith.constant 96 : index
      %get3A_980 = tpu.vector_load %arg15[%get3A_977, %get3A_978, %get3A_979] {strides = array<i32>} : memref<4x32x128xf32, #tpu.memory_space<vmem>>, vector<16xf32>,
      %mul3A_981 = arith.mulf %broadcast_in_dim3A_933, %get3A_980 : vector<16xf32>
      %add3A_982 = arith.addf %add3A_915, %mul3A_981 : vector<16xf32>
      %get3A_983 = arith.constant 10 : i32
      %get3A_984 = arith.index_cast %rem3A_125 : i32 to index
      %get3A_985 = arith.index_cast %get3A_983 : i32 to index
      %get3A_986 = arith.constant 112 : index
      %get3A_987 = tpu.vector_load %arg15[%get3A_984, %get3A_985, %get3A_986] {strides = array<i32>} : memref<4x32x128xf32, #tpu.memory_space<vmem>>, vector<16xf32>,
      %mul3A_988 = arith.mulf %broadcast_in_dim3A_933, %get3A_987 : vector<16xf32>
      %add3A_989 = arith.addf %add3A_922, %mul3A_988 : vector<16xf32>
      %eq3A_990 = arith.constant 11 : i32
      %eq3A_991 = vector.broadcast %eq3A_990 : i32 to vector<16xi32>
      %eq3A_992 = arith.cmpi eq, %iota3A, %eq3A_991 : vector<16xi32>
      %jit3A_993 = arith.constant 0.000000e+00 : f32
      %broadcast_in_dim3A_994 = vector.broadcast %jit3A_993 : f32 to vector<16xf32>
      %select_n3A_995 = arith.select %eq3A_992, %div3A, %broadcast_in_dim3A_994 : vector<16xi1>, vector<16xf32>
      %reduce_sum3A_996 = arith.constant true
      %reduce_sum3A_997 = vector.broadcast %reduce_sum3A_996 : i1 to vector<16xi1>
      %reduce_sum3A_998 = tpu.scan <sum>, %select_n3A_995 masked %reduce_sum3A_997 : vector<16xf32>, vector<16xi1> -> vector<16xf32>
      %reduce_sum3A_999 = vector.extract %reduce_sum3A_998[15] : f32 from vector<16xf32>
      %broadcast_in_dim3A_1000 = vector.broadcast %reduce_sum3A_999 : f32 to vector<16xf32>
      %get3A_1001 = arith.constant 11 : i32
      %get3A_1002 = arith.index_cast %rem3A_125 : i32 to index
      %get3A_1003 = arith.index_cast %get3A_1001 : i32 to index
      %get3A_1004 = arith.constant 0 : index
      %get3A_1005 = tpu.vector_load %arg15[%get3A_1002, %get3A_1003, %get3A_1004] {strides = array<i32>} : memref<4x32x128xf32, #tpu.memory_space<vmem>>, vector<16xf32>,
      %mul3A_1006 = arith.mulf %broadcast_in_dim3A_1000, %get3A_1005 : vector<16xf32>
      %add3A_1007 = arith.addf %add3A_940, %mul3A_1006 : vector<16xf32>
      %get3A_1008 = arith.constant 11 : i32
      %get3A_1009 = arith.index_cast %rem3A_125 : i32 to index
      %get3A_1010 = arith.index_cast %get3A_1008 : i32 to index
      %get3A_1011 = arith.constant 16 : index
      %get3A_1012 = tpu.vector_load %arg15[%get3A_1009, %get3A_1010, %get3A_1011] {strides = array<i32>} : memref<4x32x128xf32, #tpu.memory_space<vmem>>, vector<16xf32>,
      %mul3A_1013 = arith.mulf %broadcast_in_dim3A_1000, %get3A_1012 : vector<16xf32>
      %add3A_1014 = arith.addf %add3A_947, %mul3A_1013 : vector<16xf32>
      %get3A_1015 = arith.constant 11 : i32
      %get3A_1016 = arith.index_cast %rem3A_125 : i32 to index
      %get3A_1017 = arith.index_cast %get3A_1015 : i32 to index
      %get3A_1018 = arith.constant 32 : index
      %get3A_1019 = tpu.vector_load %arg15[%get3A_1016, %get3A_1017, %get3A_1018] {strides = array<i32>} : memref<4x32x128xf32, #tpu.memory_space<vmem>>, vector<16xf32>,
      %mul3A_1020 = arith.mulf %broadcast_in_dim3A_1000, %get3A_1019 : vector<16xf32>
      %add3A_1021 = arith.addf %add3A_954, %mul3A_1020 : vector<16xf32>
      %get3A_1022 = arith.constant 11 : i32
      %get3A_1023 = arith.index_cast %rem3A_125 : i32 to index
      %get3A_1024 = arith.index_cast %get3A_1022 : i32 to index
      %get3A_1025 = arith.constant 48 : index
      %get3A_1026 = tpu.vector_load %arg15[%get3A_1023, %get3A_1024, %get3A_1025] {strides = array<i32>} : memref<4x32x128xf32, #tpu.memory_space<vmem>>, vector<16xf32>,
      %mul3A_1027 = arith.mulf %broadcast_in_dim3A_1000, %get3A_1026 : vector<16xf32>
      %add3A_1028 = arith.addf %add3A_961, %mul3A_1027 : vector<16xf32>
      %get3A_1029 = arith.constant 11 : i32
      %get3A_1030 = arith.index_cast %rem3A_125 : i32 to index
      %get3A_1031 = arith.index_cast %get3A_1029 : i32 to index
      %get3A_1032 = arith.constant 64 : index
      %get3A_1033 = tpu.vector_load %arg15[%get3A_1030, %get3A_1031, %get3A_1032] {strides = array<i32>} : memref<4x32x128xf32, #tpu.memory_space<vmem>>, vector<16xf32>,
      %mul3A_1034 = arith.mulf %broadcast_in_dim3A_1000, %get3A_1033 : vector<16xf32>
      %add3A_1035 = arith.addf %add3A_968, %mul3A_1034 : vector<16xf32>
      %get3A_1036 = arith.constant 11 : i32
      %get3A_1037 = arith.index_cast %rem3A_125 : i32 to index
      %get3A_1038 = arith.index_cast %get3A_1036 : i32 to index
      %get3A_1039 = arith.constant 80 : index
      %get3A_1040 = tpu.vector_load %arg15[%get3A_1037, %get3A_1038, %get3A_1039] {strides = array<i32>} : memref<4x32x128xf32, #tpu.memory_space<vmem>>, vector<16xf32>,
      %mul3A_1041 = arith.mulf %broadcast_in_dim3A_1000, %get3A_1040 : vector<16xf32>
      %add3A_1042 = arith.addf %add3A_975, %mul3A_1041 : vector<16xf32>
      %get3A_1043 = arith.constant 11 : i32
      %get3A_1044 = arith.index_cast %rem3A_125 : i32 to index
      %get3A_1045 = arith.index_cast %get3A_1043 : i32 to index
      %get3A_1046 = arith.constant 96 : index
      %get3A_1047 = tpu.vector_load %arg15[%get3A_1044, %get3A_1045, %get3A_1046] {strides = array<i32>} : memref<4x32x128xf32, #tpu.memory_space<vmem>>, vector<16xf32>,
      %mul3A_1048 = arith.mulf %broadcast_in_dim3A_1000, %get3A_1047 : vector<16xf32>
      %add3A_1049 = arith.addf %add3A_982, %mul3A_1048 : vector<16xf32>
      %get3A_1050 = arith.constant 11 : i32
      %get3A_1051 = arith.index_cast %rem3A_125 : i32 to index
      %get3A_1052 = arith.index_cast %get3A_1050 : i32 to index
      %get3A_1053 = arith.constant 112 : index
      %get3A_1054 = tpu.vector_load %arg15[%get3A_1051, %get3A_1052, %get3A_1053] {strides = array<i32>} : memref<4x32x128xf32, #tpu.memory_space<vmem>>, vector<16xf32>,
      %mul3A_1055 = arith.mulf %broadcast_in_dim3A_1000, %get3A_1054 : vector<16xf32>
      %add3A_1056 = arith.addf %add3A_989, %mul3A_1055 : vector<16xf32>
      %eq3A_1057 = arith.constant 12 : i32
      %eq3A_1058 = vector.broadcast %eq3A_1057 : i32 to vector<16xi32>
      %eq3A_1059 = arith.cmpi eq, %iota3A, %eq3A_1058 : vector<16xi32>
      %jit3A_1060 = arith.constant 0.000000e+00 : f32
      %broadcast_in_dim3A_1061 = vector.broadcast %jit3A_1060 : f32 to vector<16xf32>
      %select_n3A_1062 = arith.select %eq3A_1059, %div3A, %broadcast_in_dim3A_1061 : vector<16xi1>, vector<16xf32>
      %reduce_sum3A_1063 = arith.constant true
      %reduce_sum3A_1064 = vector.broadcast %reduce_sum3A_1063 : i1 to vector<16xi1>
      %reduce_sum3A_1065 = tpu.scan <sum>, %select_n3A_1062 masked %reduce_sum3A_1064 : vector<16xf32>, vector<16xi1> -> vector<16xf32>
      %reduce_sum3A_1066 = vector.extract %reduce_sum3A_1065[15] : f32 from vector<16xf32>
      %broadcast_in_dim3A_1067 = vector.broadcast %reduce_sum3A_1066 : f32 to vector<16xf32>
      %get3A_1068 = arith.constant 12 : i32
      %get3A_1069 = arith.index_cast %rem3A_125 : i32 to index
      %get3A_1070 = arith.index_cast %get3A_1068 : i32 to index
      %get3A_1071 = arith.constant 0 : index
      %get3A_1072 = tpu.vector_load %arg15[%get3A_1069, %get3A_1070, %get3A_1071] {strides = array<i32>} : memref<4x32x128xf32, #tpu.memory_space<vmem>>, vector<16xf32>,
      %mul3A_1073 = arith.mulf %broadcast_in_dim3A_1067, %get3A_1072 : vector<16xf32>
      %add3A_1074 = arith.addf %add3A_1007, %mul3A_1073 : vector<16xf32>
      %get3A_1075 = arith.constant 12 : i32
      %get3A_1076 = arith.index_cast %rem3A_125 : i32 to index
      %get3A_1077 = arith.index_cast %get3A_1075 : i32 to index
      %get3A_1078 = arith.constant 16 : index
      %get3A_1079 = tpu.vector_load %arg15[%get3A_1076, %get3A_1077, %get3A_1078] {strides = array<i32>} : memref<4x32x128xf32, #tpu.memory_space<vmem>>, vector<16xf32>,
      %mul3A_1080 = arith.mulf %broadcast_in_dim3A_1067, %get3A_1079 : vector<16xf32>
      %add3A_1081 = arith.addf %add3A_1014, %mul3A_1080 : vector<16xf32>
      %get3A_1082 = arith.constant 12 : i32
      %get3A_1083 = arith.index_cast %rem3A_125 : i32 to index
      %get3A_1084 = arith.index_cast %get3A_1082 : i32 to index
      %get3A_1085 = arith.constant 32 : index
      %get3A_1086 = tpu.vector_load %arg15[%get3A_1083, %get3A_1084, %get3A_1085] {strides = array<i32>} : memref<4x32x128xf32, #tpu.memory_space<vmem>>, vector<16xf32>,
      %mul3A_1087 = arith.mulf %broadcast_in_dim3A_1067, %get3A_1086 : vector<16xf32>
      %add3A_1088 = arith.addf %add3A_1021, %mul3A_1087 : vector<16xf32>
      %get3A_1089 = arith.constant 12 : i32
      %get3A_1090 = arith.index_cast %rem3A_125 : i32 to index
      %get3A_1091 = arith.index_cast %get3A_1089 : i32 to index
      %get3A_1092 = arith.constant 48 : index
      %get3A_1093 = tpu.vector_load %arg15[%get3A_1090, %get3A_1091, %get3A_1092] {strides = array<i32>} : memref<4x32x128xf32, #tpu.memory_space<vmem>>, vector<16xf32>,
      %mul3A_1094 = arith.mulf %broadcast_in_dim3A_1067, %get3A_1093 : vector<16xf32>
      %add3A_1095 = arith.addf %add3A_1028, %mul3A_1094 : vector<16xf32>
      %get3A_1096 = arith.constant 12 : i32
      %get3A_1097 = arith.index_cast %rem3A_125 : i32 to index
      %get3A_1098 = arith.index_cast %get3A_1096 : i32 to index
      %get3A_1099 = arith.constant 64 : index
      %get3A_1100 = tpu.vector_load %arg15[%get3A_1097, %get3A_1098, %get3A_1099] {strides = array<i32>} : memref<4x32x128xf32, #tpu.memory_space<vmem>>, vector<16xf32>,
      %mul3A_1101 = arith.mulf %broadcast_in_dim3A_1067, %get3A_1100 : vector<16xf32>
      %add3A_1102 = arith.addf %add3A_1035, %mul3A_1101 : vector<16xf32>
      %get3A_1103 = arith.constant 12 : i32
      %get3A_1104 = arith.index_cast %rem3A_125 : i32 to index
      %get3A_1105 = arith.index_cast %get3A_1103 : i32 to index
      %get3A_1106 = arith.constant 80 : index
      %get3A_1107 = tpu.vector_load %arg15[%get3A_1104, %get3A_1105, %get3A_1106] {strides = array<i32>} : memref<4x32x128xf32, #tpu.memory_space<vmem>>, vector<16xf32>,
      %mul3A_1108 = arith.mulf %broadcast_in_dim3A_1067, %get3A_1107 : vector<16xf32>
      %add3A_1109 = arith.addf %add3A_1042, %mul3A_1108 : vector<16xf32>
      %get3A_1110 = arith.constant 12 : i32
      %get3A_1111 = arith.index_cast %rem3A_125 : i32 to index
      %get3A_1112 = arith.index_cast %get3A_1110 : i32 to index
      %get3A_1113 = arith.constant 96 : index
      %get3A_1114 = tpu.vector_load %arg15[%get3A_1111, %get3A_1112, %get3A_1113] {strides = array<i32>} : memref<4x32x128xf32, #tpu.memory_space<vmem>>, vector<16xf32>,
      %mul3A_1115 = arith.mulf %broadcast_in_dim3A_1067, %get3A_1114 : vector<16xf32>
      %add3A_1116 = arith.addf %add3A_1049, %mul3A_1115 : vector<16xf32>
      %get3A_1117 = arith.constant 12 : i32
      %get3A_1118 = arith.index_cast %rem3A_125 : i32 to index
      %get3A_1119 = arith.index_cast %get3A_1117 : i32 to index
      %get3A_1120 = arith.constant 112 : index
      %get3A_1121 = tpu.vector_load %arg15[%get3A_1118, %get3A_1119, %get3A_1120] {strides = array<i32>} : memref<4x32x128xf32, #tpu.memory_space<vmem>>, vector<16xf32>,
      %mul3A_1122 = arith.mulf %broadcast_in_dim3A_1067, %get3A_1121 : vector<16xf32>
      %add3A_1123 = arith.addf %add3A_1056, %mul3A_1122 : vector<16xf32>
      %eq3A_1124 = arith.constant 13 : i32
      %eq3A_1125 = vector.broadcast %eq3A_1124 : i32 to vector<16xi32>
      %eq3A_1126 = arith.cmpi eq, %iota3A, %eq3A_1125 : vector<16xi32>
      %jit3A_1127 = arith.constant 0.000000e+00 : f32
      %broadcast_in_dim3A_1128 = vector.broadcast %jit3A_1127 : f32 to vector<16xf32>
      %select_n3A_1129 = arith.select %eq3A_1126, %div3A, %broadcast_in_dim3A_1128 : vector<16xi1>, vector<16xf32>
      %reduce_sum3A_1130 = arith.constant true
      %reduce_sum3A_1131 = vector.broadcast %reduce_sum3A_1130 : i1 to vector<16xi1>
      %reduce_sum3A_1132 = tpu.scan <sum>, %select_n3A_1129 masked %reduce_sum3A_1131 : vector<16xf32>, vector<16xi1> -> vector<16xf32>
      %reduce_sum3A_1133 = vector.extract %reduce_sum3A_1132[15] : f32 from vector<16xf32>
      %broadcast_in_dim3A_1134 = vector.broadcast %reduce_sum3A_1133 : f32 to vector<16xf32>
      %get3A_1135 = arith.constant 13 : i32
      %get3A_1136 = arith.index_cast %rem3A_125 : i32 to index
      %get3A_1137 = arith.index_cast %get3A_1135 : i32 to index
      %get3A_1138 = arith.constant 0 : index
      %get3A_1139 = tpu.vector_load %arg15[%get3A_1136, %get3A_1137, %get3A_1138] {strides = array<i32>} : memref<4x32x128xf32, #tpu.memory_space<vmem>>, vector<16xf32>,
      %mul3A_1140 = arith.mulf %broadcast_in_dim3A_1134, %get3A_1139 : vector<16xf32>
      %add3A_1141 = arith.addf %add3A_1074, %mul3A_1140 : vector<16xf32>
      %get3A_1142 = arith.constant 13 : i32
      %get3A_1143 = arith.index_cast %rem3A_125 : i32 to index
      %get3A_1144 = arith.index_cast %get3A_1142 : i32 to index
      %get3A_1145 = arith.constant 16 : index
      %get3A_1146 = tpu.vector_load %arg15[%get3A_1143, %get3A_1144, %get3A_1145] {strides = array<i32>} : memref<4x32x128xf32, #tpu.memory_space<vmem>>, vector<16xf32>,
      %mul3A_1147 = arith.mulf %broadcast_in_dim3A_1134, %get3A_1146 : vector<16xf32>
      %add3A_1148 = arith.addf %add3A_1081, %mul3A_1147 : vector<16xf32>
      %get3A_1149 = arith.constant 13 : i32
      %get3A_1150 = arith.index_cast %rem3A_125 : i32 to index
      %get3A_1151 = arith.index_cast %get3A_1149 : i32 to index
      %get3A_1152 = arith.constant 32 : index
      %get3A_1153 = tpu.vector_load %arg15[%get3A_1150, %get3A_1151, %get3A_1152] {strides = array<i32>} : memref<4x32x128xf32, #tpu.memory_space<vmem>>, vector<16xf32>,
      %mul3A_1154 = arith.mulf %broadcast_in_dim3A_1134, %get3A_1153 : vector<16xf32>
      %add3A_1155 = arith.addf %add3A_1088, %mul3A_1154 : vector<16xf32>
      %get3A_1156 = arith.constant 13 : i32
      %get3A_1157 = arith.index_cast %rem3A_125 : i32 to index
      %get3A_1158 = arith.index_cast %get3A_1156 : i32 to index
      %get3A_1159 = arith.constant 48 : index
      %get3A_1160 = tpu.vector_load %arg15[%get3A_1157, %get3A_1158, %get3A_1159] {strides = array<i32>} : memref<4x32x128xf32, #tpu.memory_space<vmem>>, vector<16xf32>,
      %mul3A_1161 = arith.mulf %broadcast_in_dim3A_1134, %get3A_1160 : vector<16xf32>
      %add3A_1162 = arith.addf %add3A_1095, %mul3A_1161 : vector<16xf32>
      %get3A_1163 = arith.constant 13 : i32
      %get3A_1164 = arith.index_cast %rem3A_125 : i32 to index
      %get3A_1165 = arith.index_cast %get3A_1163 : i32 to index
      %get3A_1166 = arith.constant 64 : index
      %get3A_1167 = tpu.vector_load %arg15[%get3A_1164, %get3A_1165, %get3A_1166] {strides = array<i32>} : memref<4x32x128xf32, #tpu.memory_space<vmem>>, vector<16xf32>,
      %mul3A_1168 = arith.mulf %broadcast_in_dim3A_1134, %get3A_1167 : vector<16xf32>
      %add3A_1169 = arith.addf %add3A_1102, %mul3A_1168 : vector<16xf32>
      %get3A_1170 = arith.constant 13 : i32
      %get3A_1171 = arith.index_cast %rem3A_125 : i32 to index
      %get3A_1172 = arith.index_cast %get3A_1170 : i32 to index
      %get3A_1173 = arith.constant 80 : index
      %get3A_1174 = tpu.vector_load %arg15[%get3A_1171, %get3A_1172, %get3A_1173] {strides = array<i32>} : memref<4x32x128xf32, #tpu.memory_space<vmem>>, vector<16xf32>,
      %mul3A_1175 = arith.mulf %broadcast_in_dim3A_1134, %get3A_1174 : vector<16xf32>
      %add3A_1176 = arith.addf %add3A_1109, %mul3A_1175 : vector<16xf32>
      %get3A_1177 = arith.constant 13 : i32
      %get3A_1178 = arith.index_cast %rem3A_125 : i32 to index
      %get3A_1179 = arith.index_cast %get3A_1177 : i32 to index
      %get3A_1180 = arith.constant 96 : index
      %get3A_1181 = tpu.vector_load %arg15[%get3A_1178, %get3A_1179, %get3A_1180] {strides = array<i32>} : memref<4x32x128xf32, #tpu.memory_space<vmem>>, vector<16xf32>,
      %mul3A_1182 = arith.mulf %broadcast_in_dim3A_1134, %get3A_1181 : vector<16xf32>
      %add3A_1183 = arith.addf %add3A_1116, %mul3A_1182 : vector<16xf32>
      %get3A_1184 = arith.constant 13 : i32
      %get3A_1185 = arith.index_cast %rem3A_125 : i32 to index
      %get3A_1186 = arith.index_cast %get3A_1184 : i32 to index
      %get3A_1187 = arith.constant 112 : index
      %get3A_1188 = tpu.vector_load %arg15[%get3A_1185, %get3A_1186, %get3A_1187] {strides = array<i32>} : memref<4x32x128xf32, #tpu.memory_space<vmem>>, vector<16xf32>,
      %mul3A_1189 = arith.mulf %broadcast_in_dim3A_1134, %get3A_1188 : vector<16xf32>
      %add3A_1190 = arith.addf %add3A_1123, %mul3A_1189 : vector<16xf32>
      %eq3A_1191 = arith.constant 14 : i32
      %eq3A_1192 = vector.broadcast %eq3A_1191 : i32 to vector<16xi32>
      %eq3A_1193 = arith.cmpi eq, %iota3A, %eq3A_1192 : vector<16xi32>
      %jit3A_1194 = arith.constant 0.000000e+00 : f32
      %broadcast_in_dim3A_1195 = vector.broadcast %jit3A_1194 : f32 to vector<16xf32>
      %select_n3A_1196 = arith.select %eq3A_1193, %div3A, %broadcast_in_dim3A_1195 : vector<16xi1>, vector<16xf32>
      %reduce_sum3A_1197 = arith.constant true
      %reduce_sum3A_1198 = vector.broadcast %reduce_sum3A_1197 : i1 to vector<16xi1>
      %reduce_sum3A_1199 = tpu.scan <sum>, %select_n3A_1196 masked %reduce_sum3A_1198 : vector<16xf32>, vector<16xi1> -> vector<16xf32>
      %reduce_sum3A_1200 = vector.extract %reduce_sum3A_1199[15] : f32 from vector<16xf32>
      %broadcast_in_dim3A_1201 = vector.broadcast %reduce_sum3A_1200 : f32 to vector<16xf32>
      %get3A_1202 = arith.constant 14 : i32
      %get3A_1203 = arith.index_cast %rem3A_125 : i32 to index
      %get3A_1204 = arith.index_cast %get3A_1202 : i32 to index
      %get3A_1205 = arith.constant 0 : index
      %get3A_1206 = tpu.vector_load %arg15[%get3A_1203, %get3A_1204, %get3A_1205] {strides = array<i32>} : memref<4x32x128xf32, #tpu.memory_space<vmem>>, vector<16xf32>,
      %mul3A_1207 = arith.mulf %broadcast_in_dim3A_1201, %get3A_1206 : vector<16xf32>
      %add3A_1208 = arith.addf %add3A_1141, %mul3A_1207 : vector<16xf32>
      %get3A_1209 = arith.constant 14 : i32
      %get3A_1210 = arith.index_cast %rem3A_125 : i32 to index
      %get3A_1211 = arith.index_cast %get3A_1209 : i32 to index
      %get3A_1212 = arith.constant 16 : index
      %get3A_1213 = tpu.vector_load %arg15[%get3A_1210, %get3A_1211, %get3A_1212] {strides = array<i32>} : memref<4x32x128xf32, #tpu.memory_space<vmem>>, vector<16xf32>,
      %mul3A_1214 = arith.mulf %broadcast_in_dim3A_1201, %get3A_1213 : vector<16xf32>
      %add3A_1215 = arith.addf %add3A_1148, %mul3A_1214 : vector<16xf32>
      %get3A_1216 = arith.constant 14 : i32
      %get3A_1217 = arith.index_cast %rem3A_125 : i32 to index
      %get3A_1218 = arith.index_cast %get3A_1216 : i32 to index
      %get3A_1219 = arith.constant 32 : index
      %get3A_1220 = tpu.vector_load %arg15[%get3A_1217, %get3A_1218, %get3A_1219] {strides = array<i32>} : memref<4x32x128xf32, #tpu.memory_space<vmem>>, vector<16xf32>,
      %mul3A_1221 = arith.mulf %broadcast_in_dim3A_1201, %get3A_1220 : vector<16xf32>
      %add3A_1222 = arith.addf %add3A_1155, %mul3A_1221 : vector<16xf32>
      %get3A_1223 = arith.constant 14 : i32
      %get3A_1224 = arith.index_cast %rem3A_125 : i32 to index
      %get3A_1225 = arith.index_cast %get3A_1223 : i32 to index
      %get3A_1226 = arith.constant 48 : index
      %get3A_1227 = tpu.vector_load %arg15[%get3A_1224, %get3A_1225, %get3A_1226] {strides = array<i32>} : memref<4x32x128xf32, #tpu.memory_space<vmem>>, vector<16xf32>,
      %mul3A_1228 = arith.mulf %broadcast_in_dim3A_1201, %get3A_1227 : vector<16xf32>
      %add3A_1229 = arith.addf %add3A_1162, %mul3A_1228 : vector<16xf32>
      %get3A_1230 = arith.constant 14 : i32
      %get3A_1231 = arith.index_cast %rem3A_125 : i32 to index
      %get3A_1232 = arith.index_cast %get3A_1230 : i32 to index
      %get3A_1233 = arith.constant 64 : index
      %get3A_1234 = tpu.vector_load %arg15[%get3A_1231, %get3A_1232, %get3A_1233] {strides = array<i32>} : memref<4x32x128xf32, #tpu.memory_space<vmem>>, vector<16xf32>,
      %mul3A_1235 = arith.mulf %broadcast_in_dim3A_1201, %get3A_1234 : vector<16xf32>
      %add3A_1236 = arith.addf %add3A_1169, %mul3A_1235 : vector<16xf32>
      %get3A_1237 = arith.constant 14 : i32
      %get3A_1238 = arith.index_cast %rem3A_125 : i32 to index
      %get3A_1239 = arith.index_cast %get3A_1237 : i32 to index
      %get3A_1240 = arith.constant 80 : index
      %get3A_1241 = tpu.vector_load %arg15[%get3A_1238, %get3A_1239, %get3A_1240] {strides = array<i32>} : memref<4x32x128xf32, #tpu.memory_space<vmem>>, vector<16xf32>,
      %mul3A_1242 = arith.mulf %broadcast_in_dim3A_1201, %get3A_1241 : vector<16xf32>
      %add3A_1243 = arith.addf %add3A_1176, %mul3A_1242 : vector<16xf32>
      %get3A_1244 = arith.constant 14 : i32
      %get3A_1245 = arith.index_cast %rem3A_125 : i32 to index
      %get3A_1246 = arith.index_cast %get3A_1244 : i32 to index
      %get3A_1247 = arith.constant 96 : index
      %get3A_1248 = tpu.vector_load %arg15[%get3A_1245, %get3A_1246, %get3A_1247] {strides = array<i32>} : memref<4x32x128xf32, #tpu.memory_space<vmem>>, vector<16xf32>,
      %mul3A_1249 = arith.mulf %broadcast_in_dim3A_1201, %get3A_1248 : vector<16xf32>
      %add3A_1250 = arith.addf %add3A_1183, %mul3A_1249 : vector<16xf32>
      %get3A_1251 = arith.constant 14 : i32
      %get3A_1252 = arith.index_cast %rem3A_125 : i32 to index
      %get3A_1253 = arith.index_cast %get3A_1251 : i32 to index
      %get3A_1254 = arith.constant 112 : index
      %get3A_1255 = tpu.vector_load %arg15[%get3A_1252, %get3A_1253, %get3A_1254] {strides = array<i32>} : memref<4x32x128xf32, #tpu.memory_space<vmem>>, vector<16xf32>,
      %mul3A_1256 = arith.mulf %broadcast_in_dim3A_1201, %get3A_1255 : vector<16xf32>
      %add3A_1257 = arith.addf %add3A_1190, %mul3A_1256 : vector<16xf32>
      %eq3A_1258 = arith.constant 15 : i32
      %eq3A_1259 = vector.broadcast %eq3A_1258 : i32 to vector<16xi32>
      %eq3A_1260 = arith.cmpi eq, %iota3A, %eq3A_1259 : vector<16xi32>
      %jit3A_1261 = arith.constant 0.000000e+00 : f32
      %broadcast_in_dim3A_1262 = vector.broadcast %jit3A_1261 : f32 to vector<16xf32>
      %select_n3A_1263 = arith.select %eq3A_1260, %div3A, %broadcast_in_dim3A_1262 : vector<16xi1>, vector<16xf32>
      %reduce_sum3A_1264 = arith.constant true
      %reduce_sum3A_1265 = vector.broadcast %reduce_sum3A_1264 : i1 to vector<16xi1>
      %reduce_sum3A_1266 = tpu.scan <sum>, %select_n3A_1263 masked %reduce_sum3A_1265 : vector<16xf32>, vector<16xi1> -> vector<16xf32>
      %reduce_sum3A_1267 = vector.extract %reduce_sum3A_1266[15] : f32 from vector<16xf32>
      %broadcast_in_dim3A_1268 = vector.broadcast %reduce_sum3A_1267 : f32 to vector<16xf32>
      %get3A_1269 = arith.constant 15 : i32
      %get3A_1270 = arith.index_cast %rem3A_125 : i32 to index
      %get3A_1271 = arith.index_cast %get3A_1269 : i32 to index
      %get3A_1272 = arith.constant 0 : index
      %get3A_1273 = tpu.vector_load %arg15[%get3A_1270, %get3A_1271, %get3A_1272] {strides = array<i32>} : memref<4x32x128xf32, #tpu.memory_space<vmem>>, vector<16xf32>,
      %mul3A_1274 = arith.mulf %broadcast_in_dim3A_1268, %get3A_1273 : vector<16xf32>
      %add3A_1275 = arith.addf %add3A_1208, %mul3A_1274 : vector<16xf32>
      %get3A_1276 = arith.constant 15 : i32
      %get3A_1277 = arith.index_cast %rem3A_125 : i32 to index
      %get3A_1278 = arith.index_cast %get3A_1276 : i32 to index
      %get3A_1279 = arith.constant 16 : index
      %get3A_1280 = tpu.vector_load %arg15[%get3A_1277, %get3A_1278, %get3A_1279] {strides = array<i32>} : memref<4x32x128xf32, #tpu.memory_space<vmem>>, vector<16xf32>,
      %mul3A_1281 = arith.mulf %broadcast_in_dim3A_1268, %get3A_1280 : vector<16xf32>
      %add3A_1282 = arith.addf %add3A_1215, %mul3A_1281 : vector<16xf32>
      %get3A_1283 = arith.constant 15 : i32
      %get3A_1284 = arith.index_cast %rem3A_125 : i32 to index
      %get3A_1285 = arith.index_cast %get3A_1283 : i32 to index
      %get3A_1286 = arith.constant 32 : index
      %get3A_1287 = tpu.vector_load %arg15[%get3A_1284, %get3A_1285, %get3A_1286] {strides = array<i32>} : memref<4x32x128xf32, #tpu.memory_space<vmem>>, vector<16xf32>,
      %mul3A_1288 = arith.mulf %broadcast_in_dim3A_1268, %get3A_1287 : vector<16xf32>
      %add3A_1289 = arith.addf %add3A_1222, %mul3A_1288 : vector<16xf32>
      %get3A_1290 = arith.constant 15 : i32
      %get3A_1291 = arith.index_cast %rem3A_125 : i32 to index
      %get3A_1292 = arith.index_cast %get3A_1290 : i32 to index
      %get3A_1293 = arith.constant 48 : index
      %get3A_1294 = tpu.vector_load %arg15[%get3A_1291, %get3A_1292, %get3A_1293] {strides = array<i32>} : memref<4x32x128xf32, #tpu.memory_space<vmem>>, vector<16xf32>,
      %mul3A_1295 = arith.mulf %broadcast_in_dim3A_1268, %get3A_1294 : vector<16xf32>
      %add3A_1296 = arith.addf %add3A_1229, %mul3A_1295 : vector<16xf32>
      %get3A_1297 = arith.constant 15 : i32
      %get3A_1298 = arith.index_cast %rem3A_125 : i32 to index
      %get3A_1299 = arith.index_cast %get3A_1297 : i32 to index
      %get3A_1300 = arith.constant 64 : index
      %get3A_1301 = tpu.vector_load %arg15[%get3A_1298, %get3A_1299, %get3A_1300] {strides = array<i32>} : memref<4x32x128xf32, #tpu.memory_space<vmem>>, vector<16xf32>,
      %mul3A_1302 = arith.mulf %broadcast_in_dim3A_1268, %get3A_1301 : vector<16xf32>
      %add3A_1303 = arith.addf %add3A_1236, %mul3A_1302 : vector<16xf32>
      %get3A_1304 = arith.constant 15 : i32
      %get3A_1305 = arith.index_cast %rem3A_125 : i32 to index
      %get3A_1306 = arith.index_cast %get3A_1304 : i32 to index
      %get3A_1307 = arith.constant 80 : index
      %get3A_1308 = tpu.vector_load %arg15[%get3A_1305, %get3A_1306, %get3A_1307] {strides = array<i32>} : memref<4x32x128xf32, #tpu.memory_space<vmem>>, vector<16xf32>,
      %mul3A_1309 = arith.mulf %broadcast_in_dim3A_1268, %get3A_1308 : vector<16xf32>
      %add3A_1310 = arith.addf %add3A_1243, %mul3A_1309 : vector<16xf32>
      %get3A_1311 = arith.constant 15 : i32
      %get3A_1312 = arith.index_cast %rem3A_125 : i32 to index
      %get3A_1313 = arith.index_cast %get3A_1311 : i32 to index
      %get3A_1314 = arith.constant 96 : index
      %get3A_1315 = tpu.vector_load %arg15[%get3A_1312, %get3A_1313, %get3A_1314] {strides = array<i32>} : memref<4x32x128xf32, #tpu.memory_space<vmem>>, vector<16xf32>,
      %mul3A_1316 = arith.mulf %broadcast_in_dim3A_1268, %get3A_1315 : vector<16xf32>
      %add3A_1317 = arith.addf %add3A_1250, %mul3A_1316 : vector<16xf32>
      %get3A_1318 = arith.constant 15 : i32
      %get3A_1319 = arith.index_cast %rem3A_125 : i32 to index
      %get3A_1320 = arith.index_cast %get3A_1318 : i32 to index
      %get3A_1321 = arith.constant 112 : index
      %get3A_1322 = tpu.vector_load %arg15[%get3A_1319, %get3A_1320, %get3A_1321] {strides = array<i32>} : memref<4x32x128xf32, #tpu.memory_space<vmem>>, vector<16xf32>,
      %mul3A_1323 = arith.mulf %broadcast_in_dim3A_1268, %get3A_1322 : vector<16xf32>
      %add3A_1324 = arith.addf %add3A_1257, %mul3A_1323 : vector<16xf32>
      %eq3A_1325 = arith.constant 0 : i32
      %eq3A_1326 = vector.broadcast %eq3A_1325 : i32 to vector<16xi32>
      %eq3A_1327 = arith.cmpi eq, %iota3A, %eq3A_1326 : vector<16xi32>
      %jit3A_1328 = arith.constant 0.000000e+00 : f32
      %broadcast_in_dim3A_1329 = vector.broadcast %jit3A_1328 : f32 to vector<16xf32>
      %select_n3A_1330 = arith.select %eq3A_1327, %div3A_217, %broadcast_in_dim3A_1329 : vector<16xi1>, vector<16xf32>
      %reduce_sum3A_1331 = arith.constant true
      %reduce_sum3A_1332 = vector.broadcast %reduce_sum3A_1331 : i1 to vector<16xi1>
      %reduce_sum3A_1333 = tpu.scan <sum>, %select_n3A_1330 masked %reduce_sum3A_1332 : vector<16xf32>, vector<16xi1> -> vector<16xf32>
      %reduce_sum3A_1334 = vector.extract %reduce_sum3A_1333[15] : f32 from vector<16xf32>
      %broadcast_in_dim3A_1335 = vector.broadcast %reduce_sum3A_1334 : f32 to vector<16xf32>
      %get3A_1336 = arith.constant 16 : i32
      %get3A_1337 = arith.index_cast %rem3A_125 : i32 to index
      %get3A_1338 = arith.index_cast %get3A_1336 : i32 to index
      %get3A_1339 = arith.constant 0 : index
      %get3A_1340 = tpu.vector_load %arg15[%get3A_1337, %get3A_1338, %get3A_1339] {strides = array<i32>} : memref<4x32x128xf32, #tpu.memory_space<vmem>>, vector<16xf32>,
      %mul3A_1341 = arith.mulf %broadcast_in_dim3A_1335, %get3A_1340 : vector<16xf32>
      %add3A_1342 = arith.addf %add3A_1275, %mul3A_1341 : vector<16xf32>
      %get3A_1343 = arith.constant 16 : i32
      %get3A_1344 = arith.index_cast %rem3A_125 : i32 to index
      %get3A_1345 = arith.index_cast %get3A_1343 : i32 to index
      %get3A_1346 = arith.constant 16 : index
      %get3A_1347 = tpu.vector_load %arg15[%get3A_1344, %get3A_1345, %get3A_1346] {strides = array<i32>} : memref<4x32x128xf32, #tpu.memory_space<vmem>>, vector<16xf32>,
      %mul3A_1348 = arith.mulf %broadcast_in_dim3A_1335, %get3A_1347 : vector<16xf32>
      %add3A_1349 = arith.addf %add3A_1282, %mul3A_1348 : vector<16xf32>
      %get3A_1350 = arith.constant 16 : i32
      %get3A_1351 = arith.index_cast %rem3A_125 : i32 to index
      %get3A_1352 = arith.index_cast %get3A_1350 : i32 to index
      %get3A_1353 = arith.constant 32 : index
      %get3A_1354 = tpu.vector_load %arg15[%get3A_1351, %get3A_1352, %get3A_1353] {strides = array<i32>} : memref<4x32x128xf32, #tpu.memory_space<vmem>>, vector<16xf32>,
      %mul3A_1355 = arith.mulf %broadcast_in_dim3A_1335, %get3A_1354 : vector<16xf32>
      %add3A_1356 = arith.addf %add3A_1289, %mul3A_1355 : vector<16xf32>
      %get3A_1357 = arith.constant 16 : i32
      %get3A_1358 = arith.index_cast %rem3A_125 : i32 to index
      %get3A_1359 = arith.index_cast %get3A_1357 : i32 to index
      %get3A_1360 = arith.constant 48 : index
      %get3A_1361 = tpu.vector_load %arg15[%get3A_1358, %get3A_1359, %get3A_1360] {strides = array<i32>} : memref<4x32x128xf32, #tpu.memory_space<vmem>>, vector<16xf32>,
      %mul3A_1362 = arith.mulf %broadcast_in_dim3A_1335, %get3A_1361 : vector<16xf32>
      %add3A_1363 = arith.addf %add3A_1296, %mul3A_1362 : vector<16xf32>
      %get3A_1364 = arith.constant 16 : i32
      %get3A_1365 = arith.index_cast %rem3A_125 : i32 to index
      %get3A_1366 = arith.index_cast %get3A_1364 : i32 to index
      %get3A_1367 = arith.constant 64 : index
      %get3A_1368 = tpu.vector_load %arg15[%get3A_1365, %get3A_1366, %get3A_1367] {strides = array<i32>} : memref<4x32x128xf32, #tpu.memory_space<vmem>>, vector<16xf32>,
      %mul3A_1369 = arith.mulf %broadcast_in_dim3A_1335, %get3A_1368 : vector<16xf32>
      %add3A_1370 = arith.addf %add3A_1303, %mul3A_1369 : vector<16xf32>
      %get3A_1371 = arith.constant 16 : i32
      %get3A_1372 = arith.index_cast %rem3A_125 : i32 to index
      %get3A_1373 = arith.index_cast %get3A_1371 : i32 to index
      %get3A_1374 = arith.constant 80 : index
      %get3A_1375 = tpu.vector_load %arg15[%get3A_1372, %get3A_1373, %get3A_1374] {strides = array<i32>} : memref<4x32x128xf32, #tpu.memory_space<vmem>>, vector<16xf32>,
      %mul3A_1376 = arith.mulf %broadcast_in_dim3A_1335, %get3A_1375 : vector<16xf32>
      %add3A_1377 = arith.addf %add3A_1310, %mul3A_1376 : vector<16xf32>
      %get3A_1378 = arith.constant 16 : i32
      %get3A_1379 = arith.index_cast %rem3A_125 : i32 to index
      %get3A_1380 = arith.index_cast %get3A_1378 : i32 to index
      %get3A_1381 = arith.constant 96 : index
      %get3A_1382 = tpu.vector_load %arg15[%get3A_1379, %get3A_1380, %get3A_1381] {strides = array<i32>} : memref<4x32x128xf32, #tpu.memory_space<vmem>>, vector<16xf32>,
      %mul3A_1383 = arith.mulf %broadcast_in_dim3A_1335, %get3A_1382 : vector<16xf32>
      %add3A_1384 = arith.addf %add3A_1317, %mul3A_1383 : vector<16xf32>
      %get3A_1385 = arith.constant 16 : i32
      %get3A_1386 = arith.index_cast %rem3A_125 : i32 to index
      %get3A_1387 = arith.index_cast %get3A_1385 : i32 to index
      %get3A_1388 = arith.constant 112 : index
      %get3A_1389 = tpu.vector_load %arg15[%get3A_1386, %get3A_1387, %get3A_1388] {strides = array<i32>} : memref<4x32x128xf32, #tpu.memory_space<vmem>>, vector<16xf32>,
      %mul3A_1390 = arith.mulf %broadcast_in_dim3A_1335, %get3A_1389 : vector<16xf32>
      %add3A_1391 = arith.addf %add3A_1324, %mul3A_1390 : vector<16xf32>
      %eq3A_1392 = arith.constant 1 : i32
      %eq3A_1393 = vector.broadcast %eq3A_1392 : i32 to vector<16xi32>
      %eq3A_1394 = arith.cmpi eq, %iota3A, %eq3A_1393 : vector<16xi32>
      %jit3A_1395 = arith.constant 0.000000e+00 : f32
      %broadcast_in_dim3A_1396 = vector.broadcast %jit3A_1395 : f32 to vector<16xf32>
      %select_n3A_1397 = arith.select %eq3A_1394, %div3A_217, %broadcast_in_dim3A_1396 : vector<16xi1>, vector<16xf32>
      %reduce_sum3A_1398 = arith.constant true
      %reduce_sum3A_1399 = vector.broadcast %reduce_sum3A_1398 : i1 to vector<16xi1>
      %reduce_sum3A_1400 = tpu.scan <sum>, %select_n3A_1397 masked %reduce_sum3A_1399 : vector<16xf32>, vector<16xi1> -> vector<16xf32>
      %reduce_sum3A_1401 = vector.extract %reduce_sum3A_1400[15] : f32 from vector<16xf32>
      %broadcast_in_dim3A_1402 = vector.broadcast %reduce_sum3A_1401 : f32 to vector<16xf32>
      %get3A_1403 = arith.constant 17 : i32
      %get3A_1404 = arith.index_cast %rem3A_125 : i32 to index
      %get3A_1405 = arith.index_cast %get3A_1403 : i32 to index
      %get3A_1406 = arith.constant 0 : index
      %get3A_1407 = tpu.vector_load %arg15[%get3A_1404, %get3A_1405, %get3A_1406] {strides = array<i32>} : memref<4x32x128xf32, #tpu.memory_space<vmem>>, vector<16xf32>,
      %mul3A_1408 = arith.mulf %broadcast_in_dim3A_1402, %get3A_1407 : vector<16xf32>
      %add3A_1409 = arith.addf %add3A_1342, %mul3A_1408 : vector<16xf32>
      %get3A_1410 = arith.constant 17 : i32
      %get3A_1411 = arith.index_cast %rem3A_125 : i32 to index
      %get3A_1412 = arith.index_cast %get3A_1410 : i32 to index
      %get3A_1413 = arith.constant 16 : index
      %get3A_1414 = tpu.vector_load %arg15[%get3A_1411, %get3A_1412, %get3A_1413] {strides = array<i32>} : memref<4x32x128xf32, #tpu.memory_space<vmem>>, vector<16xf32>,
      %mul3A_1415 = arith.mulf %broadcast_in_dim3A_1402, %get3A_1414 : vector<16xf32>
      %add3A_1416 = arith.addf %add3A_1349, %mul3A_1415 : vector<16xf32>
      %get3A_1417 = arith.constant 17 : i32
      %get3A_1418 = arith.index_cast %rem3A_125 : i32 to index
      %get3A_1419 = arith.index_cast %get3A_1417 : i32 to index
      %get3A_1420 = arith.constant 32 : index
      %get3A_1421 = tpu.vector_load %arg15[%get3A_1418, %get3A_1419, %get3A_1420] {strides = array<i32>} : memref<4x32x128xf32, #tpu.memory_space<vmem>>, vector<16xf32>,
      %mul3A_1422 = arith.mulf %broadcast_in_dim3A_1402, %get3A_1421 : vector<16xf32>
      %add3A_1423 = arith.addf %add3A_1356, %mul3A_1422 : vector<16xf32>
      %get3A_1424 = arith.constant 17 : i32
      %get3A_1425 = arith.index_cast %rem3A_125 : i32 to index
      %get3A_1426 = arith.index_cast %get3A_1424 : i32 to index
      %get3A_1427 = arith.constant 48 : index
      %get3A_1428 = tpu.vector_load %arg15[%get3A_1425, %get3A_1426, %get3A_1427] {strides = array<i32>} : memref<4x32x128xf32, #tpu.memory_space<vmem>>, vector<16xf32>,
      %mul3A_1429 = arith.mulf %broadcast_in_dim3A_1402, %get3A_1428 : vector<16xf32>
      %add3A_1430 = arith.addf %add3A_1363, %mul3A_1429 : vector<16xf32>
      %get3A_1431 = arith.constant 17 : i32
      %get3A_1432 = arith.index_cast %rem3A_125 : i32 to index
      %get3A_1433 = arith.index_cast %get3A_1431 : i32 to index
      %get3A_1434 = arith.constant 64 : index
      %get3A_1435 = tpu.vector_load %arg15[%get3A_1432, %get3A_1433, %get3A_1434] {strides = array<i32>} : memref<4x32x128xf32, #tpu.memory_space<vmem>>, vector<16xf32>,
      %mul3A_1436 = arith.mulf %broadcast_in_dim3A_1402, %get3A_1435 : vector<16xf32>
      %add3A_1437 = arith.addf %add3A_1370, %mul3A_1436 : vector<16xf32>
      %get3A_1438 = arith.constant 17 : i32
      %get3A_1439 = arith.index_cast %rem3A_125 : i32 to index
      %get3A_1440 = arith.index_cast %get3A_1438 : i32 to index
      %get3A_1441 = arith.constant 80 : index
      %get3A_1442 = tpu.vector_load %arg15[%get3A_1439, %get3A_1440, %get3A_1441] {strides = array<i32>} : memref<4x32x128xf32, #tpu.memory_space<vmem>>, vector<16xf32>,
      %mul3A_1443 = arith.mulf %broadcast_in_dim3A_1402, %get3A_1442 : vector<16xf32>
      %add3A_1444 = arith.addf %add3A_1377, %mul3A_1443 : vector<16xf32>
      %get3A_1445 = arith.constant 17 : i32
      %get3A_1446 = arith.index_cast %rem3A_125 : i32 to index
      %get3A_1447 = arith.index_cast %get3A_1445 : i32 to index
      %get3A_1448 = arith.constant 96 : index
      %get3A_1449 = tpu.vector_load %arg15[%get3A_1446, %get3A_1447, %get3A_1448] {strides = array<i32>} : memref<4x32x128xf32, #tpu.memory_space<vmem>>, vector<16xf32>,
      %mul3A_1450 = arith.mulf %broadcast_in_dim3A_1402, %get3A_1449 : vector<16xf32>
      %add3A_1451 = arith.addf %add3A_1384, %mul3A_1450 : vector<16xf32>
      %get3A_1452 = arith.constant 17 : i32
      %get3A_1453 = arith.index_cast %rem3A_125 : i32 to index
      %get3A_1454 = arith.index_cast %get3A_1452 : i32 to index
      %get3A_1455 = arith.constant 112 : index
      %get3A_1456 = tpu.vector_load %arg15[%get3A_1453, %get3A_1454, %get3A_1455] {strides = array<i32>} : memref<4x32x128xf32, #tpu.memory_space<vmem>>, vector<16xf32>,
      %mul3A_1457 = arith.mulf %broadcast_in_dim3A_1402, %get3A_1456 : vector<16xf32>
      %add3A_1458 = arith.addf %add3A_1391, %mul3A_1457 : vector<16xf32>
      %eq3A_1459 = arith.constant 2 : i32
      %eq3A_1460 = vector.broadcast %eq3A_1459 : i32 to vector<16xi32>
      %eq3A_1461 = arith.cmpi eq, %iota3A, %eq3A_1460 : vector<16xi32>
      %jit3A_1462 = arith.constant 0.000000e+00 : f32
      %broadcast_in_dim3A_1463 = vector.broadcast %jit3A_1462 : f32 to vector<16xf32>
      %select_n3A_1464 = arith.select %eq3A_1461, %div3A_217, %broadcast_in_dim3A_1463 : vector<16xi1>, vector<16xf32>
      %reduce_sum3A_1465 = arith.constant true
      %reduce_sum3A_1466 = vector.broadcast %reduce_sum3A_1465 : i1 to vector<16xi1>
      %reduce_sum3A_1467 = tpu.scan <sum>, %select_n3A_1464 masked %reduce_sum3A_1466 : vector<16xf32>, vector<16xi1> -> vector<16xf32>
      %reduce_sum3A_1468 = vector.extract %reduce_sum3A_1467[15] : f32 from vector<16xf32>
      %broadcast_in_dim3A_1469 = vector.broadcast %reduce_sum3A_1468 : f32 to vector<16xf32>
      %get3A_1470 = arith.constant 18 : i32
      %get3A_1471 = arith.index_cast %rem3A_125 : i32 to index
      %get3A_1472 = arith.index_cast %get3A_1470 : i32 to index
      %get3A_1473 = arith.constant 0 : index
      %get3A_1474 = tpu.vector_load %arg15[%get3A_1471, %get3A_1472, %get3A_1473] {strides = array<i32>} : memref<4x32x128xf32, #tpu.memory_space<vmem>>, vector<16xf32>,
      %mul3A_1475 = arith.mulf %broadcast_in_dim3A_1469, %get3A_1474 : vector<16xf32>
      %add3A_1476 = arith.addf %add3A_1409, %mul3A_1475 : vector<16xf32>
      %get3A_1477 = arith.constant 18 : i32
      %get3A_1478 = arith.index_cast %rem3A_125 : i32 to index
      %get3A_1479 = arith.index_cast %get3A_1477 : i32 to index
      %get3A_1480 = arith.constant 16 : index
      %get3A_1481 = tpu.vector_load %arg15[%get3A_1478, %get3A_1479, %get3A_1480] {strides = array<i32>} : memref<4x32x128xf32, #tpu.memory_space<vmem>>, vector<16xf32>,
      %mul3A_1482 = arith.mulf %broadcast_in_dim3A_1469, %get3A_1481 : vector<16xf32>
      %add3A_1483 = arith.addf %add3A_1416, %mul3A_1482 : vector<16xf32>
      %get3A_1484 = arith.constant 18 : i32
      %get3A_1485 = arith.index_cast %rem3A_125 : i32 to index
      %get3A_1486 = arith.index_cast %get3A_1484 : i32 to index
      %get3A_1487 = arith.constant 32 : index
      %get3A_1488 = tpu.vector_load %arg15[%get3A_1485, %get3A_1486, %get3A_1487] {strides = array<i32>} : memref<4x32x128xf32, #tpu.memory_space<vmem>>, vector<16xf32>,
      %mul3A_1489 = arith.mulf %broadcast_in_dim3A_1469, %get3A_1488 : vector<16xf32>
      %add3A_1490 = arith.addf %add3A_1423, %mul3A_1489 : vector<16xf32>
      %get3A_1491 = arith.constant 18 : i32
      %get3A_1492 = arith.index_cast %rem3A_125 : i32 to index
      %get3A_1493 = arith.index_cast %get3A_1491 : i32 to index
      %get3A_1494 = arith.constant 48 : index
      %get3A_1495 = tpu.vector_load %arg15[%get3A_1492, %get3A_1493, %get3A_1494] {strides = array<i32>} : memref<4x32x128xf32, #tpu.memory_space<vmem>>, vector<16xf32>,
      %mul3A_1496 = arith.mulf %broadcast_in_dim3A_1469, %get3A_1495 : vector<16xf32>
      %add3A_1497 = arith.addf %add3A_1430, %mul3A_1496 : vector<16xf32>
      %get3A_1498 = arith.constant 18 : i32
      %get3A_1499 = arith.index_cast %rem3A_125 : i32 to index
      %get3A_1500 = arith.index_cast %get3A_1498 : i32 to index
      %get3A_1501 = arith.constant 64 : index
      %get3A_1502 = tpu.vector_load %arg15[%get3A_1499, %get3A_1500, %get3A_1501] {strides = array<i32>} : memref<4x32x128xf32, #tpu.memory_space<vmem>>, vector<16xf32>,
      %mul3A_1503 = arith.mulf %broadcast_in_dim3A_1469, %get3A_1502 : vector<16xf32>
      %add3A_1504 = arith.addf %add3A_1437, %mul3A_1503 : vector<16xf32>
      %get3A_1505 = arith.constant 18 : i32
      %get3A_1506 = arith.index_cast %rem3A_125 : i32 to index
      %get3A_1507 = arith.index_cast %get3A_1505 : i32 to index
      %get3A_1508 = arith.constant 80 : index
      %get3A_1509 = tpu.vector_load %arg15[%get3A_1506, %get3A_1507, %get3A_1508] {strides = array<i32>} : memref<4x32x128xf32, #tpu.memory_space<vmem>>, vector<16xf32>,
      %mul3A_1510 = arith.mulf %broadcast_in_dim3A_1469, %get3A_1509 : vector<16xf32>
      %add3A_1511 = arith.addf %add3A_1444, %mul3A_1510 : vector<16xf32>
      %get3A_1512 = arith.constant 18 : i32
      %get3A_1513 = arith.index_cast %rem3A_125 : i32 to index
      %get3A_1514 = arith.index_cast %get3A_1512 : i32 to index
      %get3A_1515 = arith.constant 96 : index
      %get3A_1516 = tpu.vector_load %arg15[%get3A_1513, %get3A_1514, %get3A_1515] {strides = array<i32>} : memref<4x32x128xf32, #tpu.memory_space<vmem>>, vector<16xf32>,
      %mul3A_1517 = arith.mulf %broadcast_in_dim3A_1469, %get3A_1516 : vector<16xf32>
      %add3A_1518 = arith.addf %add3A_1451, %mul3A_1517 : vector<16xf32>
      %get3A_1519 = arith.constant 18 : i32
      %get3A_1520 = arith.index_cast %rem3A_125 : i32 to index
      %get3A_1521 = arith.index_cast %get3A_1519 : i32 to index
      %get3A_1522 = arith.constant 112 : index
      %get3A_1523 = tpu.vector_load %arg15[%get3A_1520, %get3A_1521, %get3A_1522] {strides = array<i32>} : memref<4x32x128xf32, #tpu.memory_space<vmem>>, vector<16xf32>,
      %mul3A_1524 = arith.mulf %broadcast_in_dim3A_1469, %get3A_1523 : vector<16xf32>
      %add3A_1525 = arith.addf %add3A_1458, %mul3A_1524 : vector<16xf32>
      %eq3A_1526 = arith.constant 3 : i32
      %eq3A_1527 = vector.broadcast %eq3A_1526 : i32 to vector<16xi32>
      %eq3A_1528 = arith.cmpi eq, %iota3A, %eq3A_1527 : vector<16xi32>
      %jit3A_1529 = arith.constant 0.000000e+00 : f32
      %broadcast_in_dim3A_1530 = vector.broadcast %jit3A_1529 : f32 to vector<16xf32>
      %select_n3A_1531 = arith.select %eq3A_1528, %div3A_217, %broadcast_in_dim3A_1530 : vector<16xi1>, vector<16xf32>
      %reduce_sum3A_1532 = arith.constant true
      %reduce_sum3A_1533 = vector.broadcast %reduce_sum3A_1532 : i1 to vector<16xi1>
      %reduce_sum3A_1534 = tpu.scan <sum>, %select_n3A_1531 masked %reduce_sum3A_1533 : vector<16xf32>, vector<16xi1> -> vector<16xf32>
      %reduce_sum3A_1535 = vector.extract %reduce_sum3A_1534[15] : f32 from vector<16xf32>
      %broadcast_in_dim3A_1536 = vector.broadcast %reduce_sum3A_1535 : f32 to vector<16xf32>
      %get3A_1537 = arith.constant 19 : i32
      %get3A_1538 = arith.index_cast %rem3A_125 : i32 to index
      %get3A_1539 = arith.index_cast %get3A_1537 : i32 to index
      %get3A_1540 = arith.constant 0 : index
      %get3A_1541 = tpu.vector_load %arg15[%get3A_1538, %get3A_1539, %get3A_1540] {strides = array<i32>} : memref<4x32x128xf32, #tpu.memory_space<vmem>>, vector<16xf32>,
      %mul3A_1542 = arith.mulf %broadcast_in_dim3A_1536, %get3A_1541 : vector<16xf32>
      %add3A_1543 = arith.addf %add3A_1476, %mul3A_1542 : vector<16xf32>
      %get3A_1544 = arith.constant 19 : i32
      %get3A_1545 = arith.index_cast %rem3A_125 : i32 to index
      %get3A_1546 = arith.index_cast %get3A_1544 : i32 to index
      %get3A_1547 = arith.constant 16 : index
      %get3A_1548 = tpu.vector_load %arg15[%get3A_1545, %get3A_1546, %get3A_1547] {strides = array<i32>} : memref<4x32x128xf32, #tpu.memory_space<vmem>>, vector<16xf32>,
      %mul3A_1549 = arith.mulf %broadcast_in_dim3A_1536, %get3A_1548 : vector<16xf32>
      %add3A_1550 = arith.addf %add3A_1483, %mul3A_1549 : vector<16xf32>
      %get3A_1551 = arith.constant 19 : i32
      %get3A_1552 = arith.index_cast %rem3A_125 : i32 to index
      %get3A_1553 = arith.index_cast %get3A_1551 : i32 to index
      %get3A_1554 = arith.constant 32 : index
      %get3A_1555 = tpu.vector_load %arg15[%get3A_1552, %get3A_1553, %get3A_1554] {strides = array<i32>} : memref<4x32x128xf32, #tpu.memory_space<vmem>>, vector<16xf32>,
      %mul3A_1556 = arith.mulf %broadcast_in_dim3A_1536, %get3A_1555 : vector<16xf32>
      %add3A_1557 = arith.addf %add3A_1490, %mul3A_1556 : vector<16xf32>
      %get3A_1558 = arith.constant 19 : i32
      %get3A_1559 = arith.index_cast %rem3A_125 : i32 to index
      %get3A_1560 = arith.index_cast %get3A_1558 : i32 to index
      %get3A_1561 = arith.constant 48 : index
      %get3A_1562 = tpu.vector_load %arg15[%get3A_1559, %get3A_1560, %get3A_1561] {strides = array<i32>} : memref<4x32x128xf32, #tpu.memory_space<vmem>>, vector<16xf32>,
      %mul3A_1563 = arith.mulf %broadcast_in_dim3A_1536, %get3A_1562 : vector<16xf32>
      %add3A_1564 = arith.addf %add3A_1497, %mul3A_1563 : vector<16xf32>
      %get3A_1565 = arith.constant 19 : i32
      %get3A_1566 = arith.index_cast %rem3A_125 : i32 to index
      %get3A_1567 = arith.index_cast %get3A_1565 : i32 to index
      %get3A_1568 = arith.constant 64 : index
      %get3A_1569 = tpu.vector_load %arg15[%get3A_1566, %get3A_1567, %get3A_1568] {strides = array<i32>} : memref<4x32x128xf32, #tpu.memory_space<vmem>>, vector<16xf32>,
      %mul3A_1570 = arith.mulf %broadcast_in_dim3A_1536, %get3A_1569 : vector<16xf32>
      %add3A_1571 = arith.addf %add3A_1504, %mul3A_1570 : vector<16xf32>
      %get3A_1572 = arith.constant 19 : i32
      %get3A_1573 = arith.index_cast %rem3A_125 : i32 to index
      %get3A_1574 = arith.index_cast %get3A_1572 : i32 to index
      %get3A_1575 = arith.constant 80 : index
      %get3A_1576 = tpu.vector_load %arg15[%get3A_1573, %get3A_1574, %get3A_1575] {strides = array<i32>} : memref<4x32x128xf32, #tpu.memory_space<vmem>>, vector<16xf32>,
      %mul3A_1577 = arith.mulf %broadcast_in_dim3A_1536, %get3A_1576 : vector<16xf32>
      %add3A_1578 = arith.addf %add3A_1511, %mul3A_1577 : vector<16xf32>
      %get3A_1579 = arith.constant 19 : i32
      %get3A_1580 = arith.index_cast %rem3A_125 : i32 to index
      %get3A_1581 = arith.index_cast %get3A_1579 : i32 to index
      %get3A_1582 = arith.constant 96 : index
      %get3A_1583 = tpu.vector_load %arg15[%get3A_1580, %get3A_1581, %get3A_1582] {strides = array<i32>} : memref<4x32x128xf32, #tpu.memory_space<vmem>>, vector<16xf32>,
      %mul3A_1584 = arith.mulf %broadcast_in_dim3A_1536, %get3A_1583 : vector<16xf32>
      %add3A_1585 = arith.addf %add3A_1518, %mul3A_1584 : vector<16xf32>
      %get3A_1586 = arith.constant 19 : i32
      %get3A_1587 = arith.index_cast %rem3A_125 : i32 to index
      %get3A_1588 = arith.index_cast %get3A_1586 : i32 to index
      %get3A_1589 = arith.constant 112 : index
      %get3A_1590 = tpu.vector_load %arg15[%get3A_1587, %get3A_1588, %get3A_1589] {strides = array<i32>} : memref<4x32x128xf32, #tpu.memory_space<vmem>>, vector<16xf32>,
      %mul3A_1591 = arith.mulf %broadcast_in_dim3A_1536, %get3A_1590 : vector<16xf32>
      %add3A_1592 = arith.addf %add3A_1525, %mul3A_1591 : vector<16xf32>
      %eq3A_1593 = arith.constant 4 : i32
      %eq3A_1594 = vector.broadcast %eq3A_1593 : i32 to vector<16xi32>
      %eq3A_1595 = arith.cmpi eq, %iota3A, %eq3A_1594 : vector<16xi32>
      %jit3A_1596 = arith.constant 0.000000e+00 : f32
      %broadcast_in_dim3A_1597 = vector.broadcast %jit3A_1596 : f32 to vector<16xf32>
      %select_n3A_1598 = arith.select %eq3A_1595, %div3A_217, %broadcast_in_dim3A_1597 : vector<16xi1>, vector<16xf32>
      %reduce_sum3A_1599 = arith.constant true
      %reduce_sum3A_1600 = vector.broadcast %reduce_sum3A_1599 : i1 to vector<16xi1>
      %reduce_sum3A_1601 = tpu.scan <sum>, %select_n3A_1598 masked %reduce_sum3A_1600 : vector<16xf32>, vector<16xi1> -> vector<16xf32>
      %reduce_sum3A_1602 = vector.extract %reduce_sum3A_1601[15] : f32 from vector<16xf32>
      %broadcast_in_dim3A_1603 = vector.broadcast %reduce_sum3A_1602 : f32 to vector<16xf32>
      %get3A_1604 = arith.constant 20 : i32
      %get3A_1605 = arith.index_cast %rem3A_125 : i32 to index
      %get3A_1606 = arith.index_cast %get3A_1604 : i32 to index
      %get3A_1607 = arith.constant 0 : index
      %get3A_1608 = tpu.vector_load %arg15[%get3A_1605, %get3A_1606, %get3A_1607] {strides = array<i32>} : memref<4x32x128xf32, #tpu.memory_space<vmem>>, vector<16xf32>,
      %mul3A_1609 = arith.mulf %broadcast_in_dim3A_1603, %get3A_1608 : vector<16xf32>
      %add3A_1610 = arith.addf %add3A_1543, %mul3A_1609 : vector<16xf32>
      %get3A_1611 = arith.constant 20 : i32
      %get3A_1612 = arith.index_cast %rem3A_125 : i32 to index
      %get3A_1613 = arith.index_cast %get3A_1611 : i32 to index
      %get3A_1614 = arith.constant 16 : index
      %get3A_1615 = tpu.vector_load %arg15[%get3A_1612, %get3A_1613, %get3A_1614] {strides = array<i32>} : memref<4x32x128xf32, #tpu.memory_space<vmem>>, vector<16xf32>,
      %mul3A_1616 = arith.mulf %broadcast_in_dim3A_1603, %get3A_1615 : vector<16xf32>
      %add3A_1617 = arith.addf %add3A_1550, %mul3A_1616 : vector<16xf32>
      %get3A_1618 = arith.constant 20 : i32
      %get3A_1619 = arith.index_cast %rem3A_125 : i32 to index
      %get3A_1620 = arith.index_cast %get3A_1618 : i32 to index
      %get3A_1621 = arith.constant 32 : index
      %get3A_1622 = tpu.vector_load %arg15[%get3A_1619, %get3A_1620, %get3A_1621] {strides = array<i32>} : memref<4x32x128xf32, #tpu.memory_space<vmem>>, vector<16xf32>,
      %mul3A_1623 = arith.mulf %broadcast_in_dim3A_1603, %get3A_1622 : vector<16xf32>
      %add3A_1624 = arith.addf %add3A_1557, %mul3A_1623 : vector<16xf32>
      %get3A_1625 = arith.constant 20 : i32
      %get3A_1626 = arith.index_cast %rem3A_125 : i32 to index
      %get3A_1627 = arith.index_cast %get3A_1625 : i32 to index
      %get3A_1628 = arith.constant 48 : index
      %get3A_1629 = tpu.vector_load %arg15[%get3A_1626, %get3A_1627, %get3A_1628] {strides = array<i32>} : memref<4x32x128xf32, #tpu.memory_space<vmem>>, vector<16xf32>,
      %mul3A_1630 = arith.mulf %broadcast_in_dim3A_1603, %get3A_1629 : vector<16xf32>
      %add3A_1631 = arith.addf %add3A_1564, %mul3A_1630 : vector<16xf32>
      %get3A_1632 = arith.constant 20 : i32
      %get3A_1633 = arith.index_cast %rem3A_125 : i32 to index
      %get3A_1634 = arith.index_cast %get3A_1632 : i32 to index
      %get3A_1635 = arith.constant 64 : index
      %get3A_1636 = tpu.vector_load %arg15[%get3A_1633, %get3A_1634, %get3A_1635] {strides = array<i32>} : memref<4x32x128xf32, #tpu.memory_space<vmem>>, vector<16xf32>,
      %mul3A_1637 = arith.mulf %broadcast_in_dim3A_1603, %get3A_1636 : vector<16xf32>
      %add3A_1638 = arith.addf %add3A_1571, %mul3A_1637 : vector<16xf32>
      %get3A_1639 = arith.constant 20 : i32
      %get3A_1640 = arith.index_cast %rem3A_125 : i32 to index
      %get3A_1641 = arith.index_cast %get3A_1639 : i32 to index
      %get3A_1642 = arith.constant 80 : index
      %get3A_1643 = tpu.vector_load %arg15[%get3A_1640, %get3A_1641, %get3A_1642] {strides = array<i32>} : memref<4x32x128xf32, #tpu.memory_space<vmem>>, vector<16xf32>,
      %mul3A_1644 = arith.mulf %broadcast_in_dim3A_1603, %get3A_1643 : vector<16xf32>
      %add3A_1645 = arith.addf %add3A_1578, %mul3A_1644 : vector<16xf32>
      %get3A_1646 = arith.constant 20 : i32
      %get3A_1647 = arith.index_cast %rem3A_125 : i32 to index
      %get3A_1648 = arith.index_cast %get3A_1646 : i32 to index
      %get3A_1649 = arith.constant 96 : index
      %get3A_1650 = tpu.vector_load %arg15[%get3A_1647, %get3A_1648, %get3A_1649] {strides = array<i32>} : memref<4x32x128xf32, #tpu.memory_space<vmem>>, vector<16xf32>,
      %mul3A_1651 = arith.mulf %broadcast_in_dim3A_1603, %get3A_1650 : vector<16xf32>
      %add3A_1652 = arith.addf %add3A_1585, %mul3A_1651 : vector<16xf32>
      %get3A_1653 = arith.constant 20 : i32
      %get3A_1654 = arith.index_cast %rem3A_125 : i32 to index
      %get3A_1655 = arith.index_cast %get3A_1653 : i32 to index
      %get3A_1656 = arith.constant 112 : index
      %get3A_1657 = tpu.vector_load %arg15[%get3A_1654, %get3A_1655, %get3A_1656] {strides = array<i32>} : memref<4x32x128xf32, #tpu.memory_space<vmem>>, vector<16xf32>,
      %mul3A_1658 = arith.mulf %broadcast_in_dim3A_1603, %get3A_1657 : vector<16xf32>
      %add3A_1659 = arith.addf %add3A_1592, %mul3A_1658 : vector<16xf32>
      %eq3A_1660 = arith.constant 5 : i32
      %eq3A_1661 = vector.broadcast %eq3A_1660 : i32 to vector<16xi32>
      %eq3A_1662 = arith.cmpi eq, %iota3A, %eq3A_1661 : vector<16xi32>
      %jit3A_1663 = arith.constant 0.000000e+00 : f32
      %broadcast_in_dim3A_1664 = vector.broadcast %jit3A_1663 : f32 to vector<16xf32>
      %select_n3A_1665 = arith.select %eq3A_1662, %div3A_217, %broadcast_in_dim3A_1664 : vector<16xi1>, vector<16xf32>
      %reduce_sum3A_1666 = arith.constant true
      %reduce_sum3A_1667 = vector.broadcast %reduce_sum3A_1666 : i1 to vector<16xi1>
      %reduce_sum3A_1668 = tpu.scan <sum>, %select_n3A_1665 masked %reduce_sum3A_1667 : vector<16xf32>, vector<16xi1> -> vector<16xf32>
      %reduce_sum3A_1669 = vector.extract %reduce_sum3A_1668[15] : f32 from vector<16xf32>
      %broadcast_in_dim3A_1670 = vector.broadcast %reduce_sum3A_1669 : f32 to vector<16xf32>
      %get3A_1671 = arith.constant 21 : i32
      %get3A_1672 = arith.index_cast %rem3A_125 : i32 to index
      %get3A_1673 = arith.index_cast %get3A_1671 : i32 to index
      %get3A_1674 = arith.constant 0 : index
      %get3A_1675 = tpu.vector_load %arg15[%get3A_1672, %get3A_1673, %get3A_1674] {strides = array<i32>} : memref<4x32x128xf32, #tpu.memory_space<vmem>>, vector<16xf32>,
      %mul3A_1676 = arith.mulf %broadcast_in_dim3A_1670, %get3A_1675 : vector<16xf32>
      %add3A_1677 = arith.addf %add3A_1610, %mul3A_1676 : vector<16xf32>
      %get3A_1678 = arith.constant 21 : i32
      %get3A_1679 = arith.index_cast %rem3A_125 : i32 to index
      %get3A_1680 = arith.index_cast %get3A_1678 : i32 to index
      %get3A_1681 = arith.constant 16 : index
      %get3A_1682 = tpu.vector_load %arg15[%get3A_1679, %get3A_1680, %get3A_1681] {strides = array<i32>} : memref<4x32x128xf32, #tpu.memory_space<vmem>>, vector<16xf32>,
      %mul3A_1683 = arith.mulf %broadcast_in_dim3A_1670, %get3A_1682 : vector<16xf32>
      %add3A_1684 = arith.addf %add3A_1617, %mul3A_1683 : vector<16xf32>
      %get3A_1685 = arith.constant 21 : i32
      %get3A_1686 = arith.index_cast %rem3A_125 : i32 to index
      %get3A_1687 = arith.index_cast %get3A_1685 : i32 to index
      %get3A_1688 = arith.constant 32 : index
      %get3A_1689 = tpu.vector_load %arg15[%get3A_1686, %get3A_1687, %get3A_1688] {strides = array<i32>} : memref<4x32x128xf32, #tpu.memory_space<vmem>>, vector<16xf32>,
      %mul3A_1690 = arith.mulf %broadcast_in_dim3A_1670, %get3A_1689 : vector<16xf32>
      %add3A_1691 = arith.addf %add3A_1624, %mul3A_1690 : vector<16xf32>
      %get3A_1692 = arith.constant 21 : i32
      %get3A_1693 = arith.index_cast %rem3A_125 : i32 to index
      %get3A_1694 = arith.index_cast %get3A_1692 : i32 to index
      %get3A_1695 = arith.constant 48 : index
      %get3A_1696 = tpu.vector_load %arg15[%get3A_1693, %get3A_1694, %get3A_1695] {strides = array<i32>} : memref<4x32x128xf32, #tpu.memory_space<vmem>>, vector<16xf32>,
      %mul3A_1697 = arith.mulf %broadcast_in_dim3A_1670, %get3A_1696 : vector<16xf32>
      %add3A_1698 = arith.addf %add3A_1631, %mul3A_1697 : vector<16xf32>
      %get3A_1699 = arith.constant 21 : i32
      %get3A_1700 = arith.index_cast %rem3A_125 : i32 to index
      %get3A_1701 = arith.index_cast %get3A_1699 : i32 to index
      %get3A_1702 = arith.constant 64 : index
      %get3A_1703 = tpu.vector_load %arg15[%get3A_1700, %get3A_1701, %get3A_1702] {strides = array<i32>} : memref<4x32x128xf32, #tpu.memory_space<vmem>>, vector<16xf32>,
      %mul3A_1704 = arith.mulf %broadcast_in_dim3A_1670, %get3A_1703 : vector<16xf32>
      %add3A_1705 = arith.addf %add3A_1638, %mul3A_1704 : vector<16xf32>
      %get3A_1706 = arith.constant 21 : i32
      %get3A_1707 = arith.index_cast %rem3A_125 : i32 to index
      %get3A_1708 = arith.index_cast %get3A_1706 : i32 to index
      %get3A_1709 = arith.constant 80 : index
      %get3A_1710 = tpu.vector_load %arg15[%get3A_1707, %get3A_1708, %get3A_1709] {strides = array<i32>} : memref<4x32x128xf32, #tpu.memory_space<vmem>>, vector<16xf32>,
      %mul3A_1711 = arith.mulf %broadcast_in_dim3A_1670, %get3A_1710 : vector<16xf32>
      %add3A_1712 = arith.addf %add3A_1645, %mul3A_1711 : vector<16xf32>
      %get3A_1713 = arith.constant 21 : i32
      %get3A_1714 = arith.index_cast %rem3A_125 : i32 to index
      %get3A_1715 = arith.index_cast %get3A_1713 : i32 to index
      %get3A_1716 = arith.constant 96 : index
      %get3A_1717 = tpu.vector_load %arg15[%get3A_1714, %get3A_1715, %get3A_1716] {strides = array<i32>} : memref<4x32x128xf32, #tpu.memory_space<vmem>>, vector<16xf32>,
      %mul3A_1718 = arith.mulf %broadcast_in_dim3A_1670, %get3A_1717 : vector<16xf32>
      %add3A_1719 = arith.addf %add3A_1652, %mul3A_1718 : vector<16xf32>
      %get3A_1720 = arith.constant 21 : i32
      %get3A_1721 = arith.index_cast %rem3A_125 : i32 to index
      %get3A_1722 = arith.index_cast %get3A_1720 : i32 to index
      %get3A_1723 = arith.constant 112 : index
      %get3A_1724 = tpu.vector_load %arg15[%get3A_1721, %get3A_1722, %get3A_1723] {strides = array<i32>} : memref<4x32x128xf32, #tpu.memory_space<vmem>>, vector<16xf32>,
      %mul3A_1725 = arith.mulf %broadcast_in_dim3A_1670, %get3A_1724 : vector<16xf32>
      %add3A_1726 = arith.addf %add3A_1659, %mul3A_1725 : vector<16xf32>
      %eq3A_1727 = arith.constant 6 : i32
      %eq3A_1728 = vector.broadcast %eq3A_1727 : i32 to vector<16xi32>
      %eq3A_1729 = arith.cmpi eq, %iota3A, %eq3A_1728 : vector<16xi32>
      %jit3A_1730 = arith.constant 0.000000e+00 : f32
      %broadcast_in_dim3A_1731 = vector.broadcast %jit3A_1730 : f32 to vector<16xf32>
      %select_n3A_1732 = arith.select %eq3A_1729, %div3A_217, %broadcast_in_dim3A_1731 : vector<16xi1>, vector<16xf32>
      %reduce_sum3A_1733 = arith.constant true
      %reduce_sum3A_1734 = vector.broadcast %reduce_sum3A_1733 : i1 to vector<16xi1>
      %reduce_sum3A_1735 = tpu.scan <sum>, %select_n3A_1732 masked %reduce_sum3A_1734 : vector<16xf32>, vector<16xi1> -> vector<16xf32>
      %reduce_sum3A_1736 = vector.extract %reduce_sum3A_1735[15] : f32 from vector<16xf32>
      %broadcast_in_dim3A_1737 = vector.broadcast %reduce_sum3A_1736 : f32 to vector<16xf32>
      %get3A_1738 = arith.constant 22 : i32
      %get3A_1739 = arith.index_cast %rem3A_125 : i32 to index
      %get3A_1740 = arith.index_cast %get3A_1738 : i32 to index
      %get3A_1741 = arith.constant 0 : index
      %get3A_1742 = tpu.vector_load %arg15[%get3A_1739, %get3A_1740, %get3A_1741] {strides = array<i32>} : memref<4x32x128xf32, #tpu.memory_space<vmem>>, vector<16xf32>,
      %mul3A_1743 = arith.mulf %broadcast_in_dim3A_1737, %get3A_1742 : vector<16xf32>
      %add3A_1744 = arith.addf %add3A_1677, %mul3A_1743 : vector<16xf32>
      %get3A_1745 = arith.constant 22 : i32
      %get3A_1746 = arith.index_cast %rem3A_125 : i32 to index
      %get3A_1747 = arith.index_cast %get3A_1745 : i32 to index
      %get3A_1748 = arith.constant 16 : index
      %get3A_1749 = tpu.vector_load %arg15[%get3A_1746, %get3A_1747, %get3A_1748] {strides = array<i32>} : memref<4x32x128xf32, #tpu.memory_space<vmem>>, vector<16xf32>,
      %mul3A_1750 = arith.mulf %broadcast_in_dim3A_1737, %get3A_1749 : vector<16xf32>
      %add3A_1751 = arith.addf %add3A_1684, %mul3A_1750 : vector<16xf32>
      %get3A_1752 = arith.constant 22 : i32
      %get3A_1753 = arith.index_cast %rem3A_125 : i32 to index
      %get3A_1754 = arith.index_cast %get3A_1752 : i32 to index
      %get3A_1755 = arith.constant 32 : index
      %get3A_1756 = tpu.vector_load %arg15[%get3A_1753, %get3A_1754, %get3A_1755] {strides = array<i32>} : memref<4x32x128xf32, #tpu.memory_space<vmem>>, vector<16xf32>,
      %mul3A_1757 = arith.mulf %broadcast_in_dim3A_1737, %get3A_1756 : vector<16xf32>
      %add3A_1758 = arith.addf %add3A_1691, %mul3A_1757 : vector<16xf32>
      %get3A_1759 = arith.constant 22 : i32
      %get3A_1760 = arith.index_cast %rem3A_125 : i32 to index
      %get3A_1761 = arith.index_cast %get3A_1759 : i32 to index
      %get3A_1762 = arith.constant 48 : index
      %get3A_1763 = tpu.vector_load %arg15[%get3A_1760, %get3A_1761, %get3A_1762] {strides = array<i32>} : memref<4x32x128xf32, #tpu.memory_space<vmem>>, vector<16xf32>,
      %mul3A_1764 = arith.mulf %broadcast_in_dim3A_1737, %get3A_1763 : vector<16xf32>
      %add3A_1765 = arith.addf %add3A_1698, %mul3A_1764 : vector<16xf32>
      %get3A_1766 = arith.constant 22 : i32
      %get3A_1767 = arith.index_cast %rem3A_125 : i32 to index
      %get3A_1768 = arith.index_cast %get3A_1766 : i32 to index
      %get3A_1769 = arith.constant 64 : index
      %get3A_1770 = tpu.vector_load %arg15[%get3A_1767, %get3A_1768, %get3A_1769] {strides = array<i32>} : memref<4x32x128xf32, #tpu.memory_space<vmem>>, vector<16xf32>,
      %mul3A_1771 = arith.mulf %broadcast_in_dim3A_1737, %get3A_1770 : vector<16xf32>
      %add3A_1772 = arith.addf %add3A_1705, %mul3A_1771 : vector<16xf32>
      %get3A_1773 = arith.constant 22 : i32
      %get3A_1774 = arith.index_cast %rem3A_125 : i32 to index
      %get3A_1775 = arith.index_cast %get3A_1773 : i32 to index
      %get3A_1776 = arith.constant 80 : index
      %get3A_1777 = tpu.vector_load %arg15[%get3A_1774, %get3A_1775, %get3A_1776] {strides = array<i32>} : memref<4x32x128xf32, #tpu.memory_space<vmem>>, vector<16xf32>,
      %mul3A_1778 = arith.mulf %broadcast_in_dim3A_1737, %get3A_1777 : vector<16xf32>
      %add3A_1779 = arith.addf %add3A_1712, %mul3A_1778 : vector<16xf32>
      %get3A_1780 = arith.constant 22 : i32
      %get3A_1781 = arith.index_cast %rem3A_125 : i32 to index
      %get3A_1782 = arith.index_cast %get3A_1780 : i32 to index
      %get3A_1783 = arith.constant 96 : index
      %get3A_1784 = tpu.vector_load %arg15[%get3A_1781, %get3A_1782, %get3A_1783] {strides = array<i32>} : memref<4x32x128xf32, #tpu.memory_space<vmem>>, vector<16xf32>,
      %mul3A_1785 = arith.mulf %broadcast_in_dim3A_1737, %get3A_1784 : vector<16xf32>
      %add3A_1786 = arith.addf %add3A_1719, %mul3A_1785 : vector<16xf32>
      %get3A_1787 = arith.constant 22 : i32
      %get3A_1788 = arith.index_cast %rem3A_125 : i32 to index
      %get3A_1789 = arith.index_cast %get3A_1787 : i32 to index
      %get3A_1790 = arith.constant 112 : index
      %get3A_1791 = tpu.vector_load %arg15[%get3A_1788, %get3A_1789, %get3A_1790] {strides = array<i32>} : memref<4x32x128xf32, #tpu.memory_space<vmem>>, vector<16xf32>,
      %mul3A_1792 = arith.mulf %broadcast_in_dim3A_1737, %get3A_1791 : vector<16xf32>
      %add3A_1793 = arith.addf %add3A_1726, %mul3A_1792 : vector<16xf32>
      %eq3A_1794 = arith.constant 7 : i32
      %eq3A_1795 = vector.broadcast %eq3A_1794 : i32 to vector<16xi32>
      %eq3A_1796 = arith.cmpi eq, %iota3A, %eq3A_1795 : vector<16xi32>
      %jit3A_1797 = arith.constant 0.000000e+00 : f32
      %broadcast_in_dim3A_1798 = vector.broadcast %jit3A_1797 : f32 to vector<16xf32>
      %select_n3A_1799 = arith.select %eq3A_1796, %div3A_217, %broadcast_in_dim3A_1798 : vector<16xi1>, vector<16xf32>
      %reduce_sum3A_1800 = arith.constant true
      %reduce_sum3A_1801 = vector.broadcast %reduce_sum3A_1800 : i1 to vector<16xi1>
      %reduce_sum3A_1802 = tpu.scan <sum>, %select_n3A_1799 masked %reduce_sum3A_1801 : vector<16xf32>, vector<16xi1> -> vector<16xf32>
      %reduce_sum3A_1803 = vector.extract %reduce_sum3A_1802[15] : f32 from vector<16xf32>
      %broadcast_in_dim3A_1804 = vector.broadcast %reduce_sum3A_1803 : f32 to vector<16xf32>
      %get3A_1805 = arith.constant 23 : i32
      %get3A_1806 = arith.index_cast %rem3A_125 : i32 to index
      %get3A_1807 = arith.index_cast %get3A_1805 : i32 to index
      %get3A_1808 = arith.constant 0 : index
      %get3A_1809 = tpu.vector_load %arg15[%get3A_1806, %get3A_1807, %get3A_1808] {strides = array<i32>} : memref<4x32x128xf32, #tpu.memory_space<vmem>>, vector<16xf32>,
      %mul3A_1810 = arith.mulf %broadcast_in_dim3A_1804, %get3A_1809 : vector<16xf32>
      %add3A_1811 = arith.addf %add3A_1744, %mul3A_1810 : vector<16xf32>
      %get3A_1812 = arith.constant 23 : i32
      %get3A_1813 = arith.index_cast %rem3A_125 : i32 to index
      %get3A_1814 = arith.index_cast %get3A_1812 : i32 to index
      %get3A_1815 = arith.constant 16 : index
      %get3A_1816 = tpu.vector_load %arg15[%get3A_1813, %get3A_1814, %get3A_1815] {strides = array<i32>} : memref<4x32x128xf32, #tpu.memory_space<vmem>>, vector<16xf32>,
      %mul3A_1817 = arith.mulf %broadcast_in_dim3A_1804, %get3A_1816 : vector<16xf32>
      %add3A_1818 = arith.addf %add3A_1751, %mul3A_1817 : vector<16xf32>
      %get3A_1819 = arith.constant 23 : i32
      %get3A_1820 = arith.index_cast %rem3A_125 : i32 to index
      %get3A_1821 = arith.index_cast %get3A_1819 : i32 to index
      %get3A_1822 = arith.constant 32 : index
      %get3A_1823 = tpu.vector_load %arg15[%get3A_1820, %get3A_1821, %get3A_1822] {strides = array<i32>} : memref<4x32x128xf32, #tpu.memory_space<vmem>>, vector<16xf32>,
      %mul3A_1824 = arith.mulf %broadcast_in_dim3A_1804, %get3A_1823 : vector<16xf32>
      %add3A_1825 = arith.addf %add3A_1758, %mul3A_1824 : vector<16xf32>
      %get3A_1826 = arith.constant 23 : i32
      %get3A_1827 = arith.index_cast %rem3A_125 : i32 to index
      %get3A_1828 = arith.index_cast %get3A_1826 : i32 to index
      %get3A_1829 = arith.constant 48 : index
      %get3A_1830 = tpu.vector_load %arg15[%get3A_1827, %get3A_1828, %get3A_1829] {strides = array<i32>} : memref<4x32x128xf32, #tpu.memory_space<vmem>>, vector<16xf32>,
      %mul3A_1831 = arith.mulf %broadcast_in_dim3A_1804, %get3A_1830 : vector<16xf32>
      %add3A_1832 = arith.addf %add3A_1765, %mul3A_1831 : vector<16xf32>
      %get3A_1833 = arith.constant 23 : i32
      %get3A_1834 = arith.index_cast %rem3A_125 : i32 to index
      %get3A_1835 = arith.index_cast %get3A_1833 : i32 to index
      %get3A_1836 = arith.constant 64 : index
      %get3A_1837 = tpu.vector_load %arg15[%get3A_1834, %get3A_1835, %get3A_1836] {strides = array<i32>} : memref<4x32x128xf32, #tpu.memory_space<vmem>>, vector<16xf32>,
      %mul3A_1838 = arith.mulf %broadcast_in_dim3A_1804, %get3A_1837 : vector<16xf32>
      %add3A_1839 = arith.addf %add3A_1772, %mul3A_1838 : vector<16xf32>
      %get3A_1840 = arith.constant 23 : i32
      %get3A_1841 = arith.index_cast %rem3A_125 : i32 to index
      %get3A_1842 = arith.index_cast %get3A_1840 : i32 to index
      %get3A_1843 = arith.constant 80 : index
      %get3A_1844 = tpu.vector_load %arg15[%get3A_1841, %get3A_1842, %get3A_1843] {strides = array<i32>} : memref<4x32x128xf32, #tpu.memory_space<vmem>>, vector<16xf32>,
      %mul3A_1845 = arith.mulf %broadcast_in_dim3A_1804, %get3A_1844 : vector<16xf32>
      %add3A_1846 = arith.addf %add3A_1779, %mul3A_1845 : vector<16xf32>
      %get3A_1847 = arith.constant 23 : i32
      %get3A_1848 = arith.index_cast %rem3A_125 : i32 to index
      %get3A_1849 = arith.index_cast %get3A_1847 : i32 to index
      %get3A_1850 = arith.constant 96 : index
      %get3A_1851 = tpu.vector_load %arg15[%get3A_1848, %get3A_1849, %get3A_1850] {strides = array<i32>} : memref<4x32x128xf32, #tpu.memory_space<vmem>>, vector<16xf32>,
      %mul3A_1852 = arith.mulf %broadcast_in_dim3A_1804, %get3A_1851 : vector<16xf32>
      %add3A_1853 = arith.addf %add3A_1786, %mul3A_1852 : vector<16xf32>
      %get3A_1854 = arith.constant 23 : i32
      %get3A_1855 = arith.index_cast %rem3A_125 : i32 to index
      %get3A_1856 = arith.index_cast %get3A_1854 : i32 to index
      %get3A_1857 = arith.constant 112 : index
      %get3A_1858 = tpu.vector_load %arg15[%get3A_1855, %get3A_1856, %get3A_1857] {strides = array<i32>} : memref<4x32x128xf32, #tpu.memory_space<vmem>>, vector<16xf32>,
      %mul3A_1859 = arith.mulf %broadcast_in_dim3A_1804, %get3A_1858 : vector<16xf32>
      %add3A_1860 = arith.addf %add3A_1793, %mul3A_1859 : vector<16xf32>
      %eq3A_1861 = arith.constant 8 : i32
      %eq3A_1862 = vector.broadcast %eq3A_1861 : i32 to vector<16xi32>
      %eq3A_1863 = arith.cmpi eq, %iota3A, %eq3A_1862 : vector<16xi32>
      %jit3A_1864 = arith.constant 0.000000e+00 : f32
      %broadcast_in_dim3A_1865 = vector.broadcast %jit3A_1864 : f32 to vector<16xf32>
      %select_n3A_1866 = arith.select %eq3A_1863, %div3A_217, %broadcast_in_dim3A_1865 : vector<16xi1>, vector<16xf32>
      %reduce_sum3A_1867 = arith.constant true
      %reduce_sum3A_1868 = vector.broadcast %reduce_sum3A_1867 : i1 to vector<16xi1>
      %reduce_sum3A_1869 = tpu.scan <sum>, %select_n3A_1866 masked %reduce_sum3A_1868 : vector<16xf32>, vector<16xi1> -> vector<16xf32>
      %reduce_sum3A_1870 = vector.extract %reduce_sum3A_1869[15] : f32 from vector<16xf32>
      %broadcast_in_dim3A_1871 = vector.broadcast %reduce_sum3A_1870 : f32 to vector<16xf32>
      %get3A_1872 = arith.constant 24 : i32
      %get3A_1873 = arith.index_cast %rem3A_125 : i32 to index
      %get3A_1874 = arith.index_cast %get3A_1872 : i32 to index
      %get3A_1875 = arith.constant 0 : index
      %get3A_1876 = tpu.vector_load %arg15[%get3A_1873, %get3A_1874, %get3A_1875] {strides = array<i32>} : memref<4x32x128xf32, #tpu.memory_space<vmem>>, vector<16xf32>,
      %mul3A_1877 = arith.mulf %broadcast_in_dim3A_1871, %get3A_1876 : vector<16xf32>
      %add3A_1878 = arith.addf %add3A_1811, %mul3A_1877 : vector<16xf32>
      %get3A_1879 = arith.constant 24 : i32
      %get3A_1880 = arith.index_cast %rem3A_125 : i32 to index
      %get3A_1881 = arith.index_cast %get3A_1879 : i32 to index
      %get3A_1882 = arith.constant 16 : index
      %get3A_1883 = tpu.vector_load %arg15[%get3A_1880, %get3A_1881, %get3A_1882] {strides = array<i32>} : memref<4x32x128xf32, #tpu.memory_space<vmem>>, vector<16xf32>,
      %mul3A_1884 = arith.mulf %broadcast_in_dim3A_1871, %get3A_1883 : vector<16xf32>
      %add3A_1885 = arith.addf %add3A_1818, %mul3A_1884 : vector<16xf32>
      %get3A_1886 = arith.constant 24 : i32
      %get3A_1887 = arith.index_cast %rem3A_125 : i32 to index
      %get3A_1888 = arith.index_cast %get3A_1886 : i32 to index
      %get3A_1889 = arith.constant 32 : index
      %get3A_1890 = tpu.vector_load %arg15[%get3A_1887, %get3A_1888, %get3A_1889] {strides = array<i32>} : memref<4x32x128xf32, #tpu.memory_space<vmem>>, vector<16xf32>,
      %mul3A_1891 = arith.mulf %broadcast_in_dim3A_1871, %get3A_1890 : vector<16xf32>
      %add3A_1892 = arith.addf %add3A_1825, %mul3A_1891 : vector<16xf32>
      %get3A_1893 = arith.constant 24 : i32
      %get3A_1894 = arith.index_cast %rem3A_125 : i32 to index
      %get3A_1895 = arith.index_cast %get3A_1893 : i32 to index
      %get3A_1896 = arith.constant 48 : index
      %get3A_1897 = tpu.vector_load %arg15[%get3A_1894, %get3A_1895, %get3A_1896] {strides = array<i32>} : memref<4x32x128xf32, #tpu.memory_space<vmem>>, vector<16xf32>,
      %mul3A_1898 = arith.mulf %broadcast_in_dim3A_1871, %get3A_1897 : vector<16xf32>
      %add3A_1899 = arith.addf %add3A_1832, %mul3A_1898 : vector<16xf32>
      %get3A_1900 = arith.constant 24 : i32
      %get3A_1901 = arith.index_cast %rem3A_125 : i32 to index
      %get3A_1902 = arith.index_cast %get3A_1900 : i32 to index
      %get3A_1903 = arith.constant 64 : index
      %get3A_1904 = tpu.vector_load %arg15[%get3A_1901, %get3A_1902, %get3A_1903] {strides = array<i32>} : memref<4x32x128xf32, #tpu.memory_space<vmem>>, vector<16xf32>,
      %mul3A_1905 = arith.mulf %broadcast_in_dim3A_1871, %get3A_1904 : vector<16xf32>
      %add3A_1906 = arith.addf %add3A_1839, %mul3A_1905 : vector<16xf32>
      %get3A_1907 = arith.constant 24 : i32
      %get3A_1908 = arith.index_cast %rem3A_125 : i32 to index
      %get3A_1909 = arith.index_cast %get3A_1907 : i32 to index
      %get3A_1910 = arith.constant 80 : index
      %get3A_1911 = tpu.vector_load %arg15[%get3A_1908, %get3A_1909, %get3A_1910] {strides = array<i32>} : memref<4x32x128xf32, #tpu.memory_space<vmem>>, vector<16xf32>,
      %mul3A_1912 = arith.mulf %broadcast_in_dim3A_1871, %get3A_1911 : vector<16xf32>
      %add3A_1913 = arith.addf %add3A_1846, %mul3A_1912 : vector<16xf32>
      %get3A_1914 = arith.constant 24 : i32
      %get3A_1915 = arith.index_cast %rem3A_125 : i32 to index
      %get3A_1916 = arith.index_cast %get3A_1914 : i32 to index
      %get3A_1917 = arith.constant 96 : index
      %get3A_1918 = tpu.vector_load %arg15[%get3A_1915, %get3A_1916, %get3A_1917] {strides = array<i32>} : memref<4x32x128xf32, #tpu.memory_space<vmem>>, vector<16xf32>,
      %mul3A_1919 = arith.mulf %broadcast_in_dim3A_1871, %get3A_1918 : vector<16xf32>
      %add3A_1920 = arith.addf %add3A_1853, %mul3A_1919 : vector<16xf32>
      %get3A_1921 = arith.constant 24 : i32
      %get3A_1922 = arith.index_cast %rem3A_125 : i32 to index
      %get3A_1923 = arith.index_cast %get3A_1921 : i32 to index
      %get3A_1924 = arith.constant 112 : index
      %get3A_1925 = tpu.vector_load %arg15[%get3A_1922, %get3A_1923, %get3A_1924] {strides = array<i32>} : memref<4x32x128xf32, #tpu.memory_space<vmem>>, vector<16xf32>,
      %mul3A_1926 = arith.mulf %broadcast_in_dim3A_1871, %get3A_1925 : vector<16xf32>
      %add3A_1927 = arith.addf %add3A_1860, %mul3A_1926 : vector<16xf32>
      %eq3A_1928 = arith.constant 9 : i32
      %eq3A_1929 = vector.broadcast %eq3A_1928 : i32 to vector<16xi32>
      %eq3A_1930 = arith.cmpi eq, %iota3A, %eq3A_1929 : vector<16xi32>
      %jit3A_1931 = arith.constant 0.000000e+00 : f32
      %broadcast_in_dim3A_1932 = vector.broadcast %jit3A_1931 : f32 to vector<16xf32>
      %select_n3A_1933 = arith.select %eq3A_1930, %div3A_217, %broadcast_in_dim3A_1932 : vector<16xi1>, vector<16xf32>
      %reduce_sum3A_1934 = arith.constant true
      %reduce_sum3A_1935 = vector.broadcast %reduce_sum3A_1934 : i1 to vector<16xi1>
      %reduce_sum3A_1936 = tpu.scan <sum>, %select_n3A_1933 masked %reduce_sum3A_1935 : vector<16xf32>, vector<16xi1> -> vector<16xf32>
      %reduce_sum3A_1937 = vector.extract %reduce_sum3A_1936[15] : f32 from vector<16xf32>
      %broadcast_in_dim3A_1938 = vector.broadcast %reduce_sum3A_1937 : f32 to vector<16xf32>
      %get3A_1939 = arith.constant 25 : i32
      %get3A_1940 = arith.index_cast %rem3A_125 : i32 to index
      %get3A_1941 = arith.index_cast %get3A_1939 : i32 to index
      %get3A_1942 = arith.constant 0 : index
      %get3A_1943 = tpu.vector_load %arg15[%get3A_1940, %get3A_1941, %get3A_1942] {strides = array<i32>} : memref<4x32x128xf32, #tpu.memory_space<vmem>>, vector<16xf32>,
      %mul3A_1944 = arith.mulf %broadcast_in_dim3A_1938, %get3A_1943 : vector<16xf32>
      %add3A_1945 = arith.addf %add3A_1878, %mul3A_1944 : vector<16xf32>
      %get3A_1946 = arith.constant 25 : i32
      %get3A_1947 = arith.index_cast %rem3A_125 : i32 to index
      %get3A_1948 = arith.index_cast %get3A_1946 : i32 to index
      %get3A_1949 = arith.constant 16 : index
      %get3A_1950 = tpu.vector_load %arg15[%get3A_1947, %get3A_1948, %get3A_1949] {strides = array<i32>} : memref<4x32x128xf32, #tpu.memory_space<vmem>>, vector<16xf32>,
      %mul3A_1951 = arith.mulf %broadcast_in_dim3A_1938, %get3A_1950 : vector<16xf32>
      %add3A_1952 = arith.addf %add3A_1885, %mul3A_1951 : vector<16xf32>
      %get3A_1953 = arith.constant 25 : i32
      %get3A_1954 = arith.index_cast %rem3A_125 : i32 to index
      %get3A_1955 = arith.index_cast %get3A_1953 : i32 to index
      %get3A_1956 = arith.constant 32 : index
      %get3A_1957 = tpu.vector_load %arg15[%get3A_1954, %get3A_1955, %get3A_1956] {strides = array<i32>} : memref<4x32x128xf32, #tpu.memory_space<vmem>>, vector<16xf32>,
      %mul3A_1958 = arith.mulf %broadcast_in_dim3A_1938, %get3A_1957 : vector<16xf32>
      %add3A_1959 = arith.addf %add3A_1892, %mul3A_1958 : vector<16xf32>
      %get3A_1960 = arith.constant 25 : i32
      %get3A_1961 = arith.index_cast %rem3A_125 : i32 to index
      %get3A_1962 = arith.index_cast %get3A_1960 : i32 to index
      %get3A_1963 = arith.constant 48 : index
      %get3A_1964 = tpu.vector_load %arg15[%get3A_1961, %get3A_1962, %get3A_1963] {strides = array<i32>} : memref<4x32x128xf32, #tpu.memory_space<vmem>>, vector<16xf32>,
      %mul3A_1965 = arith.mulf %broadcast_in_dim3A_1938, %get3A_1964 : vector<16xf32>
      %add3A_1966 = arith.addf %add3A_1899, %mul3A_1965 : vector<16xf32>
      %get3A_1967 = arith.constant 25 : i32
      %get3A_1968 = arith.index_cast %rem3A_125 : i32 to index
      %get3A_1969 = arith.index_cast %get3A_1967 : i32 to index
      %get3A_1970 = arith.constant 64 : index
      %get3A_1971 = tpu.vector_load %arg15[%get3A_1968, %get3A_1969, %get3A_1970] {strides = array<i32>} : memref<4x32x128xf32, #tpu.memory_space<vmem>>, vector<16xf32>,
      %mul3A_1972 = arith.mulf %broadcast_in_dim3A_1938, %get3A_1971 : vector<16xf32>
      %add3A_1973 = arith.addf %add3A_1906, %mul3A_1972 : vector<16xf32>
      %get3A_1974 = arith.constant 25 : i32
      %get3A_1975 = arith.index_cast %rem3A_125 : i32 to index
      %get3A_1976 = arith.index_cast %get3A_1974 : i32 to index
      %get3A_1977 = arith.constant 80 : index
      %get3A_1978 = tpu.vector_load %arg15[%get3A_1975, %get3A_1976, %get3A_1977] {strides = array<i32>} : memref<4x32x128xf32, #tpu.memory_space<vmem>>, vector<16xf32>,
      %mul3A_1979 = arith.mulf %broadcast_in_dim3A_1938, %get3A_1978 : vector<16xf32>
      %add3A_1980 = arith.addf %add3A_1913, %mul3A_1979 : vector<16xf32>
      %get3A_1981 = arith.constant 25 : i32
      %get3A_1982 = arith.index_cast %rem3A_125 : i32 to index
      %get3A_1983 = arith.index_cast %get3A_1981 : i32 to index
      %get3A_1984 = arith.constant 96 : index
      %get3A_1985 = tpu.vector_load %arg15[%get3A_1982, %get3A_1983, %get3A_1984] {strides = array<i32>} : memref<4x32x128xf32, #tpu.memory_space<vmem>>, vector<16xf32>,
      %mul3A_1986 = arith.mulf %broadcast_in_dim3A_1938, %get3A_1985 : vector<16xf32>
      %add3A_1987 = arith.addf %add3A_1920, %mul3A_1986 : vector<16xf32>
      %get3A_1988 = arith.constant 25 : i32
      %get3A_1989 = arith.index_cast %rem3A_125 : i32 to index
      %get3A_1990 = arith.index_cast %get3A_1988 : i32 to index
      %get3A_1991 = arith.constant 112 : index
      %get3A_1992 = tpu.vector_load %arg15[%get3A_1989, %get3A_1990, %get3A_1991] {strides = array<i32>} : memref<4x32x128xf32, #tpu.memory_space<vmem>>, vector<16xf32>,
      %mul3A_1993 = arith.mulf %broadcast_in_dim3A_1938, %get3A_1992 : vector<16xf32>
      %add3A_1994 = arith.addf %add3A_1927, %mul3A_1993 : vector<16xf32>
      %eq3A_1995 = arith.constant 10 : i32
      %eq3A_1996 = vector.broadcast %eq3A_1995 : i32 to vector<16xi32>
      %eq3A_1997 = arith.cmpi eq, %iota3A, %eq3A_1996 : vector<16xi32>
      %jit3A_1998 = arith.constant 0.000000e+00 : f32
      %broadcast_in_dim3A_1999 = vector.broadcast %jit3A_1998 : f32 to vector<16xf32>
      %select_n3A_2000 = arith.select %eq3A_1997, %div3A_217, %broadcast_in_dim3A_1999 : vector<16xi1>, vector<16xf32>
      %reduce_sum3A_2001 = arith.constant true
      %reduce_sum3A_2002 = vector.broadcast %reduce_sum3A_2001 : i1 to vector<16xi1>
      %reduce_sum3A_2003 = tpu.scan <sum>, %select_n3A_2000 masked %reduce_sum3A_2002 : vector<16xf32>, vector<16xi1> -> vector<16xf32>
      %reduce_sum3A_2004 = vector.extract %reduce_sum3A_2003[15] : f32 from vector<16xf32>
      %broadcast_in_dim3A_2005 = vector.broadcast %reduce_sum3A_2004 : f32 to vector<16xf32>
      %get3A_2006 = arith.constant 26 : i32
      %get3A_2007 = arith.index_cast %rem3A_125 : i32 to index
      %get3A_2008 = arith.index_cast %get3A_2006 : i32 to index
      %get3A_2009 = arith.constant 0 : index
      %get3A_2010 = tpu.vector_load %arg15[%get3A_2007, %get3A_2008, %get3A_2009] {strides = array<i32>} : memref<4x32x128xf32, #tpu.memory_space<vmem>>, vector<16xf32>,
      %mul3A_2011 = arith.mulf %broadcast_in_dim3A_2005, %get3A_2010 : vector<16xf32>
      %add3A_2012 = arith.addf %add3A_1945, %mul3A_2011 : vector<16xf32>
      %get3A_2013 = arith.constant 26 : i32
      %get3A_2014 = arith.index_cast %rem3A_125 : i32 to index
      %get3A_2015 = arith.index_cast %get3A_2013 : i32 to index
      %get3A_2016 = arith.constant 16 : index
      %get3A_2017 = tpu.vector_load %arg15[%get3A_2014, %get3A_2015, %get3A_2016] {strides = array<i32>} : memref<4x32x128xf32, #tpu.memory_space<vmem>>, vector<16xf32>,
      %mul3A_2018 = arith.mulf %broadcast_in_dim3A_2005, %get3A_2017 : vector<16xf32>
      %add3A_2019 = arith.addf %add3A_1952, %mul3A_2018 : vector<16xf32>
      %get3A_2020 = arith.constant 26 : i32
      %get3A_2021 = arith.index_cast %rem3A_125 : i32 to index
      %get3A_2022 = arith.index_cast %get3A_2020 : i32 to index
      %get3A_2023 = arith.constant 32 : index
      %get3A_2024 = tpu.vector_load %arg15[%get3A_2021, %get3A_2022, %get3A_2023] {strides = array<i32>} : memref<4x32x128xf32, #tpu.memory_space<vmem>>, vector<16xf32>,
      %mul3A_2025 = arith.mulf %broadcast_in_dim3A_2005, %get3A_2024 : vector<16xf32>
      %add3A_2026 = arith.addf %add3A_1959, %mul3A_2025 : vector<16xf32>
      %get3A_2027 = arith.constant 26 : i32
      %get3A_2028 = arith.index_cast %rem3A_125 : i32 to index
      %get3A_2029 = arith.index_cast %get3A_2027 : i32 to index
      %get3A_2030 = arith.constant 48 : index
      %get3A_2031 = tpu.vector_load %arg15[%get3A_2028, %get3A_2029, %get3A_2030] {strides = array<i32>} : memref<4x32x128xf32, #tpu.memory_space<vmem>>, vector<16xf32>,
      %mul3A_2032 = arith.mulf %broadcast_in_dim3A_2005, %get3A_2031 : vector<16xf32>
      %add3A_2033 = arith.addf %add3A_1966, %mul3A_2032 : vector<16xf32>
      %get3A_2034 = arith.constant 26 : i32
      %get3A_2035 = arith.index_cast %rem3A_125 : i32 to index
      %get3A_2036 = arith.index_cast %get3A_2034 : i32 to index
      %get3A_2037 = arith.constant 64 : index
      %get3A_2038 = tpu.vector_load %arg15[%get3A_2035, %get3A_2036, %get3A_2037] {strides = array<i32>} : memref<4x32x128xf32, #tpu.memory_space<vmem>>, vector<16xf32>,
      %mul3A_2039 = arith.mulf %broadcast_in_dim3A_2005, %get3A_2038 : vector<16xf32>
      %add3A_2040 = arith.addf %add3A_1973, %mul3A_2039 : vector<16xf32>
      %get3A_2041 = arith.constant 26 : i32
      %get3A_2042 = arith.index_cast %rem3A_125 : i32 to index
      %get3A_2043 = arith.index_cast %get3A_2041 : i32 to index
      %get3A_2044 = arith.constant 80 : index
      %get3A_2045 = tpu.vector_load %arg15[%get3A_2042, %get3A_2043, %get3A_2044] {strides = array<i32>} : memref<4x32x128xf32, #tpu.memory_space<vmem>>, vector<16xf32>,
      %mul3A_2046 = arith.mulf %broadcast_in_dim3A_2005, %get3A_2045 : vector<16xf32>
      %add3A_2047 = arith.addf %add3A_1980, %mul3A_2046 : vector<16xf32>
      %get3A_2048 = arith.constant 26 : i32
      %get3A_2049 = arith.index_cast %rem3A_125 : i32 to index
      %get3A_2050 = arith.index_cast %get3A_2048 : i32 to index
      %get3A_2051 = arith.constant 96 : index
      %get3A_2052 = tpu.vector_load %arg15[%get3A_2049, %get3A_2050, %get3A_2051] {strides = array<i32>} : memref<4x32x128xf32, #tpu.memory_space<vmem>>, vector<16xf32>,
      %mul3A_2053 = arith.mulf %broadcast_in_dim3A_2005, %get3A_2052 : vector<16xf32>
      %add3A_2054 = arith.addf %add3A_1987, %mul3A_2053 : vector<16xf32>
      %get3A_2055 = arith.constant 26 : i32
      %get3A_2056 = arith.index_cast %rem3A_125 : i32 to index
      %get3A_2057 = arith.index_cast %get3A_2055 : i32 to index
      %get3A_2058 = arith.constant 112 : index
      %get3A_2059 = tpu.vector_load %arg15[%get3A_2056, %get3A_2057, %get3A_2058] {strides = array<i32>} : memref<4x32x128xf32, #tpu.memory_space<vmem>>, vector<16xf32>,
      %mul3A_2060 = arith.mulf %broadcast_in_dim3A_2005, %get3A_2059 : vector<16xf32>
      %add3A_2061 = arith.addf %add3A_1994, %mul3A_2060 : vector<16xf32>
      %eq3A_2062 = arith.constant 11 : i32
      %eq3A_2063 = vector.broadcast %eq3A_2062 : i32 to vector<16xi32>
      %eq3A_2064 = arith.cmpi eq, %iota3A, %eq3A_2063 : vector<16xi32>
      %jit3A_2065 = arith.constant 0.000000e+00 : f32
      %broadcast_in_dim3A_2066 = vector.broadcast %jit3A_2065 : f32 to vector<16xf32>
      %select_n3A_2067 = arith.select %eq3A_2064, %div3A_217, %broadcast_in_dim3A_2066 : vector<16xi1>, vector<16xf32>
      %reduce_sum3A_2068 = arith.constant true
      %reduce_sum3A_2069 = vector.broadcast %reduce_sum3A_2068 : i1 to vector<16xi1>
      %reduce_sum3A_2070 = tpu.scan <sum>, %select_n3A_2067 masked %reduce_sum3A_2069 : vector<16xf32>, vector<16xi1> -> vector<16xf32>
      %reduce_sum3A_2071 = vector.extract %reduce_sum3A_2070[15] : f32 from vector<16xf32>
      %broadcast_in_dim3A_2072 = vector.broadcast %reduce_sum3A_2071 : f32 to vector<16xf32>
      %get3A_2073 = arith.constant 27 : i32
      %get3A_2074 = arith.index_cast %rem3A_125 : i32 to index
      %get3A_2075 = arith.index_cast %get3A_2073 : i32 to index
      %get3A_2076 = arith.constant 0 : index
      %get3A_2077 = tpu.vector_load %arg15[%get3A_2074, %get3A_2075, %get3A_2076] {strides = array<i32>} : memref<4x32x128xf32, #tpu.memory_space<vmem>>, vector<16xf32>,
      %mul3A_2078 = arith.mulf %broadcast_in_dim3A_2072, %get3A_2077 : vector<16xf32>
      %add3A_2079 = arith.addf %add3A_2012, %mul3A_2078 : vector<16xf32>
      %get3A_2080 = arith.constant 27 : i32
      %get3A_2081 = arith.index_cast %rem3A_125 : i32 to index
      %get3A_2082 = arith.index_cast %get3A_2080 : i32 to index
      %get3A_2083 = arith.constant 16 : index
      %get3A_2084 = tpu.vector_load %arg15[%get3A_2081, %get3A_2082, %get3A_2083] {strides = array<i32>} : memref<4x32x128xf32, #tpu.memory_space<vmem>>, vector<16xf32>,
      %mul3A_2085 = arith.mulf %broadcast_in_dim3A_2072, %get3A_2084 : vector<16xf32>
      %add3A_2086 = arith.addf %add3A_2019, %mul3A_2085 : vector<16xf32>
      %get3A_2087 = arith.constant 27 : i32
      %get3A_2088 = arith.index_cast %rem3A_125 : i32 to index
      %get3A_2089 = arith.index_cast %get3A_2087 : i32 to index
      %get3A_2090 = arith.constant 32 : index
      %get3A_2091 = tpu.vector_load %arg15[%get3A_2088, %get3A_2089, %get3A_2090] {strides = array<i32>} : memref<4x32x128xf32, #tpu.memory_space<vmem>>, vector<16xf32>,
      %mul3A_2092 = arith.mulf %broadcast_in_dim3A_2072, %get3A_2091 : vector<16xf32>
      %add3A_2093 = arith.addf %add3A_2026, %mul3A_2092 : vector<16xf32>
      %get3A_2094 = arith.constant 27 : i32
      %get3A_2095 = arith.index_cast %rem3A_125 : i32 to index
      %get3A_2096 = arith.index_cast %get3A_2094 : i32 to index
      %get3A_2097 = arith.constant 48 : index
      %get3A_2098 = tpu.vector_load %arg15[%get3A_2095, %get3A_2096, %get3A_2097] {strides = array<i32>} : memref<4x32x128xf32, #tpu.memory_space<vmem>>, vector<16xf32>,
      %mul3A_2099 = arith.mulf %broadcast_in_dim3A_2072, %get3A_2098 : vector<16xf32>
      %add3A_2100 = arith.addf %add3A_2033, %mul3A_2099 : vector<16xf32>
      %get3A_2101 = arith.constant 27 : i32
      %get3A_2102 = arith.index_cast %rem3A_125 : i32 to index
      %get3A_2103 = arith.index_cast %get3A_2101 : i32 to index
      %get3A_2104 = arith.constant 64 : index
      %get3A_2105 = tpu.vector_load %arg15[%get3A_2102, %get3A_2103, %get3A_2104] {strides = array<i32>} : memref<4x32x128xf32, #tpu.memory_space<vmem>>, vector<16xf32>,
      %mul3A_2106 = arith.mulf %broadcast_in_dim3A_2072, %get3A_2105 : vector<16xf32>
      %add3A_2107 = arith.addf %add3A_2040, %mul3A_2106 : vector<16xf32>
      %get3A_2108 = arith.constant 27 : i32
      %get3A_2109 = arith.index_cast %rem3A_125 : i32 to index
      %get3A_2110 = arith.index_cast %get3A_2108 : i32 to index
      %get3A_2111 = arith.constant 80 : index
      %get3A_2112 = tpu.vector_load %arg15[%get3A_2109, %get3A_2110, %get3A_2111] {strides = array<i32>} : memref<4x32x128xf32, #tpu.memory_space<vmem>>, vector<16xf32>,
      %mul3A_2113 = arith.mulf %broadcast_in_dim3A_2072, %get3A_2112 : vector<16xf32>
      %add3A_2114 = arith.addf %add3A_2047, %mul3A_2113 : vector<16xf32>
      %get3A_2115 = arith.constant 27 : i32
      %get3A_2116 = arith.index_cast %rem3A_125 : i32 to index
      %get3A_2117 = arith.index_cast %get3A_2115 : i32 to index
      %get3A_2118 = arith.constant 96 : index
      %get3A_2119 = tpu.vector_load %arg15[%get3A_2116, %get3A_2117, %get3A_2118] {strides = array<i32>} : memref<4x32x128xf32, #tpu.memory_space<vmem>>, vector<16xf32>,
      %mul3A_2120 = arith.mulf %broadcast_in_dim3A_2072, %get3A_2119 : vector<16xf32>
      %add3A_2121 = arith.addf %add3A_2054, %mul3A_2120 : vector<16xf32>
      %get3A_2122 = arith.constant 27 : i32
      %get3A_2123 = arith.index_cast %rem3A_125 : i32 to index
      %get3A_2124 = arith.index_cast %get3A_2122 : i32 to index
      %get3A_2125 = arith.constant 112 : index
      %get3A_2126 = tpu.vector_load %arg15[%get3A_2123, %get3A_2124, %get3A_2125] {strides = array<i32>} : memref<4x32x128xf32, #tpu.memory_space<vmem>>, vector<16xf32>,
      %mul3A_2127 = arith.mulf %broadcast_in_dim3A_2072, %get3A_2126 : vector<16xf32>
      %add3A_2128 = arith.addf %add3A_2061, %mul3A_2127 : vector<16xf32>
      %eq3A_2129 = arith.constant 12 : i32
      %eq3A_2130 = vector.broadcast %eq3A_2129 : i32 to vector<16xi32>
      %eq3A_2131 = arith.cmpi eq, %iota3A, %eq3A_2130 : vector<16xi32>
      %jit3A_2132 = arith.constant 0.000000e+00 : f32
      %broadcast_in_dim3A_2133 = vector.broadcast %jit3A_2132 : f32 to vector<16xf32>
      %select_n3A_2134 = arith.select %eq3A_2131, %div3A_217, %broadcast_in_dim3A_2133 : vector<16xi1>, vector<16xf32>
      %reduce_sum3A_2135 = arith.constant true
      %reduce_sum3A_2136 = vector.broadcast %reduce_sum3A_2135 : i1 to vector<16xi1>
      %reduce_sum3A_2137 = tpu.scan <sum>, %select_n3A_2134 masked %reduce_sum3A_2136 : vector<16xf32>, vector<16xi1> -> vector<16xf32>
      %reduce_sum3A_2138 = vector.extract %reduce_sum3A_2137[15] : f32 from vector<16xf32>
      %broadcast_in_dim3A_2139 = vector.broadcast %reduce_sum3A_2138 : f32 to vector<16xf32>
      %get3A_2140 = arith.constant 28 : i32
      %get3A_2141 = arith.index_cast %rem3A_125 : i32 to index
      %get3A_2142 = arith.index_cast %get3A_2140 : i32 to index
      %get3A_2143 = arith.constant 0 : index
      %get3A_2144 = tpu.vector_load %arg15[%get3A_2141, %get3A_2142, %get3A_2143] {strides = array<i32>} : memref<4x32x128xf32, #tpu.memory_space<vmem>>, vector<16xf32>,
      %mul3A_2145 = arith.mulf %broadcast_in_dim3A_2139, %get3A_2144 : vector<16xf32>
      %add3A_2146 = arith.addf %add3A_2079, %mul3A_2145 : vector<16xf32>
      %get3A_2147 = arith.constant 28 : i32
      %get3A_2148 = arith.index_cast %rem3A_125 : i32 to index
      %get3A_2149 = arith.index_cast %get3A_2147 : i32 to index
      %get3A_2150 = arith.constant 16 : index
      %get3A_2151 = tpu.vector_load %arg15[%get3A_2148, %get3A_2149, %get3A_2150] {strides = array<i32>} : memref<4x32x128xf32, #tpu.memory_space<vmem>>, vector<16xf32>,
      %mul3A_2152 = arith.mulf %broadcast_in_dim3A_2139, %get3A_2151 : vector<16xf32>
      %add3A_2153 = arith.addf %add3A_2086, %mul3A_2152 : vector<16xf32>
      %get3A_2154 = arith.constant 28 : i32
      %get3A_2155 = arith.index_cast %rem3A_125 : i32 to index
      %get3A_2156 = arith.index_cast %get3A_2154 : i32 to index
      %get3A_2157 = arith.constant 32 : index
      %get3A_2158 = tpu.vector_load %arg15[%get3A_2155, %get3A_2156, %get3A_2157] {strides = array<i32>} : memref<4x32x128xf32, #tpu.memory_space<vmem>>, vector<16xf32>,
      %mul3A_2159 = arith.mulf %broadcast_in_dim3A_2139, %get3A_2158 : vector<16xf32>
      %add3A_2160 = arith.addf %add3A_2093, %mul3A_2159 : vector<16xf32>
      %get3A_2161 = arith.constant 28 : i32
      %get3A_2162 = arith.index_cast %rem3A_125 : i32 to index
      %get3A_2163 = arith.index_cast %get3A_2161 : i32 to index
      %get3A_2164 = arith.constant 48 : index
      %get3A_2165 = tpu.vector_load %arg15[%get3A_2162, %get3A_2163, %get3A_2164] {strides = array<i32>} : memref<4x32x128xf32, #tpu.memory_space<vmem>>, vector<16xf32>,
      %mul3A_2166 = arith.mulf %broadcast_in_dim3A_2139, %get3A_2165 : vector<16xf32>
      %add3A_2167 = arith.addf %add3A_2100, %mul3A_2166 : vector<16xf32>
      %get3A_2168 = arith.constant 28 : i32
      %get3A_2169 = arith.index_cast %rem3A_125 : i32 to index
      %get3A_2170 = arith.index_cast %get3A_2168 : i32 to index
      %get3A_2171 = arith.constant 64 : index
      %get3A_2172 = tpu.vector_load %arg15[%get3A_2169, %get3A_2170, %get3A_2171] {strides = array<i32>} : memref<4x32x128xf32, #tpu.memory_space<vmem>>, vector<16xf32>,
      %mul3A_2173 = arith.mulf %broadcast_in_dim3A_2139, %get3A_2172 : vector<16xf32>
      %add3A_2174 = arith.addf %add3A_2107, %mul3A_2173 : vector<16xf32>
      %get3A_2175 = arith.constant 28 : i32
      %get3A_2176 = arith.index_cast %rem3A_125 : i32 to index
      %get3A_2177 = arith.index_cast %get3A_2175 : i32 to index
      %get3A_2178 = arith.constant 80 : index
      %get3A_2179 = tpu.vector_load %arg15[%get3A_2176, %get3A_2177, %get3A_2178] {strides = array<i32>} : memref<4x32x128xf32, #tpu.memory_space<vmem>>, vector<16xf32>,
      %mul3A_2180 = arith.mulf %broadcast_in_dim3A_2139, %get3A_2179 : vector<16xf32>
      %add3A_2181 = arith.addf %add3A_2114, %mul3A_2180 : vector<16xf32>
      %get3A_2182 = arith.constant 28 : i32
      %get3A_2183 = arith.index_cast %rem3A_125 : i32 to index
      %get3A_2184 = arith.index_cast %get3A_2182 : i32 to index
      %get3A_2185 = arith.constant 96 : index
      %get3A_2186 = tpu.vector_load %arg15[%get3A_2183, %get3A_2184, %get3A_2185] {strides = array<i32>} : memref<4x32x128xf32, #tpu.memory_space<vmem>>, vector<16xf32>,
      %mul3A_2187 = arith.mulf %broadcast_in_dim3A_2139, %get3A_2186 : vector<16xf32>
      %add3A_2188 = arith.addf %add3A_2121, %mul3A_2187 : vector<16xf32>
      %get3A_2189 = arith.constant 28 : i32
      %get3A_2190 = arith.index_cast %rem3A_125 : i32 to index
      %get3A_2191 = arith.index_cast %get3A_2189 : i32 to index
      %get3A_2192 = arith.constant 112 : index
      %get3A_2193 = tpu.vector_load %arg15[%get3A_2190, %get3A_2191, %get3A_2192] {strides = array<i32>} : memref<4x32x128xf32, #tpu.memory_space<vmem>>, vector<16xf32>,
      %mul3A_2194 = arith.mulf %broadcast_in_dim3A_2139, %get3A_2193 : vector<16xf32>
      %add3A_2195 = arith.addf %add3A_2128, %mul3A_2194 : vector<16xf32>
      %eq3A_2196 = arith.constant 13 : i32
      %eq3A_2197 = vector.broadcast %eq3A_2196 : i32 to vector<16xi32>
      %eq3A_2198 = arith.cmpi eq, %iota3A, %eq3A_2197 : vector<16xi32>
      %jit3A_2199 = arith.constant 0.000000e+00 : f32
      %broadcast_in_dim3A_2200 = vector.broadcast %jit3A_2199 : f32 to vector<16xf32>
      %select_n3A_2201 = arith.select %eq3A_2198, %div3A_217, %broadcast_in_dim3A_2200 : vector<16xi1>, vector<16xf32>
      %reduce_sum3A_2202 = arith.constant true
      %reduce_sum3A_2203 = vector.broadcast %reduce_sum3A_2202 : i1 to vector<16xi1>
      %reduce_sum3A_2204 = tpu.scan <sum>, %select_n3A_2201 masked %reduce_sum3A_2203 : vector<16xf32>, vector<16xi1> -> vector<16xf32>
      %reduce_sum3A_2205 = vector.extract %reduce_sum3A_2204[15] : f32 from vector<16xf32>
      %broadcast_in_dim3A_2206 = vector.broadcast %reduce_sum3A_2205 : f32 to vector<16xf32>
      %get3A_2207 = arith.constant 29 : i32
      %get3A_2208 = arith.index_cast %rem3A_125 : i32 to index
      %get3A_2209 = arith.index_cast %get3A_2207 : i32 to index
      %get3A_2210 = arith.constant 0 : index
      %get3A_2211 = tpu.vector_load %arg15[%get3A_2208, %get3A_2209, %get3A_2210] {strides = array<i32>} : memref<4x32x128xf32, #tpu.memory_space<vmem>>, vector<16xf32>,
      %mul3A_2212 = arith.mulf %broadcast_in_dim3A_2206, %get3A_2211 : vector<16xf32>
      %add3A_2213 = arith.addf %add3A_2146, %mul3A_2212 : vector<16xf32>
      %get3A_2214 = arith.constant 29 : i32
      %get3A_2215 = arith.index_cast %rem3A_125 : i32 to index
      %get3A_2216 = arith.index_cast %get3A_2214 : i32 to index
      %get3A_2217 = arith.constant 16 : index
      %get3A_2218 = tpu.vector_load %arg15[%get3A_2215, %get3A_2216, %get3A_2217] {strides = array<i32>} : memref<4x32x128xf32, #tpu.memory_space<vmem>>, vector<16xf32>,
      %mul3A_2219 = arith.mulf %broadcast_in_dim3A_2206, %get3A_2218 : vector<16xf32>
      %add3A_2220 = arith.addf %add3A_2153, %mul3A_2219 : vector<16xf32>
      %get3A_2221 = arith.constant 29 : i32
      %get3A_2222 = arith.index_cast %rem3A_125 : i32 to index
      %get3A_2223 = arith.index_cast %get3A_2221 : i32 to index
      %get3A_2224 = arith.constant 32 : index
      %get3A_2225 = tpu.vector_load %arg15[%get3A_2222, %get3A_2223, %get3A_2224] {strides = array<i32>} : memref<4x32x128xf32, #tpu.memory_space<vmem>>, vector<16xf32>,
      %mul3A_2226 = arith.mulf %broadcast_in_dim3A_2206, %get3A_2225 : vector<16xf32>
      %add3A_2227 = arith.addf %add3A_2160, %mul3A_2226 : vector<16xf32>
      %get3A_2228 = arith.constant 29 : i32
      %get3A_2229 = arith.index_cast %rem3A_125 : i32 to index
      %get3A_2230 = arith.index_cast %get3A_2228 : i32 to index
      %get3A_2231 = arith.constant 48 : index
      %get3A_2232 = tpu.vector_load %arg15[%get3A_2229, %get3A_2230, %get3A_2231] {strides = array<i32>} : memref<4x32x128xf32, #tpu.memory_space<vmem>>, vector<16xf32>,
      %mul3A_2233 = arith.mulf %broadcast_in_dim3A_2206, %get3A_2232 : vector<16xf32>
      %add3A_2234 = arith.addf %add3A_2167, %mul3A_2233 : vector<16xf32>
      %get3A_2235 = arith.constant 29 : i32
      %get3A_2236 = arith.index_cast %rem3A_125 : i32 to index
      %get3A_2237 = arith.index_cast %get3A_2235 : i32 to index
      %get3A_2238 = arith.constant 64 : index
      %get3A_2239 = tpu.vector_load %arg15[%get3A_2236, %get3A_2237, %get3A_2238] {strides = array<i32>} : memref<4x32x128xf32, #tpu.memory_space<vmem>>, vector<16xf32>,
      %mul3A_2240 = arith.mulf %broadcast_in_dim3A_2206, %get3A_2239 : vector<16xf32>
      %add3A_2241 = arith.addf %add3A_2174, %mul3A_2240 : vector<16xf32>
      %get3A_2242 = arith.constant 29 : i32
      %get3A_2243 = arith.index_cast %rem3A_125 : i32 to index
      %get3A_2244 = arith.index_cast %get3A_2242 : i32 to index
      %get3A_2245 = arith.constant 80 : index
      %get3A_2246 = tpu.vector_load %arg15[%get3A_2243, %get3A_2244, %get3A_2245] {strides = array<i32>} : memref<4x32x128xf32, #tpu.memory_space<vmem>>, vector<16xf32>,
      %mul3A_2247 = arith.mulf %broadcast_in_dim3A_2206, %get3A_2246 : vector<16xf32>
      %add3A_2248 = arith.addf %add3A_2181, %mul3A_2247 : vector<16xf32>
      %get3A_2249 = arith.constant 29 : i32
      %get3A_2250 = arith.index_cast %rem3A_125 : i32 to index
      %get3A_2251 = arith.index_cast %get3A_2249 : i32 to index
      %get3A_2252 = arith.constant 96 : index
      %get3A_2253 = tpu.vector_load %arg15[%get3A_2250, %get3A_2251, %get3A_2252] {strides = array<i32>} : memref<4x32x128xf32, #tpu.memory_space<vmem>>, vector<16xf32>,
      %mul3A_2254 = arith.mulf %broadcast_in_dim3A_2206, %get3A_2253 : vector<16xf32>
      %add3A_2255 = arith.addf %add3A_2188, %mul3A_2254 : vector<16xf32>
      %get3A_2256 = arith.constant 29 : i32
      %get3A_2257 = arith.index_cast %rem3A_125 : i32 to index
      %get3A_2258 = arith.index_cast %get3A_2256 : i32 to index
      %get3A_2259 = arith.constant 112 : index
      %get3A_2260 = tpu.vector_load %arg15[%get3A_2257, %get3A_2258, %get3A_2259] {strides = array<i32>} : memref<4x32x128xf32, #tpu.memory_space<vmem>>, vector<16xf32>,
      %mul3A_2261 = arith.mulf %broadcast_in_dim3A_2206, %get3A_2260 : vector<16xf32>
      %add3A_2262 = arith.addf %add3A_2195, %mul3A_2261 : vector<16xf32>
      %eq3A_2263 = arith.constant 14 : i32
      %eq3A_2264 = vector.broadcast %eq3A_2263 : i32 to vector<16xi32>
      %eq3A_2265 = arith.cmpi eq, %iota3A, %eq3A_2264 : vector<16xi32>
      %jit3A_2266 = arith.constant 0.000000e+00 : f32
      %broadcast_in_dim3A_2267 = vector.broadcast %jit3A_2266 : f32 to vector<16xf32>
      %select_n3A_2268 = arith.select %eq3A_2265, %div3A_217, %broadcast_in_dim3A_2267 : vector<16xi1>, vector<16xf32>
      %reduce_sum3A_2269 = arith.constant true
      %reduce_sum3A_2270 = vector.broadcast %reduce_sum3A_2269 : i1 to vector<16xi1>
      %reduce_sum3A_2271 = tpu.scan <sum>, %select_n3A_2268 masked %reduce_sum3A_2270 : vector<16xf32>, vector<16xi1> -> vector<16xf32>
      %reduce_sum3A_2272 = vector.extract %reduce_sum3A_2271[15] : f32 from vector<16xf32>
      %broadcast_in_dim3A_2273 = vector.broadcast %reduce_sum3A_2272 : f32 to vector<16xf32>
      %get3A_2274 = arith.constant 30 : i32
      %get3A_2275 = arith.index_cast %rem3A_125 : i32 to index
      %get3A_2276 = arith.index_cast %get3A_2274 : i32 to index
      %get3A_2277 = arith.constant 0 : index
      %get3A_2278 = tpu.vector_load %arg15[%get3A_2275, %get3A_2276, %get3A_2277] {strides = array<i32>} : memref<4x32x128xf32, #tpu.memory_space<vmem>>, vector<16xf32>,
      %mul3A_2279 = arith.mulf %broadcast_in_dim3A_2273, %get3A_2278 : vector<16xf32>
      %add3A_2280 = arith.addf %add3A_2213, %mul3A_2279 : vector<16xf32>
      %get3A_2281 = arith.constant 30 : i32
      %get3A_2282 = arith.index_cast %rem3A_125 : i32 to index
      %get3A_2283 = arith.index_cast %get3A_2281 : i32 to index
      %get3A_2284 = arith.constant 16 : index
      %get3A_2285 = tpu.vector_load %arg15[%get3A_2282, %get3A_2283, %get3A_2284] {strides = array<i32>} : memref<4x32x128xf32, #tpu.memory_space<vmem>>, vector<16xf32>,
      %mul3A_2286 = arith.mulf %broadcast_in_dim3A_2273, %get3A_2285 : vector<16xf32>
      %add3A_2287 = arith.addf %add3A_2220, %mul3A_2286 : vector<16xf32>
      %get3A_2288 = arith.constant 30 : i32
      %get3A_2289 = arith.index_cast %rem3A_125 : i32 to index
      %get3A_2290 = arith.index_cast %get3A_2288 : i32 to index
      %get3A_2291 = arith.constant 32 : index
      %get3A_2292 = tpu.vector_load %arg15[%get3A_2289, %get3A_2290, %get3A_2291] {strides = array<i32>} : memref<4x32x128xf32, #tpu.memory_space<vmem>>, vector<16xf32>,
      %mul3A_2293 = arith.mulf %broadcast_in_dim3A_2273, %get3A_2292 : vector<16xf32>
      %add3A_2294 = arith.addf %add3A_2227, %mul3A_2293 : vector<16xf32>
      %get3A_2295 = arith.constant 30 : i32
      %get3A_2296 = arith.index_cast %rem3A_125 : i32 to index
      %get3A_2297 = arith.index_cast %get3A_2295 : i32 to index
      %get3A_2298 = arith.constant 48 : index
      %get3A_2299 = tpu.vector_load %arg15[%get3A_2296, %get3A_2297, %get3A_2298] {strides = array<i32>} : memref<4x32x128xf32, #tpu.memory_space<vmem>>, vector<16xf32>,
      %mul3A_2300 = arith.mulf %broadcast_in_dim3A_2273, %get3A_2299 : vector<16xf32>
      %add3A_2301 = arith.addf %add3A_2234, %mul3A_2300 : vector<16xf32>
      %get3A_2302 = arith.constant 30 : i32
      %get3A_2303 = arith.index_cast %rem3A_125 : i32 to index
      %get3A_2304 = arith.index_cast %get3A_2302 : i32 to index
      %get3A_2305 = arith.constant 64 : index
      %get3A_2306 = tpu.vector_load %arg15[%get3A_2303, %get3A_2304, %get3A_2305] {strides = array<i32>} : memref<4x32x128xf32, #tpu.memory_space<vmem>>, vector<16xf32>,
      %mul3A_2307 = arith.mulf %broadcast_in_dim3A_2273, %get3A_2306 : vector<16xf32>
      %add3A_2308 = arith.addf %add3A_2241, %mul3A_2307 : vector<16xf32>
      %get3A_2309 = arith.constant 30 : i32
      %get3A_2310 = arith.index_cast %rem3A_125 : i32 to index
      %get3A_2311 = arith.index_cast %get3A_2309 : i32 to index
      %get3A_2312 = arith.constant 80 : index
      %get3A_2313 = tpu.vector_load %arg15[%get3A_2310, %get3A_2311, %get3A_2312] {strides = array<i32>} : memref<4x32x128xf32, #tpu.memory_space<vmem>>, vector<16xf32>,
      %mul3A_2314 = arith.mulf %broadcast_in_dim3A_2273, %get3A_2313 : vector<16xf32>
      %add3A_2315 = arith.addf %add3A_2248, %mul3A_2314 : vector<16xf32>
      %get3A_2316 = arith.constant 30 : i32
      %get3A_2317 = arith.index_cast %rem3A_125 : i32 to index
      %get3A_2318 = arith.index_cast %get3A_2316 : i32 to index
      %get3A_2319 = arith.constant 96 : index
      %get3A_2320 = tpu.vector_load %arg15[%get3A_2317, %get3A_2318, %get3A_2319] {strides = array<i32>} : memref<4x32x128xf32, #tpu.memory_space<vmem>>, vector<16xf32>,
      %mul3A_2321 = arith.mulf %broadcast_in_dim3A_2273, %get3A_2320 : vector<16xf32>
      %add3A_2322 = arith.addf %add3A_2255, %mul3A_2321 : vector<16xf32>
      %get3A_2323 = arith.constant 30 : i32
      %get3A_2324 = arith.index_cast %rem3A_125 : i32 to index
      %get3A_2325 = arith.index_cast %get3A_2323 : i32 to index
      %get3A_2326 = arith.constant 112 : index
      %get3A_2327 = tpu.vector_load %arg15[%get3A_2324, %get3A_2325, %get3A_2326] {strides = array<i32>} : memref<4x32x128xf32, #tpu.memory_space<vmem>>, vector<16xf32>,
      %mul3A_2328 = arith.mulf %broadcast_in_dim3A_2273, %get3A_2327 : vector<16xf32>
      %add3A_2329 = arith.addf %add3A_2262, %mul3A_2328 : vector<16xf32>
      %eq3A_2330 = arith.constant 15 : i32
      %eq3A_2331 = vector.broadcast %eq3A_2330 : i32 to vector<16xi32>
      %eq3A_2332 = arith.cmpi eq, %iota3A, %eq3A_2331 : vector<16xi32>
      %jit3A_2333 = arith.constant 0.000000e+00 : f32
      %broadcast_in_dim3A_2334 = vector.broadcast %jit3A_2333 : f32 to vector<16xf32>
      %select_n3A_2335 = arith.select %eq3A_2332, %div3A_217, %broadcast_in_dim3A_2334 : vector<16xi1>, vector<16xf32>
      %reduce_sum3A_2336 = arith.constant true
      %reduce_sum3A_2337 = vector.broadcast %reduce_sum3A_2336 : i1 to vector<16xi1>
      %reduce_sum3A_2338 = tpu.scan <sum>, %select_n3A_2335 masked %reduce_sum3A_2337 : vector<16xf32>, vector<16xi1> -> vector<16xf32>
      %reduce_sum3A_2339 = vector.extract %reduce_sum3A_2338[15] : f32 from vector<16xf32>
      %broadcast_in_dim3A_2340 = vector.broadcast %reduce_sum3A_2339 : f32 to vector<16xf32>
      %get3A_2341 = arith.constant 31 : i32
      %get3A_2342 = arith.index_cast %rem3A_125 : i32 to index
      %get3A_2343 = arith.index_cast %get3A_2341 : i32 to index
      %get3A_2344 = arith.constant 0 : index
      %get3A_2345 = tpu.vector_load %arg15[%get3A_2342, %get3A_2343, %get3A_2344] {strides = array<i32>} : memref<4x32x128xf32, #tpu.memory_space<vmem>>, vector<16xf32>,
      %mul3A_2346 = arith.mulf %broadcast_in_dim3A_2340, %get3A_2345 : vector<16xf32>
      %add3A_2347 = arith.addf %add3A_2280, %mul3A_2346 : vector<16xf32>
      %get3A_2348 = arith.constant 31 : i32
      %get3A_2349 = arith.index_cast %rem3A_125 : i32 to index
      %get3A_2350 = arith.index_cast %get3A_2348 : i32 to index
      %get3A_2351 = arith.constant 16 : index
      %get3A_2352 = tpu.vector_load %arg15[%get3A_2349, %get3A_2350, %get3A_2351] {strides = array<i32>} : memref<4x32x128xf32, #tpu.memory_space<vmem>>, vector<16xf32>,
      %mul3A_2353 = arith.mulf %broadcast_in_dim3A_2340, %get3A_2352 : vector<16xf32>
      %add3A_2354 = arith.addf %add3A_2287, %mul3A_2353 : vector<16xf32>
      %get3A_2355 = arith.constant 31 : i32
      %get3A_2356 = arith.index_cast %rem3A_125 : i32 to index
      %get3A_2357 = arith.index_cast %get3A_2355 : i32 to index
      %get3A_2358 = arith.constant 32 : index
      %get3A_2359 = tpu.vector_load %arg15[%get3A_2356, %get3A_2357, %get3A_2358] {strides = array<i32>} : memref<4x32x128xf32, #tpu.memory_space<vmem>>, vector<16xf32>,
      %mul3A_2360 = arith.mulf %broadcast_in_dim3A_2340, %get3A_2359 : vector<16xf32>
      %add3A_2361 = arith.addf %add3A_2294, %mul3A_2360 : vector<16xf32>
      %get3A_2362 = arith.constant 31 : i32
      %get3A_2363 = arith.index_cast %rem3A_125 : i32 to index
      %get3A_2364 = arith.index_cast %get3A_2362 : i32 to index
      %get3A_2365 = arith.constant 48 : index
      %get3A_2366 = tpu.vector_load %arg15[%get3A_2363, %get3A_2364, %get3A_2365] {strides = array<i32>} : memref<4x32x128xf32, #tpu.memory_space<vmem>>, vector<16xf32>,
      %mul3A_2367 = arith.mulf %broadcast_in_dim3A_2340, %get3A_2366 : vector<16xf32>
      %add3A_2368 = arith.addf %add3A_2301, %mul3A_2367 : vector<16xf32>
      %get3A_2369 = arith.constant 31 : i32
      %get3A_2370 = arith.index_cast %rem3A_125 : i32 to index
      %get3A_2371 = arith.index_cast %get3A_2369 : i32 to index
      %get3A_2372 = arith.constant 64 : index
      %get3A_2373 = tpu.vector_load %arg15[%get3A_2370, %get3A_2371, %get3A_2372] {strides = array<i32>} : memref<4x32x128xf32, #tpu.memory_space<vmem>>, vector<16xf32>,
      %mul3A_2374 = arith.mulf %broadcast_in_dim3A_2340, %get3A_2373 : vector<16xf32>
      %add3A_2375 = arith.addf %add3A_2308, %mul3A_2374 : vector<16xf32>
      %get3A_2376 = arith.constant 31 : i32
      %get3A_2377 = arith.index_cast %rem3A_125 : i32 to index
      %get3A_2378 = arith.index_cast %get3A_2376 : i32 to index
      %get3A_2379 = arith.constant 80 : index
      %get3A_2380 = tpu.vector_load %arg15[%get3A_2377, %get3A_2378, %get3A_2379] {strides = array<i32>} : memref<4x32x128xf32, #tpu.memory_space<vmem>>, vector<16xf32>,
      %mul3A_2381 = arith.mulf %broadcast_in_dim3A_2340, %get3A_2380 : vector<16xf32>
      %add3A_2382 = arith.addf %add3A_2315, %mul3A_2381 : vector<16xf32>
      %get3A_2383 = arith.constant 31 : i32
      %get3A_2384 = arith.index_cast %rem3A_125 : i32 to index
      %get3A_2385 = arith.index_cast %get3A_2383 : i32 to index
      %get3A_2386 = arith.constant 96 : index
      %get3A_2387 = tpu.vector_load %arg15[%get3A_2384, %get3A_2385, %get3A_2386] {strides = array<i32>} : memref<4x32x128xf32, #tpu.memory_space<vmem>>, vector<16xf32>,
      %mul3A_2388 = arith.mulf %broadcast_in_dim3A_2340, %get3A_2387 : vector<16xf32>
      %add3A_2389 = arith.addf %add3A_2322, %mul3A_2388 : vector<16xf32>
      %get3A_2390 = arith.constant 31 : i32
      %get3A_2391 = arith.index_cast %rem3A_125 : i32 to index
      %get3A_2392 = arith.index_cast %get3A_2390 : i32 to index
      %get3A_2393 = arith.constant 112 : index
      %get3A_2394 = tpu.vector_load %arg15[%get3A_2391, %get3A_2392, %get3A_2393] {strides = array<i32>} : memref<4x32x128xf32, #tpu.memory_space<vmem>>, vector<16xf32>,
      %mul3A_2395 = arith.mulf %broadcast_in_dim3A_2340, %get3A_2394 : vector<16xf32>
      %add3A_2396 = arith.addf %add3A_2329, %mul3A_2395 : vector<16xf32>
      %gt3A = arith.constant 0.000000e+00 : f32
      %gt3A_2397 = vector.broadcast %gt3A : f32 to vector<16xf32>
      %gt3A_2398 = arith.cmpf ogt, %add3A_2347, %gt3A_2397 : vector<16xf32>
      %exp3A_2399 = math.exp %add3A_2347 : vector<16xf32>
      %sub3A_2400 = arith.constant 1.000000e+00 : f32
      %sub3A_2401 = vector.broadcast %sub3A_2400 : f32 to vector<16xf32>
      %sub3A_2402 = arith.subf %exp3A_2399, %sub3A_2401 : vector<16xf32>
      %select_n3A_2403 = arith.select %gt3A_2398, %add3A_2347, %sub3A_2402 : vector<16xi1>, vector<16xf32>
      %swap3A = arith.index_cast %scan3A_123 : i32 to index
      %swap3A_2404 = arith.constant 0 : index
      %swap3A_2405 = tpu.vector_load %arg16[%swap3A, %swap3A_2404] {strides = array<i32>} : memref<320x128xf32, #tpu.memory_space<vmem>>, vector<16xf32>,
      tpu.vector_store %arg16[%swap3A, %swap3A_2404], %select_n3A_2403 {strides = array<i32>} : memref<320x128xf32, #tpu.memory_space<vmem>>, vector<16xf32>,
      %gt3A_2406 = arith.constant 0.000000e+00 : f32
      %gt3A_2407 = vector.broadcast %gt3A_2406 : f32 to vector<16xf32>
      %gt3A_2408 = arith.cmpf ogt, %add3A_2354, %gt3A_2407 : vector<16xf32>
      %exp3A_2409 = math.exp %add3A_2354 : vector<16xf32>
      %sub3A_2410 = arith.constant 1.000000e+00 : f32
      %sub3A_2411 = vector.broadcast %sub3A_2410 : f32 to vector<16xf32>
      %sub3A_2412 = arith.subf %exp3A_2409, %sub3A_2411 : vector<16xf32>
      %select_n3A_2413 = arith.select %gt3A_2408, %add3A_2354, %sub3A_2412 : vector<16xi1>, vector<16xf32>
      %swap3A_2414 = arith.index_cast %scan3A_123 : i32 to index
      %swap3A_2415 = arith.constant 16 : index
      %swap3A_2416 = tpu.vector_load %arg16[%swap3A_2414, %swap3A_2415] {strides = array<i32>} : memref<320x128xf32, #tpu.memory_space<vmem>>, vector<16xf32>,
      tpu.vector_store %arg16[%swap3A_2414, %swap3A_2415], %select_n3A_2413 {strides = array<i32>} : memref<320x128xf32, #tpu.memory_space<vmem>>, vector<16xf32>,
      %gt3A_2417 = arith.constant 0.000000e+00 : f32
      %gt3A_2418 = vector.broadcast %gt3A_2417 : f32 to vector<16xf32>
      %gt3A_2419 = arith.cmpf ogt, %add3A_2361, %gt3A_2418 : vector<16xf32>
      %exp3A_2420 = math.exp %add3A_2361 : vector<16xf32>
      %sub3A_2421 = arith.constant 1.000000e+00 : f32
      %sub3A_2422 = vector.broadcast %sub3A_2421 : f32 to vector<16xf32>
      %sub3A_2423 = arith.subf %exp3A_2420, %sub3A_2422 : vector<16xf32>
      %select_n3A_2424 = arith.select %gt3A_2419, %add3A_2361, %sub3A_2423 : vector<16xi1>, vector<16xf32>
      %swap3A_2425 = arith.index_cast %scan3A_123 : i32 to index
      %swap3A_2426 = arith.constant 32 : index
      %swap3A_2427 = tpu.vector_load %arg16[%swap3A_2425, %swap3A_2426] {strides = array<i32>} : memref<320x128xf32, #tpu.memory_space<vmem>>, vector<16xf32>,
      tpu.vector_store %arg16[%swap3A_2425, %swap3A_2426], %select_n3A_2424 {strides = array<i32>} : memref<320x128xf32, #tpu.memory_space<vmem>>, vector<16xf32>,
      %gt3A_2428 = arith.constant 0.000000e+00 : f32
      %gt3A_2429 = vector.broadcast %gt3A_2428 : f32 to vector<16xf32>
      %gt3A_2430 = arith.cmpf ogt, %add3A_2368, %gt3A_2429 : vector<16xf32>
      %exp3A_2431 = math.exp %add3A_2368 : vector<16xf32>
      %sub3A_2432 = arith.constant 1.000000e+00 : f32
      %sub3A_2433 = vector.broadcast %sub3A_2432 : f32 to vector<16xf32>
      %sub3A_2434 = arith.subf %exp3A_2431, %sub3A_2433 : vector<16xf32>
      %select_n3A_2435 = arith.select %gt3A_2430, %add3A_2368, %sub3A_2434 : vector<16xi1>, vector<16xf32>
      %swap3A_2436 = arith.index_cast %scan3A_123 : i32 to index
      %swap3A_2437 = arith.constant 48 : index
      %swap3A_2438 = tpu.vector_load %arg16[%swap3A_2436, %swap3A_2437] {strides = array<i32>} : memref<320x128xf32, #tpu.memory_space<vmem>>, vector<16xf32>,
      tpu.vector_store %arg16[%swap3A_2436, %swap3A_2437], %select_n3A_2435 {strides = array<i32>} : memref<320x128xf32, #tpu.memory_space<vmem>>, vector<16xf32>,
      %gt3A_2439 = arith.constant 0.000000e+00 : f32
      %gt3A_2440 = vector.broadcast %gt3A_2439 : f32 to vector<16xf32>
      %gt3A_2441 = arith.cmpf ogt, %add3A_2375, %gt3A_2440 : vector<16xf32>
      %exp3A_2442 = math.exp %add3A_2375 : vector<16xf32>
      %sub3A_2443 = arith.constant 1.000000e+00 : f32
      %sub3A_2444 = vector.broadcast %sub3A_2443 : f32 to vector<16xf32>
      %sub3A_2445 = arith.subf %exp3A_2442, %sub3A_2444 : vector<16xf32>
      %select_n3A_2446 = arith.select %gt3A_2441, %add3A_2375, %sub3A_2445 : vector<16xi1>, vector<16xf32>
      %swap3A_2447 = arith.index_cast %scan3A_123 : i32 to index
      %swap3A_2448 = arith.constant 64 : index
      %swap3A_2449 = tpu.vector_load %arg16[%swap3A_2447, %swap3A_2448] {strides = array<i32>} : memref<320x128xf32, #tpu.memory_space<vmem>>, vector<16xf32>,
      tpu.vector_store %arg16[%swap3A_2447, %swap3A_2448], %select_n3A_2446 {strides = array<i32>} : memref<320x128xf32, #tpu.memory_space<vmem>>, vector<16xf32>,
      %gt3A_2450 = arith.constant 0.000000e+00 : f32
      %gt3A_2451 = vector.broadcast %gt3A_2450 : f32 to vector<16xf32>
      %gt3A_2452 = arith.cmpf ogt, %add3A_2382, %gt3A_2451 : vector<16xf32>
      %exp3A_2453 = math.exp %add3A_2382 : vector<16xf32>
      %sub3A_2454 = arith.constant 1.000000e+00 : f32
      %sub3A_2455 = vector.broadcast %sub3A_2454 : f32 to vector<16xf32>
      %sub3A_2456 = arith.subf %exp3A_2453, %sub3A_2455 : vector<16xf32>
      %select_n3A_2457 = arith.select %gt3A_2452, %add3A_2382, %sub3A_2456 : vector<16xi1>, vector<16xf32>
      %swap3A_2458 = arith.index_cast %scan3A_123 : i32 to index
      %swap3A_2459 = arith.constant 80 : index
      %swap3A_2460 = tpu.vector_load %arg16[%swap3A_2458, %swap3A_2459] {strides = array<i32>} : memref<320x128xf32, #tpu.memory_space<vmem>>, vector<16xf32>,
      tpu.vector_store %arg16[%swap3A_2458, %swap3A_2459], %select_n3A_2457 {strides = array<i32>} : memref<320x128xf32, #tpu.memory_space<vmem>>, vector<16xf32>,
      %gt3A_2461 = arith.constant 0.000000e+00 : f32
      %gt3A_2462 = vector.broadcast %gt3A_2461 : f32 to vector<16xf32>
      %gt3A_2463 = arith.cmpf ogt, %add3A_2389, %gt3A_2462 : vector<16xf32>
      %exp3A_2464 = math.exp %add3A_2389 : vector<16xf32>
      %sub3A_2465 = arith.constant 1.000000e+00 : f32
      %sub3A_2466 = vector.broadcast %sub3A_2465 : f32 to vector<16xf32>
      %sub3A_2467 = arith.subf %exp3A_2464, %sub3A_2466 : vector<16xf32>
      %select_n3A_2468 = arith.select %gt3A_2463, %add3A_2389, %sub3A_2467 : vector<16xi1>, vector<16xf32>
      %swap3A_2469 = arith.index_cast %scan3A_123 : i32 to index
      %swap3A_2470 = arith.constant 96 : index
      %swap3A_2471 = tpu.vector_load %arg16[%swap3A_2469, %swap3A_2470] {strides = array<i32>} : memref<320x128xf32, #tpu.memory_space<vmem>>, vector<16xf32>,
      tpu.vector_store %arg16[%swap3A_2469, %swap3A_2470], %select_n3A_2468 {strides = array<i32>} : memref<320x128xf32, #tpu.memory_space<vmem>>, vector<16xf32>,
      %gt3A_2472 = arith.constant 0.000000e+00 : f32
      %gt3A_2473 = vector.broadcast %gt3A_2472 : f32 to vector<16xf32>
      %gt3A_2474 = arith.cmpf ogt, %add3A_2396, %gt3A_2473 : vector<16xf32>
      %exp3A_2475 = math.exp %add3A_2396 : vector<16xf32>
      %sub3A_2476 = arith.constant 1.000000e+00 : f32
      %sub3A_2477 = vector.broadcast %sub3A_2476 : f32 to vector<16xf32>
      %sub3A_2478 = arith.subf %exp3A_2475, %sub3A_2477 : vector<16xf32>
      %select_n3A_2479 = arith.select %gt3A_2474, %add3A_2396, %sub3A_2478 : vector<16xi1>, vector<16xf32>
      %swap3A_2480 = arith.index_cast %scan3A_123 : i32 to index
      %swap3A_2481 = arith.constant 112 : index
      %swap3A_2482 = tpu.vector_load %arg16[%swap3A_2480, %swap3A_2481] {strides = array<i32>} : memref<320x128xf32, #tpu.memory_space<vmem>>, vector<16xf32>,
      tpu.vector_store %arg16[%swap3A_2480, %swap3A_2481], %select_n3A_2479 {strides = array<i32>} : memref<320x128xf32, #tpu.memory_space<vmem>>, vector<16xf32>,
    }
    %scan3A_122 = arith.constant 320 : i32
    "tpu.region"() ({
      %run_scoped3A_123 = tpu.sem_alloc : memref<!tpu.dma_semaphore, #tpu.memory_space<semaphore_mem>>
      %dma_start3A_124 = arith.constant 0 : i32
      %dma_start3A_125 = tpu.memref_slice %arg8[%mul3A_2, %dma_start3A_124] : memref<10240x128xf32, #tpu.memory_space<hbm>> -> memref<320x128xf32, #tpu.memory_space<hbm>>
      %dma_start3A_126 = arith.constant 0 : i32
      %dma_start3A_127 = tpu.memref_slice %arg8[%mul3A_2, %dma_start3A_126] : memref<10240x128xf32, #tpu.memory_space<hbm>> -> memref<320x128xf32, #tpu.memory_space<hbm>>
      tpu.enqueue_dma source(%arg16 : memref<320x128xf32, #tpu.memory_space<vmem>>) target(%dma_start3A_127 : memref<320x128xf32, #tpu.memory_space<hbm>>) target_semaphore(%run_scoped3A_123 : memref<!tpu.dma_semaphore, #tpu.memory_space<semaphore_mem>>)
      %dma_wait3A = arith.constant 0 : i32
      %dma_wait3A_128 = tpu.memref_slice %arg8[%mul3A_2, %dma_wait3A] : memref<10240x128xf32, #tpu.memory_space<hbm>> -> memref<320x128xf32, #tpu.memory_space<hbm>>
      %dma_wait3A_129 = arith.constant 0 : i32
      %dma_wait3A_130 = tpu.memref_slice %arg8[%mul3A_2, %dma_wait3A_129] : memref<10240x128xf32, #tpu.memory_space<hbm>> -> memref<320x128xf32, #tpu.memory_space<hbm>>
      tpu.wait_dma2 semaphore(%run_scoped3A_123 : memref<!tpu.dma_semaphore, #tpu.memory_space<semaphore_mem>>) src(%arg16 : memref<320x128xf32, #tpu.memory_space<vmem>>) dst(%dma_wait3A_130 : memref<320x128xf32, #tpu.memory_space<hbm>>)
      tpu.yield
    }) : () -> ()
    return
  }
}

module attributes {stable_mosaic.version = 14 : i64} {
  func.func @_proj_body(%arg0: i32, %arg1: memref<1024x128xf32, #tpu.memory_space<vmem>>, %arg2: memref<1024x128xf32, #tpu.memory_space<vmem>>, %arg3: memref<1024x128xf32, #tpu.memory_space<vmem>>, %arg4: memref<1x256xf32, #tpu.memory_space<vmem>>, %arg5: memref<1x256xf32, #tpu.memory_space<vmem>>, %arg6: memref<8x1024xf32, #tpu.memory_space<vmem>>) attributes {dimension_semantics = [#tpu.dimension_semantics<arbitrary>], iteration_bounds = array<i64: 10>, scalar_prefetch = 0 : i64, scratch_operands = 0 : i64, tpu.core_type = #tpu.core_type<tc>, window_params = [{transform_indices = @transform_0, window_bounds = array<i64: 1024, 128>}, {transform_indices = @transform_1, window_bounds = array<i64: 1024, 128>}, {transform_indices = @transform_2, window_bounds = array<i64: 1024, 128>}, {pipeline_mode = #tpu.pipeline_mode<synchronous>, transform_indices = @transform_3, window_bounds = array<i64: 1, 256>}, {pipeline_mode = #tpu.pipeline_mode<synchronous>, transform_indices = @transform_4, window_bounds = array<i64: 1, 256>}, {transform_indices = @transform_5, window_bounds = array<i64: 8, 1024>}]} {
    %get3A = arith.constant 0 : index
    %get3A_0 = arith.constant 0 : index
    %get3A_1 = vector.load %arg4[%get3A, %get3A_0] : memref<1x256xf32, #tpu.memory_space<vmem>>, vector<1x256xf32>
    %get3A_2 = arith.constant 0 : index
    %get3A_3 = arith.constant 0 : index
    %get3A_4 = vector.load %arg5[%get3A_2, %get3A_3] : memref<1x256xf32, #tpu.memory_space<vmem>>, vector<1x256xf32>
    %slice3A = vector.extract_strided_slice %get3A_1 {offsets = [0, 0], sizes = [1, 128], strides = [1, 1]} : vector<1x256xf32> to vector<1x128xf32>
    %slice3A_5 = vector.extract_strided_slice %get3A_4 {offsets = [0, 0], sizes = [1, 128], strides = [1, 1]} : vector<1x256xf32> to vector<1x128xf32>
    %concatenate3A = tpu.concatenate %slice3A, %slice3A_5 in 0 : vector<1x128xf32>, vector<1x128xf32> -> vector<2x128xf32>
    %get3A_6 = arith.constant 0 : index
    %get3A_7 = arith.constant 0 : index
    %get3A_8 = vector.load %arg1[%get3A_6, %get3A_7] : memref<1024x128xf32, #tpu.memory_space<vmem>>, vector<1024x128xf32>
    %dot_general3A = arith.constant dense<0.000000e+00> : vector<2x1024xf32>
    %dot_general3A_9 = tpu.matmul %concatenate3A, %get3A_8, %dot_general3A {dimension_numbers = #tpu.dot_dimension_numbers<[1], [1], [0], [0], [0, 0, 1, 0], [], []>, transpose_lhs_hint = false} : vector<2x128xf32>, vector<1024x128xf32>, vector<2x1024xf32> -> vector<2x1024xf32>
    %slice3A_10 = vector.extract_strided_slice %get3A_1 {offsets = [0, 128], sizes = [1, 128], strides = [1, 1]} : vector<1x256xf32> to vector<1x128xf32>
    %get3A_11 = arith.constant 0 : index
    %get3A_12 = arith.constant 0 : index
    %get3A_13 = vector.load %arg2[%get3A_11, %get3A_12] : memref<1024x128xf32, #tpu.memory_space<vmem>>, vector<1024x128xf32>
    %dot_general3A_14 = arith.constant dense<0.000000e+00> : vector<1x1024xf32>
    %dot_general3A_15 = tpu.matmul %slice3A_10, %get3A_13, %dot_general3A_14 {dimension_numbers = #tpu.dot_dimension_numbers<[1], [1], [0], [0], [0, 0, 1, 0], [], []>, transpose_lhs_hint = false} : vector<1x128xf32>, vector<1024x128xf32>, vector<1x1024xf32> -> vector<1x1024xf32>
    %slice3A_16 = vector.extract_strided_slice %get3A_4 {offsets = [0, 128], sizes = [1, 128], strides = [1, 1]} : vector<1x256xf32> to vector<1x128xf32>
    %get3A_17 = arith.constant 0 : index
    %get3A_18 = arith.constant 0 : index
    %get3A_19 = vector.load %arg3[%get3A_17, %get3A_18] : memref<1024x128xf32, #tpu.memory_space<vmem>>, vector<1024x128xf32>
    %dot_general3A_20 = arith.constant dense<0.000000e+00> : vector<1x1024xf32>
    %dot_general3A_21 = tpu.matmul %slice3A_16, %get3A_19, %dot_general3A_20 {dimension_numbers = #tpu.dot_dimension_numbers<[1], [1], [0], [0], [0, 0, 1, 0], [], []>, transpose_lhs_hint = false} : vector<1x128xf32>, vector<1024x128xf32>, vector<1x1024xf32> -> vector<1x1024xf32>
    %broadcast_in_dim3A = arith.constant 0.000000e+00 : f32
    %broadcast_in_dim3A_22 = vector.broadcast %broadcast_in_dim3A : f32 to vector<2x1024xf32>
    %concatenate3A_23 = tpu.concatenate %dot_general3A_9, %dot_general3A_15, %dot_general3A_21, %broadcast_in_dim3A_22, %dot_general3A_15, %dot_general3A_21 in 0 : vector<2x1024xf32>, vector<1x1024xf32>, vector<1x1024xf32>, vector<2x1024xf32>, vector<1x1024xf32>, vector<1x1024xf32> -> vector<8x1024xf32>
    %swap3A = arith.constant 0 : index
    %swap3A_24 = arith.constant 0 : index
    %swap3A_25 = vector.load %arg6[%swap3A, %swap3A_24] : memref<8x1024xf32, #tpu.memory_space<vmem>>, vector<8x1024xf32>
    tpu.vector_store %arg6[%swap3A, %swap3A_24], %concatenate3A_23 {strides = array<i32>} : memref<8x1024xf32, #tpu.memory_space<vmem>>, vector<8x1024xf32>,
    return
  }
  func.func @transform_0(%arg0: i32) -> (i32, i32) {
    %c0_i32 = arith.constant 0 : i32
    %c0_i32_0 = arith.constant 0 : i32
    return %arg0, %c0_i32 : i32, i32
  }
  func.func @transform_1(%arg0: i32) -> (i32, i32) {
    %c0_i32 = arith.constant 0 : i32
    %c0_i32_0 = arith.constant 0 : i32
    return %arg0, %c0_i32 : i32, i32
  }
  func.func @transform_2(%arg0: i32) -> (i32, i32) {
    %c0_i32 = arith.constant 0 : i32
    %c0_i32_0 = arith.constant 0 : i32
    return %arg0, %c0_i32 : i32, i32
  }
  func.func @transform_3(%arg0: i32) -> (i32, i32) {
    %c0_i32 = arith.constant 0 : i32
    %c0_i32_0 = arith.constant 0 : i32
    %c0_i32_1 = arith.constant 0 : i32
    return %c0_i32, %c0_i32_0 : i32, i32
  }
  func.func @transform_4(%arg0: i32) -> (i32, i32) {
    %c0_i32 = arith.constant 0 : i32
    %c0_i32_0 = arith.constant 0 : i32
    %c0_i32_1 = arith.constant 0 : i32
    return %c0_i32, %c0_i32_0 : i32, i32
  }
  func.func @transform_5(%arg0: i32) -> (i32, i32) {
    %c0_i32 = arith.constant 0 : i32
    %c0_i32_0 = arith.constant 0 : i32
    return %c0_i32, %arg0 : i32, i32
  }
}

module attributes {stable_mosaic.version = 14 : i64} {
  func.func @_prep_body(%arg0: i32, %arg1: memref<1000x128xf32, #tpu.memory_space<vmem>>, %arg2: memref<1000x128xf32, #tpu.memory_space<vmem>>, %arg3: memref<1000x128xf32, #tpu.memory_space<vmem>>, %arg4: memref<128x128xf32, #tpu.memory_space<vmem>>, %arg5: memref<1x128xf32, #tpu.memory_space<vmem>>, %arg6: memref<1000x128xf32, #tpu.memory_space<vmem>>, %arg7: memref<1000x128xf32, #tpu.memory_space<vmem>>, %arg8: memref<1000x128xf32, #tpu.memory_space<vmem>>, %arg9: memref<1x128xf32, #tpu.memory_space<vmem>>, %arg10: memref<1x128xf32, #tpu.memory_space<vmem>>) attributes {dimension_semantics = [#tpu.dimension_semantics<arbitrary>], iteration_bounds = array<i64: 10>, scalar_prefetch = 0 : i64, scratch_operands = 0 : i64, tpu.core_type = #tpu.core_type<tc>, window_params = [{transform_indices = @transform_0, window_bounds = array<i64: 1000, 128>}, {transform_indices = @transform_1, window_bounds = array<i64: 1000, 128>}, {transform_indices = @transform_2, window_bounds = array<i64: 1000, 128>}, {pipeline_mode = #tpu.pipeline_mode<synchronous>, transform_indices = @transform_3, window_bounds = array<i64: 128, 128>}, {pipeline_mode = #tpu.pipeline_mode<synchronous>, transform_indices = @transform_4, window_bounds = array<i64: 1, 128>}, {transform_indices = @transform_5, window_bounds = array<i64: 1000, 128>}, {transform_indices = @transform_6, window_bounds = array<i64: 1000, 128>}, {transform_indices = @transform_7, window_bounds = array<i64: 1000, 128>}, {pipeline_mode = #tpu.pipeline_mode<synchronous>, transform_indices = @transform_8, window_bounds = array<i64: 1, 128>}, {pipeline_mode = #tpu.pipeline_mode<synchronous>, transform_indices = @transform_9, window_bounds = array<i64: 1, 128>}]} {
    %get3A = arith.constant 0 : index
    %get3A_0 = arith.constant 0 : index
    %get3A_1 = vector.load %arg2[%get3A, %get3A_0] : memref<1000x128xf32, #tpu.memory_space<vmem>>, vector<1000x128xf32>
    %get3A_2 = arith.constant 0 : index
    %get3A_3 = arith.constant 0 : index
    %get3A_4 = vector.load %arg3[%get3A_2, %get3A_3] : memref<1000x128xf32, #tpu.memory_space<vmem>>, vector<1000x128xf32>
    %get3A_5 = arith.constant 0 : index
    %get3A_6 = arith.constant 0 : index
    %get3A_7 = vector.load %arg1[%get3A_5, %get3A_6] : memref<1000x128xf32, #tpu.memory_space<vmem>>, vector<1000x128xf32>
    %mul3A = arith.mulf %get3A_7, %get3A_7 : vector<1000x128xf32>
    %reduce_sum3A = arith.constant dense<0.000000e+00> : vector<1000xf32>
    %reduce_sum3A_8 = vector.multi_reduction <add>, %mul3A, %reduce_sum3A [1] : vector<1000x128xf32> to vector<1000xf32>
    %broadcast_in_dim3A = vector.shape_cast %reduce_sum3A_8 : vector<1000xf32> to vector<1000x1xf32>
    %sqrt3A = math.sqrt %broadcast_in_dim3A : vector<1000x1xf32>
    %add3A = arith.constant 9.99999993E-9 : f32
    %add3A_9 = vector.broadcast %add3A : f32 to vector<1000x1xf32>
    %add3A_10 = arith.addf %sqrt3A, %add3A_9 : vector<1000x1xf32>
    %div3A = vector.broadcast %add3A_10 : vector<1000x1xf32> to vector<1000x128xf32>
    %div3A_11 = arith.divf %get3A_7, %div3A : vector<1000x128xf32>
    %swap3A = arith.constant 0 : index
    %swap3A_12 = arith.constant 0 : index
    %swap3A_13 = vector.load %arg6[%swap3A, %swap3A_12] : memref<1000x128xf32, #tpu.memory_space<vmem>>, vector<1000x128xf32>
    tpu.vector_store %arg6[%swap3A, %swap3A_12], %div3A_11 {strides = array<i32>} : memref<1000x128xf32, #tpu.memory_space<vmem>>, vector<1000x128xf32>,
    %mul3A_14 = arith.mulf %get3A_1, %get3A_1 : vector<1000x128xf32>
    %reduce_sum3A_15 = arith.constant dense<0.000000e+00> : vector<1000xf32>
    %reduce_sum3A_16 = vector.multi_reduction <add>, %mul3A_14, %reduce_sum3A_15 [1] : vector<1000x128xf32> to vector<1000xf32>
    %broadcast_in_dim3A_17 = vector.shape_cast %reduce_sum3A_16 : vector<1000xf32> to vector<1000x1xf32>
    %sqrt3A_18 = math.sqrt %broadcast_in_dim3A_17 : vector<1000x1xf32>
    %add3A_19 = arith.constant 9.99999993E-9 : f32
    %add3A_20 = vector.broadcast %add3A_19 : f32 to vector<1000x1xf32>
    %add3A_21 = arith.addf %sqrt3A_18, %add3A_20 : vector<1000x1xf32>
    %div3A_22 = vector.broadcast %add3A_21 : vector<1000x1xf32> to vector<1000x128xf32>
    %div3A_23 = arith.divf %get3A_1, %div3A_22 : vector<1000x128xf32>
    %swap3A_24 = arith.constant 0 : index
    %swap3A_25 = arith.constant 0 : index
    %swap3A_26 = vector.load %arg7[%swap3A_24, %swap3A_25] : memref<1000x128xf32, #tpu.memory_space<vmem>>, vector<1000x128xf32>
    tpu.vector_store %arg7[%swap3A_24, %swap3A_25], %div3A_23 {strides = array<i32>} : memref<1000x128xf32, #tpu.memory_space<vmem>>, vector<1000x128xf32>,
    %mul3A_27 = arith.mulf %get3A_4, %get3A_4 : vector<1000x128xf32>
    %reduce_sum3A_28 = arith.constant dense<0.000000e+00> : vector<1000xf32>
    %reduce_sum3A_29 = vector.multi_reduction <add>, %mul3A_27, %reduce_sum3A_28 [1] : vector<1000x128xf32> to vector<1000xf32>
    %broadcast_in_dim3A_30 = vector.shape_cast %reduce_sum3A_29 : vector<1000xf32> to vector<1000x1xf32>
    %sqrt3A_31 = math.sqrt %broadcast_in_dim3A_30 : vector<1000x1xf32>
    %add3A_32 = arith.constant 9.99999993E-9 : f32
    %add3A_33 = vector.broadcast %add3A_32 : f32 to vector<1000x1xf32>
    %add3A_34 = arith.addf %sqrt3A_31, %add3A_33 : vector<1000x1xf32>
    %div3A_35 = vector.broadcast %add3A_34 : vector<1000x1xf32> to vector<1000x128xf32>
    %div3A_36 = arith.divf %get3A_4, %div3A_35 : vector<1000x128xf32>
    %swap3A_37 = arith.constant 0 : index
    %swap3A_38 = arith.constant 0 : index
    %swap3A_39 = vector.load %arg8[%swap3A_37, %swap3A_38] : memref<1000x128xf32, #tpu.memory_space<vmem>>, vector<1000x128xf32>
    tpu.vector_store %arg8[%swap3A_37, %swap3A_38], %div3A_36 {strides = array<i32>} : memref<1000x128xf32, #tpu.memory_space<vmem>>, vector<1000x128xf32>,
    %get3A_40 = arith.constant 0 : index
    %get3A_41 = arith.constant 0 : index
    %get3A_42 = vector.load %arg4[%get3A_40, %get3A_41] : memref<128x128xf32, #tpu.memory_space<vmem>>, vector<128x128xf32>
    %get3A_43 = arith.constant 0 : index
    %get3A_44 = arith.constant 0 : index
    %get3A_45 = vector.load %arg5[%get3A_43, %get3A_44] : memref<1x128xf32, #tpu.memory_space<vmem>>, vector<1x128xf32>
    %dot_general3A = arith.constant dense<0.000000e+00> : vector<1000x128xf32>
    %dot_general3A_46 = tpu.matmul %get3A_1, %get3A_42, %dot_general3A {dimension_numbers = #tpu.dot_dimension_numbers<[1], [1], [0], [0], [0, 0, 1, 0], [], []>, transpose_lhs_hint = false} : vector<1000x128xf32>, vector<128x128xf32>, vector<1000x128xf32> -> vector<1000x128xf32>
    %add3A_47 = vector.broadcast %get3A_45 : vector<1x128xf32> to vector<1000x128xf32>
    %add3A_48 = arith.addf %dot_general3A_46, %add3A_47 : vector<1000x128xf32>
    %tanh3A = math.tanh %add3A_48 : vector<1000x128xf32>
    %dot_general3A_49 = arith.constant dense<0.000000e+00> : vector<1000x128xf32>
    %dot_general3A_50 = tpu.matmul %get3A_4, %get3A_42, %dot_general3A_49 {dimension_numbers = #tpu.dot_dimension_numbers<[1], [1], [0], [0], [0, 0, 1, 0], [], []>, transpose_lhs_hint = false} : vector<1000x128xf32>, vector<128x128xf32>, vector<1000x128xf32> -> vector<1000x128xf32>
    %add3A_51 = vector.broadcast %get3A_45 : vector<1x128xf32> to vector<1000x128xf32>
    %add3A_52 = arith.addf %dot_general3A_50, %add3A_51 : vector<1000x128xf32>
    %tanh3A_53 = math.tanh %add3A_52 : vector<1000x128xf32>
    %eq3A = arith.constant 0 : i32
    %eq3A_54 = arith.cmpi eq, %arg0, %eq3A : i32
    %convert_element_type3A = arith.extui %eq3A_54 : i1 to i32
    %cond3A = arith.constant 0 : i32
    %cond3A_55 = arith.cmpi ne, %convert_element_type3A, %cond3A : i32
    scf.if %cond3A_55 {
      %broadcast_in_dim3A_76 = arith.constant 0.000000e+00 : f32
      %broadcast_in_dim3A_77 = vector.broadcast %broadcast_in_dim3A_76 : f32 to vector<1x128xf32>
      %swap3A_78 = arith.constant 0 : index
      %swap3A_79 = arith.constant 0 : index
      %swap3A_80 = vector.load %arg9[%swap3A_78, %swap3A_79] : memref<1x128xf32, #tpu.memory_space<vmem>>, vector<1x128xf32>
      tpu.vector_store %arg9[%swap3A_78, %swap3A_79], %broadcast_in_dim3A_77 {strides = array<i32>} : memref<1x128xf32, #tpu.memory_space<vmem>>, vector<1x128xf32>,
      %broadcast_in_dim3A_81 = arith.constant 0.000000e+00 : f32
      %broadcast_in_dim3A_82 = vector.broadcast %broadcast_in_dim3A_81 : f32 to vector<1x128xf32>
      %swap3A_83 = arith.constant 0 : index
      %swap3A_84 = arith.constant 0 : index
      %swap3A_85 = vector.load %arg10[%swap3A_83, %swap3A_84] : memref<1x128xf32, #tpu.memory_space<vmem>>, vector<1x128xf32>
      tpu.vector_store %arg10[%swap3A_83, %swap3A_84], %broadcast_in_dim3A_82 {strides = array<i32>} : memref<1x128xf32, #tpu.memory_space<vmem>>, vector<1x128xf32>,
    } else {
    }
    %get3A_56 = arith.constant 0 : index
    %get3A_57 = arith.constant 0 : index
    %get3A_58 = vector.load %arg9[%get3A_56, %get3A_57] : memref<1x128xf32, #tpu.memory_space<vmem>>, vector<1x128xf32>
    %reduce_sum3A_59 = arith.constant dense<0.000000e+00> : vector<128xf32>
    %reduce_sum3A_60 = vector.multi_reduction <add>, %tanh3A, %reduce_sum3A_59 [0] : vector<1000x128xf32> to vector<128xf32>
    %broadcast_in_dim3A_61 = vector.shape_cast %reduce_sum3A_60 : vector<128xf32> to vector<1x128xf32>
    %add3A_62 = arith.addf %get3A_58, %broadcast_in_dim3A_61 : vector<1x128xf32>
    %swap3A_63 = arith.constant 0 : index
    %swap3A_64 = arith.constant 0 : index
    %swap3A_65 = vector.load %arg9[%swap3A_63, %swap3A_64] : memref<1x128xf32, #tpu.memory_space<vmem>>, vector<1x128xf32>
    tpu.vector_store %arg9[%swap3A_63, %swap3A_64], %add3A_62 {strides = array<i32>} : memref<1x128xf32, #tpu.memory_space<vmem>>, vector<1x128xf32>,
    %get3A_66 = arith.constant 0 : index
    %get3A_67 = arith.constant 0 : index
    %get3A_68 = vector.load %arg10[%get3A_66, %get3A_67] : memref<1x128xf32, #tpu.memory_space<vmem>>, vector<1x128xf32>
    %reduce_sum3A_69 = arith.constant dense<0.000000e+00> : vector<128xf32>
    %reduce_sum3A_70 = vector.multi_reduction <add>, %tanh3A_53, %reduce_sum3A_69 [0] : vector<1000x128xf32> to vector<128xf32>
    %broadcast_in_dim3A_71 = vector.shape_cast %reduce_sum3A_70 : vector<128xf32> to vector<1x128xf32>
    %add3A_72 = arith.addf %get3A_68, %broadcast_in_dim3A_71 : vector<1x128xf32>
    %swap3A_73 = arith.constant 0 : index
    %swap3A_74 = arith.constant 0 : index
    %swap3A_75 = vector.load %arg10[%swap3A_73, %swap3A_74] : memref<1x128xf32, #tpu.memory_space<vmem>>, vector<1x128xf32>
    tpu.vector_store %arg10[%swap3A_73, %swap3A_74], %add3A_72 {strides = array<i32>} : memref<1x128xf32, #tpu.memory_space<vmem>>, vector<1x128xf32>,
    return
  }
  func.func @transform_0(%arg0: i32) -> (i32, i32) {
    %c0_i32 = arith.constant 0 : i32
    %c0_i32_0 = arith.constant 0 : i32
    return %arg0, %c0_i32 : i32, i32
  }
  func.func @transform_1(%arg0: i32) -> (i32, i32) {
    %c0_i32 = arith.constant 0 : i32
    %c0_i32_0 = arith.constant 0 : i32
    return %arg0, %c0_i32 : i32, i32
  }
  func.func @transform_2(%arg0: i32) -> (i32, i32) {
    %c0_i32 = arith.constant 0 : i32
    %c0_i32_0 = arith.constant 0 : i32
    return %arg0, %c0_i32 : i32, i32
  }
  func.func @transform_3(%arg0: i32) -> (i32, i32) {
    %c0_i32 = arith.constant 0 : i32
    %c0_i32_0 = arith.constant 0 : i32
    %c0_i32_1 = arith.constant 0 : i32
    return %c0_i32, %c0_i32_0 : i32, i32
  }
  func.func @transform_4(%arg0: i32) -> (i32, i32) {
    %c0_i32 = arith.constant 0 : i32
    %c0_i32_0 = arith.constant 0 : i32
    %c0_i32_1 = arith.constant 0 : i32
    return %c0_i32, %c0_i32_0 : i32, i32
  }
  func.func @transform_5(%arg0: i32) -> (i32, i32) {
    %c0_i32 = arith.constant 0 : i32
    %c0_i32_0 = arith.constant 0 : i32
    return %arg0, %c0_i32 : i32, i32
  }
  func.func @transform_6(%arg0: i32) -> (i32, i32) {
    %c0_i32 = arith.constant 0 : i32
    %c0_i32_0 = arith.constant 0 : i32
    return %arg0, %c0_i32 : i32, i32
  }
  func.func @transform_7(%arg0: i32) -> (i32, i32) {
    %c0_i32 = arith.constant 0 : i32
    %c0_i32_0 = arith.constant 0 : i32
    return %arg0, %c0_i32 : i32, i32
  }
  func.func @transform_8(%arg0: i32) -> (i32, i32) {
    %c0_i32 = arith.constant 0 : i32
    %c0_i32_0 = arith.constant 0 : i32
    %c0_i32_1 = arith.constant 0 : i32
    return %c0_i32, %c0_i32_0 : i32, i32
  }
  func.func @transform_9(%arg0: i32) -> (i32, i32) {
    %c0_i32 = arith.constant 0 : i32
    %c0_i32_0 = arith.constant 0 : i32
    %c0_i32_1 = arith.constant 0 : i32
    return %c0_i32, %c0_i32_0 : i32, i32
  }
}

module attributes {stable_mosaic.version = 14 : i64} {
  func.func @_flash_body(%arg0: i32, %arg1: memref<200x128xf32, #tpu.memory_space<vmem>>, %arg2: memref<200x128xf32, #tpu.memory_space<vmem>>, %arg3: memref<200x128xf32, #tpu.memory_space<vmem>>, %arg4: memref<200x128xf32, #tpu.memory_space<vmem>>, %arg5: memref<200x128xf32, #tpu.memory_space<vmem>>, %arg6: memref<10000x128xf32, #tpu.memory_space<vmem>>, %arg7: memref<10000x128xf32, #tpu.memory_space<vmem>>, %arg8: memref<1x128xf32, #tpu.memory_space<vmem>>, %arg9: memref<1x128xf32, #tpu.memory_space<vmem>>, %arg10: memref<1x128xf32, #tpu.memory_space<vmem>>, %arg11: memref<200x128xf32, #tpu.memory_space<vmem>>, %arg12: memref<1x128xf32, #tpu.memory_space<vmem>>, %arg13: memref<1x128xf32, #tpu.memory_space<vmem>>, %arg14: memref<1x128xf32, #tpu.memory_space<vmem>>) attributes {dimension_semantics = [#tpu.dimension_semantics<arbitrary>], iteration_bounds = array<i64: 50>, scalar_prefetch = 0 : i64, scratch_operands = 0 : i64, tpu.core_type = #tpu.core_type<tc>, window_params = [{transform_indices = @transform_0, window_bounds = array<i64: 200, 128>}, {transform_indices = @transform_1, window_bounds = array<i64: 200, 128>}, {transform_indices = @transform_2, window_bounds = array<i64: 200, 128>}, {transform_indices = @transform_3, window_bounds = array<i64: 200, 128>}, {transform_indices = @transform_4, window_bounds = array<i64: 200, 128>}, {pipeline_mode = #tpu.pipeline_mode<synchronous>, transform_indices = @transform_5, window_bounds = array<i64: 10000, 128>}, {pipeline_mode = #tpu.pipeline_mode<synchronous>, transform_indices = @transform_6, window_bounds = array<i64: 10000, 128>}, {pipeline_mode = #tpu.pipeline_mode<synchronous>, transform_indices = @transform_7, window_bounds = array<i64: 1, 128>}, {pipeline_mode = #tpu.pipeline_mode<synchronous>, transform_indices = @transform_8, window_bounds = array<i64: 1, 128>}, {pipeline_mode = #tpu.pipeline_mode<synchronous>, transform_indices = @transform_9, window_bounds = array<i64: 1, 128>}, {transform_indices = @transform_10, window_bounds = array<i64: 200, 128>}, {pipeline_mode = #tpu.pipeline_mode<synchronous>, transform_indices = @transform_11, window_bounds = array<i64: 1, 128>}, {pipeline_mode = #tpu.pipeline_mode<synchronous>, transform_indices = @transform_12, window_bounds = array<i64: 1, 128>}, {pipeline_mode = #tpu.pipeline_mode<synchronous>, transform_indices = @transform_13, window_bounds = array<i64: 1, 128>}]} {
    %get3A = arith.constant 0 : index
    %get3A_0 = arith.constant 0 : index
    %get3A_1 = vector.load %arg1[%get3A, %get3A_0] : memref<200x128xf32, #tpu.memory_space<vmem>>, vector<200x128xf32>
    %get3A_2 = arith.constant 0 : index
    %get3A_3 = arith.constant 0 : index
    %get3A_4 = vector.load %arg2[%get3A_2, %get3A_3] : memref<200x128xf32, #tpu.memory_space<vmem>>, vector<200x128xf32>
    %get3A_5 = arith.constant 0 : index
    %get3A_6 = arith.constant 0 : index
    %get3A_7 = vector.load %arg3[%get3A_5, %get3A_6] : memref<200x128xf32, #tpu.memory_space<vmem>>, vector<200x128xf32>
    %get3A_8 = arith.constant 0 : index
    %get3A_9 = arith.constant 0 : index
    %get3A_10 = vector.load %arg6[%get3A_8, %get3A_9] : memref<10000x128xf32, #tpu.memory_space<vmem>>, vector<10000x128xf32>
    %get3A_11 = arith.constant 0 : index
    %get3A_12 = arith.constant 0 : index
    %get3A_13 = vector.load %arg7[%get3A_11, %get3A_12] : memref<10000x128xf32, #tpu.memory_space<vmem>>, vector<10000x128xf32>
    %convert_element_type3A = arith.truncf %get3A_1 : vector<200x128xf32> to vector<200x128xbf16>
    %convert_element_type3A_14 = arith.truncf %get3A_10 : vector<10000x128xf32> to vector<10000x128xbf16>
    %dot_general3A = arith.constant dense<0.000000e+00> : vector<200x10000xf32>
    %dot_general3A_15 = tpu.matmul %convert_element_type3A, %convert_element_type3A_14, %dot_general3A {dimension_numbers = #tpu.dot_dimension_numbers<[1], [1], [0], [0], [0, 0, 1, 0], [], []>, transpose_lhs_hint = false} : vector<200x128xbf16>, vector<10000x128xbf16>, vector<200x10000xf32> -> vector<200x10000xf32>
    %mul3A = arith.constant 2.000000e+00 : f32
    %mul3A_16 = vector.broadcast %mul3A : f32 to vector<200x10000xf32>
    %mul3A_17 = arith.mulf %dot_general3A_15, %mul3A_16 : vector<200x10000xf32>
    %exp3A = math.exp %mul3A_17 : vector<200x10000xf32>
    %reduce_sum3A = arith.constant dense<0.000000e+00> : vector<200xf32>
    %reduce_sum3A_18 = vector.multi_reduction <add>, %exp3A, %reduce_sum3A [1] : vector<200x10000xf32> to vector<200xf32>
    %broadcast_in_dim3A = vector.shape_cast %reduce_sum3A_18 : vector<200xf32> to vector<200x1xf32>
    %log3A = math.log %broadcast_in_dim3A : vector<200x1xf32>
    %mul3A_19 = arith.mulf %get3A_1, %get3A_4 : vector<200x128xf32>
    %reduce_sum3A_20 = arith.constant dense<0.000000e+00> : vector<200xf32>
    %reduce_sum3A_21 = vector.multi_reduction <add>, %mul3A_19, %reduce_sum3A_20 [1] : vector<200x128xf32> to vector<200xf32>
    %broadcast_in_dim3A_22 = vector.shape_cast %reduce_sum3A_21 : vector<200xf32> to vector<200x1xf32>
    %mul3A_23 = arith.constant 2.000000e+00 : f32
    %mul3A_24 = vector.broadcast %mul3A_23 : f32 to vector<200x1xf32>
    %mul3A_25 = arith.mulf %broadcast_in_dim3A_22, %mul3A_24 : vector<200x1xf32>
    %sub3A = arith.subf %log3A, %mul3A_25 : vector<200x1xf32>
    %reduce_sum3A_26 = vector.shape_cast %sub3A : vector<200x1xf32> to vector<1x200x1xf32>
    %reduce_sum3A_27 = arith.constant dense<0.000000e+00> : vector<1xf32>
    %reduce_sum3A_28 = vector.multi_reduction <add>, %reduce_sum3A_26, %reduce_sum3A_27 [1, 2] : vector<1x200x1xf32> to vector<1xf32>
    %reduce_sum3A_29 = vector.shape_cast %reduce_sum3A_28 : vector<1xf32> to vector<1x1x1xf32>
    %reduce_sum3A_30 = vector.extract %reduce_sum3A_29[0, 0, 0] : f32 from vector<1x1x1xf32>
    %convert_element_type3A_31 = arith.truncf %get3A_1 : vector<200x128xf32> to vector<200x128xbf16>
    %convert_element_type3A_32 = arith.truncf %get3A_13 : vector<10000x128xf32> to vector<10000x128xbf16>
    %dot_general3A_33 = arith.constant dense<0.000000e+00> : vector<200x10000xf32>
    %dot_general3A_34 = tpu.matmul %convert_element_type3A_31, %convert_element_type3A_32, %dot_general3A_33 {dimension_numbers = #tpu.dot_dimension_numbers<[1], [1], [0], [0], [0, 0, 1, 0], [], []>, transpose_lhs_hint = false} : vector<200x128xbf16>, vector<10000x128xbf16>, vector<200x10000xf32> -> vector<200x10000xf32>
    %mul3A_35 = arith.constant 2.000000e+00 : f32
    %mul3A_36 = vector.broadcast %mul3A_35 : f32 to vector<200x10000xf32>
    %mul3A_37 = arith.mulf %dot_general3A_34, %mul3A_36 : vector<200x10000xf32>
    %exp3A_38 = math.exp %mul3A_37 : vector<200x10000xf32>
    %reduce_sum3A_39 = arith.constant dense<0.000000e+00> : vector<200xf32>
    %reduce_sum3A_40 = vector.multi_reduction <add>, %exp3A_38, %reduce_sum3A_39 [1] : vector<200x10000xf32> to vector<200xf32>
    %broadcast_in_dim3A_41 = vector.shape_cast %reduce_sum3A_40 : vector<200xf32> to vector<200x1xf32>
    %log3A_42 = math.log %broadcast_in_dim3A_41 : vector<200x1xf32>
    %mul3A_43 = arith.mulf %get3A_1, %get3A_7 : vector<200x128xf32>
    %reduce_sum3A_44 = arith.constant dense<0.000000e+00> : vector<200xf32>
    %reduce_sum3A_45 = vector.multi_reduction <add>, %mul3A_43, %reduce_sum3A_44 [1] : vector<200x128xf32> to vector<200xf32>
    %broadcast_in_dim3A_46 = vector.shape_cast %reduce_sum3A_45 : vector<200xf32> to vector<200x1xf32>
    %mul3A_47 = arith.constant 2.000000e+00 : f32
    %mul3A_48 = vector.broadcast %mul3A_47 : f32 to vector<200x1xf32>
    %mul3A_49 = arith.mulf %broadcast_in_dim3A_46, %mul3A_48 : vector<200x1xf32>
    %sub3A_50 = arith.subf %log3A_42, %mul3A_49 : vector<200x1xf32>
    %reduce_sum3A_51 = vector.shape_cast %sub3A_50 : vector<200x1xf32> to vector<1x200x1xf32>
    %reduce_sum3A_52 = arith.constant dense<0.000000e+00> : vector<1xf32>
    %reduce_sum3A_53 = vector.multi_reduction <add>, %reduce_sum3A_51, %reduce_sum3A_52 [1, 2] : vector<1x200x1xf32> to vector<1xf32>
    %reduce_sum3A_54 = vector.shape_cast %reduce_sum3A_53 : vector<1xf32> to vector<1x1x1xf32>
    %reduce_sum3A_55 = vector.extract %reduce_sum3A_54[0, 0, 0] : f32 from vector<1x1x1xf32>
    %convert_element_type3A_56 = arith.truncf %get3A_4 : vector<200x128xf32> to vector<200x128xbf16>
    %convert_element_type3A_57 = arith.truncf %get3A_13 : vector<10000x128xf32> to vector<10000x128xbf16>
    %dot_general3A_58 = arith.constant dense<0.000000e+00> : vector<200x10000xf32>
    %dot_general3A_59 = tpu.matmul %convert_element_type3A_56, %convert_element_type3A_57, %dot_general3A_58 {dimension_numbers = #tpu.dot_dimension_numbers<[1], [1], [0], [0], [0, 0, 1, 0], [], []>, transpose_lhs_hint = false} : vector<200x128xbf16>, vector<10000x128xbf16>, vector<200x10000xf32> -> vector<200x10000xf32>
    %mul3A_60 = arith.constant 2.000000e+00 : f32
    %mul3A_61 = vector.broadcast %mul3A_60 : f32 to vector<200x10000xf32>
    %mul3A_62 = arith.mulf %dot_general3A_59, %mul3A_61 : vector<200x10000xf32>
    %exp3A_63 = math.exp %mul3A_62 : vector<200x10000xf32>
    %reduce_sum3A_64 = arith.constant dense<0.000000e+00> : vector<200xf32>
    %reduce_sum3A_65 = vector.multi_reduction <add>, %exp3A_63, %reduce_sum3A_64 [1] : vector<200x10000xf32> to vector<200xf32>
    %broadcast_in_dim3A_66 = vector.shape_cast %reduce_sum3A_65 : vector<200xf32> to vector<200x1xf32>
    %log3A_67 = math.log %broadcast_in_dim3A_66 : vector<200x1xf32>
    %mul3A_68 = arith.mulf %get3A_4, %get3A_7 : vector<200x128xf32>
    %reduce_sum3A_69 = arith.constant dense<0.000000e+00> : vector<200xf32>
    %reduce_sum3A_70 = vector.multi_reduction <add>, %mul3A_68, %reduce_sum3A_69 [1] : vector<200x128xf32> to vector<200xf32>
    %broadcast_in_dim3A_71 = vector.shape_cast %reduce_sum3A_70 : vector<200xf32> to vector<200x1xf32>
    %mul3A_72 = arith.constant 2.000000e+00 : f32
    %mul3A_73 = vector.broadcast %mul3A_72 : f32 to vector<200x1xf32>
    %mul3A_74 = arith.mulf %broadcast_in_dim3A_71, %mul3A_73 : vector<200x1xf32>
    %sub3A_75 = arith.subf %log3A_67, %mul3A_74 : vector<200x1xf32>
    %reduce_sum3A_76 = vector.shape_cast %sub3A_75 : vector<200x1xf32> to vector<1x200x1xf32>
    %reduce_sum3A_77 = arith.constant dense<0.000000e+00> : vector<1xf32>
    %reduce_sum3A_78 = vector.multi_reduction <add>, %reduce_sum3A_76, %reduce_sum3A_77 [1, 2] : vector<1x200x1xf32> to vector<1xf32>
    %reduce_sum3A_79 = vector.shape_cast %reduce_sum3A_78 : vector<1xf32> to vector<1x1x1xf32>
    %reduce_sum3A_80 = vector.extract %reduce_sum3A_79[0, 0, 0] : f32 from vector<1x1x1xf32>
    %eq3A = arith.constant 0 : i32
    %eq3A_81 = arith.cmpi eq, %arg0, %eq3A : i32
    %convert_element_type3A_82 = arith.extui %eq3A_81 : i1 to i32
    %cond3A = arith.constant 0 : i32
    %cond3A_83 = arith.cmpi ne, %convert_element_type3A_82, %cond3A : i32
    scf.if %cond3A_83 {
      %broadcast_in_dim3A_152 = arith.constant 0.000000e+00 : f32
      %broadcast_in_dim3A_153 = vector.broadcast %broadcast_in_dim3A_152 : f32 to vector<1x128xf32>
      %swap3A_154 = arith.constant 0 : index
      %swap3A_155 = arith.constant 0 : index
      %swap3A_156 = vector.load %arg12[%swap3A_154, %swap3A_155] : memref<1x128xf32, #tpu.memory_space<vmem>>, vector<1x128xf32>
      tpu.vector_store %arg12[%swap3A_154, %swap3A_155], %broadcast_in_dim3A_153 {strides = array<i32>} : memref<1x128xf32, #tpu.memory_space<vmem>>, vector<1x128xf32>,
      %broadcast_in_dim3A_157 = arith.constant 0.000000e+00 : f32
      %broadcast_in_dim3A_158 = vector.broadcast %broadcast_in_dim3A_157 : f32 to vector<1x128xf32>
      %swap3A_159 = arith.constant 0 : index
      %swap3A_160 = arith.constant 0 : index
      %swap3A_161 = vector.load %arg13[%swap3A_159, %swap3A_160] : memref<1x128xf32, #tpu.memory_space<vmem>>, vector<1x128xf32>
      tpu.vector_store %arg13[%swap3A_159, %swap3A_160], %broadcast_in_dim3A_158 {strides = array<i32>} : memref<1x128xf32, #tpu.memory_space<vmem>>, vector<1x128xf32>,
      %broadcast_in_dim3A_162 = arith.constant 0.000000e+00 : f32
      %broadcast_in_dim3A_163 = vector.broadcast %broadcast_in_dim3A_162 : f32 to vector<1x128xf32>
      %swap3A_164 = arith.constant 0 : index
      %swap3A_165 = arith.constant 0 : index
      %swap3A_166 = vector.load %arg14[%swap3A_164, %swap3A_165] : memref<1x128xf32, #tpu.memory_space<vmem>>, vector<1x128xf32>
      tpu.vector_store %arg14[%swap3A_164, %swap3A_165], %broadcast_in_dim3A_163 {strides = array<i32>} : memref<1x128xf32, #tpu.memory_space<vmem>>, vector<1x128xf32>,
    } else {
    }
    %get3A_84 = arith.constant 0 : index
    %get3A_85 = arith.constant 0 : index
    %get3A_86 = vector.load %arg12[%get3A_84, %get3A_85] : memref<1x128xf32, #tpu.memory_space<vmem>>, vector<1x128xf32>
    %broadcast_in_dim3A_87 = vector.broadcast %reduce_sum3A_30 : f32 to vector<1x128xf32>
    %add3A = arith.addf %get3A_86, %broadcast_in_dim3A_87 : vector<1x128xf32>
    %swap3A = arith.constant 0 : index
    %swap3A_88 = arith.constant 0 : index
    %swap3A_89 = vector.load %arg12[%swap3A, %swap3A_88] : memref<1x128xf32, #tpu.memory_space<vmem>>, vector<1x128xf32>
    tpu.vector_store %arg12[%swap3A, %swap3A_88], %add3A {strides = array<i32>} : memref<1x128xf32, #tpu.memory_space<vmem>>, vector<1x128xf32>,
    %get3A_90 = arith.constant 0 : index
    %get3A_91 = arith.constant 0 : index
    %get3A_92 = vector.load %arg13[%get3A_90, %get3A_91] : memref<1x128xf32, #tpu.memory_space<vmem>>, vector<1x128xf32>
    %broadcast_in_dim3A_93 = vector.broadcast %reduce_sum3A_55 : f32 to vector<1x128xf32>
    %add3A_94 = arith.addf %get3A_92, %broadcast_in_dim3A_93 : vector<1x128xf32>
    %swap3A_95 = arith.constant 0 : index
    %swap3A_96 = arith.constant 0 : index
    %swap3A_97 = vector.load %arg13[%swap3A_95, %swap3A_96] : memref<1x128xf32, #tpu.memory_space<vmem>>, vector<1x128xf32>
    tpu.vector_store %arg13[%swap3A_95, %swap3A_96], %add3A_94 {strides = array<i32>} : memref<1x128xf32, #tpu.memory_space<vmem>>, vector<1x128xf32>,
    %get3A_98 = arith.constant 0 : index
    %get3A_99 = arith.constant 0 : index
    %get3A_100 = vector.load %arg14[%get3A_98, %get3A_99] : memref<1x128xf32, #tpu.memory_space<vmem>>, vector<1x128xf32>
    %broadcast_in_dim3A_101 = vector.broadcast %reduce_sum3A_80 : f32 to vector<1x128xf32>
    %add3A_102 = arith.addf %get3A_100, %broadcast_in_dim3A_101 : vector<1x128xf32>
    %swap3A_103 = arith.constant 0 : index
    %swap3A_104 = arith.constant 0 : index
    %swap3A_105 = vector.load %arg14[%swap3A_103, %swap3A_104] : memref<1x128xf32, #tpu.memory_space<vmem>>, vector<1x128xf32>
    tpu.vector_store %arg14[%swap3A_103, %swap3A_104], %add3A_102 {strides = array<i32>} : memref<1x128xf32, #tpu.memory_space<vmem>>, vector<1x128xf32>,
    %get3A_106 = arith.constant 0 : index
    %get3A_107 = arith.constant 0 : index
    %get3A_108 = vector.load %arg10[%get3A_106, %get3A_107] : memref<1x128xf32, #tpu.memory_space<vmem>>, vector<1x128xf32>
    %get3A_109 = arith.constant 0 : index
    %get3A_110 = arith.constant 0 : index
    %get3A_111 = vector.load %arg8[%get3A_109, %get3A_110] : memref<1x128xf32, #tpu.memory_space<vmem>>, vector<1x128xf32>
    %mul3A_112 = arith.mulf %get3A_108, %get3A_111 : vector<1x128xf32>
    %reduce_sum3A_113 = vector.shape_cast %mul3A_112 : vector<1x128xf32> to vector<1x1x128xf32>
    %reduce_sum3A_114 = arith.constant dense<0.000000e+00> : vector<1xf32>
    %reduce_sum3A_115 = vector.multi_reduction <add>, %reduce_sum3A_113, %reduce_sum3A_114 [1, 2] : vector<1x1x128xf32> to vector<1xf32>
    %reduce_sum3A_116 = vector.shape_cast %reduce_sum3A_115 : vector<1xf32> to vector<1x1x1xf32>
    %reduce_sum3A_117 = vector.extract %reduce_sum3A_116[0, 0, 0] : f32 from vector<1x1x1xf32>
    %mul3A_118 = arith.constant 9.99999974E-5 : f32
    %mul3A_119 = arith.mulf %reduce_sum3A_117, %mul3A_118 : f32
    %get3A_120 = arith.constant 0 : index
    %get3A_121 = arith.constant 0 : index
    %get3A_122 = vector.load %arg9[%get3A_120, %get3A_121] : memref<1x128xf32, #tpu.memory_space<vmem>>, vector<1x128xf32>
    %mul3A_123 = arith.mulf %get3A_108, %get3A_122 : vector<1x128xf32>
    %reduce_sum3A_124 = vector.shape_cast %mul3A_123 : vector<1x128xf32> to vector<1x1x128xf32>
    %reduce_sum3A_125 = arith.constant dense<0.000000e+00> : vector<1xf32>
    %reduce_sum3A_126 = vector.multi_reduction <add>, %reduce_sum3A_124, %reduce_sum3A_125 [1, 2] : vector<1x1x128xf32> to vector<1xf32>
    %reduce_sum3A_127 = vector.shape_cast %reduce_sum3A_126 : vector<1xf32> to vector<1x1x1xf32>
    %reduce_sum3A_128 = vector.extract %reduce_sum3A_127[0, 0, 0] : f32 from vector<1x1x1xf32>
    %mul3A_129 = arith.constant 9.99999974E-5 : f32
    %mul3A_130 = arith.mulf %reduce_sum3A_128, %mul3A_129 : f32
    %sub3A_131 = arith.subf %mul3A_130, %mul3A_119 : f32
    %broadcast_in_dim3A_132 = vector.broadcast %sub3A_131 : f32 to vector<1x128xf32>
    %exp3A_133 = math.exp %broadcast_in_dim3A_132 : vector<1x128xf32>
    %add3A_134 = arith.constant 1.000000e+00 : f32
    %add3A_135 = vector.broadcast %add3A_134 : f32 to vector<1x128xf32>
    %add3A_136 = arith.addf %add3A_135, %exp3A_133 : vector<1x128xf32>
    %div3A = arith.constant 1.000000e+00 : f32
    %div3A_137 = vector.broadcast %div3A : f32 to vector<1x128xf32>
    %div3A_138 = arith.divf %div3A_137, %add3A_136 : vector<1x128xf32>
    %get3A_139 = arith.constant 0 : index
    %get3A_140 = arith.constant 0 : index
    %get3A_141 = vector.load %arg4[%get3A_139, %get3A_140] : memref<200x128xf32, #tpu.memory_space<vmem>>, vector<200x128xf32>
    %get3A_142 = arith.constant 0 : index
    %get3A_143 = arith.constant 0 : index
    %get3A_144 = vector.load %arg5[%get3A_142, %get3A_143] : memref<200x128xf32, #tpu.memory_space<vmem>>, vector<200x128xf32>
    %sub3A_145 = arith.subf %get3A_141, %get3A_144 : vector<200x128xf32>
    %mul3A_146 = vector.broadcast %div3A_138 : vector<1x128xf32> to vector<200x128xf32>
    %mul3A_147 = arith.mulf %mul3A_146, %sub3A_145 : vector<200x128xf32>
    %add3A_148 = arith.addf %get3A_144, %mul3A_147 : vector<200x128xf32>
    %swap3A_149 = arith.constant 0 : index
    %swap3A_150 = arith.constant 0 : index
    %swap3A_151 = vector.load %arg11[%swap3A_149, %swap3A_150] : memref<200x128xf32, #tpu.memory_space<vmem>>, vector<200x128xf32>
    tpu.vector_store %arg11[%swap3A_149, %swap3A_150], %add3A_148 {strides = array<i32>} : memref<200x128xf32, #tpu.memory_space<vmem>>, vector<200x128xf32>,
    return
  }
  func.func @transform_0(%arg0: i32) -> (i32, i32) {
    %c0_i32 = arith.constant 0 : i32
    %c0_i32_0 = arith.constant 0 : i32
    return %arg0, %c0_i32 : i32, i32
  }
  func.func @transform_1(%arg0: i32) -> (i32, i32) {
    %c0_i32 = arith.constant 0 : i32
    %c0_i32_0 = arith.constant 0 : i32
    return %arg0, %c0_i32 : i32, i32
  }
  func.func @transform_2(%arg0: i32) -> (i32, i32) {
    %c0_i32 = arith.constant 0 : i32
    %c0_i32_0 = arith.constant 0 : i32
    return %arg0, %c0_i32 : i32, i32
  }
  func.func @transform_3(%arg0: i32) -> (i32, i32) {
    %c0_i32 = arith.constant 0 : i32
    %c0_i32_0 = arith.constant 0 : i32
    return %arg0, %c0_i32 : i32, i32
  }
  func.func @transform_4(%arg0: i32) -> (i32, i32) {
    %c0_i32 = arith.constant 0 : i32
    %c0_i32_0 = arith.constant 0 : i32
    return %arg0, %c0_i32 : i32, i32
  }
  func.func @transform_5(%arg0: i32) -> (i32, i32) {
    %c0_i32 = arith.constant 0 : i32
    %c0_i32_0 = arith.constant 0 : i32
    %c0_i32_1 = arith.constant 0 : i32
    return %c0_i32, %c0_i32_0 : i32, i32
  }
  func.func @transform_6(%arg0: i32) -> (i32, i32) {
    %c0_i32 = arith.constant 0 : i32
    %c0_i32_0 = arith.constant 0 : i32
    %c0_i32_1 = arith.constant 0 : i32
    return %c0_i32, %c0_i32_0 : i32, i32
  }
  func.func @transform_7(%arg0: i32) -> (i32, i32) {
    %c0_i32 = arith.constant 0 : i32
    %c0_i32_0 = arith.constant 0 : i32
    %c0_i32_1 = arith.constant 0 : i32
    return %c0_i32, %c0_i32_0 : i32, i32
  }
  func.func @transform_8(%arg0: i32) -> (i32, i32) {
    %c0_i32 = arith.constant 0 : i32
    %c0_i32_0 = arith.constant 0 : i32
    %c0_i32_1 = arith.constant 0 : i32
    return %c0_i32, %c0_i32_0 : i32, i32
  }
  func.func @transform_9(%arg0: i32) -> (i32, i32) {
    %c0_i32 = arith.constant 0 : i32
    %c0_i32_0 = arith.constant 0 : i32
    %c0_i32_1 = arith.constant 0 : i32
    return %c0_i32, %c0_i32_0 : i32, i32
  }
  func.func @transform_10(%arg0: i32) -> (i32, i32) {
    %c0_i32 = arith.constant 0 : i32
    %c0_i32_0 = arith.constant 0 : i32
    return %arg0, %c0_i32 : i32, i32
  }
  func.func @transform_11(%arg0: i32) -> (i32, i32) {
    %c0_i32 = arith.constant 0 : i32
    %c0_i32_0 = arith.constant 0 : i32
    %c0_i32_1 = arith.constant 0 : i32
    return %c0_i32, %c0_i32_0 : i32, i32
  }
  func.func @transform_12(%arg0: i32) -> (i32, i32) {
    %c0_i32 = arith.constant 0 : i32
    %c0_i32_0 = arith.constant 0 : i32
    %c0_i32_1 = arith.constant 0 : i32
    return %c0_i32, %c0_i32_0 : i32, i32
  }
  func.func @transform_13(%arg0: i32) -> (i32, i32) {
    %c0_i32 = arith.constant 0 : i32
    %c0_i32_0 = arith.constant 0 : i32
    %c0_i32_1 = arith.constant 0 : i32
    return %c0_i32, %c0_i32_0 : i32, i32
  }
}

</mosaic_0001>

<sc_bundles>
// kernel: kernel.6.cloned.1.call-start
scs
__scs_entry_jumppad:
0x0: {  	(pc) =	sbr.rel $0x88, $3  }
0x1: {  	(tag) =	ssettag $0x0;
	lr =	simm.s32 $0x1  }
0x2: {  	[smem:$0x3F97] =	sst lr;
	_ =	strace $0xD0000000  }
0x3: {  	_ = 	snop  }
0x4: {  	_ = 	snop  }
0x5: {  	_ = 	snop  }
0x6: {  	_ = 	snop  }
0x7: {  	_ = 	snop  }
__scs_overlays_trampoline_lowered:
0x8: {  	[smem:$0x3FA6] =	sst s0  }
0x9: {  	[smem:$0x3FA7] =	sst s1  }
0xa: {  	[smem:$0x3FA8] =	sst s2  }
0xb: {  	[smem:$0x3FA9] =	sst s3  }
0xc: {  	[smem:$0x3FAA] =	sst s4  }
0xd: {  	[smem:$0x3FAB] =	sst s5  }
0xe: {  	[smem:$0x3FAC] =	sst s6  }
0xf: {  	[smem:$0x3FAD] =	sst s7  }
0x10: {  	[smem:$0x3FAE] =	sst s8  }
0x11: {  	[smem:$0x3FAF] =	sst s9;
	s0 =	simm.s32 @!p0 $0x0  }
0x12: {  	s1 =	sld [smem:$0x3F95];
	s0 =	simm.s32 @p0 $0x1  }
0x13: {  	[smem:$0x3FB0] =	sst s0;
	s0 =	simm.s32 @!p1 $0x0  }
0x14: {  	s2 =	sld [smem:$0x3F94];
	s0 =	simm.s32 @p1 $0x1  }
0x15: {  	[smem:$0x3FB1] =	sst s0;
	s0 =	simm.s32 @!p2 $0x0  }
0x16: {  	s3 =	sld [smem:$0x3FDB];
	s0 =	simm.s32 @p2 $0x1  }
0x17: {  	s4 =	simm.s32 $0x1BF5;
	[smem:$0x3FB3] =	sst s0  }
0x18: {  	s0 =	sld [smem:$0x3F96];
	_ =	swait.ge [sflag:s4], $0x0  }
0x19: {  	s7 =	sld [smem:$0x3F97]  }
0x1a: {  	s8 =	sadd.s32 $0xFFFFE003, lr  }
0x1b: {  	s9 =	sadd.s32 $0xFFFFFEF7, lr;
	s5 =	simm.s32 $0xFFFFFFFF;
	p2 =	slt.u32 s8, $0xFFFFF086  }
0x1c: {  	p1 =	slt.u32 s9, $0xF7A;
	s5 =	simm.s32 @!p2 $0x0  }
0x1d: {  	s5 =	simm.s32 @p1 $0x1;
	p0 =	seq.s32 s7, s2  }
0x1e: {  	s7 =	smul.u32 @!p0 $0xF7A, s2;
	p2 =	seq.s32 @!p0 s5, $0x0  }
0x1f: {  	s9 =	smul.u32 $0xF7A, s1;
	s8 =	simm.s32 @!p0 $0x1BF5;
	p2 =	por !p2, p0  }
0x20: {  	[sflag:s8] =	ssyncset.s32 @!p0 $0xFFFFF086;
	s6 =	sadd.s32 @!p0 s3, s7;
	s7 =	simm.s32 @!p0 $0x108  }
0x21: {  	s3 =	sadd.s32 s3, s9;
	s6 =	sadd.s32 @!p0 $0x88, s6;
	s7 =	simm.s32 @p2 $0x1082  }
0x22: {  	[simem:s7], [sflag:s8] =	dma.local @!p0 [hbm:s6], $0xF7A  }
0x23: {  	s9 =	sor.u32 $0xD0000000, s2;
	s6 =	simm.s32 $0x108;
	_ =	swait.ge @!p0 [sflag:s8], $0x0  }
0x24: {  	s3 =	sadd.s32 $0x88, s3;
	s6 =	simm.s32 @!p1 $0x1082;
	[sflag:s4] =	ssyncset.s32 $0xFFFFF086  }
0x25: {  	[simem:s6], [sflag:s4] =	dma.local [hbm:s3], $0xF7A  }
0x26: {  	[smem:$0x3F97] =	sst s1;
	(tag) =	ssettag s2;
	_ =	strace s9  }
0x27: {  	s1 =	sld [smem:$0x3FA7]  }
0x28: {  	s2 =	sld [smem:$0x3FA8]  }
0x29: {  	s4 =	sld [smem:$0x3FAA]  }
0x2a: {  	p0 =	seq.s32 s5, $0x0;
	s5 =	sld [smem:$0x3FAB]  }
0x2b: {  	s6 =	sld [smem:$0x3FAC]  }
0x2c: {  	s7 =	sld [smem:$0x3FAD]  }
0x2d: {  	s3 =	simm.s32 $0x108;
	s8 =	sld [smem:$0x3FAE]  }
0x2e: {  	s3 =	simm.s32 @!p0 $0x1082;
	s9 =	sld [smem:$0x3FAF]  }
0x2f: {  	lr =	sadd.s32 s0, s3;
	s0 =	sld [smem:$0x3FA6]  }
0x30: {  	s3 =	sld [smem:$0x3FA9]  }
0x31: {  	[smem:$0x3FB2] =	sst s10  }
0x32: {  	s10 =	sld [smem:$0x3FB0];
	_ =	sdelay $0x3  }
0x33: {  	p0 =	seq.s32 s10, $0x1;
	s10 =	sld [smem:$0x3FB2];
	_ =	sdelay $0x3  }
0x34: {  	[smem:$0x3FB2] =	sst s10  }
0x35: {  	s10 =	sld [smem:$0x3FB1];
	_ =	sdelay $0x3  }
0x36: {  	p1 =	seq.s32 s10, $0x1;
	s10 =	sld [smem:$0x3FB2];
	_ =	sdelay $0x3  }
0x37: {  	[smem:$0x3FB2] =	sst s10  }
0x38: {  	s10 =	sld [smem:$0x3FB3]  }
0x39: {  	_ = 	snop;
	(pc) =	sbr.ind lr, $3  }
0x3a: {  	_ = 	snop  }
0x3b: {  	_ = 	snop  }
0x3c: {  	p2 =	seq.s32 s10, $0x1;
	s10 =	sld [smem:$0x3FB2]  }
0x3d: {  	_ =	shalt  }
0x3e: {  	_ =	shalt  }
0x3f: {  	_ =	shalt  }
0x40: {  	_ =	shalt  }
0x41: {  	_ =	shalt  }
0x42: {  	_ =	shalt  }
0x43: {  	_ =	shalt  }
0x44: {  	_ =	shalt  }
0x45: {  	_ =	shalt  }
0x46: {  	_ =	shalt  }
0x47: {  	_ =	shalt  }
0x48: {  	_ =	shalt  }
0x49: {  	_ =	shalt  }
0x4a: {  	_ =	shalt  }
0x4b: {  	_ =	shalt  }
0x4c: {  	_ =	shalt  }
0x4d: {  	_ =	shalt  }
0x4e: {  	_ =	shalt  }
0x4f: {  	_ =	shalt  }
0x50: {  	_ =	shalt  }
0x51: {  	_ =	shalt  }
0x52: {  	_ =	shalt  }
0x53: {  	_ =	shalt  }
0x54: {  	_ =	shalt  }
0x55: {  	_ =	shalt  }
0x56: {  	_ =	shalt  }
0x57: {  	_ =	shalt  }
0x58: {  	_ =	shalt  }
0x59: {  	_ =	shalt  }
0x5a: {  	_ =	shalt  }
0x5b: {  	_ =	shalt  }
0x5c: {  	_ =	shalt  }
0x5d: {  	_ =	shalt  }
0x5e: {  	_ =	shalt  }
0x5f: {  	_ =	shalt  }
0x60: {  	_ =	shalt  }
0x61: {  	_ =	shalt  }
0x62: {  	_ =	shalt  }
0x63: {  	_ =	shalt  }
0x64: {  	_ =	shalt  }
0x65: {  	_ =	shalt  }
0x66: {  	_ =	shalt  }
0x67: {  	_ =	shalt  }
0x68: {  	_ =	shalt  }
0x69: {  	_ =	shalt  }
0x6a: {  	_ =	shalt  }
0x6b: {  	_ =	shalt  }
0x6c: {  	_ =	shalt  }
0x6d: {  	_ =	shalt  }
0x6e: {  	_ =	shalt  }
0x6f: {  	_ =	shalt  }
0x70: {  	_ =	shalt  }
0x71: {  	_ =	shalt  }
0x72: {  	_ =	shalt  }
0x73: {  	_ =	shalt  }
0x74: {  	_ =	shalt  }
0x75: {  	_ =	shalt  }
0x76: {  	_ =	shalt  }
0x77: {  	_ =	shalt  }
0x78: {  	_ =	shalt  }
0x79: {  	_ =	shalt  }
0x7a: {  	_ =	shalt  }
0x7b: {  	_ =	shalt  }
0x7c: {  	_ =	shalt  }
0x7d: {  	_ =	shalt  }
0x7e: {  	_ =	shalt  }
0x7f: {  	_ =	shalt  }
0x80: {  	_ =	shalt  }
0x81: {  	_ =	shalt  }
0x82: {  	_ =	shalt  }
0x83: {  	_ =	shalt  }
0x84: {  	_ =	shalt  }
0x85: {  	_ =	shalt  }
0x86: {  	_ =	shalt  }
0x87: {  	_ =	shalt  }
.Lfunc_end0:
.L_simem_size_0:
called_computation_lowered:
.L_overlay_start_0:
0x88: {  	s2 =	sld [smem:$0x3FD9]  }
0x89: {  	s3 =	sld [smem:$0x3FFE];
	_ =	sdelay $0x1  }
0x8a: {  	s1 =	srdreg.scid  }
0x8b: {  	s0 =	sand.u32 $0x1, s1  }
0x8c: {  	s14 =	sshll.u32 s0, $0xA;
	s2 =	sadd.s32 s3, s2  }
0x8d: {  	s2 =	sadd.s32 s2, s14  }
0x8e: {  	[smem:$0x3FBE] =	sst s2  }
0x8f: {  	_ = 	snop  }
0x90: {  	s2 =	sld [smem:$0x3FD0];
	_ =	sdelay $0x1  }
0x91: {  	s15 =	sld [smem:$0x3FC8]  }
0x92: {  	s5 =	simm.s32 $0xA;
	s6 =	simm.s32 $0x10;
	s4 =	sld [smem:$0x3FC7]  }
0x93: {  	[smem:s6], [sflag:s5] =	dma.local [hbm:s2], $0x1  }
0x94: {  	_ =	swait.eq [sflag:s5], $0x1  }
0x95: {  	[sflag:s5] =	ssyncset.done $0x0  }
0x96: {  	[sflag:s5] =	ssyncadd.s32 $0xFFFFFFFF  }
0x97: {  	s16 =	sld [smem:$0x10];
	(tm) =	ssettm $0x1  }
0x98: {  	s17 =	sld [smem:$0x3FFB];
	_ =	sdelay $0x3  }
0x99: {  	_ =	strace s17  }
0x9a: {  	s5 =	sld [smem:$0x3FFC];
	_ =	sdelay $0x3  }
0x9b: {  	_ =	strace s5  }
0x9c: {  	s5 =	sld [smem:$0x3FFD];
	_ =	sdelay $0x3  }
0x9d: {  	_ =	strace s5  }
0x9e: {  	_ =	strace $0x8FFFFFFF  }
0x9f: {  	s18 =	sld [smem:$0x3FDB];
	_ =	sdelay $0x1  }
0xa0: {  	s19 =	simm.s32 $_scs_section_size  }
0xa1: {  	s7 =	simm.s32 $_size__tile_overlayer_lowered;
	s8 =	simm.s32 $_tile_overlayer_lowered  }
0xa2: {  	s22 =	simm.s32 $0x1BFF;
	s21 =	sshll.u32 s8, $0x1;
	s5 =	sadd.s32 s19, s18  }
0xa3: {  	s9 =	simm.s32 $0x0;
	s20 =	sshll.u32 s7, $0x1;
	s7 =	sadd.s32 s21, s5  }
0xa4: {  	[timem:s9], [sflag:s22] =	dma.local [hbm:s7], s20  }
0xa5: {  	_ =	swait.ge [sflag:s22], s20  }
0xa6: {  	s6 =	ssub.s32 $0x0, s20;
	[sflag:s22] =	ssyncset.done $0x0  }
0xa7: {  	[sflag:s22] =	ssyncadd.s32 s6;
	_ =	sdelay $0x1  }
0xa8: {  	s23 =	simm.s32 $0x1B8B  }
0xa9: {  	_ =	swait.ge [sflag:s23], $0x1  }
0xaa: {  	[sflag:s23] =	ssyncset.done $0x0  }
0xab: {  	s25 =	simm.s32 $0x1B8E;
	s24 =	sld [smem:$0x3FFE];
	[sflag:s23] =	ssyncadd.s32 $0xFFFFFFFF  }
0xac: {  	s26 =	simm.s32 $execute0_lowered;
	[smem:$0x3FD2] =	sst s25  }
0xad: {  	s7 =	sshll.u32 s26, $0x1;
	_ =	strace $0x80000046;
	[dreg:$0x1] =	wrdreg $0xFFFFFFFF  }
0xae: {  	s28 =	simm.s32 $_size_execute0_lowered;
	s5 =	sadd.s32 s5, s7;
	[dreg:$0x0] =	wrdreg $0x0  }
0xaf: {  	s7 =	sshll.u32 s28, $0x1;
	[dreg:$0x2] =	wrdreg s5  }
0xb0: {  	[dreg:$0x3] =	wrdreg s7  }
0xb1: {  	[dreg:$0x4] =	wrdreg $0xC0  }
0xb2: {  	_ =	task [dreg:s9], $0x5FFFF  }
0xb3: {  	[dreg:$0x1] =	wrdreg $0xFFFFFFFF  }
0xb4: {  	[dreg:$0x0] =	wrdreg $0x60  }
0xb5: {  	[dreg:$0x2] =	wrdreg s15  }
0xb6: {  	[dreg:$0x3] =	wrdreg s4  }
0xb7: {  	[dreg:$0x4] =	wrdreg s24  }
0xb8: {  	[dreg:$0x5] =	wrdreg s16  }
0xb9: {  	[dreg:$0x6] =	wrdreg $0x9  }
0xba: {  	_ =	task.clear_ibuf [dreg:s9], $0x7FFFF;
	_ =	strace $0x90000046  }
0xbb: {  	s29 =	simm.s32 $0x9;
	_ =	strace $0x80000048  }
0xbc: {  	_ =	swait.ge [sflag:s29], $0x1  }
0xbd: {  	[sflag:s29] =	ssyncadd.s32 $0xFFFFFFFF  }
0xbe: {  	_ =	strace $0x90000048  }
0xbf: {  	_ =	sfence  }
0xc0: {  	s30 =	sld [smem:$0x0];
	_ =	sdelay $0x2  }
0xc1: {  	s31 =	sshll.u32 s1, $0xD;
	s1 =	sshrl.u32 s1, $0x2  }
0xc2: {  	s3 =	sand.u32 $0x4000, s31;
	s1 =	sadd.s32 s1, s30  }
0xc3: {  	s0 =	sor.u32 s3, s0;
	s1 =	sshll.u32 s1, $0x11  }
0xc4: {  	s0 =	sor.u32 s1, s0  }
0xc5: {  	s0 =	sadd.s32 $0x8F2B, s0  }
0xc6: {  	[sflag:s0] =	ssyncadd.remote.s32 $0x1  }
0xc7: {  	_ =	sfence.sel $0xFFFF  }
0xc8: {  	[dreg:$0x0] =	wrdreg $0xFFFFFFFF;
	(pc) =	sbr.abs _section_cstart, $3  }
0xc9: {  	[dreg:$0x1] =	wrdreg $0xFFFFFFFF  }
0xca: {  	_ =	task.clear_ibuf [dreg:s9], $0x2FFFF;
	_ =	strace $0x9FFFFFFF  }
0xcb: {  	(tm) =	ssettm $0x7FFFFFFF  }
tec
execute0_lowered:
.L_overlay_start_1:
0x0: {  	(tag) =	ssettag $0x1  }
0x1: {  	s1 =	rddreg [dreg:$0x0]  }
0x2: {  	s2 =	rddreg [dreg:$0x1]  }
0x3: {  	s0 =	srdreg.scid;
	s3 =	rddreg [dreg:$0x2]  }
0x4: {  	s14 =	stileid.u32;
	s10 =	rddreg [dreg:$0x3]  }
0x5: {  	s15 =	simm.s32 $0x5;
	s16 =	simm.s32 $0x2800;
	s17 =	simm.s32 $0x5000  }
0x6: {  	s18 =	simm.s32 $0x7800;
	s21 =	simm.s32 $0xDC00;
	s22 =	simm.s32 $0xEC00  }
0x7: {  	s23 =	simm.s32 $0xFC00;
	s24 =	simm.s32 $0x11C00;
	s25 =	simm.s32 $0xE400  }
0x8: {  	s0 =	sand.u32 $0x1, s0;
	s4 =	sshll.u32 s14, $0x1;
	s31 =	smul.u32 $0x280, s14  }
0x9: {  	s7 =	sor.u32 s0, s4;
	s8 =	ssub.s32 $0x2, s0;
	s0 =	smul.u32 $0x140, s0  }
0xa: {  	vm0 =	vmmov $0xffff;
	s26 =	simm.s32 $0xF400;
	s28 =	simm.s32 $0x10400;
	s5 =	smul.u32 $0x280, s7  }
0xb: {  	v0 =	vimm.s32 $0x0;
	vm1 =	vmmov $0x1;
	v62 =	vimm.s32 $0x0;
	s29 =	simm.s32 $0x0;
	s4 =	simm.s32 $0x0;
	s6 =	smul.u32 $0x1400, s7  }
0xc: {  	vm4 =	vcmask $0x70C;
	vm5 =	vcmask $0xB10;
	vm6 =	vcmask $0xF14;
	[smem:$0x7FF] =	sst s4;
	s30 =	sshrl.u32 s8, $0x1;
	s11 =	smul.u32 $0x500, s7  }
.Ltmp0:
0xd: {  	v63 =	vimm.s32 $0x0;
	vm7 =	vcmask $0x1318;
	vm8 =	vcmask $0x171C;
	s7 =	sadd.s32 $0x9C00, s3;
	_ =	strace $0x80000047;
	(pc) =	sbr.rel .LBB2_1-.Ltmp0, $4  }
0xe: {  	vm9 =	vcmask $0x1B20;
	vm10 =	vcmask $0x1F24;
	v0 =	vsel vm0, $0xFFFFFFFF, v0;
	s13 =	ssub.s32 s8, s30;
	s8 =	sadd.s32 $0xA100, s3;
	s14 =	sadd.s32 s0, s31  }
0xf: {  	vm11 =	vcmask $0x2328;
	vm0 =	vmmov $0x7fff;
	[tilespmem:$0x1FFD0] =	vst v0;
	v0 =	vsel vm1, $0xFFFFFFFF, v62;
	s9 =	sadd.s32 s5, s3;
	s5 =	sadd.s32 $0x9200, s3;
	s12 =	sadd.s32 s6, s3  }
0x10: {  	vm12 =	vcmask $0x272C;
	vm13 =	vcmask $0x2B30;
	s6 =	sadd.s32 $0x9700, s3;
	s10 =	sadd.s32 s10, s11;
	s13 =	smax.u32 s13, $0x1;
	[tilespmem:$0x1FFE0] =	vst v0;
	v0 =	vsel vm0, $0xFFFFFFFF, v63  }
0x11: {  	vm14 =	vcmask $0x2F34;
	vm15 =	vcmask $0x3338;
	s9 =	sadd.s32 $0x4200, s9;
	s11 =	sadd.s32 $0xBA00, s12;
	s12 =	sadd.s32 $0x33A00, s12;
	[tilespmem:$0x1FFF0] =	vst v0  }
.LBB2_19:
0x12: {  	s29 =	sadd.s32 $0x1, s29  }
0x13: {  	p0 =	sne.s32 s29, s13  }
.Ltmp1:
0x14: {  	_ = 	snop;
	(pc) =	sbr.rel @!p0 .LBB2_20-.Ltmp1, $4  }
0x15: {  	[hbm4b:s12+s4] =	stream.linear.scatter [tilespmem:s24], [sflag:$0x5], $0xA000, $0x38;
	[tilespmem:$0x1BC00] =	vst v63  }
0x16: {  	_ =	swait.ge [sflag:s15], $0xA000  }
0x17: {  	[sflag:s15] =	ssyncset.done $0x0  }
0x18: {  	[sflag:s15] =	ssyncadd.s32 $0xFFFF6000  }
.LBB2_1:
0x19: {  	[tilespmem:s4], [sflag:$0x5] =	stream.linear.gather [hbm4b:s5+s4], $0x2800, $0x38;
	[tilespmem:$0x1BC00] =	vst v63  }
0x1a: {  	_ =	swait.ge [sflag:s15], $0x2800  }
0x1b: {  	[sflag:s15] =	ssyncset.done $0x0  }
0x1c: {  	[sflag:s15] =	ssyncadd.s32 $0xFFFFD800  }
0x1d: {  	[tilespmem:s16], [sflag:$0x5] =	stream.linear.gather [hbm4b:s6+s4], $0x2800, $0x38;
	[tilespmem:$0x1BC00] =	vst v63  }
0x1e: {  	_ =	swait.ge [sflag:s15], $0x2800  }
0x1f: {  	[sflag:s15] =	ssyncset.done $0x0  }
0x20: {  	[sflag:s15] =	ssyncadd.s32 $0xFFFFD800  }
0x21: {  	[tilespmem:s17], [sflag:$0x5] =	stream.linear.gather [hbm4b:s7+s4], $0x2800, $0x38;
	[tilespmem:$0x1BC00] =	vst v63  }
0x22: {  	_ =	swait.ge [sflag:s15], $0x2800  }
0x23: {  	[sflag:s15] =	ssyncset.done $0x0  }
0x24: {  	[sflag:s15] =	ssyncadd.s32 $0xFFFFD800  }
0x25: {  	[tilespmem:s18], [sflag:$0x5] =	stream.linear.gather [hbm4b:s8+s4], $0x2800, $0x38;
	[tilespmem:$0x1BC00] =	vst v63  }
0x26: {  	_ =	swait.ge [sflag:s15], $0x2800  }
0x27: {  	[sflag:s15] =	ssyncset.done $0x0  }
0x28: {  	s0 =	simm.s32 $0xA000;
	[sflag:s15] =	ssyncadd.s32 $0xFFFFD800  }
0x29: {  	[tilespmem:s0], [sflag:$0x5] =	stream.linear.gather [hbm4b:s9+s4], $0x1400, $0x38;
	[tilespmem:$0x1BC00] =	vst v63  }
0x2a: {  	_ =	swait.ge [sflag:s15], $0x1400  }
0x2b: {  	[sflag:s15] =	ssyncset.done $0x0  }
0x2c: {  	s31 =	simm.s32 $0xB400;
	[sflag:s15] =	ssyncadd.s32 $0xFFFFEC00  }
0x2d: {  	[tilespmem:s31], [sflag:$0x5] =	stream.linear.gather [hbm4b:s10+s4], $0x2800, $0x38;
	[tilespmem:$0x1BC00] =	vst v63  }
0x2e: {  	_ =	swait.ge [sflag:s15], $0x2800  }
0x2f: {  	[sflag:s15] =	ssyncset.done $0x0  }
0x30: {  	[sflag:s15] =	ssyncadd.s32 $0xFFFFD800  }
0x31: {  	v0 =	vld [tilespmem:$0xA000];
	_ =	sdelay $0x1  }
0x32: {  	v1 =	vld [tilespmem:$0x1FFD0];
	_ =	sdelay $0x4  }
0x33: {  	vm0 =	vnez.u8 v1  }
0x34: {  	[tilespmem:s21], [sflag:$0x1] =	stream.indirect_vreg.gather [hbm4b:s1+s4], $0x80, v0, vm0, $0xb8;
	[tilespmem:$0x1BC00] =	vst v63  }
0x35: {  	v0 =	vld [tilespmem:$0xA010];
	_ =	sdelay $0x7  }
0x36: {  	[tilespmem:s22], [sflag:$0x2] =	stream.indirect_vreg.gather [hbm4b:s1+s4], $0x80, v0, vm0, $0xb8;
	[tilespmem:$0x1BC00] =	vst v63  }
0x37: {  	v0 =	vld [tilespmem:$0xA020];
	_ =	sdelay $0x3  }
.Ltmp2:
0x38: {  	_ = 	snop;
	(pc) =	sbr.rel .LBB2_2-.Ltmp2, $3  }
0x39: {  	_ =	sdelay $0x1  }
0x3a: {  	s3 =	simm.s32 $0xA030;
	s30 =	simm.s32 $0x0;
	s0 =	simm.s32 $0x11C40  }
0x3b: {  	[tilespmem:s23], [sflag:$0x3] =	stream.indirect_vreg.gather [hbm4b:s1+s4], $0x80, v0, vm0, $0xb8;
	[tilespmem:$0x1BC00] =	vst v63  }
.LBB2_3:
0x3c: {  	v0 =	vld [tilespmem:s3+$0x0];
	_ =	sdelay $0x1  }
0x3d: {  	v1 =	vld [tilespmem:$0x1FFD0];
	_ =	sdelay $0x4  }
0x3e: {  	vm0 =	vnez.u8 v1  }
0x3f: {  	[tilespmem:s21], [sflag:$0x1] =	stream.indirect_vreg.gather [hbm4b:s1+s4], $0x80, v0, vm0, $0xb8;
	[tilespmem:$0x1BC00] =	vst v63  }
.LBB2_9:
0x40: {  	v0 =	vld [tilespmem:s3+$0xFFFFFFD0]  }
0x41: {  	s19 =	sadd.s32 s30, s14  }
0x42: {  	v1 =	vmov s19;
	_ =	sdelay $0x4  }
0x43: {  	v1 =	vld.idx.msk [tilespmem:v1+s4+$0x0], $0xffff  }
0x44: {  	v0 =	vld.idx.msk [tilespmem:v0+s17+$0x0], $0xffff;
	_ =	sdelay $0x4  }
0x45: {  	v0 =	vadd.f32 v0, v1;
	_ =	sdelay $0x1  }
0x46: {  	v1 =	vmul.f32 $9.999999770e-03, v0  }
0x47: {  	vm3 =	vge.f32 v0, $0.0e+00  }
0x48: {  	v0 =	vsel vm3, v0, v1  }
0x49: {  	(xrf0) =	vmax.scan.msk.f32 $0xffff, v0;
	_ =	sdelay $0x5  }
0x4a: {  	v47, _, _ =	vpop (xrf0)  }
0x4b: {  	v1 =	vbroadcast v47, $0xF;
	_ =	sdelay $0x1  }
0x4c: {  	v0 =	vsub.f32 v0, v1;
	_ =	sdelay $0x1  }
0x4d: {  	v0 =	vmul.f32 $1.442695020e+00, v0;
	_ =	sdelay $0x1  }
0x4e: {  	(erf) = vpow2.f32 v0;
	_ =	sdelay $0x8  }
0x4f: {  	v0 =	vpop (erf)  }
0x50: {  	(xrf2) =	vadd.scan.msk.f32 $0xffff, v0;
	_ =	sdelay $0x9  }
0x51: {  	v48, _, _ =	vpop (xrf2)  }
0x52: {  	v1 =	vbroadcast v48, $0xF;
	_ =	sdelay $0x1  }
0x53: {  	(erf) = vrcp.f32 v1;
	_ =	sdelay $0x2  }
0x54: {  	s31 =	sand.u32 $0x3, s30  }
0x55: {  	p0 =	sgt.s32 s31, $0x1  }
0x56: {  	p1 =	seq.s32 @p0 s31, $0x2  }
0x57: {  	p2 =	seq.s32 @!p0 s31, $0x0;
	p1 =	por !p1, !p0  }
0x58: {  	s19 =	simm.s32 $0x1;
	p2 =	por !p2, p0;
	s20 =	simm.s32 @!p1 $0x3  }
0x59: {  	s19 =	simm.s32 @p2 $0x2;
	s20 =	simm.s32 @p1 $0x4  }
0x5a: {  	s19 =	smov.u32 @p0 s20;
	v1 =	vpop (erf)  }
0x5b: {  	_ =	swait.ge [sflag:s19], $0x800  }
0x5c: {  	[sflag:s19] =	ssyncset.done $0x0  }
0x5d: {  	s31 =	sshll.u32 s31, $0xC;
	v23 =	vld [tilespmem:$0x1FFE0];
	[sflag:s19] =	ssyncadd.s32 $0xFFFFF800  }
0x5e: {  	v49 =	vld [tilespmem:s31+$0xDC00]  }
0x5f: {  	v2 =	vld [tilespmem:s31+$0xDC10]  }
0x60: {  	v3 =	vld [tilespmem:s31+$0xDC20]  }
0x61: {  	v4 =	vld [tilespmem:s31+$0xDC30]  }
0x62: {  	v5 =	vld [tilespmem:s31+$0xDC40]  }
0x63: {  	v6 =	vld [tilespmem:s31+$0xDC50]  }
0x64: {  	v7 =	vld [tilespmem:s31+$0xDC60]  }
0x65: {  	v8 =	vld [tilespmem:s31+$0xDC70]  }
0x66: {  	v9 =	vld [tilespmem:s31+$0xDC80]  }
0x67: {  	v10 =	vld [tilespmem:s31+$0xDC90]  }
0x68: {  	v11 =	vld [tilespmem:s31+$0xDCA0]  }
0x69: {  	v12 =	vld [tilespmem:s31+$0xDCB0]  }
0x6a: {  	v13 =	vld [tilespmem:s31+$0xDCC0]  }
0x6b: {  	v14 =	vld [tilespmem:s31+$0xDCD0]  }
0x6c: {  	v15 =	vld [tilespmem:s31+$0xDCE0]  }
0x6d: {  	v16 =	vld [tilespmem:s31+$0xDCF0]  }
0x6e: {  	v17 =	vld [tilespmem:s31+$0xDD00]  }
0x6f: {  	v18 =	vld [tilespmem:s31+$0xDD10]  }
0x70: {  	v19 =	vld [tilespmem:s31+$0xDD20]  }
0x71: {  	v20 =	vld [tilespmem:s31+$0xDD30]  }
0x72: {  	v0 =	vmul.f32 v1, v0;
	v21 =	vld [tilespmem:s31+$0xDD40]  }
0x73: {  	v22 =	vld [tilespmem:s31+$0xDD50];
	vm1 =	vnez.u8 v23  }
0x74: {  	v24 =	vld [tilespmem:s31+$0xDD60];
	v23 =	vnsel vm1, $0x0, v0  }
0x75: {  	vm3 =	vcmask $0x308;
	v50 =	vld [tilespmem:s31+$0xDD70];
	(xrf2) =	vadd.scan.msk.f32 $0xffff, v23  }
0x76: {  	v29 =	vsel vm3, $0x0, v0;
	v25 =	vld [tilespmem:s31+$0xDD80]  }
0x77: {  	v26 =	vld [tilespmem:s31+$0xDD90];
	(xrf2) =	vadd.scan.msk.f32 $0xffff, v29  }
0x78: {  	v27 =	vld [tilespmem:s31+$0xDDA0]  }
0x79: {  	v28 =	vld [tilespmem:s31+$0xDDB0]  }
0x7a: {  	v30 =	vld [tilespmem:s31+$0xDDC0]  }
0x7b: {  	v31 =	vld [tilespmem:s31+$0xDDE0]  }
0x7c: {  	v32 =	vld [tilespmem:s31+$0xDDF0]  }
0x7d: {  	v33 =	vld [tilespmem:s31+$0xDE00]  }
0x7e: {  	v35 =	vld [tilespmem:s31+$0xDE10]  }
0x7f: {  	vm3 =	vcmask $0x70C;
	v37 =	vld [tilespmem:s31+$0xDE20];
	v34, _, _ =	vpop (xrf2)  }
0x80: {  	v36 =	vsel vm3, $0x0, v0;
	v38 =	vld [tilespmem:s31+$0xDE40];
	vm3 =	vcmask $0xB10;
	v34 =	vbroadcast v34, $0xF  }
0x81: {  	v39 =	vld [tilespmem:s31+$0xDE50];
	v43 =	vsel vm3, $0x0, v0;
	v41, _, _ =	vpop (xrf2)  }
0x82: {  	v40 =	vld [tilespmem:s31+$0xDE60];
	vm3 =	vcmask $0xF14;
	(xrf2) =	vadd.scan.msk.f32 $0xffff, v36;
	v41 =	vbroadcast v41, $0xF;
	v1 =	vmul.f32 v49, v34  }
0x83: {  	v42 =	vld [tilespmem:s31+$0xDE70];
	v55 =	vsel vm3, $0x0, v0;
	v2 =	vmul.f32 v2, v34;
	v3 =	vmul.f32 v3, v34  }
0x84: {  	v44 =	vld [tilespmem:s31+$0xDE80];
	vm3 =	vcmask $0x1318;
	v4 =	vmul.f32 v4, v34;
	v5 =	vmul.f32 v5, v34  }
0x85: {  	v45 =	vld [tilespmem:s31+$0xDEB0];
	v47 =	vsel vm3, $0x0, v0;
	v6 =	vmul.f32 v6, v34;
	v7 =	vmul.f32 v7, v34  }
0x86: {  	vm3 =	vcmask $0x171C;
	v29 =	vld [tilespmem:s31+$0xDDD0];
	v8 =	vmul.f32 v8, v34;
	v9 =	vmul.f32 v9, v41  }
0x87: {  	v36 =	vld [tilespmem:s31+$0xDE30];
	(xrf2) =	vadd.scan.msk.f32 $0xffff, v43;
	v10 =	vmul.f32 v10, v41;
	v11 =	vmul.f32 v11, v41;
	v1 =	vadd.f32 $0.0e+00, v1  }
0x88: {  	v43 =	vld [tilespmem:s31+$0xDEA0];
	v12 =	vmul.f32 v12, v41;
	v2 =	vadd.f32 $0.0e+00, v2;
	v3 =	vadd.f32 $0.0e+00, v3  }
0x89: {  	v34 =	vld [tilespmem:s31+$0xDE90];
	v51 =	vmul.f32 v13, v41;
	v4 =	vadd.f32 $0.0e+00, v4;
	v5 =	vadd.f32 $0.0e+00, v5  }
0x8a: {  	v52 =	vmul.f32 v14, v41;
	v13 =	vld [tilespmem:s31+$0xDED0];
	v6 =	vadd.f32 $0.0e+00, v6;
	v7 =	vadd.f32 $0.0e+00, v7  }
0x8b: {  	v14 =	vld [tilespmem:s31+$0xDEE0];
	v56 =	vmul.f32 v15, v41;
	v8 =	vadd.f32 $0.0e+00, v8;
	v1 =	vadd.f32 v9, v1  }
0x8c: {  	v57 =	vmul.f32 v16, v41;
	v16 =	vld [tilespmem:s31+$0xDF20];
	v2 =	vadd.f32 v10, v2;
	v3 =	vadd.f32 v11, v3;
	v53, _, _ =	vpop (xrf2)  }
0x8d: {  	v15 =	vld [tilespmem:s31+$0xDF80];
	v4 =	vadd.f32 v12, v4;
	v5 =	vadd.f32 v51, v5;
	v54 =	vbroadcast v53, $0xF  }
0x8e: {  	vm1 =	vcmask $0x373C;
	v10 =	vld [tilespmem:s31+$0xDEC0];
	v6 =	vadd.f32 v52, v6;
	v7 =	vadd.f32 v56, v7;
	(xrf2) =	vadd.scan.msk.f32 $0xffff, v55  }
0x8f: {  	v12 =	vld [tilespmem:s31+$0xDEF0];
	v8 =	vadd.f32 v57, v8;
	v58 =	vmul.f32 v17, v54;
	v59 =	vmul.f32 v18, v54  }
0x90: {  	v56 =	vsel vm3, $0x0, v0;
	v11 =	vld [tilespmem:s31+$0xDFF0];
	v60 =	vmul.f32 v19, v54;
	v61 =	vmul.f32 v20, v54  }
0x91: {  	vm3 =	vcmask $0x1B20;
	v63, _, _ =	vpop (xrf2);
	v17 =	vld [tilespmem:s31+$0xDF00];
	v62 =	vmul.f32 v21, v54;
	v41 =	vmul.f32 v22, v54  }
0x92: {  	v19 =	vld [tilespmem:s31+$0xDF10];
	v18 =	vbroadcast v63, $0xF;
	v46 =	vmul.f32 v24, v54;
	v1 =	vadd.f32 v58, v1  }
0x93: {  	v20 =	vld [tilespmem:s31+$0xDF30];
	v9 =	vmul.f32 v50, v54;
	v2 =	vadd.f32 v59, v2;
	v3 =	vadd.f32 v60, v3  }
0x94: {  	v21 =	vld [tilespmem:s31+$0xDF40];
	v4 =	vadd.f32 v61, v4;
	v5 =	vadd.f32 v62, v5;
	v48 =	vmul.f32 v25, v18  }
0x95: {  	(xrf2) =	vadd.scan.msk.f32 $0xffff, v47;
	v24 =	vld [tilespmem:s31+$0xDF50];
	v6 =	vadd.f32 v41, v6;
	v49 =	vmul.f32 v26, v18;
	v50 =	vmul.f32 v27, v18  }
0x96: {  	v22 =	vld [tilespmem:s31+$0xDF60];
	v7 =	vadd.f32 v46, v7;
	v51 =	vmul.f32 v28, v18;
	v52 =	vmul.f32 v30, v18  }
0x97: {  	v25 =	vld [tilespmem:s31+$0xDF70];
	v8 =	vadd.f32 v9, v8;
	v54 =	vmul.f32 v29, v18;
	v55 =	vmul.f32 v31, v18  }
0x98: {  	v26 =	vld [tilespmem:s31+$0xDF90];
	v57 =	vmul.f32 v32, v18;
	v41 =	vsel vm3, $0x0, v0;
	v1 =	vadd.f32 v48, v1;
	v53, _, _ =	vpop (xrf2)  }
0x99: {  	v27 =	vld [tilespmem:s31+$0xDFA0];
	v2 =	vadd.f32 v49, v2;
	v3 =	vadd.f32 v50, v3;
	v23 =	vbroadcast v53, $0xF  }
0x9a: {  	v29 =	vld [tilespmem:s31+$0xDFB0];
	vm3 =	vcmask $0x1F24;
	v4 =	vadd.f32 v51, v4;
	v5 =	vadd.f32 v52, v5  }
0x9b: {  	v28 =	vld [tilespmem:s31+$0xDFC0];
	v6 =	vadd.f32 v54, v6;
	v7 =	vadd.f32 v55, v7;
	(xrf2) =	vadd.scan.msk.f32 $0xffff, v56;
	v58 =	vmul.f32 v33, v23  }
0x9c: {  	v31 =	vld [tilespmem:s31+$0xDFD0];
	v8 =	vadd.f32 v57, v8;
	v59 =	vmul.f32 v35, v23;
	v60 =	vmul.f32 v37, v23  }
0x9d: {  	v18 =	vld [tilespmem:s31+$0xDFE0];
	v50 =	vsel vm3, $0x0, v0;
	v61 =	vmul.f32 v36, v23;
	v62 =	vmul.f32 v38, v23  }
0x9e: {  	v30 =	vld [tilespmem:s31+$0xE050];
	v63 =	vmul.f32 v39, v23;
	v40 =	vmul.f32 v40, v23;
	v1 =	vadd.f32 v58, v1  }
0x9f: {  	v9 =	vld [tilespmem:s31+$0xE1E0];
	v39, _, _ =	vpop (xrf2);
	v42 =	vmul.f32 v42, v23;
	v2 =	vadd.f32 v59, v2;
	v3 =	vadd.f32 v60, v3  }
0xa0: {  	v33 =	vld [tilespmem:s31+$0xE000];
	v32 =	vbroadcast v39, $0xF;
	v4 =	vadd.f32 v61, v4;
	v5 =	vadd.f32 v62, v5  }
0xa1: {  	vm3 =	vcmask $0x2328;
	v37 =	vld [tilespmem:s31+$0xE010];
	(xrf2) =	vadd.scan.msk.f32 $0xffff, v41;
	v6 =	vadd.f32 v63, v6;
	v7 =	vadd.f32 v40, v7  }
0xa2: {  	v23 =	vld [tilespmem:s31+$0xE020];
	v8 =	vadd.f32 v42, v8;
	v44 =	vmul.f32 v44, v32;
	v34 =	vmul.f32 v34, v32  }
0xa3: {  	v35 =	vld [tilespmem:s31+$0xE030];
	v59 =	vsel vm3, $0x0, v0;
	v46 =	vmul.f32 v43, v32;
	v47 =	vmul.f32 v45, v32  }
0xa4: {  	v38 =	vld [tilespmem:s31+$0xE040];
	vm3 =	vcmask $0x272C;
	v48 =	vmul.f32 v10, v32;
	v13 =	vmul.f32 v13, v32  }
0xa5: {  	v41 =	vld [tilespmem:s31+$0xE130];
	v51 =	vmul.f32 v14, v32;
	v12 =	vmul.f32 v12, v32;
	v43 =	vsel vm3, $0x0, v0;
	v49, _, _ =	vpop (xrf2)  }
0xa6: {  	v39 =	vld [tilespmem:s31+$0xE070];
	v1 =	vadd.f32 v44, v1;
	v2 =	vadd.f32 v34, v2;
	v10 =	vbroadcast v49, $0xF  }
0xa7: {  	v14 =	vld [tilespmem:s31+$0xE080];
	vm3 =	vcmask $0x2B30;
	v3 =	vadd.f32 v46, v3;
	v4 =	vadd.f32 v47, v4  }
0xa8: {  	v32 =	vld [tilespmem:s31+$0xE0D0];
	v5 =	vadd.f32 v48, v5;
	v6 =	vadd.f32 v13, v6;
	(xrf2) =	vadd.scan.msk.f32 $0xffff, v50;
	v52 =	vmul.f32 v17, v10  }
0xa9: {  	v34 =	vld [tilespmem:s31+$0xE060];
	v7 =	vadd.f32 v51, v7;
	v53 =	vmul.f32 v19, v10;
	v54 =	vmul.f32 v16, v10  }
0xaa: {  	v8 =	vadd.f32 v12, v8;
	v12 =	vld [tilespmem:s31+$0xE0A0];
	v55 =	vmul.f32 v20, v10;
	v56 =	vmul.f32 v21, v10  }
0xab: {  	v13 =	vld [tilespmem:s31+$0xE0B0];
	v57, _, _ =	vpop (xrf2);
	v58 =	vmul.f32 v24, v10;
	v60 =	vmul.f32 v22, v10;
	v1 =	vadd.f32 v52, v1  }
0xac: {  	v19 =	vld [tilespmem:s31+$0xE090];
	v17 =	vbroadcast v57, $0xF;
	v2 =	vadd.f32 v53, v2;
	v3 =	vadd.f32 v54, v3  }
0xad: {  	v20 =	vld [tilespmem:s31+$0xE0C0];
	v10 =	vmul.f32 v25, v10;
	v4 =	vadd.f32 v55, v4;
	v5 =	vadd.f32 v56, v5  }
0xae: {  	(xrf2) =	vadd.scan.msk.f32 $0xffff, v59;
	v16 =	vld [tilespmem:s31+$0xE0E0];
	v6 =	vadd.f32 v58, v6;
	v7 =	vadd.f32 v60, v7;
	v15 =	vmul.f32 v15, v17  }
0xaf: {  	v21 =	vld [tilespmem:s31+$0xE0F0];
	v8 =	vadd.f32 v10, v8;
	v61 =	vmul.f32 v26, v17;
	v62 =	vmul.f32 v27, v17  }
0xb0: {  	v24 =	vld [tilespmem:s31+$0xE100];
	v53 =	vsel vm3, $0x0, v0;
	v63 =	vmul.f32 v29, v17;
	v29 =	vmul.f32 v28, v17  }
0xb1: {  	v25 =	vld [tilespmem:s31+$0xE120];
	v40 =	vmul.f32 v31, v17;
	v42 =	vmul.f32 v18, v17;
	v1 =	vadd.f32 v15, v1  }
0xb2: {  	v54 =	vld [tilespmem:s31+$0xE1A0];
	v44 =	vmul.f32 v11, v17;
	v2 =	vadd.f32 v61, v2;
	v3 =	vadd.f32 v62, v3;
	v36, _, _ =	vpop (xrf2)  }
0xb3: {  	v56 =	vld [tilespmem:s31+$0xE1B0];
	v4 =	vadd.f32 v63, v4;
	v5 =	vadd.f32 v29, v5;
	v22 =	vbroadcast v36, $0xF  }
0xb4: {  	v58 =	vld [tilespmem:s31+$0xE1C0];
	vm3 =	vcmask $0x2F34;
	v6 =	vadd.f32 v40, v6;
	v7 =	vadd.f32 v42, v7;
	(xrf2) =	vadd.scan.msk.f32 $0xffff, v43  }
0xb5: {  	v27 =	vld [tilespmem:s31+$0xE140];
	v8 =	vadd.f32 v44, v8;
	v45 =	vmul.f32 v33, v22;
	v46 =	vmul.f32 v37, v22  }
0xb6: {  	v17 =	vld [tilespmem:s31+$0xE150];
	v63 =	vsel vm3, $0x0, v0;
	v47 =	vmul.f32 v23, v22;
	v48 =	vmul.f32 v35, v22  }
0xb7: {  	v11 =	vld [tilespmem:s31+$0xE170];
	vm3 =	vcmask $0x3338;
	v49 =	vmul.f32 v38, v22;
	v51 =	vmul.f32 v30, v22  }
0xb8: {  	v28 =	vld [tilespmem:s31+$0xE180];
	v50, _, _ =	vpop (xrf2);
	v52 =	vmul.f32 v34, v22;
	v1 =	vadd.f32 v45, v1;
	v2 =	vadd.f32 v46, v2  }
0xb9: {  	v26 =	vld [tilespmem:s31+$0xE3D0];
	(xrf2) =	vadd.scan.msk.f32 $0xffff, v53;
	v18 =	vbroadcast v50, $0xF;
	v3 =	vadd.f32 v47, v3;
	v4 =	vadd.f32 v48, v4  }
0xba: {  	v15 =	vld [tilespmem:s31+$0xE110];
	v55 =	vmul.f32 v39, v22;
	v5 =	vadd.f32 v49, v5;
	v6 =	vadd.f32 v51, v6  }
0xbb: {  	v29 =	vld [tilespmem:s31+$0xE190];
	v7 =	vadd.f32 v52, v7;
	v14 =	vmul.f32 v14, v18;
	v57 =	vmul.f32 v19, v18  }
0xbc: {  	v42 =	vld [tilespmem:s31+$0xE230];
	v8 =	vadd.f32 v55, v8;
	v12 =	vmul.f32 v12, v18;
	v59 =	vmul.f32 v13, v18  }
0xbd: {  	v43 =	vld [tilespmem:s31+$0xE240];
	v48 =	vsel vm3, $0x0, v0;
	v60 =	vmul.f32 v20, v18;
	v61 =	vmul.f32 v32, v18  }
0xbe: {  	v23 =	vld [tilespmem:s31+$0xE160];
	v16 =	vmul.f32 v16, v18;
	v1 =	vadd.f32 v14, v1;
	v2 =	vadd.f32 v57, v2;
	v62, _, _ =	vpop (xrf2)  }
0xbf: {  	v37 =	vld [tilespmem:s31+$0xE210];
	v3 =	vadd.f32 v12, v3;
	v4 =	vadd.f32 v59, v4;
	v14 =	vbroadcast v62, $0xF  }
0xc0: {  	v39 =	vld [tilespmem:s31+$0xE220];
	v36 =	vmul.f32 v21, v18;
	v5 =	vadd.f32 v60, v5;
	v6 =	vadd.f32 v61, v6;
	(xrf2) =	vadd.scan.msk.f32 $0xffff, v63  }
0xc1: {  	v53 =	vld [tilespmem:s31+$0xE280];
	v7 =	vadd.f32 v16, v7;
	v38 =	vmul.f32 v24, v14;
	v15 =	vmul.f32 v15, v14  }
0xc2: {  	v30 =	vld [tilespmem:s31+$0xE2E0];
	v8 =	vadd.f32 v36, v8;
	v40 =	vmul.f32 v25, v14;
	v41 =	vmul.f32 v41, v14  }
0xc3: {  	v34 =	vld [tilespmem:s31+$0xE300];
	v61 =	vsel vm1, $0x0, v0;
	v44 =	vmul.f32 v27, v14;
	v45, _, _ =	vpop (xrf2);
	v17 =	vmul.f32 v17, v14  }
0xc4: {  	v13 =	vld [tilespmem:s31+$0xE1D0];
	v49 =	vmul.f32 v23, v14;
	v16 =	vbroadcast v45, $0xF;
	v1 =	vadd.f32 v38, v1  }
0xc5: {  	v20 =	vld [tilespmem:s31+$0xE1F0];
	v11 =	vmul.f32 v11, v14;
	v2 =	vadd.f32 v15, v2;
	v3 =	vadd.f32 v40, v3  }
0xc6: {  	v50 =	vld [tilespmem:s31+$0xE270];
	(xrf2) =	vadd.scan.msk.f32 $0xffff, v48;
	v4 =	vadd.f32 v41, v4;
	v5 =	vadd.f32 v44, v5;
	v51 =	vmul.f32 v28, v16  }
0xc7: {  	v46 =	vld [tilespmem:s31+$0xE250];
	v6 =	vadd.f32 v17, v6;
	v52 =	vmul.f32 v29, v16;
	v54 =	vmul.f32 v54, v16  }
0xc8: {  	v32 =	vld [tilespmem:s31+$0xE200];
	v7 =	vadd.f32 v49, v7;
	v56 =	vmul.f32 v56, v16;
	v58 =	vmul.f32 v58, v16  }
0xc9: {  	v8 =	vadd.f32 v11, v8;
	v38 =	vld [tilespmem:$0x1FFF0];
	v13 =	vmul.f32 v13, v16;
	v9 =	vmul.f32 v9, v16  }
0xca: {  	v47 =	vld [tilespmem:s31+$0xE260];
	v27 =	vmul.f32 v20, v16;
	v1 =	vadd.f32 v51, v1;
	v2 =	vadd.f32 v52, v2;
	v59, _, _ =	vpop (xrf2)  }
0xcb: {  	v55 =	vld [tilespmem:s31+$0xE290];
	v3 =	vadd.f32 v54, v3;
	v4 =	vadd.f32 v56, v4;
	(xrf2) =	vadd.scan.msk.f32 $0xffff, v61;
	v62 =	vbroadcast v59, $0xF  }
0xcc: {  	v57 =	vld [tilespmem:s31+$0xE2A0];
	v5 =	vadd.f32 v58, v5;
	v6 =	vadd.f32 v13, v6  }
0xcd: {  	v60 =	vld [tilespmem:s31+$0xE2B0];
	v7 =	vadd.f32 v9, v7;
	v8 =	vadd.f32 v27, v8;
	v29 =	vmul.f32 v32, v62  }
0xce: {  	v63 =	vld [tilespmem:s31+$0xE2C0];
	vm0 =	vnez.u8 v38;
	v12 =	vmul.f32 v37, v62;
	v31 =	vmul.f32 v39, v62  }
0xcf: {  	v40 =	vld [tilespmem:s31+$0xE320];
	v0 =	vsel vm0, $0x0, v0;
	v33 =	vmul.f32 v42, v62;
	v35 =	vmul.f32 v43, v62  }
0xd0: {  	v28 =	vld [tilespmem:s31+$0xE2D0];
	v36, _, _ =	vpop (xrf2);
	v39 =	vmul.f32 v46, v62;
	v41 =	vmul.f32 v47, v62;
	v1 =	vadd.f32 v29, v1  }
0xd1: {  	v44 =	vld [tilespmem:s31+$0xE340];
	(xrf2) =	vadd.scan.msk.f32 $0xffff, v0;
	v15 =	vbroadcast v36, $0xF;
	v2 =	vadd.f32 v12, v2;
	v3 =	vadd.f32 v31, v3  }
0xd2: {  	v49 =	vld [tilespmem:s31+$0xE360];
	v14 =	vmul.f32 v50, v62;
	v4 =	vadd.f32 v33, v4;
	v5 =	vadd.f32 v35, v5  }
0xd3: {  	v32 =	vld [tilespmem:s31+$0xE2F0];
	v6 =	vadd.f32 v39, v6;
	v43 =	vmul.f32 v53, v15;
	v11 =	vmul.f32 v55, v15  }
0xd4: {  	v37 =	vld [tilespmem:s31+$0xE310];
	v7 =	vadd.f32 v41, v7;
	v45 =	vmul.f32 v57, v15;
	v48 =	vmul.f32 v60, v15  }
0xd5: {  	v42 =	vld [tilespmem:s31+$0xE330];
	v8 =	vadd.f32 v14, v8;
	v50 =	vmul.f32 v63, v15;
	v53 =	vmul.f32 v28, v15;
	v47, _, _ =	vpop (xrf2)  }
0xd6: {  	v46 =	vld [tilespmem:s31+$0xE350];
	v1 =	vadd.f32 v43, v1;
	v2 =	vadd.f32 v11, v2;
	v51 =	vbroadcast v47, $0xF  }
0xd7: {  	v52 =	vld [tilespmem:s31+$0xE370];
	v54 =	vmul.f32 v30, v15;
	v3 =	vadd.f32 v45, v3;
	v4 =	vadd.f32 v48, v4  }
0xd8: {  	v58 =	vld [tilespmem:s31+$0xE390];
	v5 =	vadd.f32 v50, v5;
	v56 =	vmul.f32 v32, v15;
	v57 =	vmul.f32 v34, v51  }
0xd9: {  	v55 =	vld [tilespmem:s31+$0xE380];
	v6 =	vadd.f32 v53, v6;
	v59 =	vmul.f32 v37, v51;
	v0 =	vmul.f32 v40, v51  }
0xda: {  	v61 =	vld [tilespmem:s31+$0xE3B0];
	v7 =	vadd.f32 v54, v7;
	v62 =	vmul.f32 v42, v51;
	v63 =	vmul.f32 v44, v51  }
0xdb: {  	v60 =	vld [tilespmem:s31+$0xE3A0];
	v8 =	vadd.f32 v56, v8;
	v21, _, _ =	vpop (xrf2);
	v24 =	vmul.f32 v46, v51;
	v27 =	vmul.f32 v49, v51  }
0xdc: {  	v23 =	vld [tilespmem:s31+$0xE3C0];
	v25 =	vbroadcast v21, $0xF;
	v1 =	vadd.f32 v57, v1;
	v2 =	vadd.f32 v59, v2  }
0xdd: {  	v29 =	vld [tilespmem:s31+$0xE3E0];
	v28 =	vmul.f32 v52, v51;
	v0 =	vadd.f32 v0, v3;
	v4 =	vadd.f32 v62, v4  }
0xde: {  	v31 =	vld [tilespmem:s31+$0xE3F0];
	v5 =	vadd.f32 v63, v5;
	v3 =	vadd.f32 v24, v6;
	v30 =	vmul.f32 v55, v25  }
0xdf: {  	v7 =	vadd.f32 v27, v7;
	v8 =	vadd.f32 v28, v8;
	v32 =	vmul.f32 v58, v25  }
0xe0: {  	v33 =	vmul.f32 v60, v25;
	v9 =	vmul.f32 v61, v25;
	v1 =	vadd.f32 v30, v1  }
0xe1: {  	v34 =	vmul.f32 v23, v25;
	v35 =	vmul.f32 v26, v25;
	v2 =	vadd.f32 v32, v2  }
0xe2: {  	v36 =	vmul.f32 v29, v25;
	v0 =	vadd.f32 v33, v0;
	v37 =	vmul.f32 $1.442695020e+00, v1  }
0xe3: {  	v38 =	vmul.f32 v31, v25;
	v4 =	vadd.f32 v9, v4;
	v39 =	vmul.f32 $1.442695020e+00, v2  }
0xe4: {  	v5 =	vadd.f32 v34, v5;
	v40 =	vmul.f32 $1.442695020e+00, v0;
	(erf) = vpow2.f32 v37  }
0xe5: {  	v3 =	vadd.f32 v35, v3;
	v41 =	vmul.f32 $1.442695020e+00, v4;
	(erf) = vpow2.f32 v39  }
0xe6: {  	v6 =	vadd.f32 v36, v7;
	v42 =	vmul.f32 $1.442695020e+00, v5;
	(erf) = vpow2.f32 v40  }
0xe7: {  	v8 =	vadd.f32 v38, v8;
	v43 =	vmul.f32 $1.442695020e+00, v3;
	(erf) = vpow2.f32 v41  }
0xe8: {  	v44 =	vmul.f32 $1.442695020e+00, v6;
	(erf) = vpow2.f32 v42  }
0xe9: {  	v45 =	vmul.f32 $1.442695020e+00, v8;
	(erf) = vpow2.f32 v43  }
0xea: {  	(erf) = vpow2.f32 v44  }
0xeb: {  	(erf) = vpow2.f32 v45;
	_ =	sdelay $0x1  }
0xec: {  	v46 =	vpop (erf)  }
0xed: {  	v47 =	vpop (erf);
	v7 =	vadd.f32 $-1.000000000e+00, v46  }
0xee: {  	vm3 =	vgt.f32 v1, $0.0e+00;
	v10 =	vpop (erf);
	v9 =	vadd.f32 $-1.000000000e+00, v47  }
0xef: {  	v11 =	vpop (erf);
	v1 =	vsel vm3, v1, v7;
	vm3 =	vgt.f32 v2, $0.0e+00;
	v48 =	vadd.f32 $-1.000000000e+00, v10  }
0xf0: {  	v49 =	vpop (erf);
	[tilespmem:s0+$0xFFFFFFC0] =	vst v1;
	v50 =	vsel vm3, v2, v9;
	vm3 =	vgt.f32 v0, $0.0e+00;
	v51 =	vadd.f32 $-1.000000000e+00, v11  }
0xf1: {  	s30 =	sadd.s32 $0x1, s30;
	v52 =	vpop (erf);
	[tilespmem:s0+$0xFFFFFFD0] =	vst v50;
	v0 =	vsel vm3, v0, v48;
	vm3 =	vgt.f32 v4, $0.0e+00;
	v53 =	vadd.f32 $-1.000000000e+00, v49  }
0xf2: {  	p0 =	sne.s32 s30, $0x140;
	v54 =	vpop (erf);
	[tilespmem:s0+$0xFFFFFFE0] =	vst v0;
	v55 =	vsel vm3, v4, v51;
	vm3 =	vgt.f32 v5, $0.0e+00;
	v56 =	vadd.f32 $-1.000000000e+00, v52  }
.Ltmp3:
0xf3: {  	[tilespmem:s0+$0xFFFFFFF0] =	vst v55;
	v57 =	vsel vm3, v5, v53;
	vm3 =	vgt.f32 v3, $0.0e+00;
	v58 =	vadd.f32 $-1.000000000e+00, v54;
	v59 =	vpop (erf);
	(pc) =	sbr.rel @!p0 .LBB2_10-.Ltmp3, $4  }
0xf4: {  	[tilespmem:s0+$0x0] =	vst v57;
	v60 =	vsel vm3, v3, v56;
	vm3 =	vgt.f32 v6, $0.0e+00;
	v61 =	vadd.f32 $-1.000000000e+00, v59  }
0xf5: {  	[tilespmem:s0+$0x10] =	vst v60;
	v62 =	vsel vm3, v6, v58;
	vm3 =	vgt.f32 v8, $0.0e+00  }
0xf6: {  	v63 =	vsel vm3, v8, v61;
	[tilespmem:s0+$0x20] =	vst v62  }
0xf7: {  	s3 =	sadd.s32 $0x10, s3;
	[tilespmem:s0+$0x30] =	vst v63;
	s0 =	sadd.s32 $0x80, s0  }
.LBB2_2:
0xf8: {  	s19 =	sadd.s32 $0xFFFFFFFF, s30  }
0xf9: {  	p0 =	sgt.u32 s30, $0x13C;
	s31 =	sand.u32 $0x3, s19  }
0xfa: {  	p1 =	sne.s32 @!p0 s31, $0x0  }
0xfb: {  	p1 =	por p0, p1  }
.Ltmp4:
0xfc: {  	_ = 	snop;
	(pc) =	sbr.rel @!p1 .LBB2_3-.Ltmp4, $1  }
0xfd: {  	_ =	sdelay $0x3  }
0xfe: {  	p1 =	sne.s32 @!p0 s31, $0x1  }
0xff: {  	p1 =	por p0, p1  }
.Ltmp5:
0x100: {  	_ = 	snop;
	(pc) =	sbr.rel @p1 .LBB2_6-.Ltmp5, $1  }
0x101: {  	_ =	sdelay $0x3  }
0x102: {  	v0 =	vld [tilespmem:s3+$0x0];
	_ =	sdelay $0x1  }
0x103: {  	v1 =	vld [tilespmem:$0x1FFD0];
	_ =	sdelay $0x1  }
.Ltmp6:
0x104: {  	_ = 	snop;
	(pc) =	sbr.rel .LBB2_9-.Ltmp6, $3  }
0x105: {  	_ =	sdelay $0x1  }
0x106: {  	vm0 =	vnez.u8 v1  }
0x107: {  	[tilespmem:s22], [sflag:$0x2] =	stream.indirect_vreg.gather [hbm4b:s1+s4], $0x80, v0, vm0, $0xb8;
	[tilespmem:$0x1BC00] =	vst v63  }
.LBB2_6:
0x108: {  	p1 =	sne.s32 @!p0 s31, $0x2  }
0x109: {  	p1 =	por p0, p1  }
.Ltmp7:
0x10a: {  	_ = 	snop;
	(pc) =	sbr.rel @p1 .LBB2_8-.Ltmp7, $1  }
0x10b: {  	_ =	sdelay $0x3  }
0x10c: {  	v0 =	vld [tilespmem:s3+$0x0];
	_ =	sdelay $0x1  }
0x10d: {  	v1 =	vld [tilespmem:$0x1FFD0];
	_ =	sdelay $0x1  }
.Ltmp8:
0x10e: {  	_ = 	snop;
	(pc) =	sbr.rel .LBB2_9-.Ltmp8, $3  }
0x10f: {  	_ =	sdelay $0x1  }
0x110: {  	vm0 =	vnez.u8 v1  }
0x111: {  	[tilespmem:s23], [sflag:$0x3] =	stream.indirect_vreg.gather [hbm4b:s1+s4], $0x80, v0, vm0, $0xb8;
	[tilespmem:$0x1BC00] =	vst v63  }
.LBB2_8:
0x112: {  	p1 =	sne.s32 @!p0 s31, $0x3  }
0x113: {  	p0 =	por p1, p0  }
0x114: {  	v0 =	vld @!p0 [tilespmem:s3+$0x0];
	_ =	sdelay $0x3  }
.Ltmp9:
0x115: {  	_ = 	snop;
	(pc) =	sbr.rel .LBB2_9-.Ltmp9, $3  }
0x116: {  	_ =	sdelay $0x1  }
0x117: {  	vm3 =	vmmov @!p0 $0xffff;
	s19 =	simm.s32 @!p0 $0x0;
	s31 =	simm.s32 @!p0 $0x10C00  }
0x118: {  	[tilespmem:s31], [sflag:$0x4] =	stream.indirect_vreg.gather @!p0 [hbm4b:s1+s19], $0x80, v0, vm3, $0xb8;
	[tilespmem:$0x1BC00] =	vst v63  }
.LBB2_10:
0x119: {  	s30 =	simm.s32 $0x0  }
0x11a: {  	[hbm4b:s11+s30] =	stream.linear.scatter [tilespmem:s24], [sflag:$0x5], $0xA000, $0x38;
	[tilespmem:$0x1BC00] =	vst v63  }
0x11b: {  	_ =	swait.ge [sflag:s15], $0xA000  }
0x11c: {  	[sflag:s15] =	ssyncset.done $0x0  }
0x11d: {  	[sflag:s15] =	ssyncadd.s32 $0xFFFF6000  }
0x11e: {  	v0 =	vld [tilespmem:$0xB400];
	_ =	sdelay $0x1  }
0x11f: {  	v1 =	vld [tilespmem:$0x1FFD0];
	_ =	sdelay $0x4  }
0x120: {  	vm0 =	vnez.u8 v1  }
0x121: {  	[tilespmem:s21], [sflag:$0x1] =	stream.indirect_vreg.gather [hbm4b:s2+s30], $0x80, v0, vm0, $0xb8;
	[tilespmem:$0x1BC00] =	vst v63  }
0x122: {  	v0 =	vld [tilespmem:$0xB410];
	_ =	sdelay $0x7  }
0x123: {  	[tilespmem:s25], [sflag:$0x1] =	stream.indirect_vreg.gather [hbm4b:s2+s30], $0x80, v0, vm0, $0xb8;
	[tilespmem:$0x1BC00] =	vst v63  }
0x124: {  	v0 =	vld [tilespmem:$0xB420];
	_ =	sdelay $0x7  }
0x125: {  	[tilespmem:s22], [sflag:$0x2] =	stream.indirect_vreg.gather [hbm4b:s2+s30], $0x80, v0, vm0, $0xb8;
	[tilespmem:$0x1BC00] =	vst v63  }
0x126: {  	v0 =	vld [tilespmem:$0xB430];
	_ =	sdelay $0x7  }
0x127: {  	[tilespmem:s26], [sflag:$0x2] =	stream.indirect_vreg.gather [hbm4b:s2+s30], $0x80, v0, vm0, $0xb8;
	[tilespmem:$0x1BC00] =	vst v63  }
0x128: {  	v0 =	vld [tilespmem:$0xB440];
	_ =	sdelay $0x7  }
0x129: {  	[tilespmem:s23], [sflag:$0x3] =	stream.indirect_vreg.gather [hbm4b:s2+s30], $0x80, v0, vm0, $0xb8;
	[tilespmem:$0x1BC00] =	vst v63  }
0x12a: {  	v0 =	vld [tilespmem:$0xB450];
	_ =	sdelay $0x3  }
.Ltmp10:
0x12b: {  	_ = 	snop;
	(pc) =	sbr.rel .LBB2_11-.Ltmp10, $3  }
0x12c: {  	_ =	sdelay $0x1  }
0x12d: {  	s31 =	simm.s32 $0x11C40;
	s3 =	simm.s32 $0xB470  }
0x12e: {  	[tilespmem:s28], [sflag:$0x3] =	stream.indirect_vreg.gather [hbm4b:s2+s30], $0x80, v0, vm0, $0xb8;
	[tilespmem:$0x1BC00] =	vst v63  }
.LBB2_12:
0x12f: {  	v0 =	vld [tilespmem:s3+$0xFFFFFFF0];
	_ =	sdelay $0x1  }
0x130: {  	v1 =	vld [tilespmem:$0x1FFD0];
	_ =	sdelay $0x4  }
0x131: {  	vm0 =	vnez.u8 v1  }
0x132: {  	[tilespmem:s21], [sflag:$0x1] =	stream.indirect_vreg.gather [hbm4b:s2+s4], $0x80, v0, vm0, $0xb8;
	[tilespmem:$0x1BC00] =	vst v63  }
0x133: {  	v0 =	vld [tilespmem:s3+$0x0];
	_ =	sdelay $0x7  }
0x134: {  	[tilespmem:s25], [sflag:$0x1] =	stream.indirect_vreg.gather [hbm4b:s2+s4], $0x80, v0, vm0, $0xb8;
	[tilespmem:$0x1BC00] =	vst v63  }
.LBB2_18:
0x135: {  	v0 =	vld [tilespmem:s3+$0xFFFFFF90]  }
0x136: {  	s0 =	sadd.s32 s30, s14;
	v1 =	vld [tilespmem:s3+$0xFFFFFFA0]  }
0x137: {  	v2 =	vmov s0;
	_ =	sdelay $0x4  }
0x138: {  	v2 =	vld.idx.msk [tilespmem:v2+s16+$0x0], $0xffff  }
0x139: {  	v0 =	vld.idx.msk [tilespmem:v0+s18+$0x0], $0xffff  }
0x13a: {  	v1 =	vld.idx.msk [tilespmem:v1+s18+$0x0], $0xffff;
	_ =	sdelay $0x3  }
0x13b: {  	v0 =	vadd.f32 v0, v2  }
0x13c: {  	v1 =	vadd.f32 v1, v2  }
0x13d: {  	v40 =	vmul.f32 $9.999999770e-03, v0  }
0x13e: {  	vm3 =	vge.f32 v0, $0.0e+00;
	v3 =	vmul.f32 $9.999999770e-03, v1  }
0x13f: {  	v0 =	vsel vm3, v0, v40;
	vm3 =	vge.f32 v1, $0.0e+00  }
0x140: {  	v1 =	vsel vm3, v1, v3;
	(xrf0) =	vmax.scan.msk.f32 $0xffff, v0  }
0x141: {  	(xrf0) =	vmax.scan.msk.f32 $0xffff, v1;
	_ =	sdelay $0x4  }
0x142: {  	v41, _, _ =	vpop (xrf0)  }
0x143: {  	(v2sf) =	vpush v41, $0xF;
	v42, _, _ =	vpop (xrf0)  }
0x144: {  	(v2sf) =	vpush v42, $0xF;
	_ =	sdelay $0xd  }
0x145: {  	s20 =	spop (v2sf)  }
0x146: {  	s19 =	spop (v2sf)  }
0x147: {  	s0 =	smax.f32 s20, s19  }
0x148: {  	v43 =	vmov s0  }
0x149: {  	v0 =	vsub.f32 v0, v43  }
0x14a: {  	v1 =	vsub.f32 v1, v43  }
0x14b: {  	v0 =	vmul.f32 $1.442695020e+00, v0  }
0x14c: {  	v1 =	vmul.f32 $1.442695020e+00, v1  }
0x14d: {  	(erf) = vpow2.f32 v0  }
0x14e: {  	(erf) = vpow2.f32 v1;
	_ =	sdelay $0x7  }
0x14f: {  	v2 =	vpop (erf)  }
0x150: {  	v44 =	vpop (erf);
	(xrf2) =	vadd.scan.msk.f32 $0xffff, v2  }
0x151: {  	(xrf2) =	vadd.scan.msk.f32 $0xffff, v44;
	_ =	sdelay $0x8  }
0x152: {  	v45, _, _ =	vpop (xrf2)  }
0x153: {  	(v2sf) =	vpush v45, $0xF;
	v46, _, _ =	vpop (xrf2)  }
0x154: {  	(v2sf) =	vpush v46, $0xF;
	_ =	sdelay $0xd  }
0x155: {  	s19 =	spop (v2sf)  }
0x156: {  	s20 =	spop (v2sf)  }
0x157: {  	s0 =	sadd.f32 s20, s19;
	_ =	sdelay $0x1  }
0x158: {  	v47 =	vmov s0  }
0x159: {  	(erf) = vrcp.f32 v47;
	_ =	sdelay $0x3  }
0x15a: {  	s0 =	sand.u32 $0x3, s30  }
0x15b: {  	p0 =	sgt.s32 s0, $0x1  }
0x15c: {  	p1 =	seq.s32 @p0 s0, $0x2  }
0x15d: {  	p2 =	seq.s32 @!p0 s0, $0x0;
	p1 =	por !p1, !p0  }
0x15e: {  	s20 =	simm.s32 $0x1;
	p2 =	por !p2, p0;
	s19 =	simm.s32 @!p1 $0x3  }
0x15f: {  	[tilespmem:$0x1FFB0] =	vst v44;
	s20 =	simm.s32 @p2 $0x2;
	s19 =	simm.s32 @p1 $0x4;
	v0 =	vpop (erf)  }
0x160: {  	s20 =	smov.u32 @p0 s19;
	[tilespmem:$0x1FFC0] =	vst v0  }
0x161: {  	_ =	swait.ge [sflag:s20], $0x1000  }
0x162: {  	[sflag:s20] =	ssyncset.done $0x0  }
0x163: {  	s0 =	sshll.u32 s0, $0xC;
	v48 =	vld [tilespmem:$0x1FFE0];
	[sflag:s20] =	ssyncadd.s32 $0xFFFFF000  }
0x164: {  	v5 =	vld [tilespmem:s0+$0xDC00]  }
0x165: {  	v6 =	vld [tilespmem:s0+$0xDC10]  }
0x166: {  	v7 =	vld [tilespmem:s0+$0xDC20]  }
0x167: {  	v10 =	vld [tilespmem:s0+$0xDC30]  }
0x168: {  	v11 =	vld [tilespmem:s0+$0xDC40]  }
0x169: {  	v16 =	vld [tilespmem:s0+$0xDC50]  }
0x16a: {  	v17 =	vld [tilespmem:s0+$0xDC60]  }
0x16b: {  	v18 =	vld [tilespmem:s0+$0xDC70]  }
0x16c: {  	v9 =	vld [tilespmem:s0+$0xDC80]  }
0x16d: {  	v19 =	vld [tilespmem:s0+$0xDC90]  }
0x16e: {  	v20 =	vld [tilespmem:s0+$0xDCA0]  }
0x16f: {  	v22 =	vld [tilespmem:s0+$0xDCB0]  }
0x170: {  	v23 =	vld [tilespmem:s0+$0xDCC0]  }
0x171: {  	v24 =	vld [tilespmem:s0+$0xDCD0]  }
0x172: {  	v27 =	vld [tilespmem:s0+$0xDCE0]  }
0x173: {  	v28 =	vld [tilespmem:s0+$0xDCF0]  }
0x174: {  	v29 =	vld [tilespmem:s0+$0xDD00]  }
0x175: {  	v32 =	vld [tilespmem:s0+$0xDD10]  }
0x176: {  	v33 =	vld [tilespmem:s0+$0xDD20]  }
0x177: {  	v61 =	vld [tilespmem:s0+$0xDD30]  }
0x178: {  	v62 =	vld [tilespmem:s0+$0xDD40]  }
0x179: {  	v63 =	vld [tilespmem:s0+$0xDD50]  }
0x17a: {  	v8 =	vld [tilespmem:s0+$0xDD60]  }
0x17b: {  	v13 =	vld [tilespmem:s0+$0xDD70]  }
0x17c: {  	v14 =	vld [tilespmem:s0+$0xDD80]  }
0x17d: {  	v15 =	vld [tilespmem:s0+$0xDD90]  }
0x17e: {  	v21 =	vld [tilespmem:s0+$0xDDA0]  }
0x17f: {  	v34 =	vld [tilespmem:s0+$0xDDB0]  }
0x180: {  	v38 =	vld [tilespmem:s0+$0xDDC0]  }
0x181: {  	v35 =	vld [tilespmem:s0+$0xDDD0]  }
0x182: {  	v36 =	vld [tilespmem:s0+$0xDDE0]  }
0x183: {  	v60 =	vld [tilespmem:s0+$0xDDF0]  }
0x184: {  	v40 =	vld [tilespmem:s0+$0xDE00]  }
0x185: {  	v41 =	vld [tilespmem:s0+$0xDE10]  }
0x186: {  	v59 =	vld [tilespmem:s0+$0xDE20]  }
0x187: {  	v49 =	vld [tilespmem:s0+$0xDE30]  }
0x188: {  	v42 =	vld [tilespmem:s0+$0xDE40]  }
0x189: {  	v45 =	vld [tilespmem:s0+$0xDE50]  }
0x18a: {  	v43 =	vld [tilespmem:s0+$0xDE60]  }
0x18b: {  	v58 =	vld [tilespmem:s0+$0xDE70]  }
0x18c: {  	v51 =	vld [tilespmem:s0+$0xDE80]  }
0x18d: {  	v52 =	vld [tilespmem:s0+$0xDE90]  }
0x18e: {  	v3 =	vmul.f32 v0, v2;
	v55 =	vld [tilespmem:s0+$0xDEA0]  }
0x18f: {  	v54 =	vld [tilespmem:s0+$0xDEB0];
	vm2 =	vnez.u8 v48  }
0x190: {  	v53 =	vld [tilespmem:s0+$0xDEC0];
	v12 =	vnsel vm2, $0x0, v3  }
0x191: {  	vm3 =	vcmask $0x308;
	(xrf2) =	vadd.scan.msk.f32 $0xffff, v12;
	v12 =	vld [tilespmem:s0+$0xDFA0]  }
0x192: {  	v4 =	vsel vm3, $0x0, v3;
	v57 =	vld [tilespmem:s0+$0xDED0]  }
0x193: {  	(xrf2) =	vadd.scan.msk.f32 $0xffff, v4;
	v4 =	vld [tilespmem:s0+$0xDFB0]  }
0x194: {  	v56 =	vld [tilespmem:s0+$0xDEE0]  }
0x195: {  	v50 =	vld [tilespmem:s0+$0xDEF0]  }
0x196: {  	[tilespmem:$0x1FEF0] =	vst v12;
	v12 =	vld [tilespmem:s0+$0xDFC0]  }
0x197: {  	v46 =	vld [tilespmem:s0+$0xDF00]  }
0x198: {  	[tilespmem:$0x1FF00] =	vst v4;
	v4 =	vld [tilespmem:s0+$0xDFD0]  }
0x199: {  	v47 =	vld [tilespmem:s0+$0xDF10]  }
0x19a: {  	v44 =	vld [tilespmem:s0+$0xDF20]  }
0x19b: {  	v39 =	vld [tilespmem:s0+$0xDF40];
	[tilespmem:$0x1FF10] =	vst v12;
	v12, _, _ =	vpop (xrf2)  }
0x19c: {  	v0 =	vbroadcast v12, $0xF;
	v12 =	vld [tilespmem:s0+$0xDFE0]  }
0x19d: {  	[tilespmem:$0x1FF20] =	vst v4;
	v4 =	vld [tilespmem:s0+$0xDFF0]  }
0x19e: {  	v37 =	vld [tilespmem:s0+$0xDF50]  }
0x19f: {  	v30 =	vld [tilespmem:s0+$0xDF60]  }
0x1a0: {  	v1 =	vsel vm4, $0x0, v3;
	v31 =	vld [tilespmem:s0+$0xDF70]  }
0x1a1: {  	(xrf2) =	vadd.scan.msk.f32 $0xffff, v1;
	v1 =	vmul.f32 v5, v0;
	v5 =	vld [tilespmem:s0+$0xE010];
	[tilespmem:$0x1FF30] =	vst v12  }
0x1a2: {  	v12, _, _ =	vpop (xrf2);
	[tilespmem:$0x1FF40] =	vst v4;
	v4 =	vld [tilespmem:s0+$0xE000]  }
0x1a3: {  	v25 =	vld [tilespmem:s0+$0xDF80];
	v12 =	vbroadcast v12, $0xF  }
0x1a4: {  	v26 =	vld [tilespmem:s0+$0xDF90];
	v6 =	vmul.f32 v6, v0  }
0x1a5: {  	v48 =	vld [tilespmem:s0+$0xDF30];
	v2 =	vadd.f32 $0.0e+00, v1;
	v1 =	vmul.f32 v9, v12  }
0x1a6: {  	v6 =	vadd.f32 $0.0e+00, v6;
	[tilespmem:$0x1FF60] =	vst v5;
	v5 =	vld [tilespmem:s0+$0xE020];
	v19 =	vmul.f32 v19, v12  }
0x1a7: {  	v9 =	vld [tilespmem:s0+$0xE030];
	[tilespmem:$0x1FF50] =	vst v4;
	v4 =	vadd.f32 v1, v2;
	v1 =	vmul.f32 v7, v0  }
0x1a8: {  	v7 =	vld [tilespmem:s0+$0xE040];
	v6 =	vadd.f32 v19, v6;
	v19 =	vmul.f32 v10, v0;
	v2 =	vsel vm5, $0x0, v3  }
0x1a9: {  	v16 =	vmul.f32 v16, v0;
	v20 =	vmul.f32 v20, v12;
	v10 =	vld [tilespmem:s0+$0xE060];
	(xrf2) =	vadd.scan.msk.f32 $0xffff, v2;
	v2 =	vadd.f32 $0.0e+00, v1  }
0x1aa: {  	v22 =	vmul.f32 v22, v12;
	v1 =	vmul.f32 v11, v0;
	v19 =	vadd.f32 $0.0e+00, v19;
	v11 =	vld [tilespmem:s0+$0xE0A0]  }
0x1ab: {  	v17 =	vmul.f32 v17, v0;
	v23 =	vmul.f32 v23, v12;
	v2 =	vadd.f32 v20, v2;
	v20 =	vld [tilespmem:s0+$0xE090]  }
0x1ac: {  	v0 =	vmul.f32 v18, v0;
	v1 =	vadd.f32 $0.0e+00, v1;
	v18 =	vadd.f32 v22, v19;
	v19 =	vld [tilespmem:s0+$0xE0B0]  }
0x1ad: {  	v17 =	vadd.f32 $0.0e+00, v17;
	[tilespmem:$0x1FF70] =	vst v7;
	v7 =	vld [tilespmem:s0+$0xE050]  }
0x1ae: {  	v22, _, _ =	vpop (xrf2);
	[tilespmem:$0x1FF80] =	vst v10;
	v10 =	vld [tilespmem:s0+$0xE070];
	v1 =	vadd.f32 v23, v1;
	v23 =	vmul.f32 v24, v12;
	v24 =	vmul.f32 v27, v12  }
0x1af: {  	v22 =	vbroadcast v22, $0xF;
	v27 =	vsel vm6, $0x0, v3;
	v12 =	vmul.f32 v28, v12;
	v28 =	vld [tilespmem:s0+$0xE110]  }
0x1b0: {  	(xrf2) =	vadd.scan.msk.f32 $0xffff, v27;
	v27 =	vadd.f32 $0.0e+00, v0;
	v17 =	vadd.f32 v24, v17;
	v24 =	vld [tilespmem:s0+$0xE0E0]  }
0x1b1: {  	v32 =	vmul.f32 v32, v22;
	[tilespmem:$0x1FFA0] =	vst v20;
	v20 =	vadd.f32 $0.0e+00, v16;
	v16 =	vld [tilespmem:s0+$0xE0C0]  }
0x1b2: {  	v33 =	vmul.f32 v33, v22;
	v12 =	vadd.f32 v12, v27;
	v27 =	vld [tilespmem:s0+$0xE100]  }
0x1b3: {  	v6 =	vadd.f32 v32, v6;
	v32 =	vmul.f32 v62, v22;
	[tilespmem:$0x1FF90] =	vst v10;
	v10 =	vld [tilespmem:s0+$0xE080]  }
0x1b4: {  	v2 =	vadd.f32 v33, v2;
	v0 =	vadd.f32 v23, v20;
	v20 =	vmul.f32 v29, v22;
	v23 =	vld [tilespmem:s0+$0xE0D0]  }
0x1b5: {  	v33 =	vmul.f32 v63, v22;
	v29 =	vmul.f32 v61, v22;
	v62, _, _ =	vpop (xrf2);
	v1 =	vadd.f32 v32, v1;
	v32 =	vld [tilespmem:s0+$0xE120]  }
0x1b6: {  	v61 =	vbroadcast v62, $0xF;
	v62 =	vsel vm7, $0x0, v3;
	v4 =	vadd.f32 v20, v4;
	v20 =	vld [tilespmem:s0+$0xE0F0]  }
0x1b7: {  	v8 =	vmul.f32 v8, v22;
	v13 =	vmul.f32 v13, v22;
	(xrf2) =	vadd.scan.msk.f32 $0xffff, v62;
	v0 =	vadd.f32 v33, v0;
	v33 =	vld [tilespmem:s0+$0xE130]  }
0x1b8: {  	v18 =	vadd.f32 v29, v18;
	v29 =	vld [tilespmem:s0+$0xE140];
	v14 =	vmul.f32 v14, v61;
	v15 =	vmul.f32 v15, v61  }
0x1b9: {  	v63 =	vmul.f32 v21, v61;
	v21 =	vmul.f32 v34, v61;
	v34 =	vld [tilespmem:s0+$0xE150]  }
0x1ba: {  	v12 =	vadd.f32 v13, v12;
	v22 =	vmul.f32 v38, v61;
	v38 =	vld [tilespmem:s0+$0xE160];
	v60 =	vmul.f32 v60, v61  }
0x1bb: {  	v6 =	vadd.f32 v15, v6;
	v2 =	vadd.f32 v63, v2;
	v63 =	vmul.f32 v35, v61;
	v35 =	vld [tilespmem:s0+$0xE170];
	v62, _, _ =	vpop (xrf2)  }
0x1bc: {  	v13 =	vadd.f32 v21, v18;
	v21 =	vmul.f32 v36, v61;
	v36 =	vld [tilespmem:s0+$0xE180];
	v15 =	vbroadcast v62, $0xF  }
0x1bd: {  	v4 =	vadd.f32 v14, v4;
	v1 =	vadd.f32 v22, v1;
	v22 =	vsel vm8, $0x0, v3;
	v14 =	vld [tilespmem:s0+$0xE2F0]  }
0x1be: {  	(xrf2) =	vadd.scan.msk.f32 $0xffff, v22;
	v61 =	vmul.f32 v40, v15;
	v40 =	vld [tilespmem:s0+$0xE190]  }
0x1bf: {  	v62 =	vmul.f32 v41, v15;
	v41 =	vld [tilespmem:s0+$0xE1A0]  }
0x1c0: {  	v8 =	vadd.f32 v8, v17;
	v12 =	vadd.f32 v60, v12;
	v22 =	vmul.f32 v49, v15;
	v49 =	vld [tilespmem:s0+$0xE1B0]  }
0x1c1: {  	v0 =	vadd.f32 v63, v0;
	v63 =	vmul.f32 v59, v15;
	v59 =	vmul.f32 v42, v15;
	v42 =	vld [tilespmem:s0+$0xE1C0];
	v60, _, _ =	vpop (xrf2)  }
0x1c2: {  	v4 =	vadd.f32 v61, v4;
	v61 =	vmul.f32 v45, v15;
	v45 =	vld [tilespmem:s0+$0xE1D0];
	v18 =	vbroadcast v60, $0xF  }
0x1c3: {  	v6 =	vadd.f32 v62, v6;
	v62 =	vmul.f32 v43, v15;
	v43 =	vld [tilespmem:s0+$0xE1E0];
	v15 =	vmul.f32 v58, v15  }
0x1c4: {  	v1 =	vadd.f32 v59, v1;
	v58 =	vmul.f32 v51, v18;
	v51 =	vld [tilespmem:s0+$0xE1F0];
	v59 =	vmul.f32 v52, v18  }
0x1c5: {  	v8 =	vadd.f32 v21, v8;
	v52 =	vld [tilespmem:s0+$0xE200]  }
0x1c6: {  	v2 =	vadd.f32 v63, v2;
	v63 =	vsel vm9, $0x0, v3;
	v60 =	vmul.f32 v55, v18;
	v55 =	vld [tilespmem:s0+$0xE210]  }
0x1c7: {  	v0 =	vadd.f32 v61, v0;
	v8 =	vadd.f32 v62, v8;
	v61 =	vmul.f32 v54, v18;
	v54 =	vld [tilespmem:s0+$0xE220]  }
0x1c8: {  	(xrf2) =	vadd.scan.msk.f32 $0xffff, v63;
	v62 =	vmul.f32 v53, v18;
	v63 =	vmul.f32 v57, v18;
	v53 =	vld [tilespmem:s0+$0xE230];
	v6 =	vadd.f32 v59, v6;
	v59, _, _ =	vpop (xrf2)  }
0x1c9: {  	v2 =	vadd.f32 v60, v2;
	v60 =	vmul.f32 v56, v18;
	v56 =	vld [tilespmem:s0+$0xE240];
	v17 =	vbroadcast v59, $0xF  }
0x1ca: {  	v1 =	vadd.f32 v62, v1;
	v62 =	vmul.f32 v50, v18;
	v50 =	vld [tilespmem:s0+$0xE250]  }
0x1cb: {  	v0 =	vadd.f32 v63, v0;
	v63 =	vmul.f32 v46, v17;
	v46 =	vld [tilespmem:s0+$0xE260]  }
0x1cc: {  	v4 =	vadd.f32 v58, v4;
	v58 =	vmul.f32 v44, v17;
	v44 =	vld [tilespmem:s0+$0xE270]  }
0x1cd: {  	v13 =	vadd.f32 v22, v13;
	v12 =	vadd.f32 v15, v12;
	v57 =	vmul.f32 v47, v17;
	v47 =	vld [tilespmem:s0+$0xE280]  }
0x1ce: {  	v8 =	vadd.f32 v60, v8;
	v60 =	vmul.f32 v39, v17;
	v39 =	vld [tilespmem:s0+$0xE290]  }
0x1cf: {  	v13 =	vadd.f32 v61, v13;
	v12 =	vadd.f32 v62, v12;
	v62 =	vmul.f32 v37, v17;
	v37 =	vld [tilespmem:s0+$0xE2A0]  }
0x1d0: {  	v61 =	vsel vm10, $0x0, v3;
	v59 =	vmul.f32 v48, v17;
	v21 =	vmul.f32 v30, v17;
	v30 =	vld [tilespmem:s0+$0xE2B0]  }
0x1d1: {  	(xrf2) =	vadd.scan.msk.f32 $0xffff, v61;
	v6 =	vadd.f32 v57, v6;
	v57 =	vld [tilespmem:$0x1FEF0]  }
0x1d2: {  	v15 =	vadd.f32 v59, v13;
	v59 =	vld [tilespmem:$0x1FF10]  }
0x1d3: {  	v61, _, _ =	vpop (xrf2);
	v8 =	vadd.f32 v21, v8;
	v21 =	vld [tilespmem:s0+$0xE2E0]  }
0x1d4: {  	v22 =	vbroadcast v61, $0xF;
	v2 =	vadd.f32 v58, v2;
	v58 =	vld [tilespmem:$0x1FF00]  }
0x1d5: {  	v17 =	vmul.f32 v31, v17;
	v0 =	vadd.f32 v62, v0;
	v62 =	vld [tilespmem:$0x1FF20]  }
0x1d6: {  	v31 =	vmul.f32 v25, v22;
	v48 =	vmul.f32 v26, v22;
	v25 =	vld [tilespmem:s0+$0xE2C0]  }
0x1d7: {  	v1 =	vadd.f32 v60, v1;
	v26 =	vld [tilespmem:s0+$0xE2D0];
	v60 =	vmul.f32 v59, v22  }
0x1d8: {  	v6 =	vadd.f32 v48, v6;
	v48 =	vld [tilespmem:$0x1FF30]  }
0x1d9: {  	v4 =	vadd.f32 v63, v4;
	v63 =	vsel vm11, $0x0, v3;
	v1 =	vadd.f32 v60, v1;
	v60 =	vld [tilespmem:$0x1FF50]  }
0x1da: {  	v12 =	vadd.f32 v17, v12;
	(xrf2) =	vadd.scan.msk.f32 $0xffff, v63;
	v13 =	vmul.f32 v57, v22;
	v59 =	vld [tilespmem:$0x1FF40]  }
0x1db: {  	v17 =	vadd.f32 v31, v4;
	v4 =	vmul.f32 v58, v22;
	v61, _, _ =	vpop (xrf2);
	v31 =	vmul.f32 v62, v22;
	v62 =	vld [tilespmem:$0x1FF60]  }
0x1dc: {  	v57 =	vbroadcast v61, $0xF;
	v2 =	vadd.f32 v13, v2;
	v13 =	vld [tilespmem:s0+$0xE300]  }
0x1dd: {  	v15 =	vadd.f32 v4, v15;
	v4 =	vld [tilespmem:s0+$0xE320];
	v58 =	vmul.f32 v48, v22  }
0x1de: {  	v48 =	vld [tilespmem:s0+$0xE310];
	v61 =	vmul.f32 v60, v57  }
0x1df: {  	v63 =	vsel vm12, $0x0, v3;
	v9 =	vmul.f32 v9, v57;
	v18 =	vadd.f32 v58, v8;
	v8 =	vld [tilespmem:s0+$0xE340]  }
0x1e0: {  	(xrf2) =	vadd.scan.msk.f32 $0xffff, v63;
	v22 =	vmul.f32 v59, v22;
	v63 =	vmul.f32 v62, v57;
	v17 =	vadd.f32 v61, v17;
	v61 =	vld [tilespmem:$0x1FF70]  }
0x1e1: {  	v59 =	vadd.f32 v9, v15;
	v15 =	vmul.f32 v7, v57;
	v7 =	vld [tilespmem:s0+$0xE360];
	v60 =	vmul.f32 v5, v57  }
0x1e2: {  	v9 =	vld [tilespmem:s0+$0xE370]  }
0x1e3: {  	v2 =	vadd.f32 v60, v2;
	v60 =	vld [tilespmem:$0x1FF80]  }
0x1e4: {  	v5 =	vld [tilespmem:s0+$0xE330];
	v12 =	vadd.f32 v22, v12;
	v22 =	vadd.f32 v63, v6;
	v63, _, _ =	vpop (xrf2)  }
0x1e5: {  	v0 =	vadd.f32 v31, v0;
	v6 =	vld [tilespmem:s0+$0xE350];
	v58 =	vbroadcast v63, $0xF;
	v62 =	vmul.f32 v61, v57  }
0x1e6: {  	v61 =	vld [tilespmem:$0x1FF90]  }
0x1e7: {  	v0 =	vadd.f32 v15, v0;
	v23 =	vmul.f32 v23, v58;
	v1 =	vadd.f32 v62, v1;
	v62 =	vld [tilespmem:$0x1FFA0]  }
0x1e8: {  	v63 =	vmul.f32 v19, v58;
	v19 =	vld [tilespmem:s0+$0xE400];
	v31 =	vmul.f32 v60, v57;
	v60 =	vsel vm13, $0x0, v3  }
0x1e9: {  	v0 =	vadd.f32 v23, v0;
	v23 =	vld [tilespmem:s0+$0xE420];
	(xrf2) =	vadd.scan.msk.f32 $0xffff, v60;
	v60 =	vmul.f32 v11, v58  }
0x1ea: {  	v11 =	vld [tilespmem:s0+$0xE390]  }
0x1eb: {  	v2 =	vadd.f32 v60, v2;
	v60 =	vmul.f32 v16, v58;
	v16 =	vld [tilespmem:s0+$0xE3B0];
	v15 =	vmul.f32 v61, v57  }
0x1ec: {  	v18 =	vadd.f32 v31, v18;
	v57 =	vmul.f32 v10, v58;
	v10 =	vld [tilespmem:s0+$0xE380];
	v31 =	vmul.f32 v62, v58  }
0x1ed: {  	v1 =	vadd.f32 v60, v1;
	v61 =	vadd.f32 v15, v12;
	v15 =	vld [tilespmem:s0+$0xE3A0]  }
0x1ee: {  	v60 =	vsel vm14, $0x0, v3;
	v57 =	vadd.f32 v57, v17;
	v62, _, _ =	vpop (xrf2);
	v12 =	vld [tilespmem:s0+$0xE3C0];
	v22 =	vadd.f32 v31, v22  }
0x1ef: {  	v17 =	vld [tilespmem:s0+$0xE3D0];
	(xrf2) =	vadd.scan.msk.f32 $0xffff, v60;
	v31 =	vadd.f32 v63, v59;
	v59 =	vbroadcast v62, $0xF;
	v63 =	vmul.f32 v24, v58  }
0x1f0: {  	vm1 =	vcmask $0x373C;
	v62 =	vmul.f32 v20, v58;
	v20 =	vld [tilespmem:s0+$0xE3E0]  }
0x1f1: {  	v27 =	vmul.f32 v27, v59;
	v58 =	vadd.f32 v63, v18;
	v63 =	vmul.f32 v28, v59;
	v18 =	vld [tilespmem:s0+$0xE3F0]  }
0x1f2: {  	v60 =	vmul.f32 v32, v59;
	v32 =	vadd.f32 v62, v61;
	v24 =	vmul.f32 v29, v59;
	v29 =	vld [tilespmem:s0+$0xE430]  }
0x1f3: {  	v62 =	vmul.f32 v33, v59;
	v61 =	vmul.f32 v38, v59;
	v28 =	vld [tilespmem:s0+$0xE450];
	v57 =	vadd.f32 v27, v57  }
0x1f4: {  	v33 =	vadd.f32 v63, v22;
	v2 =	vadd.f32 v60, v2;
	v22 =	vld [tilespmem:s0+$0xE410];
	v63 =	vmul.f32 v34, v59;
	v34, _, _ =	vpop (xrf2)  }
0x1f5: {  	v60 =	vadd.f32 v62, v31;
	v1 =	vadd.f32 v24, v1;
	v24 =	vld [tilespmem:s0+$0xE440];
	v38 =	vbroadcast v34, $0xF  }
0x1f6: {  	v62 =	vsel vm15, $0x0, v3;
	v27 =	vld [tilespmem:s0+$0xE460];
	v0 =	vadd.f32 v63, v0;
	v63 =	vmul.f32 v35, v59  }
0x1f7: {  	v58 =	vadd.f32 v61, v58;
	v31 =	vld [tilespmem:s0+$0xE470];
	(xrf2) =	vadd.scan.msk.f32 $0xffff, v62;
	v61 =	vmul.f32 v36, v38;
	v62 =	vmul.f32 v40, v38  }
0x1f8: {  	v34 =	vld [tilespmem:s0+$0xE490];
	v49 =	vmul.f32 v49, v38;
	v36 =	vadd.f32 v63, v32;
	v63 =	vmul.f32 v41, v38  }
0x1f9: {  	v35 =	vld [tilespmem:s0+$0xE4A0];
	v59, _, _ =	vpop (xrf2);
	v40 =	vadd.f32 v61, v57;
	v41 =	vadd.f32 v62, v33;
	v57 =	vmul.f32 v42, v38  }
0x1fa: {  	v32 =	vld [tilespmem:s0+$0xE480];
	v49 =	vadd.f32 v49, v60;
	v60 =	vmul.f32 v45, v38;
	v45 =	vbroadcast v59, $0xF  }
0x1fb: {  	v61 =	vsel vm1, $0x0, v3;
	v62 =	vmul.f32 v43, v38;
	v38 =	vmul.f32 v51, v38;
	v33 =	vld [tilespmem:s0+$0xE4B0]  }
0x1fc: {  	(xrf2) =	vadd.scan.msk.f32 $0xffff, v61;
	v61 =	vld [tilespmem:$0x1FFB0];
	v59 =	vmul.f32 v55, v45  }
0x1fd: {  	v55 =	vadd.f32 v38, v36;
	v36 =	vld [tilespmem:s0+$0xE4C0]  }
0x1fe: {  	v51 =	vadd.f32 v59, v41;
	v59 =	vld [tilespmem:$0x1FFF0]  }
0x1ff: {  	v2 =	vadd.f32 v63, v2;
	v63 =	vmul.f32 v52, v45;
	v52 =	vadd.f32 v62, v58;
	v62 =	vld [tilespmem:$0x1FFC0]  }
0x200: {  	v42 =	vadd.f32 v60, v0;
	v60 =	vmul.f32 v54, v45;
	v38 =	vld [tilespmem:s0+$0xE4D0];
	v56 =	vmul.f32 v56, v45  }
0x201: {  	v57 =	vadd.f32 v57, v1;
	v1 =	vld [tilespmem:s0+$0xE4E0];
	v50 =	vmul.f32 v50, v45;
	v46 =	vmul.f32 v46, v45  }
0x202: {  	v43 =	vadd.f32 v63, v40;
	v54 =	vadd.f32 v60, v2;
	v63 =	vmul.f32 v53, v45;
	v2 =	vld [tilespmem:s0+$0xE4F0];
	v58, _, _ =	vpop (xrf2)  }
0x203: {  	v56 =	vadd.f32 v56, v57;
	v40 =	vld [tilespmem:s0+$0xE500];
	v53 =	vbroadcast v58, $0xF;
	vm0 =	vnez.u8 v59  }
0x204: {  	v60 =	vadd.f32 v50, v42;
	v41 =	vld [tilespmem:s0+$0xE510];
	v0 =	vmul.f32 v62, v61;
	v3 =	vsel vm0, $0x0, v3  }
0x205: {  	v49 =	vadd.f32 v63, v49;
	v61 =	vmul.f32 v44, v45;
	v50 =	vmul.f32 v37, v53;
	v37 =	vld [tilespmem:s0+$0xE520];
	(xrf2) =	vadd.scan.msk.f32 $0xffff, v3  }
0x206: {  	v63 =	vadd.f32 v46, v52;
	v62 =	vmul.f32 v47, v53;
	v52 =	vmul.f32 v30, v53;
	v30 =	vld [tilespmem:s0+$0xE530]  }
0x207: {  	v39 =	vmul.f32 v39, v53;
	v42 =	vadd.f32 v61, v55;
	v57 =	vmul.f32 v26, v53;
	v26 =	vld [tilespmem:s0+$0xE550]  }
0x208: {  	v58 =	vmul.f32 v21, v53;
	v59 =	vnsel vm2, $0x0, v0;
	v21 =	vld [tilespmem:s0+$0xE560];
	v43 =	vadd.f32 v62, v43;
	v55, _, _ =	vpop (xrf2)  }
0x209: {  	v46 =	vadd.f32 v50, v54;
	v54 =	vmul.f32 v25, v53;
	v25 =	vld [tilespmem:s0+$0xE540];
	v50 =	vbroadcast v55, $0xF  }
0x20a: {  	v14 =	vmul.f32 v14, v53;
	v39 =	vadd.f32 v39, v51;
	v44 =	vadd.f32 v52, v49;
	v49 =	vld [tilespmem:s0+$0xE570]  }
0x20b: {  	v3 =	vadd.f32 v57, v60;
	v45 =	vadd.f32 v58, v63;
	v51 =	vld [tilespmem:s0+$0xE580];
	v4 =	vmul.f32 v4, v50  }
0x20c: {  	v14 =	vadd.f32 v14, v42;
	v42 =	vld [tilespmem:s0+$0xE590];
	(xrf2) =	vadd.scan.msk.f32 $0xffff, v59;
	v47 =	vadd.f32 v54, v56;
	v5 =	vmul.f32 v5, v50  }
0x20d: {  	v13 =	vmul.f32 v13, v50;
	v48 =	vmul.f32 v48, v50;
	v4 =	vadd.f32 v4, v46;
	v46 =	vld [tilespmem:s0+$0xE5A0]  }
0x20e: {  	v8 =	vmul.f32 v8, v50;
	v7 =	vmul.f32 v7, v50;
	v5 =	vadd.f32 v5, v44;
	v44 =	vld [tilespmem:s0+$0xE5B0]  }
0x20f: {  	v6 =	vmul.f32 v6, v50;
	v62 =	vmul.f32 v9, v50;
	v39 =	vadd.f32 v48, v39;
	v48 =	vld [tilespmem:s0+$0xE5C0];
	v60, _, _ =	vpop (xrf2)  }
0x210: {  	v13 =	vadd.f32 v13, v43;
	v7 =	vadd.f32 v7, v45;
	v45 =	vld [tilespmem:s0+$0xE5E0];
	v43 =	vbroadcast v60, $0xF  }
0x211: {  	v61 =	vsel vm3, $0x0, v0;
	v3 =	vadd.f32 v6, v3;
	v6 =	vadd.f32 v62, v14;
	v14 =	vld [tilespmem:s0+$0xE5F0]  }
0x212: {  	v8 =	vadd.f32 v8, v47;
	v47 =	vld [tilespmem:s0+$0xE620];
	(xrf2) =	vadd.scan.msk.f32 $0xffff, v61;
	v63 =	vmul.f32 v10, v43  }
0x213: {  	v10 =	vld [tilespmem:s0+$0xE5D0];
	v11 =	vmul.f32 v11, v43;
	v15 =	vmul.f32 v15, v43  }
0x214: {  	v50 =	vmul.f32 v16, v43;
	v52 =	vmul.f32 v17, v43;
	v17 =	vld [tilespmem:s0+$0xE610]  }
0x215: {  	v54 =	vsel vm4, $0x0, v0;
	v12 =	vmul.f32 v12, v43;
	v55 =	vmul.f32 v18, v43;
	v18 =	vld [tilespmem:s0+$0xE660]  }
0x216: {  	v53, _, _ =	vpop (xrf2);
	(xrf2) =	vadd.scan.msk.f32 $0xffff, v54;
	v20 =	vmul.f32 v20, v43;
	v9 =	vadd.f32 v63, v13;
	v4 =	vadd.f32 v15, v4;
	v15 =	vld [tilespmem:s0+$0xE600]  }
0x217: {  	v16 =	vbroadcast v53, $0xF;
	v11 =	vadd.f32 v11, v39;
	v5 =	vadd.f32 v50, v5;
	v13 =	vld [tilespmem:s0+$0xE630]  }
0x218: {  	v8 =	vadd.f32 v12, v8;
	v7 =	vadd.f32 v20, v7;
	v20 =	vld [tilespmem:s0+$0xE640]  }
0x219: {  	v3 =	vadd.f32 v52, v3;
	v56 =	vmul.f32 v19, v16;
	v58 =	vmul.f32 v23, v16;
	v23 =	vld [tilespmem:s0+$0xE650]  }
0x21a: {  	v57 =	vmul.f32 v22, v16;
	v6 =	vadd.f32 v55, v6;
	v59 =	vmul.f32 v29, v16;
	v22 =	vld [tilespmem:s0+$0xE670]  }
0x21b: {  	v60 =	vmul.f32 v24, v16;
	v62 =	vmul.f32 v28, v16;
	v63 =	vsel vm5, $0x0, v0;
	v29 =	vld [tilespmem:s0+$0xE680]  }
0x21c: {  	v39 =	vmul.f32 v27, v16;
	v16 =	vmul.f32 v31, v16;
	v27 =	vld [tilespmem:s0+$0xE690];
	v9 =	vadd.f32 v56, v9;
	v61, _, _ =	vpop (xrf2)  }
0x21d: {  	v31 =	vld [tilespmem:s0+$0xE6A0];
	v11 =	vadd.f32 v57, v11;
	v4 =	vadd.f32 v58, v4;
	v19 =	vbroadcast v61, $0xF  }
0x21e: {  	v24 =	vld [tilespmem:s0+$0xE6C0];
	v5 =	vadd.f32 v59, v5;
	v8 =	vadd.f32 v60, v8;
	(xrf2) =	vadd.scan.msk.f32 $0xffff, v63  }
0x21f: {  	v12 =	vld [tilespmem:s0+$0xE6F0];
	v3 =	vadd.f32 v62, v3;
	v57 =	vsel vm6, $0x0, v0;
	v43 =	vmul.f32 v32, v19  }
0x220: {  	v28 =	vld [tilespmem:s0+$0xE700];
	v7 =	vadd.f32 v39, v7;
	v55, _, _ =	vpop (xrf2);
	(xrf2) =	vadd.scan.msk.f32 $0xffff, v57;
	v50 =	vmul.f32 v34, v19;
	v52 =	vmul.f32 v35, v19  }
0x221: {  	v6 =	vadd.f32 v16, v6;
	v16 =	vld [tilespmem:s0+$0xE6B0];
	v53 =	vmul.f32 v33, v19;
	v54 =	vmul.f32 v36, v19  }
0x222: {  	v39 =	vsel vm7, $0x0, v0;
	v33 =	vld [tilespmem:s0+$0xE6D0];
	v56 =	vmul.f32 v38, v19;
	v32 =	vbroadcast v55, $0xF  }
0x223: {  	v36 =	vld [tilespmem:s0+$0xE6E0];
	v1 =	vmul.f32 v1, v19;
	v9 =	vadd.f32 v43, v9;
	v11 =	vadd.f32 v50, v11  }
0x224: {  	v2 =	vmul.f32 v2, v19;
	v35 =	vld [tilespmem:s0+$0xE710];
	v4 =	vadd.f32 v52, v4;
	v5 =	vadd.f32 v53, v5  }
0x225: {  	v19 =	vld [tilespmem:s0+$0xE720];
	v8 =	vadd.f32 v54, v8;
	v58 =	vmul.f32 v40, v32;
	v59 =	vmul.f32 v41, v32  }
0x226: {  	v3 =	vadd.f32 v56, v3;
	v60 =	vmul.f32 v37, v32;
	v62 =	vmul.f32 v30, v32;
	v30 =	vld [tilespmem:s0+$0xE730]  }
0x227: {  	v1 =	vadd.f32 v1, v7;
	v63 =	vmul.f32 v25, v32;
	v37 =	vmul.f32 v26, v32;
	v26 =	vld [tilespmem:s0+$0xE740]  }
0x228: {  	v2 =	vadd.f32 v2, v6;
	v38 =	vmul.f32 v21, v32;
	v40 =	vmul.f32 v49, v32;
	v21 =	vld [tilespmem:s0+$0xE760];
	v34, _, _ =	vpop (xrf2)  }
0x229: {  	v32 =	vld [tilespmem:s0+$0xE780];
	v61 =	vadd.f32 v58, v9;
	v7 =	vadd.f32 v59, v11;
	v25 =	vbroadcast v34, $0xF  }
0x22a: {  	v54 =	vsel vm8, $0x0, v0;
	v4 =	vadd.f32 v60, v4;
	v1 =	vadd.f32 v38, v1;
	v38 =	vld [tilespmem:s0+$0xE770];
	v50, _, _ =	vpop (xrf2)  }
0x22b: {  	v3 =	vadd.f32 v37, v3;
	v37 =	vld [tilespmem:s0+$0xE7A0];
	(xrf2) =	vadd.scan.msk.f32 $0xffff, v39;
	v52 =	vbroadcast v50, $0xF;
	v41 =	vmul.f32 v51, v25  }
0x22c: {  	v5 =	vadd.f32 v62, v5;
	v11 =	vld [tilespmem:s0+$0xE7F0];
	v42 =	vmul.f32 v42, v25;
	v43 =	vmul.f32 v46, v25  }
0x22d: {  	v2 =	vadd.f32 v40, v2;
	v40 =	vld [tilespmem:s0+$0xE810];
	v46 =	vmul.f32 v44, v25;
	v49 =	vmul.f32 v48, v25  }
0x22e: {  	v8 =	vadd.f32 v63, v8;
	v9 =	vld [tilespmem:s0+$0xE9E0];
	v51 =	vmul.f32 v10, v25;
	v53 =	vmul.f32 v45, v25  }
0x22f: {  	v63 =	vsel vm9, $0x0, v0;
	v39 =	vld [tilespmem:s0+$0xE790];
	v55 =	vmul.f32 v14, v25;
	v56 =	vmul.f32 v15, v52  }
0x230: {  	v34 =	vld [tilespmem:s0+$0xE750];
	(xrf2) =	vadd.scan.msk.f32 $0xffff, v54;
	v57 =	vmul.f32 v17, v52;
	v58 =	vmul.f32 v47, v52;
	v6 =	vadd.f32 v41, v61  }
0x231: {  	v25 =	vld [tilespmem:s0+$0xE7D0];
	v59 =	vmul.f32 v13, v52;
	v7 =	vadd.f32 v42, v7;
	v4 =	vadd.f32 v43, v4  }
0x232: {  	v10 =	vld [tilespmem:s0+$0xE820];
	v60 =	vmul.f32 v20, v52;
	v5 =	vadd.f32 v46, v5;
	v8 =	vadd.f32 v49, v8  }
0x233: {  	v14 =	vld [tilespmem:s0+$0xE850];
	v18 =	vmul.f32 v18, v52;
	v3 =	vadd.f32 v51, v3;
	v1 =	vadd.f32 v53, v1  }
0x234: {  	v15 =	vld [tilespmem:s0+$0xE7C0];
	v44 =	vmul.f32 v22, v52;
	v2 =	vadd.f32 v55, v2;
	v6 =	vadd.f32 v56, v6  }
0x235: {  	v13 =	vld [tilespmem:s0+$0xE7E0];
	v61 =	vmul.f32 v23, v52;
	v7 =	vadd.f32 v57, v7;
	v4 =	vadd.f32 v58, v4;
	v62, _, _ =	vpop (xrf2)  }
0x236: {  	v20 =	vld [tilespmem:s0+$0xE800];
	v5 =	vadd.f32 v59, v5;
	v8 =	vadd.f32 v60, v8;
	v17 =	vbroadcast v62, $0xF  }
0x237: {  	v22 =	vld [tilespmem:s0+$0xE830];
	v51 =	vsel vm10, $0x0, v0;
	v3 =	vadd.f32 v61, v3;
	v1 =	vadd.f32 v18, v1;
	(xrf2) =	vadd.scan.msk.f32 $0xffff, v63  }
0x238: {  	v41 =	vld [tilespmem:s0+$0xE7B0];
	v2 =	vadd.f32 v44, v2;
	v45 =	vmul.f32 v29, v17;
	v46 =	vmul.f32 v27, v17  }
0x239: {  	v23 =	vld [tilespmem:s0+$0xE840];
	v60 =	vsel vm11, $0x0, v0;
	v47 =	vmul.f32 v31, v17;
	v16 =	vmul.f32 v16, v17  }
0x23a: {  	v42 =	vld [tilespmem:s0+$0xE930];
	v44 =	vsel vm12, $0x0, v0;
	v49, _, _ =	vpop (xrf2);
	v48 =	vmul.f32 v24, v17;
	v50 =	vmul.f32 v33, v17  }
0x23b: {  	v18 =	vld [tilespmem:s0+$0xE860];
	v52 =	vmul.f32 v36, v17;
	v5 =	vadd.f32 v16, v5;
	v16 =	vbroadcast v49, $0xF  }
0x23c: {  	(xrf2) =	vadd.scan.msk.f32 $0xffff, v51;
	v29 =	vld [tilespmem:s0+$0xE870];
	v12 =	vmul.f32 v12, v17;
	v6 =	vadd.f32 v45, v6;
	v7 =	vadd.f32 v46, v7  }
0x23d: {  	v17 =	vld [tilespmem:s0+$0xE880];
	v4 =	vadd.f32 v47, v4;
	v8 =	vadd.f32 v48, v8;
	v53 =	vmul.f32 v28, v16  }
0x23e: {  	v27 =	vld [tilespmem:s0+$0xE8C0];
	v3 =	vadd.f32 v50, v3;
	v54 =	vmul.f32 v35, v16;
	v55 =	vmul.f32 v19, v16  }
0x23f: {  	v33 =	vld [tilespmem:s0+$0xE8D0];
	v1 =	vadd.f32 v52, v1;
	v56 =	vmul.f32 v30, v16;
	v57 =	vmul.f32 v26, v16  }
0x240: {  	v24 =	vld [tilespmem:s0+$0xE910];
	v2 =	vadd.f32 v12, v2;
	v59 =	vmul.f32 v34, v16;
	v61 =	vmul.f32 v21, v16  }
0x241: {  	v31 =	vld [tilespmem:s0+$0xE920];
	v16 =	vmul.f32 v38, v16;
	v6 =	vadd.f32 v53, v6;
	v7 =	vadd.f32 v54, v7;
	v58, _, _ =	vpop (xrf2)  }
0x242: {  	v12 =	vld [tilespmem:s0+$0xE8A0];
	v4 =	vadd.f32 v55, v4;
	v5 =	vadd.f32 v56, v5;
	(xrf2) =	vadd.scan.msk.f32 $0xffff, v60;
	v26 =	vbroadcast v58, $0xF  }
0x243: {  	v45 =	vld [tilespmem:s0+$0xE940];
	v35 =	vsel vm14, $0x0, v0;
	v8 =	vadd.f32 v57, v8;
	v3 =	vadd.f32 v59, v3  }
0x244: {  	v28 =	vld [tilespmem:s0+$0xE890];
	v1 =	vadd.f32 v61, v1;
	v62 =	vmul.f32 v32, v26;
	v63 =	vmul.f32 v39, v26  }
0x245: {  	v19 =	vld [tilespmem:s0+$0xE8B0];
	v2 =	vadd.f32 v16, v2;
	v36 =	vmul.f32 v37, v26;
	v37 =	vmul.f32 v41, v26  }
0x246: {  	v21 =	vld [tilespmem:s0+$0xE8E0];
	v53 =	vsel vm13, $0x0, v0;
	v38 =	vmul.f32 v15, v26;
	v39, _, _ =	vpop (xrf2);
	v41 =	vmul.f32 v25, v26  }
0x247: {  	v30 =	vld [tilespmem:s0+$0xE8F0];
	v43 =	vmul.f32 v13, v26;
	v15 =	vbroadcast v39, $0xF;
	v6 =	vadd.f32 v62, v6  }
0x248: {  	v16 =	vld [tilespmem:s0+$0xE970];
	v11 =	vmul.f32 v11, v26;
	v7 =	vadd.f32 v63, v7;
	v4 =	vadd.f32 v36, v4  }
0x249: {  	v54 =	vld [tilespmem:s0+$0xE9A0];
	(xrf2) =	vadd.scan.msk.f32 $0xffff, v44;
	v5 =	vadd.f32 v37, v5;
	v8 =	vadd.f32 v38, v8;
	v46 =	vmul.f32 v20, v15  }
0x24a: {  	v57 =	vld [tilespmem:s0+$0xE9B0];
	v3 =	vadd.f32 v41, v3;
	v47 =	vmul.f32 v40, v15;
	v10 =	vmul.f32 v10, v15  }
0x24b: {  	v59 =	vld [tilespmem:s0+$0xE9C0];
	v1 =	vadd.f32 v43, v1;
	v48 =	vmul.f32 v22, v15;
	v49 =	vmul.f32 v23, v15  }
0x24c: {  	v61 =	vld [tilespmem:s0+$0xE9D0];
	v2 =	vadd.f32 v11, v2;
	v51 =	vmul.f32 v14, v15;
	v52 =	vmul.f32 v18, v15;
	v50, _, _ =	vpop (xrf2)  }
0x24d: {  	v32 =	vld [tilespmem:s0+$0xE900];
	v6 =	vadd.f32 v46, v6;
	v4 =	vadd.f32 v10, v4;
	v10 =	vbroadcast v50, $0xF  }
0x24e: {  	v13 =	vld [tilespmem:s0+$0xE950];
	v55 =	vmul.f32 v29, v15;
	v7 =	vadd.f32 v47, v7;
	v5 =	vadd.f32 v48, v5;
	(xrf2) =	vadd.scan.msk.f32 $0xffff, v53  }
0x24f: {  	v36 =	vld [tilespmem:s0+$0xEA00];
	v8 =	vadd.f32 v49, v8;
	v3 =	vadd.f32 v51, v3;
	v56 =	vmul.f32 v17, v10  }
0x250: {  	v37 =	vld [tilespmem:s0+$0xEA10];
	v1 =	vadd.f32 v52, v1;
	v58 =	vmul.f32 v28, v10;
	v12 =	vmul.f32 v12, v10  }
0x251: {  	v43 =	vld [tilespmem:s0+$0xEA40];
	v2 =	vadd.f32 v55, v2;
	v60 =	vmul.f32 v19, v10;
	v62 =	vmul.f32 v27, v10  }
0x252: {  	v20 =	vld [tilespmem:s0+$0xE960];
	v63 =	vmul.f32 v33, v10;
	v21 =	vmul.f32 v21, v10;
	v6 =	vadd.f32 v56, v6  }
0x253: {  	v22 =	vld [tilespmem:s0+$0xE980];
	v29, _, _ =	vpop (xrf2);
	v10 =	vmul.f32 v30, v10;
	v7 =	vadd.f32 v58, v7;
	v4 =	vadd.f32 v12, v4  }
0x254: {  	v14 =	vld [tilespmem:s0+$0xE990];
	(xrf2) =	vadd.scan.msk.f32 $0xffff, v35;
	v19 =	vbroadcast v29, $0xF;
	v5 =	vadd.f32 v60, v5;
	v8 =	vadd.f32 v62, v8  }
0x255: {  	v40 =	vld [tilespmem:s0+$0xEA20];
	v48 =	vsel vm15, $0x0, v0;
	v3 =	vadd.f32 v63, v3;
	v1 =	vadd.f32 v21, v1  }
0x256: {  	v46 =	vld [tilespmem:s0+$0xEA50];
	v2 =	vadd.f32 v10, v2;
	v38 =	vmul.f32 v32, v19;
	v39 =	vmul.f32 v24, v19  }
0x257: {  	v47 =	vld [tilespmem:s0+$0xEA60];
	v60 =	vsel vm1, $0x0, v0;
	v41 =	vmul.f32 v31, v19;
	v25 =	vmul.f32 v42, v19  }
0x258: {  	v52 =	vld [tilespmem:s0+$0xEA80];
	v0 =	vsel vm0, $0x0, v0;
	v44 =	vmul.f32 v45, v19;
	v13 =	vmul.f32 v13, v19;
	v45, _, _ =	vpop (xrf2)  }
0x259: {  	v50 =	vld [tilespmem:s0+$0xEA70];
	v49 =	vmul.f32 v20, v19;
	v6 =	vadd.f32 v38, v6;
	v21 =	vbroadcast v45, $0xF  }
0x25a: {  	v33 =	vld [tilespmem:s0+$0xE9F0];
	v16 =	vmul.f32 v16, v19;
	v7 =	vadd.f32 v39, v7;
	v4 =	vadd.f32 v41, v4;
	(xrf2) =	vadd.scan.msk.f32 $0xffff, v48  }
0x25b: {  	v35 =	vld [tilespmem:s0+$0xEAF0];
	v5 =	vadd.f32 v25, v5;
	v8 =	vadd.f32 v44, v8;
	v51 =	vmul.f32 v22, v21  }
0x25c: {  	v27 =	vld [tilespmem:s0+$0xEBD0];
	v3 =	vadd.f32 v13, v3;
	v14 =	vmul.f32 v14, v21;
	v53 =	vmul.f32 v54, v21  }
0x25d: {  	v56 =	vld [tilespmem:s0+$0xEAA0];
	v1 =	vadd.f32 v49, v1;
	v55 =	vmul.f32 v57, v21;
	v57 =	vmul.f32 v59, v21  }
0x25e: {  	v42 =	vld [tilespmem:s0+$0xEA30];
	v2 =	vadd.f32 v16, v2;
	v58, _, _ =	vpop (xrf2);
	v61 =	vmul.f32 v61, v21;
	v9 =	vmul.f32 v9, v21  }
0x25f: {  	v63 =	vld [tilespmem:s0+$0xEAC0];
	(xrf2) =	vadd.scan.msk.f32 $0xffff, v60;
	v62 =	vbroadcast v58, $0xF;
	v6 =	vadd.f32 v51, v6;
	v7 =	vadd.f32 v14, v7  }
0x260: {  	v31 =	vld [tilespmem:s0+$0xEAD0];
	v30 =	vmul.f32 v33, v21;
	v4 =	vadd.f32 v53, v4;
	v5 =	vadd.f32 v55, v5  }
0x261: {  	v44 =	vld [tilespmem:s0+$0xEB30];
	v8 =	vadd.f32 v57, v8;
	v3 =	vadd.f32 v61, v3;
	v32 =	vmul.f32 v36, v62  }
0x262: {  	v54 =	vld [tilespmem:s0+$0xEA90];
	v1 =	vadd.f32 v9, v1;
	v11 =	vmul.f32 v37, v62;
	v34 =	vmul.f32 v40, v62  }
0x263: {  	v59 =	vld [tilespmem:s0+$0xEAB0];
	v2 =	vadd.f32 v30, v2;
	v36 =	vmul.f32 v42, v62;
	v38 =	vmul.f32 v43, v62  }
0x264: {  	v48 =	vld [tilespmem:s0+$0xEB50];
	v41 =	vmul.f32 v46, v62;
	v43 =	vmul.f32 v47, v62;
	v6 =	vadd.f32 v32, v6;
	v39, _, _ =	vpop (xrf2)  }
0x265: {  	v33 =	vld [tilespmem:s0+$0xEAE0];
	v7 =	vadd.f32 v11, v7;
	v4 =	vadd.f32 v34, v4;
	(xrf2) =	vadd.scan.msk.f32 $0xffff, v0;
	v12 =	vbroadcast v39, $0xF  }
0x266: {  	v37 =	vld [tilespmem:s0+$0xEB00];
	v15 =	vmul.f32 v50, v62;
	v5 =	vadd.f32 v36, v5;
	v8 =	vadd.f32 v38, v8  }
0x267: {  	v40 =	vld [tilespmem:s0+$0xEB10];
	v3 =	vadd.f32 v41, v3;
	v45 =	vmul.f32 v52, v12;
	v16 =	vmul.f32 v54, v12  }
0x268: {  	v42 =	vld [tilespmem:s0+$0xEB20];
	v1 =	vadd.f32 v43, v1;
	v47 =	vmul.f32 v56, v12;
	v50 =	vmul.f32 v59, v12  }
0x269: {  	v46 =	vld [tilespmem:s0+$0xEB40];
	v2 =	vadd.f32 v15, v2;
	v49, _, _ =	vpop (xrf2);
	v52 =	vmul.f32 v63, v12;
	v54 =	vmul.f32 v31, v12  }
0x26a: {  	v51 =	vld [tilespmem:s0+$0xEB60];
	v55 =	vmul.f32 v33, v12;
	v15 =	vbroadcast v49, $0xF;
	v6 =	vadd.f32 v45, v6  }
0x26b: {  	v53 =	vld [tilespmem:s0+$0xEB70];
	v57 =	vmul.f32 v35, v12;
	v7 =	vadd.f32 v16, v7;
	v4 =	vadd.f32 v47, v4  }
0x26c: {  	v61 =	vld [tilespmem:s0+$0xEBA0];
	v5 =	vadd.f32 v50, v5;
	v8 =	vadd.f32 v52, v8;
	v58 =	vmul.f32 v37, v15  }
0x26d: {  	v56 =	vld [tilespmem:s0+$0xEB80];
	v3 =	vadd.f32 v54, v3;
	v60 =	vmul.f32 v40, v15;
	v0 =	vmul.f32 v42, v15  }
0x26e: {  	v59 =	vld [tilespmem:s0+$0xEB90];
	v1 =	vadd.f32 v55, v1;
	v63 =	vmul.f32 v44, v15;
	v22 =	vmul.f32 v46, v15  }
0x26f: {  	v62 =	vld [tilespmem:s0+$0xEBB0];
	v2 =	vadd.f32 v57, v2;
	v25 =	vmul.f32 v48, v15;
	v28 =	vmul.f32 v51, v15;
	v23, _, _ =	vpop (xrf2)  }
0x270: {  	v24 =	vld [tilespmem:s0+$0xEBC0];
	v6 =	vadd.f32 v58, v6;
	v7 =	vadd.f32 v60, v7;
	v26 =	vbroadcast v23, $0xF  }
0x271: {  	v29 =	vld [tilespmem:s0+$0xEBE0];
	v15 =	vmul.f32 v53, v15;
	v0 =	vadd.f32 v0, v4;
	v5 =	vadd.f32 v63, v5  }
0x272: {  	v31 =	vld [tilespmem:s0+$0xEBF0];
	v8 =	vadd.f32 v22, v8;
	v3 =	vadd.f32 v25, v3;
	v30 =	vmul.f32 v56, v26  }
0x273: {  	v1 =	vadd.f32 v28, v1;
	v2 =	vadd.f32 v15, v2;
	v32 =	vmul.f32 v59, v26  }
0x274: {  	v33 =	vmul.f32 v61, v26;
	v9 =	vmul.f32 v62, v26;
	v4 =	vadd.f32 v30, v6  }
0x275: {  	v34 =	vmul.f32 v24, v26;
	v35 =	vmul.f32 v27, v26;
	v7 =	vadd.f32 v32, v7  }
0x276: {  	v36 =	vmul.f32 v29, v26;
	v0 =	vadd.f32 v33, v0;
	v37 =	vmul.f32 $1.442695020e+00, v4  }
0x277: {  	v38 =	vmul.f32 v31, v26;
	v5 =	vadd.f32 v9, v5;
	v39 =	vmul.f32 $1.442695020e+00, v7  }
0x278: {  	v8 =	vadd.f32 v34, v8;
	v40 =	vmul.f32 $1.442695020e+00, v0;
	(erf) = vpow2.f32 v37  }
0x279: {  	v3 =	vadd.f32 v35, v3;
	v41 =	vmul.f32 $1.442695020e+00, v5;
	(erf) = vpow2.f32 v39  }
0x27a: {  	v1 =	vadd.f32 v36, v1;
	v42 =	vmul.f32 $1.442695020e+00, v8;
	(erf) = vpow2.f32 v40  }
0x27b: {  	v2 =	vadd.f32 v38, v2;
	v43 =	vmul.f32 $1.442695020e+00, v3;
	(erf) = vpow2.f32 v41  }
0x27c: {  	v44 =	vmul.f32 $1.442695020e+00, v1;
	(erf) = vpow2.f32 v42  }
0x27d: {  	v45 =	vmul.f32 $1.442695020e+00, v2;
	(erf) = vpow2.f32 v43  }
0x27e: {  	(erf) = vpow2.f32 v44  }
0x27f: {  	(erf) = vpow2.f32 v45;
	_ =	sdelay $0x1  }
0x280: {  	v46 =	vpop (erf)  }
0x281: {  	v47 =	vpop (erf);
	v6 =	vadd.f32 $-1.000000000e+00, v46  }
0x282: {  	vm3 =	vgt.f32 v4, $0.0e+00;
	v10 =	vpop (erf);
	v9 =	vadd.f32 $-1.000000000e+00, v47  }
0x283: {  	v11 =	vpop (erf);
	v4 =	vsel vm3, v4, v6;
	vm3 =	vgt.f32 v7, $0.0e+00;
	v48 =	vadd.f32 $-1.000000000e+00, v10  }
0x284: {  	v49 =	vpop (erf);
	[tilespmem:s31+$0xFFFFFFC0] =	vst v4;
	v50 =	vsel vm3, v7, v9;
	vm3 =	vgt.f32 v0, $0.0e+00;
	v51 =	vadd.f32 $-1.000000000e+00, v11  }
0x285: {  	s30 =	sadd.s32 $0x1, s30;
	v52 =	vpop (erf);
	[tilespmem:s31+$0xFFFFFFD0] =	vst v50;
	v0 =	vsel vm3, v0, v48;
	vm3 =	vgt.f32 v5, $0.0e+00;
	v53 =	vadd.f32 $-1.000000000e+00, v49  }
0x286: {  	p0 =	sne.s32 s30, $0x140;
	v54 =	vpop (erf);
	[tilespmem:s31+$0xFFFFFFE0] =	vst v0;
	v55 =	vsel vm3, v5, v51;
	vm3 =	vgt.f32 v8, $0.0e+00;
	v56 =	vadd.f32 $-1.000000000e+00, v52  }
.Ltmp11:
0x287: {  	[tilespmem:s31+$0xFFFFFFF0] =	vst v55;
	v57 =	vsel vm3, v8, v53;
	vm3 =	vgt.f32 v3, $0.0e+00;
	v58 =	vadd.f32 $-1.000000000e+00, v54;
	v59 =	vpop (erf);
	(pc) =	sbr.rel @!p0 .LBB2_19-.Ltmp11, $4  }
0x288: {  	[tilespmem:s31+$0x0] =	vst v57;
	v60 =	vsel vm3, v3, v56;
	vm3 =	vgt.f32 v1, $0.0e+00;
	v61 =	vadd.f32 $-1.000000000e+00, v59  }
0x289: {  	[tilespmem:s31+$0x10] =	vst v60;
	v62 =	vsel vm3, v1, v58;
	vm3 =	vgt.f32 v2, $0.0e+00  }
0x28a: {  	v63 =	vsel vm3, v2, v61;
	[tilespmem:s31+$0x20] =	vst v62  }
0x28b: {  	s3 =	sadd.s32 $0x20, s3;
	[tilespmem:s31+$0x30] =	vst v63;
	s31 =	sadd.s32 $0x80, s31  }
.LBB2_11:
0x28c: {  	s0 =	sadd.s32 $0xFFFFFFFF, s30  }
0x28d: {  	p0 =	sgt.u32 s30, $0x13C;
	s0 =	sand.u32 $0x3, s0  }
0x28e: {  	p1 =	sne.s32 @!p0 s0, $0x0  }
0x28f: {  	p1 =	por p0, p1  }
.Ltmp12:
0x290: {  	_ = 	snop;
	(pc) =	sbr.rel @!p1 .LBB2_12-.Ltmp12, $1  }
0x291: {  	_ =	sdelay $0x3  }
0x292: {  	p1 =	sne.s32 @!p0 s0, $0x1  }
0x293: {  	p1 =	por p0, p1  }
.Ltmp13:
0x294: {  	_ = 	snop;
	(pc) =	sbr.rel @p1 .LBB2_15-.Ltmp13, $1  }
0x295: {  	_ =	sdelay $0x3  }
0x296: {  	v0 =	vld [tilespmem:s3+$0xFFFFFFF0];
	_ =	sdelay $0x1  }
0x297: {  	v1 =	vld [tilespmem:$0x1FFD0];
	_ =	sdelay $0x4  }
0x298: {  	vm0 =	vnez.u8 v1  }
0x299: {  	[tilespmem:s22], [sflag:$0x2] =	stream.indirect_vreg.gather [hbm4b:s2+s4], $0x80, v0, vm0, $0xb8;
	[tilespmem:$0x1BC00] =	vst v63  }
0x29a: {  	v0 =	vld [tilespmem:s3+$0x0];
	_ =	sdelay $0x3  }
.Ltmp14:
0x29b: {  	_ = 	snop;
	(pc) =	sbr.rel .LBB2_18-.Ltmp14, $2  }
0x29c: {  	_ =	sdelay $0x2  }
0x29d: {  	[tilespmem:s26], [sflag:$0x2] =	stream.indirect_vreg.gather [hbm4b:s2+s4], $0x80, v0, vm0, $0xb8;
	[tilespmem:$0x1BC00] =	vst v63  }
.LBB2_15:
0x29e: {  	p1 =	sne.s32 @!p0 s0, $0x2  }
0x29f: {  	p1 =	por p0, p1  }
.Ltmp15:
0x2a0: {  	_ = 	snop;
	(pc) =	sbr.rel @p1 .LBB2_17-.Ltmp15, $1  }
0x2a1: {  	_ =	sdelay $0x3  }
0x2a2: {  	v0 =	vld [tilespmem:s3+$0xFFFFFFF0];
	_ =	sdelay $0x1  }
0x2a3: {  	v1 =	vld [tilespmem:$0x1FFD0];
	_ =	sdelay $0x4  }
0x2a4: {  	vm0 =	vnez.u8 v1  }
0x2a5: {  	[tilespmem:s23], [sflag:$0x3] =	stream.indirect_vreg.gather [hbm4b:s2+s4], $0x80, v0, vm0, $0xb8;
	[tilespmem:$0x1BC00] =	vst v63  }
0x2a6: {  	v0 =	vld [tilespmem:s3+$0x0];
	_ =	sdelay $0x3  }
.Ltmp16:
0x2a7: {  	_ = 	snop;
	(pc) =	sbr.rel .LBB2_18-.Ltmp16, $2  }
0x2a8: {  	_ =	sdelay $0x2  }
0x2a9: {  	[tilespmem:s28], [sflag:$0x3] =	stream.indirect_vreg.gather [hbm4b:s2+s4], $0x80, v0, vm0, $0xb8;
	[tilespmem:$0x1BC00] =	vst v63  }
.LBB2_17:
0x2aa: {  	p1 =	sne.s32 @!p0 s0, $0x3  }
0x2ab: {  	p0 =	por p1, p0  }
0x2ac: {  	v0 =	vld @!p0 [tilespmem:s3+$0xFFFFFFF0];
	_ =	sdelay $0x6  }
0x2ad: {  	vm3 =	vmmov @!p0 $0xffff;
	s0 =	simm.s32 @!p0 $0x0;
	s19 =	simm.s32 @!p0 $0x10C00  }
0x2ae: {  	[tilespmem:s19], [sflag:$0x4] =	stream.indirect_vreg.gather @!p0 [hbm4b:s2+s0], $0x80, v0, vm3, $0xb8;
	[tilespmem:$0x1BC00] =	vst v63  }
0x2af: {  	v0 =	vld @!p0 [tilespmem:s3+$0x0];
	_ =	sdelay $0x3  }
.Ltmp17:
0x2b0: {  	_ = 	snop;
	(pc) =	sbr.rel .LBB2_18-.Ltmp17, $3  }
0x2b1: {  	_ =	sdelay $0x1  }
0x2b2: {  	s19 =	simm.s32 @!p0 $0x11400  }
0x2b3: {  	[tilespmem:s19], [sflag:$0x4] =	stream.indirect_vreg.gather @!p0 [hbm4b:s2+s0], $0x80, v0, vm3, $0xb8;
	[tilespmem:$0x1BC00] =	vst v63  }
.LBB2_20:
0x2b4: {  	_ =	sfence.sel $0x180000  }
0x2b5: {  	[bflag:$0x0] =	sbarrier.arrive $0xFFFF  }
0x2b6: {  	_ =	strace $0x90000047  }
0x2b7: {  	s0 =	stileid.u32;
	[bflag:$0x2] =	sbarrier.arrive $0xFFFF  }
0x2b8: {  	p0 =	sne.s32 s0, $0x0;
	s0 =	rddreg [dreg:$0x4]  }
0x2b9: {  	s0 =	sadd.s32 @!p0 $0x100000, s0  }
0x2ba: {  	[sflag:s0] =	ssyncadd.tile.s32 @!p0 $0x1;
	_ =	shalt  }
.Lfunc_end2:
_tile_overlayer_lowered:
.L_overlay_start_2:
0x2bb: {  	(tag) =	ssettag $0x2  }
0x2bc: {  	s0 =	rddreg [dreg:$0x0];
	s2 =	stileid.u32  }
0x2bd: {  	s1 =	rddreg [dreg:$0x1];
	p0 =	sne.s32 s2, $0x0  }
0x2be: {  	s3 =	rddreg [dreg:$0x2];
	[bflag:$0x3] =	sbarrier.arrive $0xFFFF;
	s2 =	simm.s32 @!p0 $0x1C05  }
0x2bf: {  	[timem:s3], [sflag:s2] =	dma.local @!p0 [hbm:s0], s1  }
0x2c0: {  	s0 =	simm.s32 @!p0 $0x5  }
0x2c1: {  	_ =	swait.ge @!p0 [sflag:s0], s1  }
0x2c2: {  	s1 =	ssub.s32 @!p0 $0x0, s1;
	[sflag:s0] =	ssyncset.done @!p0 $0x0  }
0x2c3: {  	[sflag:s0] =	ssyncadd.s32 @!p0 s1  }
0x2c4: {  	[bflag:$0x3] =	sbarrier.arrive $0xFFFF  }
0x2c5: {  	_ =	shalt  }

</sc_bundles>
